<compile_context>
chip_gen: v7x
topology: tpu7x:2x2x1
jax: 0.10.2.dev20260603
libtpu: 0.0.44.dev20260713+nightly
codegen_flags: <defaults>
</compile_context>

<pallas_src>
import functools

import jax
import jax.numpy as jnp
from jax import lax
from jax.experimental import pallas as pl
from jax.experimental.pallas import tpu as pltpu
from jax.experimental.pallas import tpu_sc as plsc

NUM_TYPES = 4
VOCAB = 100000
EMBED = 32
N = 425984

NC = 2
NS = 16
NW = NC * NS
B_PER_W = N // NW
CHUNK = 256
N_CHUNKS = B_PER_W // CHUNK
NBUF = 2

VPAD = 100096
VTILES = VPAD // 128

_mesh = plsc.VectorSubcoreMesh(core_axis_name="c", subcore_axis_name="s")


@functools.partial(
    pl.kernel,
    mesh=_mesh,
    out_type=jax.ShapeDtypeStruct((VPAD, 4 * EMBED), jnp.float32),
    compiler_params=pltpu.CompilerParams(use_tc_tiling_on_sc=True,
                                         needs_layout_passes=False),
    scratch_types=[
        [pltpu.VMEM((4 * EMBED, 128), jnp.float32)] * 2,
        [pltpu.VMEM((128, 4 * EMBED), jnp.float32)] * 2,
        [pltpu.SemaphoreType.DMA] * 2,
        [pltpu.SemaphoreType.DMA] * 2,
    ],
)
def _transpose_concat(t0_hbm, t1_hbm, t2_hbm, t3_hbm, big_hbm,
                      src_v, dst_v, sem_s, sem_d):
    wid = lax.axis_index("s") * NC + lax.axis_index("c")
    iota = lax.iota(jnp.int32, 16)
    tabs = (t0_hbm, t1_hbm, t2_hbm, t3_hbm)
    jobs = VTILES // NW + 1

    def fire_src(j, b):
        v0 = j * 128
        for t in range(4):
            for p in range(4):
                pltpu.async_copy(tabs[t].at[pl.ds(8 * p, 8), pl.ds(v0, 128)],
                                 src_v[b].at[pl.ds(t * EMBED + 8 * p, 8), :],
                                 sem_s[b])

    def wait_src(j, b):
        v0 = j * 128
        for t in range(4):
            for p in range(4):
                pltpu.make_async_copy(
                    tabs[t].at[pl.ds(8 * p, 8), pl.ds(v0, 128)],
                    src_v[b].at[pl.ds(t * EMBED + 8 * p, 8), :],
                    sem_s[b]).wait()

    @pl.when(wid < VTILES)
    def _():
        fire_src(wid, 0)

    @pl.when(wid + NW < VTILES)
    def _():
        fire_src(wid + NW, 1)

    def body(i, carry):
        for b in range(2):
            jl = i * 2 + b
            j = wid + jl * NW

            @pl.when(j < VTILES)
            def _():
                wait_src(j, b)

                @pl.when(j >= 2 * NW)
                def _():
                    pltpu.make_async_copy(
                        dst_v[b], big_hbm.at[pl.ds((j - 2 * NW) * 128, 128), :],
                        sem_d[b]).wait()

                def block(g, carry2):
                    d0 = (g % 8) * 16
                    v0 = (g // 8) * 16
                    for k in range(16):
                        dk = (iota + k) & 15
                        g16 = plsc.load_gather(src_v[b], [d0 + dk, v0 + iota])
                        plsc.store_scatter(dst_v[b], [v0 + iota, d0 + dk], g16)
                    return carry2

                lax.fori_loop(0, 64, block, 0)

                pltpu.async_copy(dst_v[b], big_hbm.at[pl.ds(j * 128, 128), :],
                                 sem_d[b])

            @pl.when(j + 2 * NW < VTILES)
            def _():
                fire_src(j + 2 * NW, b)
        return carry

    lax.fori_loop(0, (jobs + 1) // 2, body, 0)

    for b in range(2):
        jl_last = max(jl for jl in range(jobs) if jl % 2 == b)
        j_last = wid + jl_last * NW

        @pl.when(j_last < VTILES)
        def _():
            pltpu.make_async_copy(dst_v[b],
                                  big_hbm.at[pl.ds(j_last * 128, 128), :],
                                  sem_d[b]).wait()


@functools.partial(
    pl.kernel,
    mesh=_mesh,
    out_type=jax.ShapeDtypeStruct((EMBED, N), jnp.float32),
    compiler_params=pltpu.CompilerParams(use_tc_tiling_on_sc=True,
                                         needs_layout_passes=False),
    scratch_types=[
        [pltpu.VMEM((CHUNK,), jnp.int32)] * NBUF,
        [pltpu.VMEM((CHUNK,), jnp.int32)] * NBUF,
        [pltpu.VMEM((CHUNK, 4 * EMBED), jnp.float32)] * NBUF,
        [pltpu.VMEM((EMBED, CHUNK), jnp.float32)] * NBUF,
        [pltpu.SemaphoreType.DMA] * NBUF,
        [pltpu.SemaphoreType.DMA] * NBUF,
        [pltpu.SemaphoreType.DMA] * NBUF,
    ],
)
def _hetero_gather(x_hbm, types_hbm, table_hbm, out_hbm,
                   x_v, t_v, rows_v, seg_v, sem_xt, sem_g, sem_o):
    wid = lax.axis_index("s") * NC + lax.axis_index("c")
    base_w = wid * B_PER_W
    iota = lax.iota(jnp.int32, 16)

    def fire_xt(c, b):
        base = base_w + c * CHUNK
        pltpu.async_copy(x_hbm.at[pl.ds(base, CHUNK)], x_v[b], sem_xt[b])
        pltpu.async_copy(types_hbm.at[pl.ds(base, CHUNK)], t_v[b], sem_xt[b])

    def wait_xt(c, b):
        base = base_w + c * CHUNK
        pltpu.make_async_copy(x_hbm.at[pl.ds(base, CHUNK)], x_v[b], sem_xt[b]).wait()
        pltpu.make_async_copy(types_hbm.at[pl.ds(base, CHUNK)], t_v[b], sem_xt[b]).wait()

    def out_block(c):
        base = base_w + c * CHUNK
        return out_hbm.at[:, pl.ds(base, CHUNK)]

    def fire_gather(b):
        pltpu.async_copy(table_hbm.at[x_v[b]], rows_v[b], sem_g[b])

    for b in range(NBUF):
        fire_xt(b, b)
    wait_xt(0, 0)
    fire_gather(0)

    def outer(g, carry):
        for b in range(NBUF):
            c = g * NBUF + b
            nb = 1 - b

            @pl.when(c + 1 < N_CHUNKS)
            def _():
                wait_xt(c + 1, nb)
                fire_gather(nb)

            pltpu.make_async_copy(table_hbm.at[x_v[b]], rows_v[b], sem_g[b]).wait()

            @pl.when(c >= NBUF)
            def _():
                pltpu.make_async_copy(seg_v[b], out_block(c - NBUF), sem_o[b]).wait()

            def group_body(i, carry2):
                r0 = i * 16
                rowv = r0 + iota
                colbase = t_v[b][pl.ds(r0, 16)] * EMBED
                for c0 in range(0, EMBED, 16):
                    tbase = colbase + c0
                    for k in range(16):
                        dk = (iota + k) & 15
                        g16 = plsc.load_gather(rows_v[b], [rowv, tbase + dk])
                        plsc.store_scatter(seg_v[b], [c0 + dk, rowv], g16)
                return carry2

            lax.fori_loop(0, CHUNK // 16, group_body, 0)

            @pl.when(c + NBUF < N_CHUNKS)
            def _():
                fire_xt(c + NBUF, b)

            pltpu.async_copy(seg_v[b], out_block(c), sem_o[b])
        return carry

    lax.fori_loop(0, N_CHUNKS // NBUF, outer, 0)

    for b in range(NBUF):
        pltpu.make_async_copy(seg_v[b], out_block(N_CHUNKS - NBUF + b), sem_o[b]).wait()


def kernel(x, types, table_0, table_1, table_2, table_3):
    table = _transpose_concat(table_0.T, table_1.T, table_2.T, table_3.T)
    out_t = _hetero_gather(x.astype(jnp.int32), types.astype(jnp.int32), table)
    return out_t.T

# --- scband reference (transcript-rebuilt; emitter-appended) ---
"""Pipeline reference for scband-hetero-embedding-14181982012171 (READ-ONLY COPY).

The authoritative reference and input builder live on the scoring server;
editing this copy changes nothing except your own understanding.
"""

import jax, jax.numpy as jnp
import numpy as np

NUM_TYPES = 4
VOCAB = 100000
EMBED = 32
N = 425984


def setup_inputs(seed: int = 0) -> dict:
    key = jax.random.key(seed)
    ks = jax.random.split(key, 2 + NUM_TYPES)
    x = jax.random.randint(ks[0], (N,), 0, VOCAB, dtype=jnp.int64) if jax.config.jax_enable_x64 else jax.random.randint(ks[0], (N,), 0, VOCAB)
    types = jax.random.randint(ks[1], (N,), 0, NUM_TYPES)
    inp = {"x": x, "types": types}
    for i in range(NUM_TYPES):
        t = jax.random.normal(ks[2 + i], (VOCAB, EMBED), dtype=jnp.float32)
        t = t.at[0].set(0.0)  # padding_idx=0 row initialized to zeros, as in nn.Embedding(padding_idx=0)
        inp[f"table_{i}"] = t
    return inp


def reference(x, types, table_0, table_1, table_2, table_3):
    # Faithful translation of HeteroEmbedding.forward:
    # out[mask_i] = embedding_i(x[mask_i]) for each type i.
    tables = [table_0, table_1, table_2, table_3]
    out = jnp.zeros((x.shape[0], EMBED), dtype=jnp.float32)
    for i, t in enumerate(tables):
        emb = jnp.take(t, x, axis=0)  # gather from table i for ALL positions
        mask = (types == i)
        out = jnp.where(mask[:, None], emb, out)  # overwrite masked rows
    return out

if __name__ == "__main__":
    import jax
    _d = setup_inputs()
    print(jax.jit(kernel)(*tuple(_d.values())))

</pallas_src>

<mosaic_0001>
#map = affine_map<(d0, d1) -> (0, 0)>
module attributes {stable_mosaic.version = 14 : i64} {
  func.func @_transpose_concat(%arg0: i32, %arg1: i32, %arg2: memref<32x100000xf32, #tpu.memory_space<hbm>>, %arg3: memref<32x100000xf32, #tpu.memory_space<hbm>>, %arg4: memref<32x100000xf32, #tpu.memory_space<hbm>>, %arg5: memref<32x100000xf32, #tpu.memory_space<hbm>>, %arg6: memref<100096x128xf32, #tpu.memory_space<hbm>>, %arg7: memref<128x128xf32, #tpu.memory_space<vmem>>, %arg8: memref<128x128xf32, #tpu.memory_space<vmem>>, %arg9: memref<128x128xf32, #tpu.memory_space<vmem>>, %arg10: memref<128x128xf32, #tpu.memory_space<vmem>>, %arg11: memref<!tpu.dma_semaphore, #tpu.memory_space<semaphore_mem>>, %arg12: memref<!tpu.dma_semaphore, #tpu.memory_space<semaphore_mem>>, %arg13: memref<!tpu.dma_semaphore, #tpu.memory_space<semaphore_mem>>, %arg14: memref<!tpu.dma_semaphore, #tpu.memory_space<semaphore_mem>>) attributes {dimension_semantics = [#tpu.dimension_semantics<core_parallel>, #tpu.dimension_semantics<subcore_parallel>], iteration_bounds = array<i64: 2, 16>, scalar_prefetch = 0 : i64, scratch_operands = 8 : i64, tpu.core_type = #tpu.core_type<sc_vector_subcore>, window_params = [{transform_indices = #map}, {transform_indices = #map}, {transform_indices = #map}, {transform_indices = #map}, {transform_indices = #map}]} {
    %mul3A = arith.constant 2 : i32
    %mul3A_0 = arith.muli %arg1, %mul3A : i32
    %add3A = arith.addi %mul3A_0, %arg0 : i32
    %iota3A = tpu.iota {dimensions = array<i32: 0>} : vector<16xi32>
    %lt3A = arith.constant 782 : i32
    %lt3A_1 = arith.cmpi slt, %add3A, %lt3A : i32
    %convert_element_type3A = arith.extui %lt3A_1 : i1 to i32
    %cond3A = arith.constant 0 : i32
    %cond3A_2 = arith.cmpi ne, %convert_element_type3A, %cond3A : i32
    scf.if %cond3A_2 {
      %mul3A_29 = arith.constant 128 : i32
      %mul3A_30 = arith.muli %add3A, %mul3A_29 : i32
      %dma_start3A = arith.constant 0 : i32
      %dma_start3A_31 = arith.constant 0 : i32
      %dma_start3A_32 = tpu.memref_slice %arg7[%dma_start3A, %dma_start3A_31] : memref<128x128xf32, #tpu.memory_space<vmem>> -> memref<8x128xf32, #tpu.memory_space<vmem>>
      %dma_start3A_33 = arith.constant 0 : i32
      %dma_start3A_34 = tpu.memref_slice %arg2[%dma_start3A_33, %mul3A_30] : memref<32x100000xf32, #tpu.memory_space<hbm>> -> memref<8x128xf32, #tpu.memory_space<hbm>>
      %dma_start3A_35 = arith.constant 0 : i32
      %dma_start3A_36 = arith.constant 0 : i32
      %dma_start3A_37 = tpu.memref_slice %arg7[%dma_start3A_35, %dma_start3A_36] : memref<128x128xf32, #tpu.memory_space<vmem>> -> memref<8x128xf32, #tpu.memory_space<vmem>>
      %dma_start3A_38 = arith.constant 0 : i32
      %dma_start3A_39 = tpu.memref_slice %arg2[%dma_start3A_38, %mul3A_30] : memref<32x100000xf32, #tpu.memory_space<hbm>> -> memref<8x128xf32, #tpu.memory_space<hbm>>
      tpu.enqueue_dma source(%dma_start3A_39 : memref<8x128xf32, #tpu.memory_space<hbm>>) target(%dma_start3A_37 : memref<8x128xf32, #tpu.memory_space<vmem>>) target_semaphore(%arg11 : memref<!tpu.dma_semaphore, #tpu.memory_space<semaphore_mem>>)
      %dma_start3A_40 = arith.constant 8 : i32
      %dma_start3A_41 = arith.constant 0 : i32
      %dma_start3A_42 = tpu.memref_slice %arg7[%dma_start3A_40, %dma_start3A_41] : memref<128x128xf32, #tpu.memory_space<vmem>> -> memref<8x128xf32, #tpu.memory_space<vmem>>
      %dma_start3A_43 = arith.constant 8 : i32
      %dma_start3A_44 = tpu.memref_slice %arg2[%dma_start3A_43, %mul3A_30] : memref<32x100000xf32, #tpu.memory_space<hbm>> -> memref<8x128xf32, #tpu.memory_space<hbm>>
      %dma_start3A_45 = arith.constant 8 : i32
      %dma_start3A_46 = arith.constant 0 : i32
      %dma_start3A_47 = tpu.memref_slice %arg7[%dma_start3A_45, %dma_start3A_46] : memref<128x128xf32, #tpu.memory_space<vmem>> -> memref<8x128xf32, #tpu.memory_space<vmem>>
      %dma_start3A_48 = arith.constant 8 : i32
      %dma_start3A_49 = tpu.memref_slice %arg2[%dma_start3A_48, %mul3A_30] : memref<32x100000xf32, #tpu.memory_space<hbm>> -> memref<8x128xf32, #tpu.memory_space<hbm>>
      tpu.enqueue_dma source(%dma_start3A_49 : memref<8x128xf32, #tpu.memory_space<hbm>>) target(%dma_start3A_47 : memref<8x128xf32, #tpu.memory_space<vmem>>) target_semaphore(%arg11 : memref<!tpu.dma_semaphore, #tpu.memory_space<semaphore_mem>>)
      %dma_start3A_50 = arith.constant 16 : i32
      %dma_start3A_51 = arith.constant 0 : i32
      %dma_start3A_52 = tpu.memref_slice %arg7[%dma_start3A_50, %dma_start3A_51] : memref<128x128xf32, #tpu.memory_space<vmem>> -> memref<8x128xf32, #tpu.memory_space<vmem>>
      %dma_start3A_53 = arith.constant 16 : i32
      %dma_start3A_54 = tpu.memref_slice %arg2[%dma_start3A_53, %mul3A_30] : memref<32x100000xf32, #tpu.memory_space<hbm>> -> memref<8x128xf32, #tpu.memory_space<hbm>>
      %dma_start3A_55 = arith.constant 16 : i32
      %dma_start3A_56 = arith.constant 0 : i32
      %dma_start3A_57 = tpu.memref_slice %arg7[%dma_start3A_55, %dma_start3A_56] : memref<128x128xf32, #tpu.memory_space<vmem>> -> memref<8x128xf32, #tpu.memory_space<vmem>>
      %dma_start3A_58 = arith.constant 16 : i32
      %dma_start3A_59 = tpu.memref_slice %arg2[%dma_start3A_58, %mul3A_30] : memref<32x100000xf32, #tpu.memory_space<hbm>> -> memref<8x128xf32, #tpu.memory_space<hbm>>
      tpu.enqueue_dma source(%dma_start3A_59 : memref<8x128xf32, #tpu.memory_space<hbm>>) target(%dma_start3A_57 : memref<8x128xf32, #tpu.memory_space<vmem>>) target_semaphore(%arg11 : memref<!tpu.dma_semaphore, #tpu.memory_space<semaphore_mem>>)
      %dma_start3A_60 = arith.constant 24 : i32
      %dma_start3A_61 = arith.constant 0 : i32
      %dma_start3A_62 = tpu.memref_slice %arg7[%dma_start3A_60, %dma_start3A_61] : memref<128x128xf32, #tpu.memory_space<vmem>> -> memref<8x128xf32, #tpu.memory_space<vmem>>
      %dma_start3A_63 = arith.constant 24 : i32
      %dma_start3A_64 = tpu.memref_slice %arg2[%dma_start3A_63, %mul3A_30] : memref<32x100000xf32, #tpu.memory_space<hbm>> -> memref<8x128xf32, #tpu.memory_space<hbm>>
      %dma_start3A_65 = arith.constant 24 : i32
      %dma_start3A_66 = arith.constant 0 : i32
      %dma_start3A_67 = tpu.memref_slice %arg7[%dma_start3A_65, %dma_start3A_66] : memref<128x128xf32, #tpu.memory_space<vmem>> -> memref<8x128xf32, #tpu.memory_space<vmem>>
      %dma_start3A_68 = arith.constant 24 : i32
      %dma_start3A_69 = tpu.memref_slice %arg2[%dma_start3A_68, %mul3A_30] : memref<32x100000xf32, #tpu.memory_space<hbm>> -> memref<8x128xf32, #tpu.memory_space<hbm>>
      tpu.enqueue_dma source(%dma_start3A_69 : memref<8x128xf32, #tpu.memory_space<hbm>>) target(%dma_start3A_67 : memref<8x128xf32, #tpu.memory_space<vmem>>) target_semaphore(%arg11 : memref<!tpu.dma_semaphore, #tpu.memory_space<semaphore_mem>>)
      %dma_start3A_70 = arith.constant 32 : i32
      %dma_start3A_71 = arith.constant 0 : i32
      %dma_start3A_72 = tpu.memref_slice %arg7[%dma_start3A_70, %dma_start3A_71] : memref<128x128xf32, #tpu.memory_space<vmem>> -> memref<8x128xf32, #tpu.memory_space<vmem>>
      %dma_start3A_73 = arith.constant 0 : i32
      %dma_start3A_74 = tpu.memref_slice %arg3[%dma_start3A_73, %mul3A_30] : memref<32x100000xf32, #tpu.memory_space<hbm>> -> memref<8x128xf32, #tpu.memory_space<hbm>>
      %dma_start3A_75 = arith.constant 32 : i32
      %dma_start3A_76 = arith.constant 0 : i32
      %dma_start3A_77 = tpu.memref_slice %arg7[%dma_start3A_75, %dma_start3A_76] : memref<128x128xf32, #tpu.memory_space<vmem>> -> memref<8x128xf32, #tpu.memory_space<vmem>>
      %dma_start3A_78 = arith.constant 0 : i32
      %dma_start3A_79 = tpu.memref_slice %arg3[%dma_start3A_78, %mul3A_30] : memref<32x100000xf32, #tpu.memory_space<hbm>> -> memref<8x128xf32, #tpu.memory_space<hbm>>
      tpu.enqueue_dma source(%dma_start3A_79 : memref<8x128xf32, #tpu.memory_space<hbm>>) target(%dma_start3A_77 : memref<8x128xf32, #tpu.memory_space<vmem>>) target_semaphore(%arg11 : memref<!tpu.dma_semaphore, #tpu.memory_space<semaphore_mem>>)
      %dma_start3A_80 = arith.constant 40 : i32
      %dma_start3A_81 = arith.constant 0 : i32
      %dma_start3A_82 = tpu.memref_slice %arg7[%dma_start3A_80, %dma_start3A_81] : memref<128x128xf32, #tpu.memory_space<vmem>> -> memref<8x128xf32, #tpu.memory_space<vmem>>
      %dma_start3A_83 = arith.constant 8 : i32
      %dma_start3A_84 = tpu.memref_slice %arg3[%dma_start3A_83, %mul3A_30] : memref<32x100000xf32, #tpu.memory_space<hbm>> -> memref<8x128xf32, #tpu.memory_space<hbm>>
      %dma_start3A_85 = arith.constant 40 : i32
      %dma_start3A_86 = arith.constant 0 : i32
      %dma_start3A_87 = tpu.memref_slice %arg7[%dma_start3A_85, %dma_start3A_86] : memref<128x128xf32, #tpu.memory_space<vmem>> -> memref<8x128xf32, #tpu.memory_space<vmem>>
      %dma_start3A_88 = arith.constant 8 : i32
      %dma_start3A_89 = tpu.memref_slice %arg3[%dma_start3A_88, %mul3A_30] : memref<32x100000xf32, #tpu.memory_space<hbm>> -> memref<8x128xf32, #tpu.memory_space<hbm>>
      tpu.enqueue_dma source(%dma_start3A_89 : memref<8x128xf32, #tpu.memory_space<hbm>>) target(%dma_start3A_87 : memref<8x128xf32, #tpu.memory_space<vmem>>) target_semaphore(%arg11 : memref<!tpu.dma_semaphore, #tpu.memory_space<semaphore_mem>>)
      %dma_start3A_90 = arith.constant 48 : i32
      %dma_start3A_91 = arith.constant 0 : i32
      %dma_start3A_92 = tpu.memref_slice %arg7[%dma_start3A_90, %dma_start3A_91] : memref<128x128xf32, #tpu.memory_space<vmem>> -> memref<8x128xf32, #tpu.memory_space<vmem>>
      %dma_start3A_93 = arith.constant 16 : i32
      %dma_start3A_94 = tpu.memref_slice %arg3[%dma_start3A_93, %mul3A_30] : memref<32x100000xf32, #tpu.memory_space<hbm>> -> memref<8x128xf32, #tpu.memory_space<hbm>>
      %dma_start3A_95 = arith.constant 48 : i32
      %dma_start3A_96 = arith.constant 0 : i32
      %dma_start3A_97 = tpu.memref_slice %arg7[%dma_start3A_95, %dma_start3A_96] : memref<128x128xf32, #tpu.memory_space<vmem>> -> memref<8x128xf32, #tpu.memory_space<vmem>>
      %dma_start3A_98 = arith.constant 16 : i32
      %dma_start3A_99 = tpu.memref_slice %arg3[%dma_start3A_98, %mul3A_30] : memref<32x100000xf32, #tpu.memory_space<hbm>> -> memref<8x128xf32, #tpu.memory_space<hbm>>
      tpu.enqueue_dma source(%dma_start3A_99 : memref<8x128xf32, #tpu.memory_space<hbm>>) target(%dma_start3A_97 : memref<8x128xf32, #tpu.memory_space<vmem>>) target_semaphore(%arg11 : memref<!tpu.dma_semaphore, #tpu.memory_space<semaphore_mem>>)
      %dma_start3A_100 = arith.constant 56 : i32
      %dma_start3A_101 = arith.constant 0 : i32
      %dma_start3A_102 = tpu.memref_slice %arg7[%dma_start3A_100, %dma_start3A_101] : memref<128x128xf32, #tpu.memory_space<vmem>> -> memref<8x128xf32, #tpu.memory_space<vmem>>
      %dma_start3A_103 = arith.constant 24 : i32
      %dma_start3A_104 = tpu.memref_slice %arg3[%dma_start3A_103, %mul3A_30] : memref<32x100000xf32, #tpu.memory_space<hbm>> -> memref<8x128xf32, #tpu.memory_space<hbm>>
      %dma_start3A_105 = arith.constant 56 : i32
      %dma_start3A_106 = arith.constant 0 : i32
      %dma_start3A_107 = tpu.memref_slice %arg7[%dma_start3A_105, %dma_start3A_106] : memref<128x128xf32, #tpu.memory_space<vmem>> -> memref<8x128xf32, #tpu.memory_space<vmem>>
      %dma_start3A_108 = arith.constant 24 : i32
      %dma_start3A_109 = tpu.memref_slice %arg3[%dma_start3A_108, %mul3A_30] : memref<32x100000xf32, #tpu.memory_space<hbm>> -> memref<8x128xf32, #tpu.memory_space<hbm>>
      tpu.enqueue_dma source(%dma_start3A_109 : memref<8x128xf32, #tpu.memory_space<hbm>>) target(%dma_start3A_107 : memref<8x128xf32, #tpu.memory_space<vmem>>) target_semaphore(%arg11 : memref<!tpu.dma_semaphore, #tpu.memory_space<semaphore_mem>>)
      %dma_start3A_110 = arith.constant 64 : i32
      %dma_start3A_111 = arith.constant 0 : i32
      %dma_start3A_112 = tpu.memref_slice %arg7[%dma_start3A_110, %dma_start3A_111] : memref<128x128xf32, #tpu.memory_space<vmem>> -> memref<8x128xf32, #tpu.memory_space<vmem>>
      %dma_start3A_113 = arith.constant 0 : i32
      %dma_start3A_114 = tpu.memref_slice %arg4[%dma_start3A_113, %mul3A_30] : memref<32x100000xf32, #tpu.memory_space<hbm>> -> memref<8x128xf32, #tpu.memory_space<hbm>>
      %dma_start3A_115 = arith.constant 64 : i32
      %dma_start3A_116 = arith.constant 0 : i32
      %dma_start3A_117 = tpu.memref_slice %arg7[%dma_start3A_115, %dma_start3A_116] : memref<128x128xf32, #tpu.memory_space<vmem>> -> memref<8x128xf32, #tpu.memory_space<vmem>>
      %dma_start3A_118 = arith.constant 0 : i32
      %dma_start3A_119 = tpu.memref_slice %arg4[%dma_start3A_118, %mul3A_30] : memref<32x100000xf32, #tpu.memory_space<hbm>> -> memref<8x128xf32, #tpu.memory_space<hbm>>
      tpu.enqueue_dma source(%dma_start3A_119 : memref<8x128xf32, #tpu.memory_space<hbm>>) target(%dma_start3A_117 : memref<8x128xf32, #tpu.memory_space<vmem>>) target_semaphore(%arg11 : memref<!tpu.dma_semaphore, #tpu.memory_space<semaphore_mem>>)
      %dma_start3A_120 = arith.constant 72 : i32
      %dma_start3A_121 = arith.constant 0 : i32
      %dma_start3A_122 = tpu.memref_slice %arg7[%dma_start3A_120, %dma_start3A_121] : memref<128x128xf32, #tpu.memory_space<vmem>> -> memref<8x128xf32, #tpu.memory_space<vmem>>
      %dma_start3A_123 = arith.constant 8 : i32
      %dma_start3A_124 = tpu.memref_slice %arg4[%dma_start3A_123, %mul3A_30] : memref<32x100000xf32, #tpu.memory_space<hbm>> -> memref<8x128xf32, #tpu.memory_space<hbm>>
      %dma_start3A_125 = arith.constant 72 : i32
      %dma_start3A_126 = arith.constant 0 : i32
      %dma_start3A_127 = tpu.memref_slice %arg7[%dma_start3A_125, %dma_start3A_126] : memref<128x128xf32, #tpu.memory_space<vmem>> -> memref<8x128xf32, #tpu.memory_space<vmem>>
      %dma_start3A_128 = arith.constant 8 : i32
      %dma_start3A_129 = tpu.memref_slice %arg4[%dma_start3A_128, %mul3A_30] : memref<32x100000xf32, #tpu.memory_space<hbm>> -> memref<8x128xf32, #tpu.memory_space<hbm>>
      tpu.enqueue_dma source(%dma_start3A_129 : memref<8x128xf32, #tpu.memory_space<hbm>>) target(%dma_start3A_127 : memref<8x128xf32, #tpu.memory_space<vmem>>) target_semaphore(%arg11 : memref<!tpu.dma_semaphore, #tpu.memory_space<semaphore_mem>>)
      %dma_start3A_130 = arith.constant 80 : i32
      %dma_start3A_131 = arith.constant 0 : i32
      %dma_start3A_132 = tpu.memref_slice %arg7[%dma_start3A_130, %dma_start3A_131] : memref<128x128xf32, #tpu.memory_space<vmem>> -> memref<8x128xf32, #tpu.memory_space<vmem>>
      %dma_start3A_133 = arith.constant 16 : i32
      %dma_start3A_134 = tpu.memref_slice %arg4[%dma_start3A_133, %mul3A_30] : memref<32x100000xf32, #tpu.memory_space<hbm>> -> memref<8x128xf32, #tpu.memory_space<hbm>>
      %dma_start3A_135 = arith.constant 80 : i32
      %dma_start3A_136 = arith.constant 0 : i32
      %dma_start3A_137 = tpu.memref_slice %arg7[%dma_start3A_135, %dma_start3A_136] : memref<128x128xf32, #tpu.memory_space<vmem>> -> memref<8x128xf32, #tpu.memory_space<vmem>>
      %dma_start3A_138 = arith.constant 16 : i32
      %dma_start3A_139 = tpu.memref_slice %arg4[%dma_start3A_138, %mul3A_30] : memref<32x100000xf32, #tpu.memory_space<hbm>> -> memref<8x128xf32, #tpu.memory_space<hbm>>
      tpu.enqueue_dma source(%dma_start3A_139 : memref<8x128xf32, #tpu.memory_space<hbm>>) target(%dma_start3A_137 : memref<8x128xf32, #tpu.memory_space<vmem>>) target_semaphore(%arg11 : memref<!tpu.dma_semaphore, #tpu.memory_space<semaphore_mem>>)
      %dma_start3A_140 = arith.constant 88 : i32
      %dma_start3A_141 = arith.constant 0 : i32
      %dma_start3A_142 = tpu.memref_slice %arg7[%dma_start3A_140, %dma_start3A_141] : memref<128x128xf32, #tpu.memory_space<vmem>> -> memref<8x128xf32, #tpu.memory_space<vmem>>
      %dma_start3A_143 = arith.constant 24 : i32
      %dma_start3A_144 = tpu.memref_slice %arg4[%dma_start3A_143, %mul3A_30] : memref<32x100000xf32, #tpu.memory_space<hbm>> -> memref<8x128xf32, #tpu.memory_space<hbm>>
      %dma_start3A_145 = arith.constant 88 : i32
      %dma_start3A_146 = arith.constant 0 : i32
      %dma_start3A_147 = tpu.memref_slice %arg7[%dma_start3A_145, %dma_start3A_146] : memref<128x128xf32, #tpu.memory_space<vmem>> -> memref<8x128xf32, #tpu.memory_space<vmem>>
      %dma_start3A_148 = arith.constant 24 : i32
      %dma_start3A_149 = tpu.memref_slice %arg4[%dma_start3A_148, %mul3A_30] : memref<32x100000xf32, #tpu.memory_space<hbm>> -> memref<8x128xf32, #tpu.memory_space<hbm>>
      tpu.enqueue_dma source(%dma_start3A_149 : memref<8x128xf32, #tpu.memory_space<hbm>>) target(%dma_start3A_147 : memref<8x128xf32, #tpu.memory_space<vmem>>) target_semaphore(%arg11 : memref<!tpu.dma_semaphore, #tpu.memory_space<semaphore_mem>>)
      %dma_start3A_150 = arith.constant 96 : i32
      %dma_start3A_151 = arith.constant 0 : i32
      %dma_start3A_152 = tpu.memref_slice %arg7[%dma_start3A_150, %dma_start3A_151] : memref<128x128xf32, #tpu.memory_space<vmem>> -> memref<8x128xf32, #tpu.memory_space<vmem>>
      %dma_start3A_153 = arith.constant 0 : i32
      %dma_start3A_154 = tpu.memref_slice %arg5[%dma_start3A_153, %mul3A_30] : memref<32x100000xf32, #tpu.memory_space<hbm>> -> memref<8x128xf32, #tpu.memory_space<hbm>>
      %dma_start3A_155 = arith.constant 96 : i32
      %dma_start3A_156 = arith.constant 0 : i32
      %dma_start3A_157 = tpu.memref_slice %arg7[%dma_start3A_155, %dma_start3A_156] : memref<128x128xf32, #tpu.memory_space<vmem>> -> memref<8x128xf32, #tpu.memory_space<vmem>>
      %dma_start3A_158 = arith.constant 0 : i32
      %dma_start3A_159 = tpu.memref_slice %arg5[%dma_start3A_158, %mul3A_30] : memref<32x100000xf32, #tpu.memory_space<hbm>> -> memref<8x128xf32, #tpu.memory_space<hbm>>
      tpu.enqueue_dma source(%dma_start3A_159 : memref<8x128xf32, #tpu.memory_space<hbm>>) target(%dma_start3A_157 : memref<8x128xf32, #tpu.memory_space<vmem>>) target_semaphore(%arg11 : memref<!tpu.dma_semaphore, #tpu.memory_space<semaphore_mem>>)
      %dma_start3A_160 = arith.constant 104 : i32
      %dma_start3A_161 = arith.constant 0 : i32
      %dma_start3A_162 = tpu.memref_slice %arg7[%dma_start3A_160, %dma_start3A_161] : memref<128x128xf32, #tpu.memory_space<vmem>> -> memref<8x128xf32, #tpu.memory_space<vmem>>
      %dma_start3A_163 = arith.constant 8 : i32
      %dma_start3A_164 = tpu.memref_slice %arg5[%dma_start3A_163, %mul3A_30] : memref<32x100000xf32, #tpu.memory_space<hbm>> -> memref<8x128xf32, #tpu.memory_space<hbm>>
      %dma_start3A_165 = arith.constant 104 : i32
      %dma_start3A_166 = arith.constant 0 : i32
      %dma_start3A_167 = tpu.memref_slice %arg7[%dma_start3A_165, %dma_start3A_166] : memref<128x128xf32, #tpu.memory_space<vmem>> -> memref<8x128xf32, #tpu.memory_space<vmem>>
      %dma_start3A_168 = arith.constant 8 : i32
      %dma_start3A_169 = tpu.memref_slice %arg5[%dma_start3A_168, %mul3A_30] : memref<32x100000xf32, #tpu.memory_space<hbm>> -> memref<8x128xf32, #tpu.memory_space<hbm>>
      tpu.enqueue_dma source(%dma_start3A_169 : memref<8x128xf32, #tpu.memory_space<hbm>>) target(%dma_start3A_167 : memref<8x128xf32, #tpu.memory_space<vmem>>) target_semaphore(%arg11 : memref<!tpu.dma_semaphore, #tpu.memory_space<semaphore_mem>>)
      %dma_start3A_170 = arith.constant 112 : i32
      %dma_start3A_171 = arith.constant 0 : i32
      %dma_start3A_172 = tpu.memref_slice %arg7[%dma_start3A_170, %dma_start3A_171] : memref<128x128xf32, #tpu.memory_space<vmem>> -> memref<8x128xf32, #tpu.memory_space<vmem>>
      %dma_start3A_173 = arith.constant 16 : i32
      %dma_start3A_174 = tpu.memref_slice %arg5[%dma_start3A_173, %mul3A_30] : memref<32x100000xf32, #tpu.memory_space<hbm>> -> memref<8x128xf32, #tpu.memory_space<hbm>>
      %dma_start3A_175 = arith.constant 112 : i32
      %dma_start3A_176 = arith.constant 0 : i32
      %dma_start3A_177 = tpu.memref_slice %arg7[%dma_start3A_175, %dma_start3A_176] : memref<128x128xf32, #tpu.memory_space<vmem>> -> memref<8x128xf32, #tpu.memory_space<vmem>>
      %dma_start3A_178 = arith.constant 16 : i32
      %dma_start3A_179 = tpu.memref_slice %arg5[%dma_start3A_178, %mul3A_30] : memref<32x100000xf32, #tpu.memory_space<hbm>> -> memref<8x128xf32, #tpu.memory_space<hbm>>
      tpu.enqueue_dma source(%dma_start3A_179 : memref<8x128xf32, #tpu.memory_space<hbm>>) target(%dma_start3A_177 : memref<8x128xf32, #tpu.memory_space<vmem>>) target_semaphore(%arg11 : memref<!tpu.dma_semaphore, #tpu.memory_space<semaphore_mem>>)
      %dma_start3A_180 = arith.constant 120 : i32
      %dma_start3A_181 = arith.constant 0 : i32
      %dma_start3A_182 = tpu.memref_slice %arg7[%dma_start3A_180, %dma_start3A_181] : memref<128x128xf32, #tpu.memory_space<vmem>> -> memref<8x128xf32, #tpu.memory_space<vmem>>
      %dma_start3A_183 = arith.constant 24 : i32
      %dma_start3A_184 = tpu.memref_slice %arg5[%dma_start3A_183, %mul3A_30] : memref<32x100000xf32, #tpu.memory_space<hbm>> -> memref<8x128xf32, #tpu.memory_space<hbm>>
      %dma_start3A_185 = arith.constant 120 : i32
      %dma_start3A_186 = arith.constant 0 : i32
      %dma_start3A_187 = tpu.memref_slice %arg7[%dma_start3A_185, %dma_start3A_186] : memref<128x128xf32, #tpu.memory_space<vmem>> -> memref<8x128xf32, #tpu.memory_space<vmem>>
      %dma_start3A_188 = arith.constant 24 : i32
      %dma_start3A_189 = tpu.memref_slice %arg5[%dma_start3A_188, %mul3A_30] : memref<32x100000xf32, #tpu.memory_space<hbm>> -> memref<8x128xf32, #tpu.memory_space<hbm>>
      tpu.enqueue_dma source(%dma_start3A_189 : memref<8x128xf32, #tpu.memory_space<hbm>>) target(%dma_start3A_187 : memref<8x128xf32, #tpu.memory_space<vmem>>) target_semaphore(%arg11 : memref<!tpu.dma_semaphore, #tpu.memory_space<semaphore_mem>>)
    } else {
    }
    %add3A_3 = arith.constant 32 : i32
    %add3A_4 = arith.addi %add3A, %add3A_3 : i32
    %lt3A_5 = arith.constant 782 : i32
    %lt3A_6 = arith.cmpi slt, %add3A_4, %lt3A_5 : i32
    %convert_element_type3A_7 = arith.extui %lt3A_6 : i1 to i32
    %cond3A_8 = arith.constant 0 : i32
    %cond3A_9 = arith.cmpi ne, %convert_element_type3A_7, %cond3A_8 : i32
    scf.if %cond3A_9 {
      %add3A_29 = arith.constant 32 : i32
      %add3A_30 = arith.addi %add3A, %add3A_29 : i32
      %mul3A_31 = arith.constant 128 : i32
      %mul3A_32 = arith.muli %add3A_30, %mul3A_31 : i32
      %dma_start3A = arith.constant 0 : i32
      %dma_start3A_33 = arith.constant 0 : i32
      %dma_start3A_34 = tpu.memref_slice %arg8[%dma_start3A, %dma_start3A_33] : memref<128x128xf32, #tpu.memory_space<vmem>> -> memref<8x128xf32, #tpu.memory_space<vmem>>
      %dma_start3A_35 = arith.constant 0 : i32
      %dma_start3A_36 = tpu.memref_slice %arg2[%dma_start3A_35, %mul3A_32] : memref<32x100000xf32, #tpu.memory_space<hbm>> -> memref<8x128xf32, #tpu.memory_space<hbm>>
      %dma_start3A_37 = arith.constant 0 : i32
      %dma_start3A_38 = arith.constant 0 : i32
      %dma_start3A_39 = tpu.memref_slice %arg8[%dma_start3A_37, %dma_start3A_38] : memref<128x128xf32, #tpu.memory_space<vmem>> -> memref<8x128xf32, #tpu.memory_space<vmem>>
      %dma_start3A_40 = arith.constant 0 : i32
      %dma_start3A_41 = tpu.memref_slice %arg2[%dma_start3A_40, %mul3A_32] : memref<32x100000xf32, #tpu.memory_space<hbm>> -> memref<8x128xf32, #tpu.memory_space<hbm>>
      tpu.enqueue_dma source(%dma_start3A_41 : memref<8x128xf32, #tpu.memory_space<hbm>>) target(%dma_start3A_39 : memref<8x128xf32, #tpu.memory_space<vmem>>) target_semaphore(%arg12 : memref<!tpu.dma_semaphore, #tpu.memory_space<semaphore_mem>>)
      %dma_start3A_42 = arith.constant 8 : i32
      %dma_start3A_43 = arith.constant 0 : i32
      %dma_start3A_44 = tpu.memref_slice %arg8[%dma_start3A_42, %dma_start3A_43] : memref<128x128xf32, #tpu.memory_space<vmem>> -> memref<8x128xf32, #tpu.memory_space<vmem>>
      %dma_start3A_45 = arith.constant 8 : i32
      %dma_start3A_46 = tpu.memref_slice %arg2[%dma_start3A_45, %mul3A_32] : memref<32x100000xf32, #tpu.memory_space<hbm>> -> memref<8x128xf32, #tpu.memory_space<hbm>>
      %dma_start3A_47 = arith.constant 8 : i32
      %dma_start3A_48 = arith.constant 0 : i32
      %dma_start3A_49 = tpu.memref_slice %arg8[%dma_start3A_47, %dma_start3A_48] : memref<128x128xf32, #tpu.memory_space<vmem>> -> memref<8x128xf32, #tpu.memory_space<vmem>>
      %dma_start3A_50 = arith.constant 8 : i32
      %dma_start3A_51 = tpu.memref_slice %arg2[%dma_start3A_50, %mul3A_32] : memref<32x100000xf32, #tpu.memory_space<hbm>> -> memref<8x128xf32, #tpu.memory_space<hbm>>
      tpu.enqueue_dma source(%dma_start3A_51 : memref<8x128xf32, #tpu.memory_space<hbm>>) target(%dma_start3A_49 : memref<8x128xf32, #tpu.memory_space<vmem>>) target_semaphore(%arg12 : memref<!tpu.dma_semaphore, #tpu.memory_space<semaphore_mem>>)
      %dma_start3A_52 = arith.constant 16 : i32
      %dma_start3A_53 = arith.constant 0 : i32
      %dma_start3A_54 = tpu.memref_slice %arg8[%dma_start3A_52, %dma_start3A_53] : memref<128x128xf32, #tpu.memory_space<vmem>> -> memref<8x128xf32, #tpu.memory_space<vmem>>
      %dma_start3A_55 = arith.constant 16 : i32
      %dma_start3A_56 = tpu.memref_slice %arg2[%dma_start3A_55, %mul3A_32] : memref<32x100000xf32, #tpu.memory_space<hbm>> -> memref<8x128xf32, #tpu.memory_space<hbm>>
      %dma_start3A_57 = arith.constant 16 : i32
      %dma_start3A_58 = arith.constant 0 : i32
      %dma_start3A_59 = tpu.memref_slice %arg8[%dma_start3A_57, %dma_start3A_58] : memref<128x128xf32, #tpu.memory_space<vmem>> -> memref<8x128xf32, #tpu.memory_space<vmem>>
      %dma_start3A_60 = arith.constant 16 : i32
      %dma_start3A_61 = tpu.memref_slice %arg2[%dma_start3A_60, %mul3A_32] : memref<32x100000xf32, #tpu.memory_space<hbm>> -> memref<8x128xf32, #tpu.memory_space<hbm>>
      tpu.enqueue_dma source(%dma_start3A_61 : memref<8x128xf32, #tpu.memory_space<hbm>>) target(%dma_start3A_59 : memref<8x128xf32, #tpu.memory_space<vmem>>) target_semaphore(%arg12 : memref<!tpu.dma_semaphore, #tpu.memory_space<semaphore_mem>>)
      %dma_start3A_62 = arith.constant 24 : i32
      %dma_start3A_63 = arith.constant 0 : i32
      %dma_start3A_64 = tpu.memref_slice %arg8[%dma_start3A_62, %dma_start3A_63] : memref<128x128xf32, #tpu.memory_space<vmem>> -> memref<8x128xf32, #tpu.memory_space<vmem>>
      %dma_start3A_65 = arith.constant 24 : i32
      %dma_start3A_66 = tpu.memref_slice %arg2[%dma_start3A_65, %mul3A_32] : memref<32x100000xf32, #tpu.memory_space<hbm>> -> memref<8x128xf32, #tpu.memory_space<hbm>>
      %dma_start3A_67 = arith.constant 24 : i32
      %dma_start3A_68 = arith.constant 0 : i32
      %dma_start3A_69 = tpu.memref_slice %arg8[%dma_start3A_67, %dma_start3A_68] : memref<128x128xf32, #tpu.memory_space<vmem>> -> memref<8x128xf32, #tpu.memory_space<vmem>>
      %dma_start3A_70 = arith.constant 24 : i32
      %dma_start3A_71 = tpu.memref_slice %arg2[%dma_start3A_70, %mul3A_32] : memref<32x100000xf32, #tpu.memory_space<hbm>> -> memref<8x128xf32, #tpu.memory_space<hbm>>
      tpu.enqueue_dma source(%dma_start3A_71 : memref<8x128xf32, #tpu.memory_space<hbm>>) target(%dma_start3A_69 : memref<8x128xf32, #tpu.memory_space<vmem>>) target_semaphore(%arg12 : memref<!tpu.dma_semaphore, #tpu.memory_space<semaphore_mem>>)
      %dma_start3A_72 = arith.constant 32 : i32
      %dma_start3A_73 = arith.constant 0 : i32
      %dma_start3A_74 = tpu.memref_slice %arg8[%dma_start3A_72, %dma_start3A_73] : memref<128x128xf32, #tpu.memory_space<vmem>> -> memref<8x128xf32, #tpu.memory_space<vmem>>
      %dma_start3A_75 = arith.constant 0 : i32
      %dma_start3A_76 = tpu.memref_slice %arg3[%dma_start3A_75, %mul3A_32] : memref<32x100000xf32, #tpu.memory_space<hbm>> -> memref<8x128xf32, #tpu.memory_space<hbm>>
      %dma_start3A_77 = arith.constant 32 : i32
      %dma_start3A_78 = arith.constant 0 : i32
      %dma_start3A_79 = tpu.memref_slice %arg8[%dma_start3A_77, %dma_start3A_78] : memref<128x128xf32, #tpu.memory_space<vmem>> -> memref<8x128xf32, #tpu.memory_space<vmem>>
      %dma_start3A_80 = arith.constant 0 : i32
      %dma_start3A_81 = tpu.memref_slice %arg3[%dma_start3A_80, %mul3A_32] : memref<32x100000xf32, #tpu.memory_space<hbm>> -> memref<8x128xf32, #tpu.memory_space<hbm>>
      tpu.enqueue_dma source(%dma_start3A_81 : memref<8x128xf32, #tpu.memory_space<hbm>>) target(%dma_start3A_79 : memref<8x128xf32, #tpu.memory_space<vmem>>) target_semaphore(%arg12 : memref<!tpu.dma_semaphore, #tpu.memory_space<semaphore_mem>>)
      %dma_start3A_82 = arith.constant 40 : i32
      %dma_start3A_83 = arith.constant 0 : i32
      %dma_start3A_84 = tpu.memref_slice %arg8[%dma_start3A_82, %dma_start3A_83] : memref<128x128xf32, #tpu.memory_space<vmem>> -> memref<8x128xf32, #tpu.memory_space<vmem>>
      %dma_start3A_85 = arith.constant 8 : i32
      %dma_start3A_86 = tpu.memref_slice %arg3[%dma_start3A_85, %mul3A_32] : memref<32x100000xf32, #tpu.memory_space<hbm>> -> memref<8x128xf32, #tpu.memory_space<hbm>>
      %dma_start3A_87 = arith.constant 40 : i32
      %dma_start3A_88 = arith.constant 0 : i32
      %dma_start3A_89 = tpu.memref_slice %arg8[%dma_start3A_87, %dma_start3A_88] : memref<128x128xf32, #tpu.memory_space<vmem>> -> memref<8x128xf32, #tpu.memory_space<vmem>>
      %dma_start3A_90 = arith.constant 8 : i32
      %dma_start3A_91 = tpu.memref_slice %arg3[%dma_start3A_90, %mul3A_32] : memref<32x100000xf32, #tpu.memory_space<hbm>> -> memref<8x128xf32, #tpu.memory_space<hbm>>
      tpu.enqueue_dma source(%dma_start3A_91 : memref<8x128xf32, #tpu.memory_space<hbm>>) target(%dma_start3A_89 : memref<8x128xf32, #tpu.memory_space<vmem>>) target_semaphore(%arg12 : memref<!tpu.dma_semaphore, #tpu.memory_space<semaphore_mem>>)
      %dma_start3A_92 = arith.constant 48 : i32
      %dma_start3A_93 = arith.constant 0 : i32
      %dma_start3A_94 = tpu.memref_slice %arg8[%dma_start3A_92, %dma_start3A_93] : memref<128x128xf32, #tpu.memory_space<vmem>> -> memref<8x128xf32, #tpu.memory_space<vmem>>
      %dma_start3A_95 = arith.constant 16 : i32
      %dma_start3A_96 = tpu.memref_slice %arg3[%dma_start3A_95, %mul3A_32] : memref<32x100000xf32, #tpu.memory_space<hbm>> -> memref<8x128xf32, #tpu.memory_space<hbm>>
      %dma_start3A_97 = arith.constant 48 : i32
      %dma_start3A_98 = arith.constant 0 : i32
      %dma_start3A_99 = tpu.memref_slice %arg8[%dma_start3A_97, %dma_start3A_98] : memref<128x128xf32, #tpu.memory_space<vmem>> -> memref<8x128xf32, #tpu.memory_space<vmem>>
      %dma_start3A_100 = arith.constant 16 : i32
      %dma_start3A_101 = tpu.memref_slice %arg3[%dma_start3A_100, %mul3A_32] : memref<32x100000xf32, #tpu.memory_space<hbm>> -> memref<8x128xf32, #tpu.memory_space<hbm>>
      tpu.enqueue_dma source(%dma_start3A_101 : memref<8x128xf32, #tpu.memory_space<hbm>>) target(%dma_start3A_99 : memref<8x128xf32, #tpu.memory_space<vmem>>) target_semaphore(%arg12 : memref<!tpu.dma_semaphore, #tpu.memory_space<semaphore_mem>>)
      %dma_start3A_102 = arith.constant 56 : i32
      %dma_start3A_103 = arith.constant 0 : i32
      %dma_start3A_104 = tpu.memref_slice %arg8[%dma_start3A_102, %dma_start3A_103] : memref<128x128xf32, #tpu.memory_space<vmem>> -> memref<8x128xf32, #tpu.memory_space<vmem>>
      %dma_start3A_105 = arith.constant 24 : i32
      %dma_start3A_106 = tpu.memref_slice %arg3[%dma_start3A_105, %mul3A_32] : memref<32x100000xf32, #tpu.memory_space<hbm>> -> memref<8x128xf32, #tpu.memory_space<hbm>>
      %dma_start3A_107 = arith.constant 56 : i32
      %dma_start3A_108 = arith.constant 0 : i32
      %dma_start3A_109 = tpu.memref_slice %arg8[%dma_start3A_107, %dma_start3A_108] : memref<128x128xf32, #tpu.memory_space<vmem>> -> memref<8x128xf32, #tpu.memory_space<vmem>>
      %dma_start3A_110 = arith.constant 24 : i32
      %dma_start3A_111 = tpu.memref_slice %arg3[%dma_start3A_110, %mul3A_32] : memref<32x100000xf32, #tpu.memory_space<hbm>> -> memref<8x128xf32, #tpu.memory_space<hbm>>
      tpu.enqueue_dma source(%dma_start3A_111 : memref<8x128xf32, #tpu.memory_space<hbm>>) target(%dma_start3A_109 : memref<8x128xf32, #tpu.memory_space<vmem>>) target_semaphore(%arg12 : memref<!tpu.dma_semaphore, #tpu.memory_space<semaphore_mem>>)
      %dma_start3A_112 = arith.constant 64 : i32
      %dma_start3A_113 = arith.constant 0 : i32
      %dma_start3A_114 = tpu.memref_slice %arg8[%dma_start3A_112, %dma_start3A_113] : memref<128x128xf32, #tpu.memory_space<vmem>> -> memref<8x128xf32, #tpu.memory_space<vmem>>
      %dma_start3A_115 = arith.constant 0 : i32
      %dma_start3A_116 = tpu.memref_slice %arg4[%dma_start3A_115, %mul3A_32] : memref<32x100000xf32, #tpu.memory_space<hbm>> -> memref<8x128xf32, #tpu.memory_space<hbm>>
      %dma_start3A_117 = arith.constant 64 : i32
      %dma_start3A_118 = arith.constant 0 : i32
      %dma_start3A_119 = tpu.memref_slice %arg8[%dma_start3A_117, %dma_start3A_118] : memref<128x128xf32, #tpu.memory_space<vmem>> -> memref<8x128xf32, #tpu.memory_space<vmem>>
      %dma_start3A_120 = arith.constant 0 : i32
      %dma_start3A_121 = tpu.memref_slice %arg4[%dma_start3A_120, %mul3A_32] : memref<32x100000xf32, #tpu.memory_space<hbm>> -> memref<8x128xf32, #tpu.memory_space<hbm>>
      tpu.enqueue_dma source(%dma_start3A_121 : memref<8x128xf32, #tpu.memory_space<hbm>>) target(%dma_start3A_119 : memref<8x128xf32, #tpu.memory_space<vmem>>) target_semaphore(%arg12 : memref<!tpu.dma_semaphore, #tpu.memory_space<semaphore_mem>>)
      %dma_start3A_122 = arith.constant 72 : i32
      %dma_start3A_123 = arith.constant 0 : i32
      %dma_start3A_124 = tpu.memref_slice %arg8[%dma_start3A_122, %dma_start3A_123] : memref<128x128xf32, #tpu.memory_space<vmem>> -> memref<8x128xf32, #tpu.memory_space<vmem>>
      %dma_start3A_125 = arith.constant 8 : i32
      %dma_start3A_126 = tpu.memref_slice %arg4[%dma_start3A_125, %mul3A_32] : memref<32x100000xf32, #tpu.memory_space<hbm>> -> memref<8x128xf32, #tpu.memory_space<hbm>>
      %dma_start3A_127 = arith.constant 72 : i32
      %dma_start3A_128 = arith.constant 0 : i32
      %dma_start3A_129 = tpu.memref_slice %arg8[%dma_start3A_127, %dma_start3A_128] : memref<128x128xf32, #tpu.memory_space<vmem>> -> memref<8x128xf32, #tpu.memory_space<vmem>>
      %dma_start3A_130 = arith.constant 8 : i32
      %dma_start3A_131 = tpu.memref_slice %arg4[%dma_start3A_130, %mul3A_32] : memref<32x100000xf32, #tpu.memory_space<hbm>> -> memref<8x128xf32, #tpu.memory_space<hbm>>
      tpu.enqueue_dma source(%dma_start3A_131 : memref<8x128xf32, #tpu.memory_space<hbm>>) target(%dma_start3A_129 : memref<8x128xf32, #tpu.memory_space<vmem>>) target_semaphore(%arg12 : memref<!tpu.dma_semaphore, #tpu.memory_space<semaphore_mem>>)
      %dma_start3A_132 = arith.constant 80 : i32
      %dma_start3A_133 = arith.constant 0 : i32
      %dma_start3A_134 = tpu.memref_slice %arg8[%dma_start3A_132, %dma_start3A_133] : memref<128x128xf32, #tpu.memory_space<vmem>> -> memref<8x128xf32, #tpu.memory_space<vmem>>
      %dma_start3A_135 = arith.constant 16 : i32
      %dma_start3A_136 = tpu.memref_slice %arg4[%dma_start3A_135, %mul3A_32] : memref<32x100000xf32, #tpu.memory_space<hbm>> -> memref<8x128xf32, #tpu.memory_space<hbm>>
      %dma_start3A_137 = arith.constant 80 : i32
      %dma_start3A_138 = arith.constant 0 : i32
      %dma_start3A_139 = tpu.memref_slice %arg8[%dma_start3A_137, %dma_start3A_138] : memref<128x128xf32, #tpu.memory_space<vmem>> -> memref<8x128xf32, #tpu.memory_space<vmem>>
      %dma_start3A_140 = arith.constant 16 : i32
      %dma_start3A_141 = tpu.memref_slice %arg4[%dma_start3A_140, %mul3A_32] : memref<32x100000xf32, #tpu.memory_space<hbm>> -> memref<8x128xf32, #tpu.memory_space<hbm>>
      tpu.enqueue_dma source(%dma_start3A_141 : memref<8x128xf32, #tpu.memory_space<hbm>>) target(%dma_start3A_139 : memref<8x128xf32, #tpu.memory_space<vmem>>) target_semaphore(%arg12 : memref<!tpu.dma_semaphore, #tpu.memory_space<semaphore_mem>>)
      %dma_start3A_142 = arith.constant 88 : i32
      %dma_start3A_143 = arith.constant 0 : i32
      %dma_start3A_144 = tpu.memref_slice %arg8[%dma_start3A_142, %dma_start3A_143] : memref<128x128xf32, #tpu.memory_space<vmem>> -> memref<8x128xf32, #tpu.memory_space<vmem>>
      %dma_start3A_145 = arith.constant 24 : i32
      %dma_start3A_146 = tpu.memref_slice %arg4[%dma_start3A_145, %mul3A_32] : memref<32x100000xf32, #tpu.memory_space<hbm>> -> memref<8x128xf32, #tpu.memory_space<hbm>>
      %dma_start3A_147 = arith.constant 88 : i32
      %dma_start3A_148 = arith.constant 0 : i32
      %dma_start3A_149 = tpu.memref_slice %arg8[%dma_start3A_147, %dma_start3A_148] : memref<128x128xf32, #tpu.memory_space<vmem>> -> memref<8x128xf32, #tpu.memory_space<vmem>>
      %dma_start3A_150 = arith.constant 24 : i32
      %dma_start3A_151 = tpu.memref_slice %arg4[%dma_start3A_150, %mul3A_32] : memref<32x100000xf32, #tpu.memory_space<hbm>> -> memref<8x128xf32, #tpu.memory_space<hbm>>
      tpu.enqueue_dma source(%dma_start3A_151 : memref<8x128xf32, #tpu.memory_space<hbm>>) target(%dma_start3A_149 : memref<8x128xf32, #tpu.memory_space<vmem>>) target_semaphore(%arg12 : memref<!tpu.dma_semaphore, #tpu.memory_space<semaphore_mem>>)
      %dma_start3A_152 = arith.constant 96 : i32
      %dma_start3A_153 = arith.constant 0 : i32
      %dma_start3A_154 = tpu.memref_slice %arg8[%dma_start3A_152, %dma_start3A_153] : memref<128x128xf32, #tpu.memory_space<vmem>> -> memref<8x128xf32, #tpu.memory_space<vmem>>
      %dma_start3A_155 = arith.constant 0 : i32
      %dma_start3A_156 = tpu.memref_slice %arg5[%dma_start3A_155, %mul3A_32] : memref<32x100000xf32, #tpu.memory_space<hbm>> -> memref<8x128xf32, #tpu.memory_space<hbm>>
      %dma_start3A_157 = arith.constant 96 : i32
      %dma_start3A_158 = arith.constant 0 : i32
      %dma_start3A_159 = tpu.memref_slice %arg8[%dma_start3A_157, %dma_start3A_158] : memref<128x128xf32, #tpu.memory_space<vmem>> -> memref<8x128xf32, #tpu.memory_space<vmem>>
      %dma_start3A_160 = arith.constant 0 : i32
      %dma_start3A_161 = tpu.memref_slice %arg5[%dma_start3A_160, %mul3A_32] : memref<32x100000xf32, #tpu.memory_space<hbm>> -> memref<8x128xf32, #tpu.memory_space<hbm>>
      tpu.enqueue_dma source(%dma_start3A_161 : memref<8x128xf32, #tpu.memory_space<hbm>>) target(%dma_start3A_159 : memref<8x128xf32, #tpu.memory_space<vmem>>) target_semaphore(%arg12 : memref<!tpu.dma_semaphore, #tpu.memory_space<semaphore_mem>>)
      %dma_start3A_162 = arith.constant 104 : i32
      %dma_start3A_163 = arith.constant 0 : i32
      %dma_start3A_164 = tpu.memref_slice %arg8[%dma_start3A_162, %dma_start3A_163] : memref<128x128xf32, #tpu.memory_space<vmem>> -> memref<8x128xf32, #tpu.memory_space<vmem>>
      %dma_start3A_165 = arith.constant 8 : i32
      %dma_start3A_166 = tpu.memref_slice %arg5[%dma_start3A_165, %mul3A_32] : memref<32x100000xf32, #tpu.memory_space<hbm>> -> memref<8x128xf32, #tpu.memory_space<hbm>>
      %dma_start3A_167 = arith.constant 104 : i32
      %dma_start3A_168 = arith.constant 0 : i32
      %dma_start3A_169 = tpu.memref_slice %arg8[%dma_start3A_167, %dma_start3A_168] : memref<128x128xf32, #tpu.memory_space<vmem>> -> memref<8x128xf32, #tpu.memory_space<vmem>>
      %dma_start3A_170 = arith.constant 8 : i32
      %dma_start3A_171 = tpu.memref_slice %arg5[%dma_start3A_170, %mul3A_32] : memref<32x100000xf32, #tpu.memory_space<hbm>> -> memref<8x128xf32, #tpu.memory_space<hbm>>
      tpu.enqueue_dma source(%dma_start3A_171 : memref<8x128xf32, #tpu.memory_space<hbm>>) target(%dma_start3A_169 : memref<8x128xf32, #tpu.memory_space<vmem>>) target_semaphore(%arg12 : memref<!tpu.dma_semaphore, #tpu.memory_space<semaphore_mem>>)
      %dma_start3A_172 = arith.constant 112 : i32
      %dma_start3A_173 = arith.constant 0 : i32
      %dma_start3A_174 = tpu.memref_slice %arg8[%dma_start3A_172, %dma_start3A_173] : memref<128x128xf32, #tpu.memory_space<vmem>> -> memref<8x128xf32, #tpu.memory_space<vmem>>
      %dma_start3A_175 = arith.constant 16 : i32
      %dma_start3A_176 = tpu.memref_slice %arg5[%dma_start3A_175, %mul3A_32] : memref<32x100000xf32, #tpu.memory_space<hbm>> -> memref<8x128xf32, #tpu.memory_space<hbm>>
      %dma_start3A_177 = arith.constant 112 : i32
      %dma_start3A_178 = arith.constant 0 : i32
      %dma_start3A_179 = tpu.memref_slice %arg8[%dma_start3A_177, %dma_start3A_178] : memref<128x128xf32, #tpu.memory_space<vmem>> -> memref<8x128xf32, #tpu.memory_space<vmem>>
      %dma_start3A_180 = arith.constant 16 : i32
      %dma_start3A_181 = tpu.memref_slice %arg5[%dma_start3A_180, %mul3A_32] : memref<32x100000xf32, #tpu.memory_space<hbm>> -> memref<8x128xf32, #tpu.memory_space<hbm>>
      tpu.enqueue_dma source(%dma_start3A_181 : memref<8x128xf32, #tpu.memory_space<hbm>>) target(%dma_start3A_179 : memref<8x128xf32, #tpu.memory_space<vmem>>) target_semaphore(%arg12 : memref<!tpu.dma_semaphore, #tpu.memory_space<semaphore_mem>>)
      %dma_start3A_182 = arith.constant 120 : i32
      %dma_start3A_183 = arith.constant 0 : i32
      %dma_start3A_184 = tpu.memref_slice %arg8[%dma_start3A_182, %dma_start3A_183] : memref<128x128xf32, #tpu.memory_space<vmem>> -> memref<8x128xf32, #tpu.memory_space<vmem>>
      %dma_start3A_185 = arith.constant 24 : i32
      %dma_start3A_186 = tpu.memref_slice %arg5[%dma_start3A_185, %mul3A_32] : memref<32x100000xf32, #tpu.memory_space<hbm>> -> memref<8x128xf32, #tpu.memory_space<hbm>>
      %dma_start3A_187 = arith.constant 120 : i32
      %dma_start3A_188 = arith.constant 0 : i32
      %dma_start3A_189 = tpu.memref_slice %arg8[%dma_start3A_187, %dma_start3A_188] : memref<128x128xf32, #tpu.memory_space<vmem>> -> memref<8x128xf32, #tpu.memory_space<vmem>>
      %dma_start3A_190 = arith.constant 24 : i32
      %dma_start3A_191 = tpu.memref_slice %arg5[%dma_start3A_190, %mul3A_32] : memref<32x100000xf32, #tpu.memory_space<hbm>> -> memref<8x128xf32, #tpu.memory_space<hbm>>
      tpu.enqueue_dma source(%dma_start3A_191 : memref<8x128xf32, #tpu.memory_space<hbm>>) target(%dma_start3A_189 : memref<8x128xf32, #tpu.memory_space<vmem>>) target_semaphore(%arg12 : memref<!tpu.dma_semaphore, #tpu.memory_space<semaphore_mem>>)
    } else {
    }
    %scan3A = arith.constant 0 : i32
    %scan3A_10 = arith.constant 0 : i32
    %scan3A_11 = arith.constant 13 : i32
    %scan3A_12 = arith.addi %scan3A_10, %scan3A_11 : i32
    %scan3A_13 = arith.constant 1 : i32
    scf.for %scan3A_29 = %scan3A_10 to %scan3A_12 step %scan3A_13  : i32 {
      %mul3A_30 = arith.constant 2 : i32
      %mul3A_31 = arith.muli %scan3A_29, %mul3A_30 : i32
      %add3A_32 = arith.constant 0 : i32
      %add3A_33 = arith.addi %mul3A_31, %add3A_32 : i32
      %mul3A_34 = arith.constant 32 : i32
      %mul3A_35 = arith.muli %add3A_33, %mul3A_34 : i32
      %add3A_36 = arith.addi %add3A, %mul3A_35 : i32
      %lt3A_37 = arith.constant 782 : i32
      %lt3A_38 = arith.cmpi slt, %add3A_36, %lt3A_37 : i32
      %convert_element_type3A_39 = arith.extui %lt3A_38 : i1 to i32
      %cond3A_40 = arith.constant 0 : i32
      %cond3A_41 = arith.cmpi ne, %convert_element_type3A_39, %cond3A_40 : i32
      scf.if %cond3A_41 {
        %mul3A_68 = arith.constant 128 : i32
        %mul3A_69 = arith.muli %add3A_36, %mul3A_68 : i32
        %dma_wait3A = arith.constant 0 : i32
        %dma_wait3A_70 = arith.constant 0 : i32
        %dma_wait3A_71 = tpu.memref_slice %arg7[%dma_wait3A, %dma_wait3A_70] : memref<128x128xf32, #tpu.memory_space<vmem>> -> memref<8x128xf32, #tpu.memory_space<vmem>>
        %dma_wait3A_72 = arith.constant 0 : i32
        %dma_wait3A_73 = tpu.memref_slice %arg2[%dma_wait3A_72, %mul3A_69] : memref<32x100000xf32, #tpu.memory_space<hbm>> -> memref<8x128xf32, #tpu.memory_space<hbm>>
        %dma_wait3A_74 = arith.constant 0 : i32
        %dma_wait3A_75 = arith.constant 0 : i32
        %dma_wait3A_76 = tpu.memref_slice %arg7[%dma_wait3A_74, %dma_wait3A_75] : memref<128x128xf32, #tpu.memory_space<vmem>> -> memref<8x128xf32, #tpu.memory_space<vmem>>
        %dma_wait3A_77 = arith.constant 0 : i32
        %dma_wait3A_78 = tpu.memref_slice %arg2[%dma_wait3A_77, %mul3A_69] : memref<32x100000xf32, #tpu.memory_space<hbm>> -> memref<8x128xf32, #tpu.memory_space<hbm>>
        tpu.wait_dma2 semaphore(%arg11 : memref<!tpu.dma_semaphore, #tpu.memory_space<semaphore_mem>>) src(%dma_wait3A_78 : memref<8x128xf32, #tpu.memory_space<hbm>>) dst(%dma_wait3A_76 : memref<8x128xf32, #tpu.memory_space<vmem>>)
        %dma_wait3A_79 = arith.constant 8 : i32
        %dma_wait3A_80 = arith.constant 0 : i32
        %dma_wait3A_81 = tpu.memref_slice %arg7[%dma_wait3A_79, %dma_wait3A_80] : memref<128x128xf32, #tpu.memory_space<vmem>> -> memref<8x128xf32, #tpu.memory_space<vmem>>
        %dma_wait3A_82 = arith.constant 8 : i32
        %dma_wait3A_83 = tpu.memref_slice %arg2[%dma_wait3A_82, %mul3A_69] : memref<32x100000xf32, #tpu.memory_space<hbm>> -> memref<8x128xf32, #tpu.memory_space<hbm>>
        %dma_wait3A_84 = arith.constant 8 : i32
        %dma_wait3A_85 = arith.constant 0 : i32
        %dma_wait3A_86 = tpu.memref_slice %arg7[%dma_wait3A_84, %dma_wait3A_85] : memref<128x128xf32, #tpu.memory_space<vmem>> -> memref<8x128xf32, #tpu.memory_space<vmem>>
        %dma_wait3A_87 = arith.constant 8 : i32
        %dma_wait3A_88 = tpu.memref_slice %arg2[%dma_wait3A_87, %mul3A_69] : memref<32x100000xf32, #tpu.memory_space<hbm>> -> memref<8x128xf32, #tpu.memory_space<hbm>>
        tpu.wait_dma2 semaphore(%arg11 : memref<!tpu.dma_semaphore, #tpu.memory_space<semaphore_mem>>) src(%dma_wait3A_88 : memref<8x128xf32, #tpu.memory_space<hbm>>) dst(%dma_wait3A_86 : memref<8x128xf32, #tpu.memory_space<vmem>>)
        %dma_wait3A_89 = arith.constant 16 : i32
        %dma_wait3A_90 = arith.constant 0 : i32
        %dma_wait3A_91 = tpu.memref_slice %arg7[%dma_wait3A_89, %dma_wait3A_90] : memref<128x128xf32, #tpu.memory_space<vmem>> -> memref<8x128xf32, #tpu.memory_space<vmem>>
        %dma_wait3A_92 = arith.constant 16 : i32
        %dma_wait3A_93 = tpu.memref_slice %arg2[%dma_wait3A_92, %mul3A_69] : memref<32x100000xf32, #tpu.memory_space<hbm>> -> memref<8x128xf32, #tpu.memory_space<hbm>>
        %dma_wait3A_94 = arith.constant 16 : i32
        %dma_wait3A_95 = arith.constant 0 : i32
        %dma_wait3A_96 = tpu.memref_slice %arg7[%dma_wait3A_94, %dma_wait3A_95] : memref<128x128xf32, #tpu.memory_space<vmem>> -> memref<8x128xf32, #tpu.memory_space<vmem>>
        %dma_wait3A_97 = arith.constant 16 : i32
        %dma_wait3A_98 = tpu.memref_slice %arg2[%dma_wait3A_97, %mul3A_69] : memref<32x100000xf32, #tpu.memory_space<hbm>> -> memref<8x128xf32, #tpu.memory_space<hbm>>
        tpu.wait_dma2 semaphore(%arg11 : memref<!tpu.dma_semaphore, #tpu.memory_space<semaphore_mem>>) src(%dma_wait3A_98 : memref<8x128xf32, #tpu.memory_space<hbm>>) dst(%dma_wait3A_96 : memref<8x128xf32, #tpu.memory_space<vmem>>)
        %dma_wait3A_99 = arith.constant 24 : i32
        %dma_wait3A_100 = arith.constant 0 : i32
        %dma_wait3A_101 = tpu.memref_slice %arg7[%dma_wait3A_99, %dma_wait3A_100] : memref<128x128xf32, #tpu.memory_space<vmem>> -> memref<8x128xf32, #tpu.memory_space<vmem>>
        %dma_wait3A_102 = arith.constant 24 : i32
        %dma_wait3A_103 = tpu.memref_slice %arg2[%dma_wait3A_102, %mul3A_69] : memref<32x100000xf32, #tpu.memory_space<hbm>> -> memref<8x128xf32, #tpu.memory_space<hbm>>
        %dma_wait3A_104 = arith.constant 24 : i32
        %dma_wait3A_105 = arith.constant 0 : i32
        %dma_wait3A_106 = tpu.memref_slice %arg7[%dma_wait3A_104, %dma_wait3A_105] : memref<128x128xf32, #tpu.memory_space<vmem>> -> memref<8x128xf32, #tpu.memory_space<vmem>>
        %dma_wait3A_107 = arith.constant 24 : i32
        %dma_wait3A_108 = tpu.memref_slice %arg2[%dma_wait3A_107, %mul3A_69] : memref<32x100000xf32, #tpu.memory_space<hbm>> -> memref<8x128xf32, #tpu.memory_space<hbm>>
        tpu.wait_dma2 semaphore(%arg11 : memref<!tpu.dma_semaphore, #tpu.memory_space<semaphore_mem>>) src(%dma_wait3A_108 : memref<8x128xf32, #tpu.memory_space<hbm>>) dst(%dma_wait3A_106 : memref<8x128xf32, #tpu.memory_space<vmem>>)
        %dma_wait3A_109 = arith.constant 32 : i32
        %dma_wait3A_110 = arith.constant 0 : i32
        %dma_wait3A_111 = tpu.memref_slice %arg7[%dma_wait3A_109, %dma_wait3A_110] : memref<128x128xf32, #tpu.memory_space<vmem>> -> memref<8x128xf32, #tpu.memory_space<vmem>>
        %dma_wait3A_112 = arith.constant 0 : i32
        %dma_wait3A_113 = tpu.memref_slice %arg3[%dma_wait3A_112, %mul3A_69] : memref<32x100000xf32, #tpu.memory_space<hbm>> -> memref<8x128xf32, #tpu.memory_space<hbm>>
        %dma_wait3A_114 = arith.constant 32 : i32
        %dma_wait3A_115 = arith.constant 0 : i32
        %dma_wait3A_116 = tpu.memref_slice %arg7[%dma_wait3A_114, %dma_wait3A_115] : memref<128x128xf32, #tpu.memory_space<vmem>> -> memref<8x128xf32, #tpu.memory_space<vmem>>
        %dma_wait3A_117 = arith.constant 0 : i32
        %dma_wait3A_118 = tpu.memref_slice %arg3[%dma_wait3A_117, %mul3A_69] : memref<32x100000xf32, #tpu.memory_space<hbm>> -> memref<8x128xf32, #tpu.memory_space<hbm>>
        tpu.wait_dma2 semaphore(%arg11 : memref<!tpu.dma_semaphore, #tpu.memory_space<semaphore_mem>>) src(%dma_wait3A_118 : memref<8x128xf32, #tpu.memory_space<hbm>>) dst(%dma_wait3A_116 : memref<8x128xf32, #tpu.memory_space<vmem>>)
        %dma_wait3A_119 = arith.constant 40 : i32
        %dma_wait3A_120 = arith.constant 0 : i32
        %dma_wait3A_121 = tpu.memref_slice %arg7[%dma_wait3A_119, %dma_wait3A_120] : memref<128x128xf32, #tpu.memory_space<vmem>> -> memref<8x128xf32, #tpu.memory_space<vmem>>
        %dma_wait3A_122 = arith.constant 8 : i32
        %dma_wait3A_123 = tpu.memref_slice %arg3[%dma_wait3A_122, %mul3A_69] : memref<32x100000xf32, #tpu.memory_space<hbm>> -> memref<8x128xf32, #tpu.memory_space<hbm>>
        %dma_wait3A_124 = arith.constant 40 : i32
        %dma_wait3A_125 = arith.constant 0 : i32
        %dma_wait3A_126 = tpu.memref_slice %arg7[%dma_wait3A_124, %dma_wait3A_125] : memref<128x128xf32, #tpu.memory_space<vmem>> -> memref<8x128xf32, #tpu.memory_space<vmem>>
        %dma_wait3A_127 = arith.constant 8 : i32
        %dma_wait3A_128 = tpu.memref_slice %arg3[%dma_wait3A_127, %mul3A_69] : memref<32x100000xf32, #tpu.memory_space<hbm>> -> memref<8x128xf32, #tpu.memory_space<hbm>>
        tpu.wait_dma2 semaphore(%arg11 : memref<!tpu.dma_semaphore, #tpu.memory_space<semaphore_mem>>) src(%dma_wait3A_128 : memref<8x128xf32, #tpu.memory_space<hbm>>) dst(%dma_wait3A_126 : memref<8x128xf32, #tpu.memory_space<vmem>>)
        %dma_wait3A_129 = arith.constant 48 : i32
        %dma_wait3A_130 = arith.constant 0 : i32
        %dma_wait3A_131 = tpu.memref_slice %arg7[%dma_wait3A_129, %dma_wait3A_130] : memref<128x128xf32, #tpu.memory_space<vmem>> -> memref<8x128xf32, #tpu.memory_space<vmem>>
        %dma_wait3A_132 = arith.constant 16 : i32
        %dma_wait3A_133 = tpu.memref_slice %arg3[%dma_wait3A_132, %mul3A_69] : memref<32x100000xf32, #tpu.memory_space<hbm>> -> memref<8x128xf32, #tpu.memory_space<hbm>>
        %dma_wait3A_134 = arith.constant 48 : i32
        %dma_wait3A_135 = arith.constant 0 : i32
        %dma_wait3A_136 = tpu.memref_slice %arg7[%dma_wait3A_134, %dma_wait3A_135] : memref<128x128xf32, #tpu.memory_space<vmem>> -> memref<8x128xf32, #tpu.memory_space<vmem>>
        %dma_wait3A_137 = arith.constant 16 : i32
        %dma_wait3A_138 = tpu.memref_slice %arg3[%dma_wait3A_137, %mul3A_69] : memref<32x100000xf32, #tpu.memory_space<hbm>> -> memref<8x128xf32, #tpu.memory_space<hbm>>
        tpu.wait_dma2 semaphore(%arg11 : memref<!tpu.dma_semaphore, #tpu.memory_space<semaphore_mem>>) src(%dma_wait3A_138 : memref<8x128xf32, #tpu.memory_space<hbm>>) dst(%dma_wait3A_136 : memref<8x128xf32, #tpu.memory_space<vmem>>)
        %dma_wait3A_139 = arith.constant 56 : i32
        %dma_wait3A_140 = arith.constant 0 : i32
        %dma_wait3A_141 = tpu.memref_slice %arg7[%dma_wait3A_139, %dma_wait3A_140] : memref<128x128xf32, #tpu.memory_space<vmem>> -> memref<8x128xf32, #tpu.memory_space<vmem>>
        %dma_wait3A_142 = arith.constant 24 : i32
        %dma_wait3A_143 = tpu.memref_slice %arg3[%dma_wait3A_142, %mul3A_69] : memref<32x100000xf32, #tpu.memory_space<hbm>> -> memref<8x128xf32, #tpu.memory_space<hbm>>
        %dma_wait3A_144 = arith.constant 56 : i32
        %dma_wait3A_145 = arith.constant 0 : i32
        %dma_wait3A_146 = tpu.memref_slice %arg7[%dma_wait3A_144, %dma_wait3A_145] : memref<128x128xf32, #tpu.memory_space<vmem>> -> memref<8x128xf32, #tpu.memory_space<vmem>>
        %dma_wait3A_147 = arith.constant 24 : i32
        %dma_wait3A_148 = tpu.memref_slice %arg3[%dma_wait3A_147, %mul3A_69] : memref<32x100000xf32, #tpu.memory_space<hbm>> -> memref<8x128xf32, #tpu.memory_space<hbm>>
        tpu.wait_dma2 semaphore(%arg11 : memref<!tpu.dma_semaphore, #tpu.memory_space<semaphore_mem>>) src(%dma_wait3A_148 : memref<8x128xf32, #tpu.memory_space<hbm>>) dst(%dma_wait3A_146 : memref<8x128xf32, #tpu.memory_space<vmem>>)
        %dma_wait3A_149 = arith.constant 64 : i32
        %dma_wait3A_150 = arith.constant 0 : i32
        %dma_wait3A_151 = tpu.memref_slice %arg7[%dma_wait3A_149, %dma_wait3A_150] : memref<128x128xf32, #tpu.memory_space<vmem>> -> memref<8x128xf32, #tpu.memory_space<vmem>>
        %dma_wait3A_152 = arith.constant 0 : i32
        %dma_wait3A_153 = tpu.memref_slice %arg4[%dma_wait3A_152, %mul3A_69] : memref<32x100000xf32, #tpu.memory_space<hbm>> -> memref<8x128xf32, #tpu.memory_space<hbm>>
        %dma_wait3A_154 = arith.constant 64 : i32
        %dma_wait3A_155 = arith.constant 0 : i32
        %dma_wait3A_156 = tpu.memref_slice %arg7[%dma_wait3A_154, %dma_wait3A_155] : memref<128x128xf32, #tpu.memory_space<vmem>> -> memref<8x128xf32, #tpu.memory_space<vmem>>
        %dma_wait3A_157 = arith.constant 0 : i32
        %dma_wait3A_158 = tpu.memref_slice %arg4[%dma_wait3A_157, %mul3A_69] : memref<32x100000xf32, #tpu.memory_space<hbm>> -> memref<8x128xf32, #tpu.memory_space<hbm>>
        tpu.wait_dma2 semaphore(%arg11 : memref<!tpu.dma_semaphore, #tpu.memory_space<semaphore_mem>>) src(%dma_wait3A_158 : memref<8x128xf32, #tpu.memory_space<hbm>>) dst(%dma_wait3A_156 : memref<8x128xf32, #tpu.memory_space<vmem>>)
        %dma_wait3A_159 = arith.constant 72 : i32
        %dma_wait3A_160 = arith.constant 0 : i32
        %dma_wait3A_161 = tpu.memref_slice %arg7[%dma_wait3A_159, %dma_wait3A_160] : memref<128x128xf32, #tpu.memory_space<vmem>> -> memref<8x128xf32, #tpu.memory_space<vmem>>
        %dma_wait3A_162 = arith.constant 8 : i32
        %dma_wait3A_163 = tpu.memref_slice %arg4[%dma_wait3A_162, %mul3A_69] : memref<32x100000xf32, #tpu.memory_space<hbm>> -> memref<8x128xf32, #tpu.memory_space<hbm>>
        %dma_wait3A_164 = arith.constant 72 : i32
        %dma_wait3A_165 = arith.constant 0 : i32
        %dma_wait3A_166 = tpu.memref_slice %arg7[%dma_wait3A_164, %dma_wait3A_165] : memref<128x128xf32, #tpu.memory_space<vmem>> -> memref<8x128xf32, #tpu.memory_space<vmem>>
        %dma_wait3A_167 = arith.constant 8 : i32
        %dma_wait3A_168 = tpu.memref_slice %arg4[%dma_wait3A_167, %mul3A_69] : memref<32x100000xf32, #tpu.memory_space<hbm>> -> memref<8x128xf32, #tpu.memory_space<hbm>>
        tpu.wait_dma2 semaphore(%arg11 : memref<!tpu.dma_semaphore, #tpu.memory_space<semaphore_mem>>) src(%dma_wait3A_168 : memref<8x128xf32, #tpu.memory_space<hbm>>) dst(%dma_wait3A_166 : memref<8x128xf32, #tpu.memory_space<vmem>>)
        %dma_wait3A_169 = arith.constant 80 : i32
        %dma_wait3A_170 = arith.constant 0 : i32
        %dma_wait3A_171 = tpu.memref_slice %arg7[%dma_wait3A_169, %dma_wait3A_170] : memref<128x128xf32, #tpu.memory_space<vmem>> -> memref<8x128xf32, #tpu.memory_space<vmem>>
        %dma_wait3A_172 = arith.constant 16 : i32
        %dma_wait3A_173 = tpu.memref_slice %arg4[%dma_wait3A_172, %mul3A_69] : memref<32x100000xf32, #tpu.memory_space<hbm>> -> memref<8x128xf32, #tpu.memory_space<hbm>>
        %dma_wait3A_174 = arith.constant 80 : i32
        %dma_wait3A_175 = arith.constant 0 : i32
        %dma_wait3A_176 = tpu.memref_slice %arg7[%dma_wait3A_174, %dma_wait3A_175] : memref<128x128xf32, #tpu.memory_space<vmem>> -> memref<8x128xf32, #tpu.memory_space<vmem>>
        %dma_wait3A_177 = arith.constant 16 : i32
        %dma_wait3A_178 = tpu.memref_slice %arg4[%dma_wait3A_177, %mul3A_69] : memref<32x100000xf32, #tpu.memory_space<hbm>> -> memref<8x128xf32, #tpu.memory_space<hbm>>
        tpu.wait_dma2 semaphore(%arg11 : memref<!tpu.dma_semaphore, #tpu.memory_space<semaphore_mem>>) src(%dma_wait3A_178 : memref<8x128xf32, #tpu.memory_space<hbm>>) dst(%dma_wait3A_176 : memref<8x128xf32, #tpu.memory_space<vmem>>)
        %dma_wait3A_179 = arith.constant 88 : i32
        %dma_wait3A_180 = arith.constant 0 : i32
        %dma_wait3A_181 = tpu.memref_slice %arg7[%dma_wait3A_179, %dma_wait3A_180] : memref<128x128xf32, #tpu.memory_space<vmem>> -> memref<8x128xf32, #tpu.memory_space<vmem>>
        %dma_wait3A_182 = arith.constant 24 : i32
        %dma_wait3A_183 = tpu.memref_slice %arg4[%dma_wait3A_182, %mul3A_69] : memref<32x100000xf32, #tpu.memory_space<hbm>> -> memref<8x128xf32, #tpu.memory_space<hbm>>
        %dma_wait3A_184 = arith.constant 88 : i32
        %dma_wait3A_185 = arith.constant 0 : i32
        %dma_wait3A_186 = tpu.memref_slice %arg7[%dma_wait3A_184, %dma_wait3A_185] : memref<128x128xf32, #tpu.memory_space<vmem>> -> memref<8x128xf32, #tpu.memory_space<vmem>>
        %dma_wait3A_187 = arith.constant 24 : i32
        %dma_wait3A_188 = tpu.memref_slice %arg4[%dma_wait3A_187, %mul3A_69] : memref<32x100000xf32, #tpu.memory_space<hbm>> -> memref<8x128xf32, #tpu.memory_space<hbm>>
        tpu.wait_dma2 semaphore(%arg11 : memref<!tpu.dma_semaphore, #tpu.memory_space<semaphore_mem>>) src(%dma_wait3A_188 : memref<8x128xf32, #tpu.memory_space<hbm>>) dst(%dma_wait3A_186 : memref<8x128xf32, #tpu.memory_space<vmem>>)
        %dma_wait3A_189 = arith.constant 96 : i32
        %dma_wait3A_190 = arith.constant 0 : i32
        %dma_wait3A_191 = tpu.memref_slice %arg7[%dma_wait3A_189, %dma_wait3A_190] : memref<128x128xf32, #tpu.memory_space<vmem>> -> memref<8x128xf32, #tpu.memory_space<vmem>>
        %dma_wait3A_192 = arith.constant 0 : i32
        %dma_wait3A_193 = tpu.memref_slice %arg5[%dma_wait3A_192, %mul3A_69] : memref<32x100000xf32, #tpu.memory_space<hbm>> -> memref<8x128xf32, #tpu.memory_space<hbm>>
        %dma_wait3A_194 = arith.constant 96 : i32
        %dma_wait3A_195 = arith.constant 0 : i32
        %dma_wait3A_196 = tpu.memref_slice %arg7[%dma_wait3A_194, %dma_wait3A_195] : memref<128x128xf32, #tpu.memory_space<vmem>> -> memref<8x128xf32, #tpu.memory_space<vmem>>
        %dma_wait3A_197 = arith.constant 0 : i32
        %dma_wait3A_198 = tpu.memref_slice %arg5[%dma_wait3A_197, %mul3A_69] : memref<32x100000xf32, #tpu.memory_space<hbm>> -> memref<8x128xf32, #tpu.memory_space<hbm>>
        tpu.wait_dma2 semaphore(%arg11 : memref<!tpu.dma_semaphore, #tpu.memory_space<semaphore_mem>>) src(%dma_wait3A_198 : memref<8x128xf32, #tpu.memory_space<hbm>>) dst(%dma_wait3A_196 : memref<8x128xf32, #tpu.memory_space<vmem>>)
        %dma_wait3A_199 = arith.constant 104 : i32
        %dma_wait3A_200 = arith.constant 0 : i32
        %dma_wait3A_201 = tpu.memref_slice %arg7[%dma_wait3A_199, %dma_wait3A_200] : memref<128x128xf32, #tpu.memory_space<vmem>> -> memref<8x128xf32, #tpu.memory_space<vmem>>
        %dma_wait3A_202 = arith.constant 8 : i32
        %dma_wait3A_203 = tpu.memref_slice %arg5[%dma_wait3A_202, %mul3A_69] : memref<32x100000xf32, #tpu.memory_space<hbm>> -> memref<8x128xf32, #tpu.memory_space<hbm>>
        %dma_wait3A_204 = arith.constant 104 : i32
        %dma_wait3A_205 = arith.constant 0 : i32
        %dma_wait3A_206 = tpu.memref_slice %arg7[%dma_wait3A_204, %dma_wait3A_205] : memref<128x128xf32, #tpu.memory_space<vmem>> -> memref<8x128xf32, #tpu.memory_space<vmem>>
        %dma_wait3A_207 = arith.constant 8 : i32
        %dma_wait3A_208 = tpu.memref_slice %arg5[%dma_wait3A_207, %mul3A_69] : memref<32x100000xf32, #tpu.memory_space<hbm>> -> memref<8x128xf32, #tpu.memory_space<hbm>>
        tpu.wait_dma2 semaphore(%arg11 : memref<!tpu.dma_semaphore, #tpu.memory_space<semaphore_mem>>) src(%dma_wait3A_208 : memref<8x128xf32, #tpu.memory_space<hbm>>) dst(%dma_wait3A_206 : memref<8x128xf32, #tpu.memory_space<vmem>>)
        %dma_wait3A_209 = arith.constant 112 : i32
        %dma_wait3A_210 = arith.constant 0 : i32
        %dma_wait3A_211 = tpu.memref_slice %arg7[%dma_wait3A_209, %dma_wait3A_210] : memref<128x128xf32, #tpu.memory_space<vmem>> -> memref<8x128xf32, #tpu.memory_space<vmem>>
        %dma_wait3A_212 = arith.constant 16 : i32
        %dma_wait3A_213 = tpu.memref_slice %arg5[%dma_wait3A_212, %mul3A_69] : memref<32x100000xf32, #tpu.memory_space<hbm>> -> memref<8x128xf32, #tpu.memory_space<hbm>>
        %dma_wait3A_214 = arith.constant 112 : i32
        %dma_wait3A_215 = arith.constant 0 : i32
        %dma_wait3A_216 = tpu.memref_slice %arg7[%dma_wait3A_214, %dma_wait3A_215] : memref<128x128xf32, #tpu.memory_space<vmem>> -> memref<8x128xf32, #tpu.memory_space<vmem>>
        %dma_wait3A_217 = arith.constant 16 : i32
        %dma_wait3A_218 = tpu.memref_slice %arg5[%dma_wait3A_217, %mul3A_69] : memref<32x100000xf32, #tpu.memory_space<hbm>> -> memref<8x128xf32, #tpu.memory_space<hbm>>
        tpu.wait_dma2 semaphore(%arg11 : memref<!tpu.dma_semaphore, #tpu.memory_space<semaphore_mem>>) src(%dma_wait3A_218 : memref<8x128xf32, #tpu.memory_space<hbm>>) dst(%dma_wait3A_216 : memref<8x128xf32, #tpu.memory_space<vmem>>)
        %dma_wait3A_219 = arith.constant 120 : i32
        %dma_wait3A_220 = arith.constant 0 : i32
        %dma_wait3A_221 = tpu.memref_slice %arg7[%dma_wait3A_219, %dma_wait3A_220] : memref<128x128xf32, #tpu.memory_space<vmem>> -> memref<8x128xf32, #tpu.memory_space<vmem>>
        %dma_wait3A_222 = arith.constant 24 : i32
        %dma_wait3A_223 = tpu.memref_slice %arg5[%dma_wait3A_222, %mul3A_69] : memref<32x100000xf32, #tpu.memory_space<hbm>> -> memref<8x128xf32, #tpu.memory_space<hbm>>
        %dma_wait3A_224 = arith.constant 120 : i32
        %dma_wait3A_225 = arith.constant 0 : i32
        %dma_wait3A_226 = tpu.memref_slice %arg7[%dma_wait3A_224, %dma_wait3A_225] : memref<128x128xf32, #tpu.memory_space<vmem>> -> memref<8x128xf32, #tpu.memory_space<vmem>>
        %dma_wait3A_227 = arith.constant 24 : i32
        %dma_wait3A_228 = tpu.memref_slice %arg5[%dma_wait3A_227, %mul3A_69] : memref<32x100000xf32, #tpu.memory_space<hbm>> -> memref<8x128xf32, #tpu.memory_space<hbm>>
        tpu.wait_dma2 semaphore(%arg11 : memref<!tpu.dma_semaphore, #tpu.memory_space<semaphore_mem>>) src(%dma_wait3A_228 : memref<8x128xf32, #tpu.memory_space<hbm>>) dst(%dma_wait3A_226 : memref<8x128xf32, #tpu.memory_space<vmem>>)
        %ge3A = arith.constant 64 : i32
        %ge3A_229 = arith.cmpi sge, %add3A_36, %ge3A : i32
        %convert_element_type3A_230 = arith.extui %ge3A_229 : i1 to i32
        %cond3A_231 = arith.constant 0 : i32
        %cond3A_232 = arith.cmpi ne, %convert_element_type3A_230, %cond3A_231 : i32
        scf.if %cond3A_232 {
          %sub3A = arith.constant 64 : i32
          %sub3A_244 = arith.subi %add3A_36, %sub3A : i32
          %mul3A_245 = arith.constant 128 : i32
          %mul3A_246 = arith.muli %sub3A_244, %mul3A_245 : i32
          %dma_wait3A_247 = arith.constant 0 : i32
          %dma_wait3A_248 = tpu.memref_slice %arg6[%mul3A_246, %dma_wait3A_247] : memref<100096x128xf32, #tpu.memory_space<hbm>> -> memref<128x128xf32, #tpu.memory_space<hbm>>
          %dma_wait3A_249 = arith.constant 0 : i32
          %dma_wait3A_250 = tpu.memref_slice %arg6[%mul3A_246, %dma_wait3A_249] : memref<100096x128xf32, #tpu.memory_space<hbm>> -> memref<128x128xf32, #tpu.memory_space<hbm>>
          tpu.wait_dma2 semaphore(%arg13 : memref<!tpu.dma_semaphore, #tpu.memory_space<semaphore_mem>>) src(%arg9 : memref<128x128xf32, #tpu.memory_space<vmem>>) dst(%dma_wait3A_250 : memref<128x128xf32, #tpu.memory_space<hbm>>)
        } else {
        }
        %scan3A_233 = arith.constant 0 : i32
        %scan3A_234 = arith.constant 0 : i32
        %scan3A_235 = arith.constant 64 : i32
        %scan3A_236 = arith.addi %scan3A_234, %scan3A_235 : i32
        %scan3A_237 = arith.constant 1 : i32
        scf.for %scan3A_244 = %scan3A_234 to %scan3A_236 step %scan3A_237  : i32 {
          %jit3A = arith.constant 8 : i32
          %eq3A = arith.constant 0 : i32
          %eq3A_245 = arith.cmpi eq, %jit3A, %eq3A : i32
          %jit3A_246 = arith.constant 1 : i32
          %select_n3A = arith.select %eq3A_245, %jit3A_246, %jit3A : i32
          %rem3A = arith.remsi %scan3A_244, %select_n3A : i32
          %ne3A = arith.constant 0 : i32
          %ne3A_247 = arith.cmpi ne, %rem3A, %ne3A : i32
          %lt3A_248 = arith.constant 0 : i32
          %lt3A_249 = arith.cmpi slt, %rem3A, %lt3A_248 : i32
          %lt3A_250 = arith.constant 0 : i32
          %lt3A_251 = arith.cmpi slt, %select_n3A, %lt3A_250 : i32
          %ne3A_252 = arith.xori %lt3A_249, %lt3A_251 : i1
          %and3A = arith.andi %ne3A_252, %ne3A_247 : i1
          %add3A_253 = arith.addi %rem3A, %select_n3A : i32
          %select_n3A_254 = arith.select %and3A, %add3A_253, %rem3A : i32
          %mul3A_255 = arith.constant 16 : i32
          %mul3A_256 = arith.muli %select_n3A_254, %mul3A_255 : i32
          %jit3A_257 = arith.constant 8 : i32
          %div3A = arith.divsi %scan3A_244, %jit3A_257 : i32
          %sign3A = arith.constant 0 : i32
          %sign3A_258 = arith.cmpi sgt, %scan3A_244, %sign3A : i32
          %sign3A_259 = arith.extui %sign3A_258 : i1 to i32
          %sign3A_260 = arith.constant 0 : i32
          %sign3A_261 = arith.cmpi slt, %scan3A_244, %sign3A_260 : i32
          %sign3A_262 = arith.extui %sign3A_261 : i1 to i32
          %sign3A_263 = arith.subi %sign3A_259, %sign3A_262 : i32
          %sign3A_264 = arith.constant 0 : i32
          %sign3A_265 = arith.cmpi sgt, %jit3A_257, %sign3A_264 : i32
          %sign3A_266 = arith.extui %sign3A_265 : i1 to i32
          %sign3A_267 = arith.constant 0 : i32
          %sign3A_268 = arith.cmpi slt, %jit3A_257, %sign3A_267 : i32
          %sign3A_269 = arith.extui %sign3A_268 : i1 to i32
          %sign3A_270 = arith.subi %sign3A_266, %sign3A_269 : i32
          %ne3A_271 = arith.cmpi ne, %sign3A_263, %sign3A_270 : i32
          %rem3A_272 = arith.remsi %scan3A_244, %jit3A_257 : i32
          %ne3A_273 = arith.constant 0 : i32
          %ne3A_274 = arith.cmpi ne, %rem3A_272, %ne3A_273 : i32
          %and3A_275 = arith.andi %ne3A_271, %ne3A_274 : i1
          %sub3A = arith.constant 1 : i32
          %sub3A_276 = arith.subi %div3A, %sub3A : i32
          %select_n3A_277 = arith.select %and3A_275, %sub3A_276, %div3A : i32
          %mul3A_278 = arith.constant 16 : i32
          %mul3A_279 = arith.muli %select_n3A_277, %mul3A_278 : i32
          %add3A_280 = arith.constant 0 : i32
          %add3A_281 = vector.broadcast %add3A_280 : i32 to vector<16xi32>
          %add3A_282 = arith.addi %iota3A, %add3A_281 : vector<16xi32>
          %and3A_283 = arith.constant 15 : i32
          %and3A_284 = vector.broadcast %and3A_283 : i32 to vector<16xi32>
          %and3A_285 = arith.andi %add3A_282, %and3A_284 : vector<16xi32>
          %add3A_286 = vector.broadcast %mul3A_256 : i32 to vector<16xi32>
          %add3A_287 = arith.addi %add3A_286, %and3A_285 : vector<16xi32>
          %add3A_288 = vector.broadcast %mul3A_279 : i32 to vector<16xi32>
          %add3A_289 = arith.addi %add3A_288, %iota3A : vector<16xi32>
          %gather3A = tpu.vector_load_idx %arg7[%add3A_287, %add3A_289] : memref<128x128xf32, #tpu.memory_space<vmem>>[vector<16xi32>, vector<16xi32>], vector<16xf32>,
          %add3A_290 = vector.broadcast %mul3A_279 : i32 to vector<16xi32>
          %add3A_291 = arith.addi %add3A_290, %iota3A : vector<16xi32>
          %add3A_292 = vector.broadcast %mul3A_256 : i32 to vector<16xi32>
          %add3A_293 = arith.addi %add3A_292, %and3A_285 : vector<16xi32>
          tpu.vector_store_idx %arg9[%add3A_291, %add3A_293], %gather3A : memref<128x128xf32, #tpu.memory_space<vmem>>[vector<16xi32>, vector<16xi32>], vector<16xf32>,
          %add3A_294 = arith.constant 1 : i32
          %add3A_295 = vector.broadcast %add3A_294 : i32 to vector<16xi32>
          %add3A_296 = arith.addi %iota3A, %add3A_295 : vector<16xi32>
          %and3A_297 = arith.constant 15 : i32
          %and3A_298 = vector.broadcast %and3A_297 : i32 to vector<16xi32>
          %and3A_299 = arith.andi %add3A_296, %and3A_298 : vector<16xi32>
          %add3A_300 = vector.broadcast %mul3A_256 : i32 to vector<16xi32>
          %add3A_301 = arith.addi %add3A_300, %and3A_299 : vector<16xi32>
          %add3A_302 = vector.broadcast %mul3A_279 : i32 to vector<16xi32>
          %add3A_303 = arith.addi %add3A_302, %iota3A : vector<16xi32>
          %gather3A_304 = tpu.vector_load_idx %arg7[%add3A_301, %add3A_303] : memref<128x128xf32, #tpu.memory_space<vmem>>[vector<16xi32>, vector<16xi32>], vector<16xf32>,
          %add3A_305 = vector.broadcast %mul3A_279 : i32 to vector<16xi32>
          %add3A_306 = arith.addi %add3A_305, %iota3A : vector<16xi32>
          %add3A_307 = vector.broadcast %mul3A_256 : i32 to vector<16xi32>
          %add3A_308 = arith.addi %add3A_307, %and3A_299 : vector<16xi32>
          tpu.vector_store_idx %arg9[%add3A_306, %add3A_308], %gather3A_304 : memref<128x128xf32, #tpu.memory_space<vmem>>[vector<16xi32>, vector<16xi32>], vector<16xf32>,
          %add3A_309 = arith.constant 2 : i32
          %add3A_310 = vector.broadcast %add3A_309 : i32 to vector<16xi32>
          %add3A_311 = arith.addi %iota3A, %add3A_310 : vector<16xi32>
          %and3A_312 = arith.constant 15 : i32
          %and3A_313 = vector.broadcast %and3A_312 : i32 to vector<16xi32>
          %and3A_314 = arith.andi %add3A_311, %and3A_313 : vector<16xi32>
          %add3A_315 = vector.broadcast %mul3A_256 : i32 to vector<16xi32>
          %add3A_316 = arith.addi %add3A_315, %and3A_314 : vector<16xi32>
          %add3A_317 = vector.broadcast %mul3A_279 : i32 to vector<16xi32>
          %add3A_318 = arith.addi %add3A_317, %iota3A : vector<16xi32>
          %gather3A_319 = tpu.vector_load_idx %arg7[%add3A_316, %add3A_318] : memref<128x128xf32, #tpu.memory_space<vmem>>[vector<16xi32>, vector<16xi32>], vector<16xf32>,
          %add3A_320 = vector.broadcast %mul3A_279 : i32 to vector<16xi32>
          %add3A_321 = arith.addi %add3A_320, %iota3A : vector<16xi32>
          %add3A_322 = vector.broadcast %mul3A_256 : i32 to vector<16xi32>
          %add3A_323 = arith.addi %add3A_322, %and3A_314 : vector<16xi32>
          tpu.vector_store_idx %arg9[%add3A_321, %add3A_323], %gather3A_319 : memref<128x128xf32, #tpu.memory_space<vmem>>[vector<16xi32>, vector<16xi32>], vector<16xf32>,
          %add3A_324 = arith.constant 3 : i32
          %add3A_325 = vector.broadcast %add3A_324 : i32 to vector<16xi32>
          %add3A_326 = arith.addi %iota3A, %add3A_325 : vector<16xi32>
          %and3A_327 = arith.constant 15 : i32
          %and3A_328 = vector.broadcast %and3A_327 : i32 to vector<16xi32>
          %and3A_329 = arith.andi %add3A_326, %and3A_328 : vector<16xi32>
          %add3A_330 = vector.broadcast %mul3A_256 : i32 to vector<16xi32>
          %add3A_331 = arith.addi %add3A_330, %and3A_329 : vector<16xi32>
          %add3A_332 = vector.broadcast %mul3A_279 : i32 to vector<16xi32>
          %add3A_333 = arith.addi %add3A_332, %iota3A : vector<16xi32>
          %gather3A_334 = tpu.vector_load_idx %arg7[%add3A_331, %add3A_333] : memref<128x128xf32, #tpu.memory_space<vmem>>[vector<16xi32>, vector<16xi32>], vector<16xf32>,
          %add3A_335 = vector.broadcast %mul3A_279 : i32 to vector<16xi32>
          %add3A_336 = arith.addi %add3A_335, %iota3A : vector<16xi32>
          %add3A_337 = vector.broadcast %mul3A_256 : i32 to vector<16xi32>
          %add3A_338 = arith.addi %add3A_337, %and3A_329 : vector<16xi32>
          tpu.vector_store_idx %arg9[%add3A_336, %add3A_338], %gather3A_334 : memref<128x128xf32, #tpu.memory_space<vmem>>[vector<16xi32>, vector<16xi32>], vector<16xf32>,
          %add3A_339 = arith.constant 4 : i32
          %add3A_340 = vector.broadcast %add3A_339 : i32 to vector<16xi32>
          %add3A_341 = arith.addi %iota3A, %add3A_340 : vector<16xi32>
          %and3A_342 = arith.constant 15 : i32
          %and3A_343 = vector.broadcast %and3A_342 : i32 to vector<16xi32>
          %and3A_344 = arith.andi %add3A_341, %and3A_343 : vector<16xi32>
          %add3A_345 = vector.broadcast %mul3A_256 : i32 to vector<16xi32>
          %add3A_346 = arith.addi %add3A_345, %and3A_344 : vector<16xi32>
          %add3A_347 = vector.broadcast %mul3A_279 : i32 to vector<16xi32>
          %add3A_348 = arith.addi %add3A_347, %iota3A : vector<16xi32>
          %gather3A_349 = tpu.vector_load_idx %arg7[%add3A_346, %add3A_348] : memref<128x128xf32, #tpu.memory_space<vmem>>[vector<16xi32>, vector<16xi32>], vector<16xf32>,
          %add3A_350 = vector.broadcast %mul3A_279 : i32 to vector<16xi32>
          %add3A_351 = arith.addi %add3A_350, %iota3A : vector<16xi32>
          %add3A_352 = vector.broadcast %mul3A_256 : i32 to vector<16xi32>
          %add3A_353 = arith.addi %add3A_352, %and3A_344 : vector<16xi32>
          tpu.vector_store_idx %arg9[%add3A_351, %add3A_353], %gather3A_349 : memref<128x128xf32, #tpu.memory_space<vmem>>[vector<16xi32>, vector<16xi32>], vector<16xf32>,
          %add3A_354 = arith.constant 5 : i32
          %add3A_355 = vector.broadcast %add3A_354 : i32 to vector<16xi32>
          %add3A_356 = arith.addi %iota3A, %add3A_355 : vector<16xi32>
          %and3A_357 = arith.constant 15 : i32
          %and3A_358 = vector.broadcast %and3A_357 : i32 to vector<16xi32>
          %and3A_359 = arith.andi %add3A_356, %and3A_358 : vector<16xi32>
          %add3A_360 = vector.broadcast %mul3A_256 : i32 to vector<16xi32>
          %add3A_361 = arith.addi %add3A_360, %and3A_359 : vector<16xi32>
          %add3A_362 = vector.broadcast %mul3A_279 : i32 to vector<16xi32>
          %add3A_363 = arith.addi %add3A_362, %iota3A : vector<16xi32>
          %gather3A_364 = tpu.vector_load_idx %arg7[%add3A_361, %add3A_363] : memref<128x128xf32, #tpu.memory_space<vmem>>[vector<16xi32>, vector<16xi32>], vector<16xf32>,
          %add3A_365 = vector.broadcast %mul3A_279 : i32 to vector<16xi32>
          %add3A_366 = arith.addi %add3A_365, %iota3A : vector<16xi32>
          %add3A_367 = vector.broadcast %mul3A_256 : i32 to vector<16xi32>
          %add3A_368 = arith.addi %add3A_367, %and3A_359 : vector<16xi32>
          tpu.vector_store_idx %arg9[%add3A_366, %add3A_368], %gather3A_364 : memref<128x128xf32, #tpu.memory_space<vmem>>[vector<16xi32>, vector<16xi32>], vector<16xf32>,
          %add3A_369 = arith.constant 6 : i32
          %add3A_370 = vector.broadcast %add3A_369 : i32 to vector<16xi32>
          %add3A_371 = arith.addi %iota3A, %add3A_370 : vector<16xi32>
          %and3A_372 = arith.constant 15 : i32
          %and3A_373 = vector.broadcast %and3A_372 : i32 to vector<16xi32>
          %and3A_374 = arith.andi %add3A_371, %and3A_373 : vector<16xi32>
          %add3A_375 = vector.broadcast %mul3A_256 : i32 to vector<16xi32>
          %add3A_376 = arith.addi %add3A_375, %and3A_374 : vector<16xi32>
          %add3A_377 = vector.broadcast %mul3A_279 : i32 to vector<16xi32>
          %add3A_378 = arith.addi %add3A_377, %iota3A : vector<16xi32>
          %gather3A_379 = tpu.vector_load_idx %arg7[%add3A_376, %add3A_378] : memref<128x128xf32, #tpu.memory_space<vmem>>[vector<16xi32>, vector<16xi32>], vector<16xf32>,
          %add3A_380 = vector.broadcast %mul3A_279 : i32 to vector<16xi32>
          %add3A_381 = arith.addi %add3A_380, %iota3A : vector<16xi32>
          %add3A_382 = vector.broadcast %mul3A_256 : i32 to vector<16xi32>
          %add3A_383 = arith.addi %add3A_382, %and3A_374 : vector<16xi32>
          tpu.vector_store_idx %arg9[%add3A_381, %add3A_383], %gather3A_379 : memref<128x128xf32, #tpu.memory_space<vmem>>[vector<16xi32>, vector<16xi32>], vector<16xf32>,
          %add3A_384 = arith.constant 7 : i32
          %add3A_385 = vector.broadcast %add3A_384 : i32 to vector<16xi32>
          %add3A_386 = arith.addi %iota3A, %add3A_385 : vector<16xi32>
          %and3A_387 = arith.constant 15 : i32
          %and3A_388 = vector.broadcast %and3A_387 : i32 to vector<16xi32>
          %and3A_389 = arith.andi %add3A_386, %and3A_388 : vector<16xi32>
          %add3A_390 = vector.broadcast %mul3A_256 : i32 to vector<16xi32>
          %add3A_391 = arith.addi %add3A_390, %and3A_389 : vector<16xi32>
          %add3A_392 = vector.broadcast %mul3A_279 : i32 to vector<16xi32>
          %add3A_393 = arith.addi %add3A_392, %iota3A : vector<16xi32>
          %gather3A_394 = tpu.vector_load_idx %arg7[%add3A_391, %add3A_393] : memref<128x128xf32, #tpu.memory_space<vmem>>[vector<16xi32>, vector<16xi32>], vector<16xf32>,
          %add3A_395 = vector.broadcast %mul3A_279 : i32 to vector<16xi32>
          %add3A_396 = arith.addi %add3A_395, %iota3A : vector<16xi32>
          %add3A_397 = vector.broadcast %mul3A_256 : i32 to vector<16xi32>
          %add3A_398 = arith.addi %add3A_397, %and3A_389 : vector<16xi32>
          tpu.vector_store_idx %arg9[%add3A_396, %add3A_398], %gather3A_394 : memref<128x128xf32, #tpu.memory_space<vmem>>[vector<16xi32>, vector<16xi32>], vector<16xf32>,
          %add3A_399 = arith.constant 8 : i32
          %add3A_400 = vector.broadcast %add3A_399 : i32 to vector<16xi32>
          %add3A_401 = arith.addi %iota3A, %add3A_400 : vector<16xi32>
          %and3A_402 = arith.constant 15 : i32
          %and3A_403 = vector.broadcast %and3A_402 : i32 to vector<16xi32>
          %and3A_404 = arith.andi %add3A_401, %and3A_403 : vector<16xi32>
          %add3A_405 = vector.broadcast %mul3A_256 : i32 to vector<16xi32>
          %add3A_406 = arith.addi %add3A_405, %and3A_404 : vector<16xi32>
          %add3A_407 = vector.broadcast %mul3A_279 : i32 to vector<16xi32>
          %add3A_408 = arith.addi %add3A_407, %iota3A : vector<16xi32>
          %gather3A_409 = tpu.vector_load_idx %arg7[%add3A_406, %add3A_408] : memref<128x128xf32, #tpu.memory_space<vmem>>[vector<16xi32>, vector<16xi32>], vector<16xf32>,
          %add3A_410 = vector.broadcast %mul3A_279 : i32 to vector<16xi32>
          %add3A_411 = arith.addi %add3A_410, %iota3A : vector<16xi32>
          %add3A_412 = vector.broadcast %mul3A_256 : i32 to vector<16xi32>
          %add3A_413 = arith.addi %add3A_412, %and3A_404 : vector<16xi32>
          tpu.vector_store_idx %arg9[%add3A_411, %add3A_413], %gather3A_409 : memref<128x128xf32, #tpu.memory_space<vmem>>[vector<16xi32>, vector<16xi32>], vector<16xf32>,
          %add3A_414 = arith.constant 9 : i32
          %add3A_415 = vector.broadcast %add3A_414 : i32 to vector<16xi32>
          %add3A_416 = arith.addi %iota3A, %add3A_415 : vector<16xi32>
          %and3A_417 = arith.constant 15 : i32
          %and3A_418 = vector.broadcast %and3A_417 : i32 to vector<16xi32>
          %and3A_419 = arith.andi %add3A_416, %and3A_418 : vector<16xi32>
          %add3A_420 = vector.broadcast %mul3A_256 : i32 to vector<16xi32>
          %add3A_421 = arith.addi %add3A_420, %and3A_419 : vector<16xi32>
          %add3A_422 = vector.broadcast %mul3A_279 : i32 to vector<16xi32>
          %add3A_423 = arith.addi %add3A_422, %iota3A : vector<16xi32>
          %gather3A_424 = tpu.vector_load_idx %arg7[%add3A_421, %add3A_423] : memref<128x128xf32, #tpu.memory_space<vmem>>[vector<16xi32>, vector<16xi32>], vector<16xf32>,
          %add3A_425 = vector.broadcast %mul3A_279 : i32 to vector<16xi32>
          %add3A_426 = arith.addi %add3A_425, %iota3A : vector<16xi32>
          %add3A_427 = vector.broadcast %mul3A_256 : i32 to vector<16xi32>
          %add3A_428 = arith.addi %add3A_427, %and3A_419 : vector<16xi32>
          tpu.vector_store_idx %arg9[%add3A_426, %add3A_428], %gather3A_424 : memref<128x128xf32, #tpu.memory_space<vmem>>[vector<16xi32>, vector<16xi32>], vector<16xf32>,
          %add3A_429 = arith.constant 10 : i32
          %add3A_430 = vector.broadcast %add3A_429 : i32 to vector<16xi32>
          %add3A_431 = arith.addi %iota3A, %add3A_430 : vector<16xi32>
          %and3A_432 = arith.constant 15 : i32
          %and3A_433 = vector.broadcast %and3A_432 : i32 to vector<16xi32>
          %and3A_434 = arith.andi %add3A_431, %and3A_433 : vector<16xi32>
          %add3A_435 = vector.broadcast %mul3A_256 : i32 to vector<16xi32>
          %add3A_436 = arith.addi %add3A_435, %and3A_434 : vector<16xi32>
          %add3A_437 = vector.broadcast %mul3A_279 : i32 to vector<16xi32>
          %add3A_438 = arith.addi %add3A_437, %iota3A : vector<16xi32>
          %gather3A_439 = tpu.vector_load_idx %arg7[%add3A_436, %add3A_438] : memref<128x128xf32, #tpu.memory_space<vmem>>[vector<16xi32>, vector<16xi32>], vector<16xf32>,
          %add3A_440 = vector.broadcast %mul3A_279 : i32 to vector<16xi32>
          %add3A_441 = arith.addi %add3A_440, %iota3A : vector<16xi32>
          %add3A_442 = vector.broadcast %mul3A_256 : i32 to vector<16xi32>
          %add3A_443 = arith.addi %add3A_442, %and3A_434 : vector<16xi32>
          tpu.vector_store_idx %arg9[%add3A_441, %add3A_443], %gather3A_439 : memref<128x128xf32, #tpu.memory_space<vmem>>[vector<16xi32>, vector<16xi32>], vector<16xf32>,
          %add3A_444 = arith.constant 11 : i32
          %add3A_445 = vector.broadcast %add3A_444 : i32 to vector<16xi32>
          %add3A_446 = arith.addi %iota3A, %add3A_445 : vector<16xi32>
          %and3A_447 = arith.constant 15 : i32
          %and3A_448 = vector.broadcast %and3A_447 : i32 to vector<16xi32>
          %and3A_449 = arith.andi %add3A_446, %and3A_448 : vector<16xi32>
          %add3A_450 = vector.broadcast %mul3A_256 : i32 to vector<16xi32>
          %add3A_451 = arith.addi %add3A_450, %and3A_449 : vector<16xi32>
          %add3A_452 = vector.broadcast %mul3A_279 : i32 to vector<16xi32>
          %add3A_453 = arith.addi %add3A_452, %iota3A : vector<16xi32>
          %gather3A_454 = tpu.vector_load_idx %arg7[%add3A_451, %add3A_453] : memref<128x128xf32, #tpu.memory_space<vmem>>[vector<16xi32>, vector<16xi32>], vector<16xf32>,
          %add3A_455 = vector.broadcast %mul3A_279 : i32 to vector<16xi32>
          %add3A_456 = arith.addi %add3A_455, %iota3A : vector<16xi32>
          %add3A_457 = vector.broadcast %mul3A_256 : i32 to vector<16xi32>
          %add3A_458 = arith.addi %add3A_457, %and3A_449 : vector<16xi32>
          tpu.vector_store_idx %arg9[%add3A_456, %add3A_458], %gather3A_454 : memref<128x128xf32, #tpu.memory_space<vmem>>[vector<16xi32>, vector<16xi32>], vector<16xf32>,
          %add3A_459 = arith.constant 12 : i32
          %add3A_460 = vector.broadcast %add3A_459 : i32 to vector<16xi32>
          %add3A_461 = arith.addi %iota3A, %add3A_460 : vector<16xi32>
          %and3A_462 = arith.constant 15 : i32
          %and3A_463 = vector.broadcast %and3A_462 : i32 to vector<16xi32>
          %and3A_464 = arith.andi %add3A_461, %and3A_463 : vector<16xi32>
          %add3A_465 = vector.broadcast %mul3A_256 : i32 to vector<16xi32>
          %add3A_466 = arith.addi %add3A_465, %and3A_464 : vector<16xi32>
          %add3A_467 = vector.broadcast %mul3A_279 : i32 to vector<16xi32>
          %add3A_468 = arith.addi %add3A_467, %iota3A : vector<16xi32>
          %gather3A_469 = tpu.vector_load_idx %arg7[%add3A_466, %add3A_468] : memref<128x128xf32, #tpu.memory_space<vmem>>[vector<16xi32>, vector<16xi32>], vector<16xf32>,
          %add3A_470 = vector.broadcast %mul3A_279 : i32 to vector<16xi32>
          %add3A_471 = arith.addi %add3A_470, %iota3A : vector<16xi32>
          %add3A_472 = vector.broadcast %mul3A_256 : i32 to vector<16xi32>
          %add3A_473 = arith.addi %add3A_472, %and3A_464 : vector<16xi32>
          tpu.vector_store_idx %arg9[%add3A_471, %add3A_473], %gather3A_469 : memref<128x128xf32, #tpu.memory_space<vmem>>[vector<16xi32>, vector<16xi32>], vector<16xf32>,
          %add3A_474 = arith.constant 13 : i32
          %add3A_475 = vector.broadcast %add3A_474 : i32 to vector<16xi32>
          %add3A_476 = arith.addi %iota3A, %add3A_475 : vector<16xi32>
          %and3A_477 = arith.constant 15 : i32
          %and3A_478 = vector.broadcast %and3A_477 : i32 to vector<16xi32>
          %and3A_479 = arith.andi %add3A_476, %and3A_478 : vector<16xi32>
          %add3A_480 = vector.broadcast %mul3A_256 : i32 to vector<16xi32>
          %add3A_481 = arith.addi %add3A_480, %and3A_479 : vector<16xi32>
          %add3A_482 = vector.broadcast %mul3A_279 : i32 to vector<16xi32>
          %add3A_483 = arith.addi %add3A_482, %iota3A : vector<16xi32>
          %gather3A_484 = tpu.vector_load_idx %arg7[%add3A_481, %add3A_483] : memref<128x128xf32, #tpu.memory_space<vmem>>[vector<16xi32>, vector<16xi32>], vector<16xf32>,
          %add3A_485 = vector.broadcast %mul3A_279 : i32 to vector<16xi32>
          %add3A_486 = arith.addi %add3A_485, %iota3A : vector<16xi32>
          %add3A_487 = vector.broadcast %mul3A_256 : i32 to vector<16xi32>
          %add3A_488 = arith.addi %add3A_487, %and3A_479 : vector<16xi32>
          tpu.vector_store_idx %arg9[%add3A_486, %add3A_488], %gather3A_484 : memref<128x128xf32, #tpu.memory_space<vmem>>[vector<16xi32>, vector<16xi32>], vector<16xf32>,
          %add3A_489 = arith.constant 14 : i32
          %add3A_490 = vector.broadcast %add3A_489 : i32 to vector<16xi32>
          %add3A_491 = arith.addi %iota3A, %add3A_490 : vector<16xi32>
          %and3A_492 = arith.constant 15 : i32
          %and3A_493 = vector.broadcast %and3A_492 : i32 to vector<16xi32>
          %and3A_494 = arith.andi %add3A_491, %and3A_493 : vector<16xi32>
          %add3A_495 = vector.broadcast %mul3A_256 : i32 to vector<16xi32>
          %add3A_496 = arith.addi %add3A_495, %and3A_494 : vector<16xi32>
          %add3A_497 = vector.broadcast %mul3A_279 : i32 to vector<16xi32>
          %add3A_498 = arith.addi %add3A_497, %iota3A : vector<16xi32>
          %gather3A_499 = tpu.vector_load_idx %arg7[%add3A_496, %add3A_498] : memref<128x128xf32, #tpu.memory_space<vmem>>[vector<16xi32>, vector<16xi32>], vector<16xf32>,
          %add3A_500 = vector.broadcast %mul3A_279 : i32 to vector<16xi32>
          %add3A_501 = arith.addi %add3A_500, %iota3A : vector<16xi32>
          %add3A_502 = vector.broadcast %mul3A_256 : i32 to vector<16xi32>
          %add3A_503 = arith.addi %add3A_502, %and3A_494 : vector<16xi32>
          tpu.vector_store_idx %arg9[%add3A_501, %add3A_503], %gather3A_499 : memref<128x128xf32, #tpu.memory_space<vmem>>[vector<16xi32>, vector<16xi32>], vector<16xf32>,
          %add3A_504 = arith.constant 15 : i32
          %add3A_505 = vector.broadcast %add3A_504 : i32 to vector<16xi32>
          %add3A_506 = arith.addi %iota3A, %add3A_505 : vector<16xi32>
          %and3A_507 = arith.constant 15 : i32
          %and3A_508 = vector.broadcast %and3A_507 : i32 to vector<16xi32>
          %and3A_509 = arith.andi %add3A_506, %and3A_508 : vector<16xi32>
          %add3A_510 = vector.broadcast %mul3A_256 : i32 to vector<16xi32>
          %add3A_511 = arith.addi %add3A_510, %and3A_509 : vector<16xi32>
          %add3A_512 = vector.broadcast %mul3A_279 : i32 to vector<16xi32>
          %add3A_513 = arith.addi %add3A_512, %iota3A : vector<16xi32>
          %gather3A_514 = tpu.vector_load_idx %arg7[%add3A_511, %add3A_513] : memref<128x128xf32, #tpu.memory_space<vmem>>[vector<16xi32>, vector<16xi32>], vector<16xf32>,
          %add3A_515 = vector.broadcast %mul3A_279 : i32 to vector<16xi32>
          %add3A_516 = arith.addi %add3A_515, %iota3A : vector<16xi32>
          %add3A_517 = vector.broadcast %mul3A_256 : i32 to vector<16xi32>
          %add3A_518 = arith.addi %add3A_517, %and3A_509 : vector<16xi32>
          tpu.vector_store_idx %arg9[%add3A_516, %add3A_518], %gather3A_514 : memref<128x128xf32, #tpu.memory_space<vmem>>[vector<16xi32>, vector<16xi32>], vector<16xf32>,
        }
        %scan3A_238 = arith.constant 64 : i32
        %mul3A_239 = arith.constant 128 : i32
        %mul3A_240 = arith.muli %add3A_36, %mul3A_239 : i32
        %dma_start3A = arith.constant 0 : i32
        %dma_start3A_241 = tpu.memref_slice %arg6[%mul3A_240, %dma_start3A] : memref<100096x128xf32, #tpu.memory_space<hbm>> -> memref<128x128xf32, #tpu.memory_space<hbm>>
        %dma_start3A_242 = arith.constant 0 : i32
        %dma_start3A_243 = tpu.memref_slice %arg6[%mul3A_240, %dma_start3A_242] : memref<100096x128xf32, #tpu.memory_space<hbm>> -> memref<128x128xf32, #tpu.memory_space<hbm>>
        tpu.enqueue_dma source(%arg9 : memref<128x128xf32, #tpu.memory_space<vmem>>) target(%dma_start3A_243 : memref<128x128xf32, #tpu.memory_space<hbm>>) target_semaphore(%arg13 : memref<!tpu.dma_semaphore, #tpu.memory_space<semaphore_mem>>)
      } else {
      }
      %add3A_42 = arith.constant 64 : i32
      %add3A_43 = arith.addi %add3A_36, %add3A_42 : i32
      %lt3A_44 = arith.constant 782 : i32
      %lt3A_45 = arith.cmpi slt, %add3A_43, %lt3A_44 : i32
      %convert_element_type3A_46 = arith.extui %lt3A_45 : i1 to i32
      %cond3A_47 = arith.constant 0 : i32
      %cond3A_48 = arith.cmpi ne, %convert_element_type3A_46, %cond3A_47 : i32
      scf.if %cond3A_48 {
        %add3A_68 = arith.constant 64 : i32
        %add3A_69 = arith.addi %add3A_36, %add3A_68 : i32
        %mul3A_70 = arith.constant 128 : i32
        %mul3A_71 = arith.muli %add3A_69, %mul3A_70 : i32
        %dma_start3A = arith.constant 0 : i32
        %dma_start3A_72 = arith.constant 0 : i32
        %dma_start3A_73 = tpu.memref_slice %arg7[%dma_start3A, %dma_start3A_72] : memref<128x128xf32, #tpu.memory_space<vmem>> -> memref<8x128xf32, #tpu.memory_space<vmem>>
        %dma_start3A_74 = arith.constant 0 : i32
        %dma_start3A_75 = tpu.memref_slice %arg2[%dma_start3A_74, %mul3A_71] : memref<32x100000xf32, #tpu.memory_space<hbm>> -> memref<8x128xf32, #tpu.memory_space<hbm>>
        %dma_start3A_76 = arith.constant 0 : i32
        %dma_start3A_77 = arith.constant 0 : i32
        %dma_start3A_78 = tpu.memref_slice %arg7[%dma_start3A_76, %dma_start3A_77] : memref<128x128xf32, #tpu.memory_space<vmem>> -> memref<8x128xf32, #tpu.memory_space<vmem>>
        %dma_start3A_79 = arith.constant 0 : i32
        %dma_start3A_80 = tpu.memref_slice %arg2[%dma_start3A_79, %mul3A_71] : memref<32x100000xf32, #tpu.memory_space<hbm>> -> memref<8x128xf32, #tpu.memory_space<hbm>>
        tpu.enqueue_dma source(%dma_start3A_80 : memref<8x128xf32, #tpu.memory_space<hbm>>) target(%dma_start3A_78 : memref<8x128xf32, #tpu.memory_space<vmem>>) target_semaphore(%arg11 : memref<!tpu.dma_semaphore, #tpu.memory_space<semaphore_mem>>)
        %dma_start3A_81 = arith.constant 8 : i32
        %dma_start3A_82 = arith.constant 0 : i32
        %dma_start3A_83 = tpu.memref_slice %arg7[%dma_start3A_81, %dma_start3A_82] : memref<128x128xf32, #tpu.memory_space<vmem>> -> memref<8x128xf32, #tpu.memory_space<vmem>>
        %dma_start3A_84 = arith.constant 8 : i32
        %dma_start3A_85 = tpu.memref_slice %arg2[%dma_start3A_84, %mul3A_71] : memref<32x100000xf32, #tpu.memory_space<hbm>> -> memref<8x128xf32, #tpu.memory_space<hbm>>
        %dma_start3A_86 = arith.constant 8 : i32
        %dma_start3A_87 = arith.constant 0 : i32
        %dma_start3A_88 = tpu.memref_slice %arg7[%dma_start3A_86, %dma_start3A_87] : memref<128x128xf32, #tpu.memory_space<vmem>> -> memref<8x128xf32, #tpu.memory_space<vmem>>
        %dma_start3A_89 = arith.constant 8 : i32
        %dma_start3A_90 = tpu.memref_slice %arg2[%dma_start3A_89, %mul3A_71] : memref<32x100000xf32, #tpu.memory_space<hbm>> -> memref<8x128xf32, #tpu.memory_space<hbm>>
        tpu.enqueue_dma source(%dma_start3A_90 : memref<8x128xf32, #tpu.memory_space<hbm>>) target(%dma_start3A_88 : memref<8x128xf32, #tpu.memory_space<vmem>>) target_semaphore(%arg11 : memref<!tpu.dma_semaphore, #tpu.memory_space<semaphore_mem>>)
        %dma_start3A_91 = arith.constant 16 : i32
        %dma_start3A_92 = arith.constant 0 : i32
        %dma_start3A_93 = tpu.memref_slice %arg7[%dma_start3A_91, %dma_start3A_92] : memref<128x128xf32, #tpu.memory_space<vmem>> -> memref<8x128xf32, #tpu.memory_space<vmem>>
        %dma_start3A_94 = arith.constant 16 : i32
        %dma_start3A_95 = tpu.memref_slice %arg2[%dma_start3A_94, %mul3A_71] : memref<32x100000xf32, #tpu.memory_space<hbm>> -> memref<8x128xf32, #tpu.memory_space<hbm>>
        %dma_start3A_96 = arith.constant 16 : i32
        %dma_start3A_97 = arith.constant 0 : i32
        %dma_start3A_98 = tpu.memref_slice %arg7[%dma_start3A_96, %dma_start3A_97] : memref<128x128xf32, #tpu.memory_space<vmem>> -> memref<8x128xf32, #tpu.memory_space<vmem>>
        %dma_start3A_99 = arith.constant 16 : i32
        %dma_start3A_100 = tpu.memref_slice %arg2[%dma_start3A_99, %mul3A_71] : memref<32x100000xf32, #tpu.memory_space<hbm>> -> memref<8x128xf32, #tpu.memory_space<hbm>>
        tpu.enqueue_dma source(%dma_start3A_100 : memref<8x128xf32, #tpu.memory_space<hbm>>) target(%dma_start3A_98 : memref<8x128xf32, #tpu.memory_space<vmem>>) target_semaphore(%arg11 : memref<!tpu.dma_semaphore, #tpu.memory_space<semaphore_mem>>)
        %dma_start3A_101 = arith.constant 24 : i32
        %dma_start3A_102 = arith.constant 0 : i32
        %dma_start3A_103 = tpu.memref_slice %arg7[%dma_start3A_101, %dma_start3A_102] : memref<128x128xf32, #tpu.memory_space<vmem>> -> memref<8x128xf32, #tpu.memory_space<vmem>>
        %dma_start3A_104 = arith.constant 24 : i32
        %dma_start3A_105 = tpu.memref_slice %arg2[%dma_start3A_104, %mul3A_71] : memref<32x100000xf32, #tpu.memory_space<hbm>> -> memref<8x128xf32, #tpu.memory_space<hbm>>
        %dma_start3A_106 = arith.constant 24 : i32
        %dma_start3A_107 = arith.constant 0 : i32
        %dma_start3A_108 = tpu.memref_slice %arg7[%dma_start3A_106, %dma_start3A_107] : memref<128x128xf32, #tpu.memory_space<vmem>> -> memref<8x128xf32, #tpu.memory_space<vmem>>
        %dma_start3A_109 = arith.constant 24 : i32
        %dma_start3A_110 = tpu.memref_slice %arg2[%dma_start3A_109, %mul3A_71] : memref<32x100000xf32, #tpu.memory_space<hbm>> -> memref<8x128xf32, #tpu.memory_space<hbm>>
        tpu.enqueue_dma source(%dma_start3A_110 : memref<8x128xf32, #tpu.memory_space<hbm>>) target(%dma_start3A_108 : memref<8x128xf32, #tpu.memory_space<vmem>>) target_semaphore(%arg11 : memref<!tpu.dma_semaphore, #tpu.memory_space<semaphore_mem>>)
        %dma_start3A_111 = arith.constant 32 : i32
        %dma_start3A_112 = arith.constant 0 : i32
        %dma_start3A_113 = tpu.memref_slice %arg7[%dma_start3A_111, %dma_start3A_112] : memref<128x128xf32, #tpu.memory_space<vmem>> -> memref<8x128xf32, #tpu.memory_space<vmem>>
        %dma_start3A_114 = arith.constant 0 : i32
        %dma_start3A_115 = tpu.memref_slice %arg3[%dma_start3A_114, %mul3A_71] : memref<32x100000xf32, #tpu.memory_space<hbm>> -> memref<8x128xf32, #tpu.memory_space<hbm>>
        %dma_start3A_116 = arith.constant 32 : i32
        %dma_start3A_117 = arith.constant 0 : i32
        %dma_start3A_118 = tpu.memref_slice %arg7[%dma_start3A_116, %dma_start3A_117] : memref<128x128xf32, #tpu.memory_space<vmem>> -> memref<8x128xf32, #tpu.memory_space<vmem>>
        %dma_start3A_119 = arith.constant 0 : i32
        %dma_start3A_120 = tpu.memref_slice %arg3[%dma_start3A_119, %mul3A_71] : memref<32x100000xf32, #tpu.memory_space<hbm>> -> memref<8x128xf32, #tpu.memory_space<hbm>>
        tpu.enqueue_dma source(%dma_start3A_120 : memref<8x128xf32, #tpu.memory_space<hbm>>) target(%dma_start3A_118 : memref<8x128xf32, #tpu.memory_space<vmem>>) target_semaphore(%arg11 : memref<!tpu.dma_semaphore, #tpu.memory_space<semaphore_mem>>)
        %dma_start3A_121 = arith.constant 40 : i32
        %dma_start3A_122 = arith.constant 0 : i32
        %dma_start3A_123 = tpu.memref_slice %arg7[%dma_start3A_121, %dma_start3A_122] : memref<128x128xf32, #tpu.memory_space<vmem>> -> memref<8x128xf32, #tpu.memory_space<vmem>>
        %dma_start3A_124 = arith.constant 8 : i32
        %dma_start3A_125 = tpu.memref_slice %arg3[%dma_start3A_124, %mul3A_71] : memref<32x100000xf32, #tpu.memory_space<hbm>> -> memref<8x128xf32, #tpu.memory_space<hbm>>
        %dma_start3A_126 = arith.constant 40 : i32
        %dma_start3A_127 = arith.constant 0 : i32
        %dma_start3A_128 = tpu.memref_slice %arg7[%dma_start3A_126, %dma_start3A_127] : memref<128x128xf32, #tpu.memory_space<vmem>> -> memref<8x128xf32, #tpu.memory_space<vmem>>
        %dma_start3A_129 = arith.constant 8 : i32
        %dma_start3A_130 = tpu.memref_slice %arg3[%dma_start3A_129, %mul3A_71] : memref<32x100000xf32, #tpu.memory_space<hbm>> -> memref<8x128xf32, #tpu.memory_space<hbm>>
        tpu.enqueue_dma source(%dma_start3A_130 : memref<8x128xf32, #tpu.memory_space<hbm>>) target(%dma_start3A_128 : memref<8x128xf32, #tpu.memory_space<vmem>>) target_semaphore(%arg11 : memref<!tpu.dma_semaphore, #tpu.memory_space<semaphore_mem>>)
        %dma_start3A_131 = arith.constant 48 : i32
        %dma_start3A_132 = arith.constant 0 : i32
        %dma_start3A_133 = tpu.memref_slice %arg7[%dma_start3A_131, %dma_start3A_132] : memref<128x128xf32, #tpu.memory_space<vmem>> -> memref<8x128xf32, #tpu.memory_space<vmem>>
        %dma_start3A_134 = arith.constant 16 : i32
        %dma_start3A_135 = tpu.memref_slice %arg3[%dma_start3A_134, %mul3A_71] : memref<32x100000xf32, #tpu.memory_space<hbm>> -> memref<8x128xf32, #tpu.memory_space<hbm>>
        %dma_start3A_136 = arith.constant 48 : i32
        %dma_start3A_137 = arith.constant 0 : i32
        %dma_start3A_138 = tpu.memref_slice %arg7[%dma_start3A_136, %dma_start3A_137] : memref<128x128xf32, #tpu.memory_space<vmem>> -> memref<8x128xf32, #tpu.memory_space<vmem>>
        %dma_start3A_139 = arith.constant 16 : i32
        %dma_start3A_140 = tpu.memref_slice %arg3[%dma_start3A_139, %mul3A_71] : memref<32x100000xf32, #tpu.memory_space<hbm>> -> memref<8x128xf32, #tpu.memory_space<hbm>>
        tpu.enqueue_dma source(%dma_start3A_140 : memref<8x128xf32, #tpu.memory_space<hbm>>) target(%dma_start3A_138 : memref<8x128xf32, #tpu.memory_space<vmem>>) target_semaphore(%arg11 : memref<!tpu.dma_semaphore, #tpu.memory_space<semaphore_mem>>)
        %dma_start3A_141 = arith.constant 56 : i32
        %dma_start3A_142 = arith.constant 0 : i32
        %dma_start3A_143 = tpu.memref_slice %arg7[%dma_start3A_141, %dma_start3A_142] : memref<128x128xf32, #tpu.memory_space<vmem>> -> memref<8x128xf32, #tpu.memory_space<vmem>>
        %dma_start3A_144 = arith.constant 24 : i32
        %dma_start3A_145 = tpu.memref_slice %arg3[%dma_start3A_144, %mul3A_71] : memref<32x100000xf32, #tpu.memory_space<hbm>> -> memref<8x128xf32, #tpu.memory_space<hbm>>
        %dma_start3A_146 = arith.constant 56 : i32
        %dma_start3A_147 = arith.constant 0 : i32
        %dma_start3A_148 = tpu.memref_slice %arg7[%dma_start3A_146, %dma_start3A_147] : memref<128x128xf32, #tpu.memory_space<vmem>> -> memref<8x128xf32, #tpu.memory_space<vmem>>
        %dma_start3A_149 = arith.constant 24 : i32
        %dma_start3A_150 = tpu.memref_slice %arg3[%dma_start3A_149, %mul3A_71] : memref<32x100000xf32, #tpu.memory_space<hbm>> -> memref<8x128xf32, #tpu.memory_space<hbm>>
        tpu.enqueue_dma source(%dma_start3A_150 : memref<8x128xf32, #tpu.memory_space<hbm>>) target(%dma_start3A_148 : memref<8x128xf32, #tpu.memory_space<vmem>>) target_semaphore(%arg11 : memref<!tpu.dma_semaphore, #tpu.memory_space<semaphore_mem>>)
        %dma_start3A_151 = arith.constant 64 : i32
        %dma_start3A_152 = arith.constant 0 : i32
        %dma_start3A_153 = tpu.memref_slice %arg7[%dma_start3A_151, %dma_start3A_152] : memref<128x128xf32, #tpu.memory_space<vmem>> -> memref<8x128xf32, #tpu.memory_space<vmem>>
        %dma_start3A_154 = arith.constant 0 : i32
        %dma_start3A_155 = tpu.memref_slice %arg4[%dma_start3A_154, %mul3A_71] : memref<32x100000xf32, #tpu.memory_space<hbm>> -> memref<8x128xf32, #tpu.memory_space<hbm>>
        %dma_start3A_156 = arith.constant 64 : i32
        %dma_start3A_157 = arith.constant 0 : i32
        %dma_start3A_158 = tpu.memref_slice %arg7[%dma_start3A_156, %dma_start3A_157] : memref<128x128xf32, #tpu.memory_space<vmem>> -> memref<8x128xf32, #tpu.memory_space<vmem>>
        %dma_start3A_159 = arith.constant 0 : i32
        %dma_start3A_160 = tpu.memref_slice %arg4[%dma_start3A_159, %mul3A_71] : memref<32x100000xf32, #tpu.memory_space<hbm>> -> memref<8x128xf32, #tpu.memory_space<hbm>>
        tpu.enqueue_dma source(%dma_start3A_160 : memref<8x128xf32, #tpu.memory_space<hbm>>) target(%dma_start3A_158 : memref<8x128xf32, #tpu.memory_space<vmem>>) target_semaphore(%arg11 : memref<!tpu.dma_semaphore, #tpu.memory_space<semaphore_mem>>)
        %dma_start3A_161 = arith.constant 72 : i32
        %dma_start3A_162 = arith.constant 0 : i32
        %dma_start3A_163 = tpu.memref_slice %arg7[%dma_start3A_161, %dma_start3A_162] : memref<128x128xf32, #tpu.memory_space<vmem>> -> memref<8x128xf32, #tpu.memory_space<vmem>>
        %dma_start3A_164 = arith.constant 8 : i32
        %dma_start3A_165 = tpu.memref_slice %arg4[%dma_start3A_164, %mul3A_71] : memref<32x100000xf32, #tpu.memory_space<hbm>> -> memref<8x128xf32, #tpu.memory_space<hbm>>
        %dma_start3A_166 = arith.constant 72 : i32
        %dma_start3A_167 = arith.constant 0 : i32
        %dma_start3A_168 = tpu.memref_slice %arg7[%dma_start3A_166, %dma_start3A_167] : memref<128x128xf32, #tpu.memory_space<vmem>> -> memref<8x128xf32, #tpu.memory_space<vmem>>
        %dma_start3A_169 = arith.constant 8 : i32
        %dma_start3A_170 = tpu.memref_slice %arg4[%dma_start3A_169, %mul3A_71] : memref<32x100000xf32, #tpu.memory_space<hbm>> -> memref<8x128xf32, #tpu.memory_space<hbm>>
        tpu.enqueue_dma source(%dma_start3A_170 : memref<8x128xf32, #tpu.memory_space<hbm>>) target(%dma_start3A_168 : memref<8x128xf32, #tpu.memory_space<vmem>>) target_semaphore(%arg11 : memref<!tpu.dma_semaphore, #tpu.memory_space<semaphore_mem>>)
        %dma_start3A_171 = arith.constant 80 : i32
        %dma_start3A_172 = arith.constant 0 : i32
        %dma_start3A_173 = tpu.memref_slice %arg7[%dma_start3A_171, %dma_start3A_172] : memref<128x128xf32, #tpu.memory_space<vmem>> -> memref<8x128xf32, #tpu.memory_space<vmem>>
        %dma_start3A_174 = arith.constant 16 : i32
        %dma_start3A_175 = tpu.memref_slice %arg4[%dma_start3A_174, %mul3A_71] : memref<32x100000xf32, #tpu.memory_space<hbm>> -> memref<8x128xf32, #tpu.memory_space<hbm>>
        %dma_start3A_176 = arith.constant 80 : i32
        %dma_start3A_177 = arith.constant 0 : i32
        %dma_start3A_178 = tpu.memref_slice %arg7[%dma_start3A_176, %dma_start3A_177] : memref<128x128xf32, #tpu.memory_space<vmem>> -> memref<8x128xf32, #tpu.memory_space<vmem>>
        %dma_start3A_179 = arith.constant 16 : i32
        %dma_start3A_180 = tpu.memref_slice %arg4[%dma_start3A_179, %mul3A_71] : memref<32x100000xf32, #tpu.memory_space<hbm>> -> memref<8x128xf32, #tpu.memory_space<hbm>>
        tpu.enqueue_dma source(%dma_start3A_180 : memref<8x128xf32, #tpu.memory_space<hbm>>) target(%dma_start3A_178 : memref<8x128xf32, #tpu.memory_space<vmem>>) target_semaphore(%arg11 : memref<!tpu.dma_semaphore, #tpu.memory_space<semaphore_mem>>)
        %dma_start3A_181 = arith.constant 88 : i32
        %dma_start3A_182 = arith.constant 0 : i32
        %dma_start3A_183 = tpu.memref_slice %arg7[%dma_start3A_181, %dma_start3A_182] : memref<128x128xf32, #tpu.memory_space<vmem>> -> memref<8x128xf32, #tpu.memory_space<vmem>>
        %dma_start3A_184 = arith.constant 24 : i32
        %dma_start3A_185 = tpu.memref_slice %arg4[%dma_start3A_184, %mul3A_71] : memref<32x100000xf32, #tpu.memory_space<hbm>> -> memref<8x128xf32, #tpu.memory_space<hbm>>
        %dma_start3A_186 = arith.constant 88 : i32
        %dma_start3A_187 = arith.constant 0 : i32
        %dma_start3A_188 = tpu.memref_slice %arg7[%dma_start3A_186, %dma_start3A_187] : memref<128x128xf32, #tpu.memory_space<vmem>> -> memref<8x128xf32, #tpu.memory_space<vmem>>
        %dma_start3A_189 = arith.constant 24 : i32
        %dma_start3A_190 = tpu.memref_slice %arg4[%dma_start3A_189, %mul3A_71] : memref<32x100000xf32, #tpu.memory_space<hbm>> -> memref<8x128xf32, #tpu.memory_space<hbm>>
        tpu.enqueue_dma source(%dma_start3A_190 : memref<8x128xf32, #tpu.memory_space<hbm>>) target(%dma_start3A_188 : memref<8x128xf32, #tpu.memory_space<vmem>>) target_semaphore(%arg11 : memref<!tpu.dma_semaphore, #tpu.memory_space<semaphore_mem>>)
        %dma_start3A_191 = arith.constant 96 : i32
        %dma_start3A_192 = arith.constant 0 : i32
        %dma_start3A_193 = tpu.memref_slice %arg7[%dma_start3A_191, %dma_start3A_192] : memref<128x128xf32, #tpu.memory_space<vmem>> -> memref<8x128xf32, #tpu.memory_space<vmem>>
        %dma_start3A_194 = arith.constant 0 : i32
        %dma_start3A_195 = tpu.memref_slice %arg5[%dma_start3A_194, %mul3A_71] : memref<32x100000xf32, #tpu.memory_space<hbm>> -> memref<8x128xf32, #tpu.memory_space<hbm>>
        %dma_start3A_196 = arith.constant 96 : i32
        %dma_start3A_197 = arith.constant 0 : i32
        %dma_start3A_198 = tpu.memref_slice %arg7[%dma_start3A_196, %dma_start3A_197] : memref<128x128xf32, #tpu.memory_space<vmem>> -> memref<8x128xf32, #tpu.memory_space<vmem>>
        %dma_start3A_199 = arith.constant 0 : i32
        %dma_start3A_200 = tpu.memref_slice %arg5[%dma_start3A_199, %mul3A_71] : memref<32x100000xf32, #tpu.memory_space<hbm>> -> memref<8x128xf32, #tpu.memory_space<hbm>>
        tpu.enqueue_dma source(%dma_start3A_200 : memref<8x128xf32, #tpu.memory_space<hbm>>) target(%dma_start3A_198 : memref<8x128xf32, #tpu.memory_space<vmem>>) target_semaphore(%arg11 : memref<!tpu.dma_semaphore, #tpu.memory_space<semaphore_mem>>)
        %dma_start3A_201 = arith.constant 104 : i32
        %dma_start3A_202 = arith.constant 0 : i32
        %dma_start3A_203 = tpu.memref_slice %arg7[%dma_start3A_201, %dma_start3A_202] : memref<128x128xf32, #tpu.memory_space<vmem>> -> memref<8x128xf32, #tpu.memory_space<vmem>>
        %dma_start3A_204 = arith.constant 8 : i32
        %dma_start3A_205 = tpu.memref_slice %arg5[%dma_start3A_204, %mul3A_71] : memref<32x100000xf32, #tpu.memory_space<hbm>> -> memref<8x128xf32, #tpu.memory_space<hbm>>
        %dma_start3A_206 = arith.constant 104 : i32
        %dma_start3A_207 = arith.constant 0 : i32
        %dma_start3A_208 = tpu.memref_slice %arg7[%dma_start3A_206, %dma_start3A_207] : memref<128x128xf32, #tpu.memory_space<vmem>> -> memref<8x128xf32, #tpu.memory_space<vmem>>
        %dma_start3A_209 = arith.constant 8 : i32
        %dma_start3A_210 = tpu.memref_slice %arg5[%dma_start3A_209, %mul3A_71] : memref<32x100000xf32, #tpu.memory_space<hbm>> -> memref<8x128xf32, #tpu.memory_space<hbm>>
        tpu.enqueue_dma source(%dma_start3A_210 : memref<8x128xf32, #tpu.memory_space<hbm>>) target(%dma_start3A_208 : memref<8x128xf32, #tpu.memory_space<vmem>>) target_semaphore(%arg11 : memref<!tpu.dma_semaphore, #tpu.memory_space<semaphore_mem>>)
        %dma_start3A_211 = arith.constant 112 : i32
        %dma_start3A_212 = arith.constant 0 : i32
        %dma_start3A_213 = tpu.memref_slice %arg7[%dma_start3A_211, %dma_start3A_212] : memref<128x128xf32, #tpu.memory_space<vmem>> -> memref<8x128xf32, #tpu.memory_space<vmem>>
        %dma_start3A_214 = arith.constant 16 : i32
        %dma_start3A_215 = tpu.memref_slice %arg5[%dma_start3A_214, %mul3A_71] : memref<32x100000xf32, #tpu.memory_space<hbm>> -> memref<8x128xf32, #tpu.memory_space<hbm>>
        %dma_start3A_216 = arith.constant 112 : i32
        %dma_start3A_217 = arith.constant 0 : i32
        %dma_start3A_218 = tpu.memref_slice %arg7[%dma_start3A_216, %dma_start3A_217] : memref<128x128xf32, #tpu.memory_space<vmem>> -> memref<8x128xf32, #tpu.memory_space<vmem>>
        %dma_start3A_219 = arith.constant 16 : i32
        %dma_start3A_220 = tpu.memref_slice %arg5[%dma_start3A_219, %mul3A_71] : memref<32x100000xf32, #tpu.memory_space<hbm>> -> memref<8x128xf32, #tpu.memory_space<hbm>>
        tpu.enqueue_dma source(%dma_start3A_220 : memref<8x128xf32, #tpu.memory_space<hbm>>) target(%dma_start3A_218 : memref<8x128xf32, #tpu.memory_space<vmem>>) target_semaphore(%arg11 : memref<!tpu.dma_semaphore, #tpu.memory_space<semaphore_mem>>)
        %dma_start3A_221 = arith.constant 120 : i32
        %dma_start3A_222 = arith.constant 0 : i32
        %dma_start3A_223 = tpu.memref_slice %arg7[%dma_start3A_221, %dma_start3A_222] : memref<128x128xf32, #tpu.memory_space<vmem>> -> memref<8x128xf32, #tpu.memory_space<vmem>>
        %dma_start3A_224 = arith.constant 24 : i32
        %dma_start3A_225 = tpu.memref_slice %arg5[%dma_start3A_224, %mul3A_71] : memref<32x100000xf32, #tpu.memory_space<hbm>> -> memref<8x128xf32, #tpu.memory_space<hbm>>
        %dma_start3A_226 = arith.constant 120 : i32
        %dma_start3A_227 = arith.constant 0 : i32
        %dma_start3A_228 = tpu.memref_slice %arg7[%dma_start3A_226, %dma_start3A_227] : memref<128x128xf32, #tpu.memory_space<vmem>> -> memref<8x128xf32, #tpu.memory_space<vmem>>
        %dma_start3A_229 = arith.constant 24 : i32
        %dma_start3A_230 = tpu.memref_slice %arg5[%dma_start3A_229, %mul3A_71] : memref<32x100000xf32, #tpu.memory_space<hbm>> -> memref<8x128xf32, #tpu.memory_space<hbm>>
        tpu.enqueue_dma source(%dma_start3A_230 : memref<8x128xf32, #tpu.memory_space<hbm>>) target(%dma_start3A_228 : memref<8x128xf32, #tpu.memory_space<vmem>>) target_semaphore(%arg11 : memref<!tpu.dma_semaphore, #tpu.memory_space<semaphore_mem>>)
      } else {
      }
      %mul3A_49 = arith.constant 2 : i32
      %mul3A_50 = arith.muli %scan3A_29, %mul3A_49 : i32
      %add3A_51 = arith.constant 1 : i32
      %add3A_52 = arith.addi %mul3A_50, %add3A_51 : i32
      %mul3A_53 = arith.constant 32 : i32
      %mul3A_54 = arith.muli %add3A_52, %mul3A_53 : i32
      %add3A_55 = arith.addi %add3A, %mul3A_54 : i32
      %lt3A_56 = arith.constant 782 : i32
      %lt3A_57 = arith.cmpi slt, %add3A_55, %lt3A_56 : i32
      %convert_element_type3A_58 = arith.extui %lt3A_57 : i1 to i32
      %cond3A_59 = arith.constant 0 : i32
      %cond3A_60 = arith.cmpi ne, %convert_element_type3A_58, %cond3A_59 : i32
      scf.if %cond3A_60 {
        %mul3A_68 = arith.constant 128 : i32
        %mul3A_69 = arith.muli %add3A_55, %mul3A_68 : i32
        %dma_wait3A = arith.constant 0 : i32
        %dma_wait3A_70 = arith.constant 0 : i32
        %dma_wait3A_71 = tpu.memref_slice %arg8[%dma_wait3A, %dma_wait3A_70] : memref<128x128xf32, #tpu.memory_space<vmem>> -> memref<8x128xf32, #tpu.memory_space<vmem>>
        %dma_wait3A_72 = arith.constant 0 : i32
        %dma_wait3A_73 = tpu.memref_slice %arg2[%dma_wait3A_72, %mul3A_69] : memref<32x100000xf32, #tpu.memory_space<hbm>> -> memref<8x128xf32, #tpu.memory_space<hbm>>
        %dma_wait3A_74 = arith.constant 0 : i32
        %dma_wait3A_75 = arith.constant 0 : i32
        %dma_wait3A_76 = tpu.memref_slice %arg8[%dma_wait3A_74, %dma_wait3A_75] : memref<128x128xf32, #tpu.memory_space<vmem>> -> memref<8x128xf32, #tpu.memory_space<vmem>>
        %dma_wait3A_77 = arith.constant 0 : i32
        %dma_wait3A_78 = tpu.memref_slice %arg2[%dma_wait3A_77, %mul3A_69] : memref<32x100000xf32, #tpu.memory_space<hbm>> -> memref<8x128xf32, #tpu.memory_space<hbm>>
        tpu.wait_dma2 semaphore(%arg12 : memref<!tpu.dma_semaphore, #tpu.memory_space<semaphore_mem>>) src(%dma_wait3A_78 : memref<8x128xf32, #tpu.memory_space<hbm>>) dst(%dma_wait3A_76 : memref<8x128xf32, #tpu.memory_space<vmem>>)
        %dma_wait3A_79 = arith.constant 8 : i32
        %dma_wait3A_80 = arith.constant 0 : i32
        %dma_wait3A_81 = tpu.memref_slice %arg8[%dma_wait3A_79, %dma_wait3A_80] : memref<128x128xf32, #tpu.memory_space<vmem>> -> memref<8x128xf32, #tpu.memory_space<vmem>>
        %dma_wait3A_82 = arith.constant 8 : i32
        %dma_wait3A_83 = tpu.memref_slice %arg2[%dma_wait3A_82, %mul3A_69] : memref<32x100000xf32, #tpu.memory_space<hbm>> -> memref<8x128xf32, #tpu.memory_space<hbm>>
        %dma_wait3A_84 = arith.constant 8 : i32
        %dma_wait3A_85 = arith.constant 0 : i32
        %dma_wait3A_86 = tpu.memref_slice %arg8[%dma_wait3A_84, %dma_wait3A_85] : memref<128x128xf32, #tpu.memory_space<vmem>> -> memref<8x128xf32, #tpu.memory_space<vmem>>
        %dma_wait3A_87 = arith.constant 8 : i32
        %dma_wait3A_88 = tpu.memref_slice %arg2[%dma_wait3A_87, %mul3A_69] : memref<32x100000xf32, #tpu.memory_space<hbm>> -> memref<8x128xf32, #tpu.memory_space<hbm>>
        tpu.wait_dma2 semaphore(%arg12 : memref<!tpu.dma_semaphore, #tpu.memory_space<semaphore_mem>>) src(%dma_wait3A_88 : memref<8x128xf32, #tpu.memory_space<hbm>>) dst(%dma_wait3A_86 : memref<8x128xf32, #tpu.memory_space<vmem>>)
        %dma_wait3A_89 = arith.constant 16 : i32
        %dma_wait3A_90 = arith.constant 0 : i32
        %dma_wait3A_91 = tpu.memref_slice %arg8[%dma_wait3A_89, %dma_wait3A_90] : memref<128x128xf32, #tpu.memory_space<vmem>> -> memref<8x128xf32, #tpu.memory_space<vmem>>
        %dma_wait3A_92 = arith.constant 16 : i32
        %dma_wait3A_93 = tpu.memref_slice %arg2[%dma_wait3A_92, %mul3A_69] : memref<32x100000xf32, #tpu.memory_space<hbm>> -> memref<8x128xf32, #tpu.memory_space<hbm>>
        %dma_wait3A_94 = arith.constant 16 : i32
        %dma_wait3A_95 = arith.constant 0 : i32
        %dma_wait3A_96 = tpu.memref_slice %arg8[%dma_wait3A_94, %dma_wait3A_95] : memref<128x128xf32, #tpu.memory_space<vmem>> -> memref<8x128xf32, #tpu.memory_space<vmem>>
        %dma_wait3A_97 = arith.constant 16 : i32
        %dma_wait3A_98 = tpu.memref_slice %arg2[%dma_wait3A_97, %mul3A_69] : memref<32x100000xf32, #tpu.memory_space<hbm>> -> memref<8x128xf32, #tpu.memory_space<hbm>>
        tpu.wait_dma2 semaphore(%arg12 : memref<!tpu.dma_semaphore, #tpu.memory_space<semaphore_mem>>) src(%dma_wait3A_98 : memref<8x128xf32, #tpu.memory_space<hbm>>) dst(%dma_wait3A_96 : memref<8x128xf32, #tpu.memory_space<vmem>>)
        %dma_wait3A_99 = arith.constant 24 : i32
        %dma_wait3A_100 = arith.constant 0 : i32
        %dma_wait3A_101 = tpu.memref_slice %arg8[%dma_wait3A_99, %dma_wait3A_100] : memref<128x128xf32, #tpu.memory_space<vmem>> -> memref<8x128xf32, #tpu.memory_space<vmem>>
        %dma_wait3A_102 = arith.constant 24 : i32
        %dma_wait3A_103 = tpu.memref_slice %arg2[%dma_wait3A_102, %mul3A_69] : memref<32x100000xf32, #tpu.memory_space<hbm>> -> memref<8x128xf32, #tpu.memory_space<hbm>>
        %dma_wait3A_104 = arith.constant 24 : i32
        %dma_wait3A_105 = arith.constant 0 : i32
        %dma_wait3A_106 = tpu.memref_slice %arg8[%dma_wait3A_104, %dma_wait3A_105] : memref<128x128xf32, #tpu.memory_space<vmem>> -> memref<8x128xf32, #tpu.memory_space<vmem>>
        %dma_wait3A_107 = arith.constant 24 : i32
        %dma_wait3A_108 = tpu.memref_slice %arg2[%dma_wait3A_107, %mul3A_69] : memref<32x100000xf32, #tpu.memory_space<hbm>> -> memref<8x128xf32, #tpu.memory_space<hbm>>
        tpu.wait_dma2 semaphore(%arg12 : memref<!tpu.dma_semaphore, #tpu.memory_space<semaphore_mem>>) src(%dma_wait3A_108 : memref<8x128xf32, #tpu.memory_space<hbm>>) dst(%dma_wait3A_106 : memref<8x128xf32, #tpu.memory_space<vmem>>)
        %dma_wait3A_109 = arith.constant 32 : i32
        %dma_wait3A_110 = arith.constant 0 : i32
        %dma_wait3A_111 = tpu.memref_slice %arg8[%dma_wait3A_109, %dma_wait3A_110] : memref<128x128xf32, #tpu.memory_space<vmem>> -> memref<8x128xf32, #tpu.memory_space<vmem>>
        %dma_wait3A_112 = arith.constant 0 : i32
        %dma_wait3A_113 = tpu.memref_slice %arg3[%dma_wait3A_112, %mul3A_69] : memref<32x100000xf32, #tpu.memory_space<hbm>> -> memref<8x128xf32, #tpu.memory_space<hbm>>
        %dma_wait3A_114 = arith.constant 32 : i32
        %dma_wait3A_115 = arith.constant 0 : i32
        %dma_wait3A_116 = tpu.memref_slice %arg8[%dma_wait3A_114, %dma_wait3A_115] : memref<128x128xf32, #tpu.memory_space<vmem>> -> memref<8x128xf32, #tpu.memory_space<vmem>>
        %dma_wait3A_117 = arith.constant 0 : i32
        %dma_wait3A_118 = tpu.memref_slice %arg3[%dma_wait3A_117, %mul3A_69] : memref<32x100000xf32, #tpu.memory_space<hbm>> -> memref<8x128xf32, #tpu.memory_space<hbm>>
        tpu.wait_dma2 semaphore(%arg12 : memref<!tpu.dma_semaphore, #tpu.memory_space<semaphore_mem>>) src(%dma_wait3A_118 : memref<8x128xf32, #tpu.memory_space<hbm>>) dst(%dma_wait3A_116 : memref<8x128xf32, #tpu.memory_space<vmem>>)
        %dma_wait3A_119 = arith.constant 40 : i32
        %dma_wait3A_120 = arith.constant 0 : i32
        %dma_wait3A_121 = tpu.memref_slice %arg8[%dma_wait3A_119, %dma_wait3A_120] : memref<128x128xf32, #tpu.memory_space<vmem>> -> memref<8x128xf32, #tpu.memory_space<vmem>>
        %dma_wait3A_122 = arith.constant 8 : i32
        %dma_wait3A_123 = tpu.memref_slice %arg3[%dma_wait3A_122, %mul3A_69] : memref<32x100000xf32, #tpu.memory_space<hbm>> -> memref<8x128xf32, #tpu.memory_space<hbm>>
        %dma_wait3A_124 = arith.constant 40 : i32
        %dma_wait3A_125 = arith.constant 0 : i32
        %dma_wait3A_126 = tpu.memref_slice %arg8[%dma_wait3A_124, %dma_wait3A_125] : memref<128x128xf32, #tpu.memory_space<vmem>> -> memref<8x128xf32, #tpu.memory_space<vmem>>
        %dma_wait3A_127 = arith.constant 8 : i32
        %dma_wait3A_128 = tpu.memref_slice %arg3[%dma_wait3A_127, %mul3A_69] : memref<32x100000xf32, #tpu.memory_space<hbm>> -> memref<8x128xf32, #tpu.memory_space<hbm>>
        tpu.wait_dma2 semaphore(%arg12 : memref<!tpu.dma_semaphore, #tpu.memory_space<semaphore_mem>>) src(%dma_wait3A_128 : memref<8x128xf32, #tpu.memory_space<hbm>>) dst(%dma_wait3A_126 : memref<8x128xf32, #tpu.memory_space<vmem>>)
        %dma_wait3A_129 = arith.constant 48 : i32
        %dma_wait3A_130 = arith.constant 0 : i32
        %dma_wait3A_131 = tpu.memref_slice %arg8[%dma_wait3A_129, %dma_wait3A_130] : memref<128x128xf32, #tpu.memory_space<vmem>> -> memref<8x128xf32, #tpu.memory_space<vmem>>
        %dma_wait3A_132 = arith.constant 16 : i32
        %dma_wait3A_133 = tpu.memref_slice %arg3[%dma_wait3A_132, %mul3A_69] : memref<32x100000xf32, #tpu.memory_space<hbm>> -> memref<8x128xf32, #tpu.memory_space<hbm>>
        %dma_wait3A_134 = arith.constant 48 : i32
        %dma_wait3A_135 = arith.constant 0 : i32
        %dma_wait3A_136 = tpu.memref_slice %arg8[%dma_wait3A_134, %dma_wait3A_135] : memref<128x128xf32, #tpu.memory_space<vmem>> -> memref<8x128xf32, #tpu.memory_space<vmem>>
        %dma_wait3A_137 = arith.constant 16 : i32
        %dma_wait3A_138 = tpu.memref_slice %arg3[%dma_wait3A_137, %mul3A_69] : memref<32x100000xf32, #tpu.memory_space<hbm>> -> memref<8x128xf32, #tpu.memory_space<hbm>>
        tpu.wait_dma2 semaphore(%arg12 : memref<!tpu.dma_semaphore, #tpu.memory_space<semaphore_mem>>) src(%dma_wait3A_138 : memref<8x128xf32, #tpu.memory_space<hbm>>) dst(%dma_wait3A_136 : memref<8x128xf32, #tpu.memory_space<vmem>>)
        %dma_wait3A_139 = arith.constant 56 : i32
        %dma_wait3A_140 = arith.constant 0 : i32
        %dma_wait3A_141 = tpu.memref_slice %arg8[%dma_wait3A_139, %dma_wait3A_140] : memref<128x128xf32, #tpu.memory_space<vmem>> -> memref<8x128xf32, #tpu.memory_space<vmem>>
        %dma_wait3A_142 = arith.constant 24 : i32
        %dma_wait3A_143 = tpu.memref_slice %arg3[%dma_wait3A_142, %mul3A_69] : memref<32x100000xf32, #tpu.memory_space<hbm>> -> memref<8x128xf32, #tpu.memory_space<hbm>>
        %dma_wait3A_144 = arith.constant 56 : i32
        %dma_wait3A_145 = arith.constant 0 : i32
        %dma_wait3A_146 = tpu.memref_slice %arg8[%dma_wait3A_144, %dma_wait3A_145] : memref<128x128xf32, #tpu.memory_space<vmem>> -> memref<8x128xf32, #tpu.memory_space<vmem>>
        %dma_wait3A_147 = arith.constant 24 : i32
        %dma_wait3A_148 = tpu.memref_slice %arg3[%dma_wait3A_147, %mul3A_69] : memref<32x100000xf32, #tpu.memory_space<hbm>> -> memref<8x128xf32, #tpu.memory_space<hbm>>
        tpu.wait_dma2 semaphore(%arg12 : memref<!tpu.dma_semaphore, #tpu.memory_space<semaphore_mem>>) src(%dma_wait3A_148 : memref<8x128xf32, #tpu.memory_space<hbm>>) dst(%dma_wait3A_146 : memref<8x128xf32, #tpu.memory_space<vmem>>)
        %dma_wait3A_149 = arith.constant 64 : i32
        %dma_wait3A_150 = arith.constant 0 : i32
        %dma_wait3A_151 = tpu.memref_slice %arg8[%dma_wait3A_149, %dma_wait3A_150] : memref<128x128xf32, #tpu.memory_space<vmem>> -> memref<8x128xf32, #tpu.memory_space<vmem>>
        %dma_wait3A_152 = arith.constant 0 : i32
        %dma_wait3A_153 = tpu.memref_slice %arg4[%dma_wait3A_152, %mul3A_69] : memref<32x100000xf32, #tpu.memory_space<hbm>> -> memref<8x128xf32, #tpu.memory_space<hbm>>
        %dma_wait3A_154 = arith.constant 64 : i32
        %dma_wait3A_155 = arith.constant 0 : i32
        %dma_wait3A_156 = tpu.memref_slice %arg8[%dma_wait3A_154, %dma_wait3A_155] : memref<128x128xf32, #tpu.memory_space<vmem>> -> memref<8x128xf32, #tpu.memory_space<vmem>>
        %dma_wait3A_157 = arith.constant 0 : i32
        %dma_wait3A_158 = tpu.memref_slice %arg4[%dma_wait3A_157, %mul3A_69] : memref<32x100000xf32, #tpu.memory_space<hbm>> -> memref<8x128xf32, #tpu.memory_space<hbm>>
        tpu.wait_dma2 semaphore(%arg12 : memref<!tpu.dma_semaphore, #tpu.memory_space<semaphore_mem>>) src(%dma_wait3A_158 : memref<8x128xf32, #tpu.memory_space<hbm>>) dst(%dma_wait3A_156 : memref<8x128xf32, #tpu.memory_space<vmem>>)
        %dma_wait3A_159 = arith.constant 72 : i32
        %dma_wait3A_160 = arith.constant 0 : i32
        %dma_wait3A_161 = tpu.memref_slice %arg8[%dma_wait3A_159, %dma_wait3A_160] : memref<128x128xf32, #tpu.memory_space<vmem>> -> memref<8x128xf32, #tpu.memory_space<vmem>>
        %dma_wait3A_162 = arith.constant 8 : i32
        %dma_wait3A_163 = tpu.memref_slice %arg4[%dma_wait3A_162, %mul3A_69] : memref<32x100000xf32, #tpu.memory_space<hbm>> -> memref<8x128xf32, #tpu.memory_space<hbm>>
        %dma_wait3A_164 = arith.constant 72 : i32
        %dma_wait3A_165 = arith.constant 0 : i32
        %dma_wait3A_166 = tpu.memref_slice %arg8[%dma_wait3A_164, %dma_wait3A_165] : memref<128x128xf32, #tpu.memory_space<vmem>> -> memref<8x128xf32, #tpu.memory_space<vmem>>
        %dma_wait3A_167 = arith.constant 8 : i32
        %dma_wait3A_168 = tpu.memref_slice %arg4[%dma_wait3A_167, %mul3A_69] : memref<32x100000xf32, #tpu.memory_space<hbm>> -> memref<8x128xf32, #tpu.memory_space<hbm>>
        tpu.wait_dma2 semaphore(%arg12 : memref<!tpu.dma_semaphore, #tpu.memory_space<semaphore_mem>>) src(%dma_wait3A_168 : memref<8x128xf32, #tpu.memory_space<hbm>>) dst(%dma_wait3A_166 : memref<8x128xf32, #tpu.memory_space<vmem>>)
        %dma_wait3A_169 = arith.constant 80 : i32
        %dma_wait3A_170 = arith.constant 0 : i32
        %dma_wait3A_171 = tpu.memref_slice %arg8[%dma_wait3A_169, %dma_wait3A_170] : memref<128x128xf32, #tpu.memory_space<vmem>> -> memref<8x128xf32, #tpu.memory_space<vmem>>
        %dma_wait3A_172 = arith.constant 16 : i32
        %dma_wait3A_173 = tpu.memref_slice %arg4[%dma_wait3A_172, %mul3A_69] : memref<32x100000xf32, #tpu.memory_space<hbm>> -> memref<8x128xf32, #tpu.memory_space<hbm>>
        %dma_wait3A_174 = arith.constant 80 : i32
        %dma_wait3A_175 = arith.constant 0 : i32
        %dma_wait3A_176 = tpu.memref_slice %arg8[%dma_wait3A_174, %dma_wait3A_175] : memref<128x128xf32, #tpu.memory_space<vmem>> -> memref<8x128xf32, #tpu.memory_space<vmem>>
        %dma_wait3A_177 = arith.constant 16 : i32
        %dma_wait3A_178 = tpu.memref_slice %arg4[%dma_wait3A_177, %mul3A_69] : memref<32x100000xf32, #tpu.memory_space<hbm>> -> memref<8x128xf32, #tpu.memory_space<hbm>>
        tpu.wait_dma2 semaphore(%arg12 : memref<!tpu.dma_semaphore, #tpu.memory_space<semaphore_mem>>) src(%dma_wait3A_178 : memref<8x128xf32, #tpu.memory_space<hbm>>) dst(%dma_wait3A_176 : memref<8x128xf32, #tpu.memory_space<vmem>>)
        %dma_wait3A_179 = arith.constant 88 : i32
        %dma_wait3A_180 = arith.constant 0 : i32
        %dma_wait3A_181 = tpu.memref_slice %arg8[%dma_wait3A_179, %dma_wait3A_180] : memref<128x128xf32, #tpu.memory_space<vmem>> -> memref<8x128xf32, #tpu.memory_space<vmem>>
        %dma_wait3A_182 = arith.constant 24 : i32
        %dma_wait3A_183 = tpu.memref_slice %arg4[%dma_wait3A_182, %mul3A_69] : memref<32x100000xf32, #tpu.memory_space<hbm>> -> memref<8x128xf32, #tpu.memory_space<hbm>>
        %dma_wait3A_184 = arith.constant 88 : i32
        %dma_wait3A_185 = arith.constant 0 : i32
        %dma_wait3A_186 = tpu.memref_slice %arg8[%dma_wait3A_184, %dma_wait3A_185] : memref<128x128xf32, #tpu.memory_space<vmem>> -> memref<8x128xf32, #tpu.memory_space<vmem>>
        %dma_wait3A_187 = arith.constant 24 : i32
        %dma_wait3A_188 = tpu.memref_slice %arg4[%dma_wait3A_187, %mul3A_69] : memref<32x100000xf32, #tpu.memory_space<hbm>> -> memref<8x128xf32, #tpu.memory_space<hbm>>
        tpu.wait_dma2 semaphore(%arg12 : memref<!tpu.dma_semaphore, #tpu.memory_space<semaphore_mem>>) src(%dma_wait3A_188 : memref<8x128xf32, #tpu.memory_space<hbm>>) dst(%dma_wait3A_186 : memref<8x128xf32, #tpu.memory_space<vmem>>)
        %dma_wait3A_189 = arith.constant 96 : i32
        %dma_wait3A_190 = arith.constant 0 : i32
        %dma_wait3A_191 = tpu.memref_slice %arg8[%dma_wait3A_189, %dma_wait3A_190] : memref<128x128xf32, #tpu.memory_space<vmem>> -> memref<8x128xf32, #tpu.memory_space<vmem>>
        %dma_wait3A_192 = arith.constant 0 : i32
        %dma_wait3A_193 = tpu.memref_slice %arg5[%dma_wait3A_192, %mul3A_69] : memref<32x100000xf32, #tpu.memory_space<hbm>> -> memref<8x128xf32, #tpu.memory_space<hbm>>
        %dma_wait3A_194 = arith.constant 96 : i32
        %dma_wait3A_195 = arith.constant 0 : i32
        %dma_wait3A_196 = tpu.memref_slice %arg8[%dma_wait3A_194, %dma_wait3A_195] : memref<128x128xf32, #tpu.memory_space<vmem>> -> memref<8x128xf32, #tpu.memory_space<vmem>>
        %dma_wait3A_197 = arith.constant 0 : i32
        %dma_wait3A_198 = tpu.memref_slice %arg5[%dma_wait3A_197, %mul3A_69] : memref<32x100000xf32, #tpu.memory_space<hbm>> -> memref<8x128xf32, #tpu.memory_space<hbm>>
        tpu.wait_dma2 semaphore(%arg12 : memref<!tpu.dma_semaphore, #tpu.memory_space<semaphore_mem>>) src(%dma_wait3A_198 : memref<8x128xf32, #tpu.memory_space<hbm>>) dst(%dma_wait3A_196 : memref<8x128xf32, #tpu.memory_space<vmem>>)
        %dma_wait3A_199 = arith.constant 104 : i32
        %dma_wait3A_200 = arith.constant 0 : i32
        %dma_wait3A_201 = tpu.memref_slice %arg8[%dma_wait3A_199, %dma_wait3A_200] : memref<128x128xf32, #tpu.memory_space<vmem>> -> memref<8x128xf32, #tpu.memory_space<vmem>>
        %dma_wait3A_202 = arith.constant 8 : i32
        %dma_wait3A_203 = tpu.memref_slice %arg5[%dma_wait3A_202, %mul3A_69] : memref<32x100000xf32, #tpu.memory_space<hbm>> -> memref<8x128xf32, #tpu.memory_space<hbm>>
        %dma_wait3A_204 = arith.constant 104 : i32
        %dma_wait3A_205 = arith.constant 0 : i32
        %dma_wait3A_206 = tpu.memref_slice %arg8[%dma_wait3A_204, %dma_wait3A_205] : memref<128x128xf32, #tpu.memory_space<vmem>> -> memref<8x128xf32, #tpu.memory_space<vmem>>
        %dma_wait3A_207 = arith.constant 8 : i32
        %dma_wait3A_208 = tpu.memref_slice %arg5[%dma_wait3A_207, %mul3A_69] : memref<32x100000xf32, #tpu.memory_space<hbm>> -> memref<8x128xf32, #tpu.memory_space<hbm>>
        tpu.wait_dma2 semaphore(%arg12 : memref<!tpu.dma_semaphore, #tpu.memory_space<semaphore_mem>>) src(%dma_wait3A_208 : memref<8x128xf32, #tpu.memory_space<hbm>>) dst(%dma_wait3A_206 : memref<8x128xf32, #tpu.memory_space<vmem>>)
        %dma_wait3A_209 = arith.constant 112 : i32
        %dma_wait3A_210 = arith.constant 0 : i32
        %dma_wait3A_211 = tpu.memref_slice %arg8[%dma_wait3A_209, %dma_wait3A_210] : memref<128x128xf32, #tpu.memory_space<vmem>> -> memref<8x128xf32, #tpu.memory_space<vmem>>
        %dma_wait3A_212 = arith.constant 16 : i32
        %dma_wait3A_213 = tpu.memref_slice %arg5[%dma_wait3A_212, %mul3A_69] : memref<32x100000xf32, #tpu.memory_space<hbm>> -> memref<8x128xf32, #tpu.memory_space<hbm>>
        %dma_wait3A_214 = arith.constant 112 : i32
        %dma_wait3A_215 = arith.constant 0 : i32
        %dma_wait3A_216 = tpu.memref_slice %arg8[%dma_wait3A_214, %dma_wait3A_215] : memref<128x128xf32, #tpu.memory_space<vmem>> -> memref<8x128xf32, #tpu.memory_space<vmem>>
        %dma_wait3A_217 = arith.constant 16 : i32
        %dma_wait3A_218 = tpu.memref_slice %arg5[%dma_wait3A_217, %mul3A_69] : memref<32x100000xf32, #tpu.memory_space<hbm>> -> memref<8x128xf32, #tpu.memory_space<hbm>>
        tpu.wait_dma2 semaphore(%arg12 : memref<!tpu.dma_semaphore, #tpu.memory_space<semaphore_mem>>) src(%dma_wait3A_218 : memref<8x128xf32, #tpu.memory_space<hbm>>) dst(%dma_wait3A_216 : memref<8x128xf32, #tpu.memory_space<vmem>>)
        %dma_wait3A_219 = arith.constant 120 : i32
        %dma_wait3A_220 = arith.constant 0 : i32
        %dma_wait3A_221 = tpu.memref_slice %arg8[%dma_wait3A_219, %dma_wait3A_220] : memref<128x128xf32, #tpu.memory_space<vmem>> -> memref<8x128xf32, #tpu.memory_space<vmem>>
        %dma_wait3A_222 = arith.constant 24 : i32
        %dma_wait3A_223 = tpu.memref_slice %arg5[%dma_wait3A_222, %mul3A_69] : memref<32x100000xf32, #tpu.memory_space<hbm>> -> memref<8x128xf32, #tpu.memory_space<hbm>>
        %dma_wait3A_224 = arith.constant 120 : i32
        %dma_wait3A_225 = arith.constant 0 : i32
        %dma_wait3A_226 = tpu.memref_slice %arg8[%dma_wait3A_224, %dma_wait3A_225] : memref<128x128xf32, #tpu.memory_space<vmem>> -> memref<8x128xf32, #tpu.memory_space<vmem>>
        %dma_wait3A_227 = arith.constant 24 : i32
        %dma_wait3A_228 = tpu.memref_slice %arg5[%dma_wait3A_227, %mul3A_69] : memref<32x100000xf32, #tpu.memory_space<hbm>> -> memref<8x128xf32, #tpu.memory_space<hbm>>
        tpu.wait_dma2 semaphore(%arg12 : memref<!tpu.dma_semaphore, #tpu.memory_space<semaphore_mem>>) src(%dma_wait3A_228 : memref<8x128xf32, #tpu.memory_space<hbm>>) dst(%dma_wait3A_226 : memref<8x128xf32, #tpu.memory_space<vmem>>)
        %ge3A = arith.constant 64 : i32
        %ge3A_229 = arith.cmpi sge, %add3A_55, %ge3A : i32
        %convert_element_type3A_230 = arith.extui %ge3A_229 : i1 to i32
        %cond3A_231 = arith.constant 0 : i32
        %cond3A_232 = arith.cmpi ne, %convert_element_type3A_230, %cond3A_231 : i32
        scf.if %cond3A_232 {
          %sub3A = arith.constant 64 : i32
          %sub3A_244 = arith.subi %add3A_55, %sub3A : i32
          %mul3A_245 = arith.constant 128 : i32
          %mul3A_246 = arith.muli %sub3A_244, %mul3A_245 : i32
          %dma_wait3A_247 = arith.constant 0 : i32
          %dma_wait3A_248 = tpu.memref_slice %arg6[%mul3A_246, %dma_wait3A_247] : memref<100096x128xf32, #tpu.memory_space<hbm>> -> memref<128x128xf32, #tpu.memory_space<hbm>>
          %dma_wait3A_249 = arith.constant 0 : i32
          %dma_wait3A_250 = tpu.memref_slice %arg6[%mul3A_246, %dma_wait3A_249] : memref<100096x128xf32, #tpu.memory_space<hbm>> -> memref<128x128xf32, #tpu.memory_space<hbm>>
          tpu.wait_dma2 semaphore(%arg14 : memref<!tpu.dma_semaphore, #tpu.memory_space<semaphore_mem>>) src(%arg10 : memref<128x128xf32, #tpu.memory_space<vmem>>) dst(%dma_wait3A_250 : memref<128x128xf32, #tpu.memory_space<hbm>>)
        } else {
        }
        %scan3A_233 = arith.constant 0 : i32
        %scan3A_234 = arith.constant 0 : i32
        %scan3A_235 = arith.constant 64 : i32
        %scan3A_236 = arith.addi %scan3A_234, %scan3A_235 : i32
        %scan3A_237 = arith.constant 1 : i32
        scf.for %scan3A_244 = %scan3A_234 to %scan3A_236 step %scan3A_237  : i32 {
          %jit3A = arith.constant 8 : i32
          %eq3A = arith.constant 0 : i32
          %eq3A_245 = arith.cmpi eq, %jit3A, %eq3A : i32
          %jit3A_246 = arith.constant 1 : i32
          %select_n3A = arith.select %eq3A_245, %jit3A_246, %jit3A : i32
          %rem3A = arith.remsi %scan3A_244, %select_n3A : i32
          %ne3A = arith.constant 0 : i32
          %ne3A_247 = arith.cmpi ne, %rem3A, %ne3A : i32
          %lt3A_248 = arith.constant 0 : i32
          %lt3A_249 = arith.cmpi slt, %rem3A, %lt3A_248 : i32
          %lt3A_250 = arith.constant 0 : i32
          %lt3A_251 = arith.cmpi slt, %select_n3A, %lt3A_250 : i32
          %ne3A_252 = arith.xori %lt3A_249, %lt3A_251 : i1
          %and3A = arith.andi %ne3A_252, %ne3A_247 : i1
          %add3A_253 = arith.addi %rem3A, %select_n3A : i32
          %select_n3A_254 = arith.select %and3A, %add3A_253, %rem3A : i32
          %mul3A_255 = arith.constant 16 : i32
          %mul3A_256 = arith.muli %select_n3A_254, %mul3A_255 : i32
          %jit3A_257 = arith.constant 8 : i32
          %div3A = arith.divsi %scan3A_244, %jit3A_257 : i32
          %sign3A = arith.constant 0 : i32
          %sign3A_258 = arith.cmpi sgt, %scan3A_244, %sign3A : i32
          %sign3A_259 = arith.extui %sign3A_258 : i1 to i32
          %sign3A_260 = arith.constant 0 : i32
          %sign3A_261 = arith.cmpi slt, %scan3A_244, %sign3A_260 : i32
          %sign3A_262 = arith.extui %sign3A_261 : i1 to i32
          %sign3A_263 = arith.subi %sign3A_259, %sign3A_262 : i32
          %sign3A_264 = arith.constant 0 : i32
          %sign3A_265 = arith.cmpi sgt, %jit3A_257, %sign3A_264 : i32
          %sign3A_266 = arith.extui %sign3A_265 : i1 to i32
          %sign3A_267 = arith.constant 0 : i32
          %sign3A_268 = arith.cmpi slt, %jit3A_257, %sign3A_267 : i32
          %sign3A_269 = arith.extui %sign3A_268 : i1 to i32
          %sign3A_270 = arith.subi %sign3A_266, %sign3A_269 : i32
          %ne3A_271 = arith.cmpi ne, %sign3A_263, %sign3A_270 : i32
          %rem3A_272 = arith.remsi %scan3A_244, %jit3A_257 : i32
          %ne3A_273 = arith.constant 0 : i32
          %ne3A_274 = arith.cmpi ne, %rem3A_272, %ne3A_273 : i32
          %and3A_275 = arith.andi %ne3A_271, %ne3A_274 : i1
          %sub3A = arith.constant 1 : i32
          %sub3A_276 = arith.subi %div3A, %sub3A : i32
          %select_n3A_277 = arith.select %and3A_275, %sub3A_276, %div3A : i32
          %mul3A_278 = arith.constant 16 : i32
          %mul3A_279 = arith.muli %select_n3A_277, %mul3A_278 : i32
          %add3A_280 = arith.constant 0 : i32
          %add3A_281 = vector.broadcast %add3A_280 : i32 to vector<16xi32>
          %add3A_282 = arith.addi %iota3A, %add3A_281 : vector<16xi32>
          %and3A_283 = arith.constant 15 : i32
          %and3A_284 = vector.broadcast %and3A_283 : i32 to vector<16xi32>
          %and3A_285 = arith.andi %add3A_282, %and3A_284 : vector<16xi32>
          %add3A_286 = vector.broadcast %mul3A_256 : i32 to vector<16xi32>
          %add3A_287 = arith.addi %add3A_286, %and3A_285 : vector<16xi32>
          %add3A_288 = vector.broadcast %mul3A_279 : i32 to vector<16xi32>
          %add3A_289 = arith.addi %add3A_288, %iota3A : vector<16xi32>
          %gather3A = tpu.vector_load_idx %arg8[%add3A_287, %add3A_289] : memref<128x128xf32, #tpu.memory_space<vmem>>[vector<16xi32>, vector<16xi32>], vector<16xf32>,
          %add3A_290 = vector.broadcast %mul3A_279 : i32 to vector<16xi32>
          %add3A_291 = arith.addi %add3A_290, %iota3A : vector<16xi32>
          %add3A_292 = vector.broadcast %mul3A_256 : i32 to vector<16xi32>
          %add3A_293 = arith.addi %add3A_292, %and3A_285 : vector<16xi32>
          tpu.vector_store_idx %arg10[%add3A_291, %add3A_293], %gather3A : memref<128x128xf32, #tpu.memory_space<vmem>>[vector<16xi32>, vector<16xi32>], vector<16xf32>,
          %add3A_294 = arith.constant 1 : i32
          %add3A_295 = vector.broadcast %add3A_294 : i32 to vector<16xi32>
          %add3A_296 = arith.addi %iota3A, %add3A_295 : vector<16xi32>
          %and3A_297 = arith.constant 15 : i32
          %and3A_298 = vector.broadcast %and3A_297 : i32 to vector<16xi32>
          %and3A_299 = arith.andi %add3A_296, %and3A_298 : vector<16xi32>
          %add3A_300 = vector.broadcast %mul3A_256 : i32 to vector<16xi32>
          %add3A_301 = arith.addi %add3A_300, %and3A_299 : vector<16xi32>
          %add3A_302 = vector.broadcast %mul3A_279 : i32 to vector<16xi32>
          %add3A_303 = arith.addi %add3A_302, %iota3A : vector<16xi32>
          %gather3A_304 = tpu.vector_load_idx %arg8[%add3A_301, %add3A_303] : memref<128x128xf32, #tpu.memory_space<vmem>>[vector<16xi32>, vector<16xi32>], vector<16xf32>,
          %add3A_305 = vector.broadcast %mul3A_279 : i32 to vector<16xi32>
          %add3A_306 = arith.addi %add3A_305, %iota3A : vector<16xi32>
          %add3A_307 = vector.broadcast %mul3A_256 : i32 to vector<16xi32>
          %add3A_308 = arith.addi %add3A_307, %and3A_299 : vector<16xi32>
          tpu.vector_store_idx %arg10[%add3A_306, %add3A_308], %gather3A_304 : memref<128x128xf32, #tpu.memory_space<vmem>>[vector<16xi32>, vector<16xi32>], vector<16xf32>,
          %add3A_309 = arith.constant 2 : i32
          %add3A_310 = vector.broadcast %add3A_309 : i32 to vector<16xi32>
          %add3A_311 = arith.addi %iota3A, %add3A_310 : vector<16xi32>
          %and3A_312 = arith.constant 15 : i32
          %and3A_313 = vector.broadcast %and3A_312 : i32 to vector<16xi32>
          %and3A_314 = arith.andi %add3A_311, %and3A_313 : vector<16xi32>
          %add3A_315 = vector.broadcast %mul3A_256 : i32 to vector<16xi32>
          %add3A_316 = arith.addi %add3A_315, %and3A_314 : vector<16xi32>
          %add3A_317 = vector.broadcast %mul3A_279 : i32 to vector<16xi32>
          %add3A_318 = arith.addi %add3A_317, %iota3A : vector<16xi32>
          %gather3A_319 = tpu.vector_load_idx %arg8[%add3A_316, %add3A_318] : memref<128x128xf32, #tpu.memory_space<vmem>>[vector<16xi32>, vector<16xi32>], vector<16xf32>,
          %add3A_320 = vector.broadcast %mul3A_279 : i32 to vector<16xi32>
          %add3A_321 = arith.addi %add3A_320, %iota3A : vector<16xi32>
          %add3A_322 = vector.broadcast %mul3A_256 : i32 to vector<16xi32>
          %add3A_323 = arith.addi %add3A_322, %and3A_314 : vector<16xi32>
          tpu.vector_store_idx %arg10[%add3A_321, %add3A_323], %gather3A_319 : memref<128x128xf32, #tpu.memory_space<vmem>>[vector<16xi32>, vector<16xi32>], vector<16xf32>,
          %add3A_324 = arith.constant 3 : i32
          %add3A_325 = vector.broadcast %add3A_324 : i32 to vector<16xi32>
          %add3A_326 = arith.addi %iota3A, %add3A_325 : vector<16xi32>
          %and3A_327 = arith.constant 15 : i32
          %and3A_328 = vector.broadcast %and3A_327 : i32 to vector<16xi32>
          %and3A_329 = arith.andi %add3A_326, %and3A_328 : vector<16xi32>
          %add3A_330 = vector.broadcast %mul3A_256 : i32 to vector<16xi32>
          %add3A_331 = arith.addi %add3A_330, %and3A_329 : vector<16xi32>
          %add3A_332 = vector.broadcast %mul3A_279 : i32 to vector<16xi32>
          %add3A_333 = arith.addi %add3A_332, %iota3A : vector<16xi32>
          %gather3A_334 = tpu.vector_load_idx %arg8[%add3A_331, %add3A_333] : memref<128x128xf32, #tpu.memory_space<vmem>>[vector<16xi32>, vector<16xi32>], vector<16xf32>,
          %add3A_335 = vector.broadcast %mul3A_279 : i32 to vector<16xi32>
          %add3A_336 = arith.addi %add3A_335, %iota3A : vector<16xi32>
          %add3A_337 = vector.broadcast %mul3A_256 : i32 to vector<16xi32>
          %add3A_338 = arith.addi %add3A_337, %and3A_329 : vector<16xi32>
          tpu.vector_store_idx %arg10[%add3A_336, %add3A_338], %gather3A_334 : memref<128x128xf32, #tpu.memory_space<vmem>>[vector<16xi32>, vector<16xi32>], vector<16xf32>,
          %add3A_339 = arith.constant 4 : i32
          %add3A_340 = vector.broadcast %add3A_339 : i32 to vector<16xi32>
          %add3A_341 = arith.addi %iota3A, %add3A_340 : vector<16xi32>
          %and3A_342 = arith.constant 15 : i32
          %and3A_343 = vector.broadcast %and3A_342 : i32 to vector<16xi32>
          %and3A_344 = arith.andi %add3A_341, %and3A_343 : vector<16xi32>
          %add3A_345 = vector.broadcast %mul3A_256 : i32 to vector<16xi32>
          %add3A_346 = arith.addi %add3A_345, %and3A_344 : vector<16xi32>
          %add3A_347 = vector.broadcast %mul3A_279 : i32 to vector<16xi32>
          %add3A_348 = arith.addi %add3A_347, %iota3A : vector<16xi32>
          %gather3A_349 = tpu.vector_load_idx %arg8[%add3A_346, %add3A_348] : memref<128x128xf32, #tpu.memory_space<vmem>>[vector<16xi32>, vector<16xi32>], vector<16xf32>,
          %add3A_350 = vector.broadcast %mul3A_279 : i32 to vector<16xi32>
          %add3A_351 = arith.addi %add3A_350, %iota3A : vector<16xi32>
          %add3A_352 = vector.broadcast %mul3A_256 : i32 to vector<16xi32>
          %add3A_353 = arith.addi %add3A_352, %and3A_344 : vector<16xi32>
          tpu.vector_store_idx %arg10[%add3A_351, %add3A_353], %gather3A_349 : memref<128x128xf32, #tpu.memory_space<vmem>>[vector<16xi32>, vector<16xi32>], vector<16xf32>,
          %add3A_354 = arith.constant 5 : i32
          %add3A_355 = vector.broadcast %add3A_354 : i32 to vector<16xi32>
          %add3A_356 = arith.addi %iota3A, %add3A_355 : vector<16xi32>
          %and3A_357 = arith.constant 15 : i32
          %and3A_358 = vector.broadcast %and3A_357 : i32 to vector<16xi32>
          %and3A_359 = arith.andi %add3A_356, %and3A_358 : vector<16xi32>
          %add3A_360 = vector.broadcast %mul3A_256 : i32 to vector<16xi32>
          %add3A_361 = arith.addi %add3A_360, %and3A_359 : vector<16xi32>
          %add3A_362 = vector.broadcast %mul3A_279 : i32 to vector<16xi32>
          %add3A_363 = arith.addi %add3A_362, %iota3A : vector<16xi32>
          %gather3A_364 = tpu.vector_load_idx %arg8[%add3A_361, %add3A_363] : memref<128x128xf32, #tpu.memory_space<vmem>>[vector<16xi32>, vector<16xi32>], vector<16xf32>,
          %add3A_365 = vector.broadcast %mul3A_279 : i32 to vector<16xi32>
          %add3A_366 = arith.addi %add3A_365, %iota3A : vector<16xi32>
          %add3A_367 = vector.broadcast %mul3A_256 : i32 to vector<16xi32>
          %add3A_368 = arith.addi %add3A_367, %and3A_359 : vector<16xi32>
          tpu.vector_store_idx %arg10[%add3A_366, %add3A_368], %gather3A_364 : memref<128x128xf32, #tpu.memory_space<vmem>>[vector<16xi32>, vector<16xi32>], vector<16xf32>,
          %add3A_369 = arith.constant 6 : i32
          %add3A_370 = vector.broadcast %add3A_369 : i32 to vector<16xi32>
          %add3A_371 = arith.addi %iota3A, %add3A_370 : vector<16xi32>
          %and3A_372 = arith.constant 15 : i32
          %and3A_373 = vector.broadcast %and3A_372 : i32 to vector<16xi32>
          %and3A_374 = arith.andi %add3A_371, %and3A_373 : vector<16xi32>
          %add3A_375 = vector.broadcast %mul3A_256 : i32 to vector<16xi32>
          %add3A_376 = arith.addi %add3A_375, %and3A_374 : vector<16xi32>
          %add3A_377 = vector.broadcast %mul3A_279 : i32 to vector<16xi32>
          %add3A_378 = arith.addi %add3A_377, %iota3A : vector<16xi32>
          %gather3A_379 = tpu.vector_load_idx %arg8[%add3A_376, %add3A_378] : memref<128x128xf32, #tpu.memory_space<vmem>>[vector<16xi32>, vector<16xi32>], vector<16xf32>,
          %add3A_380 = vector.broadcast %mul3A_279 : i32 to vector<16xi32>
          %add3A_381 = arith.addi %add3A_380, %iota3A : vector<16xi32>
          %add3A_382 = vector.broadcast %mul3A_256 : i32 to vector<16xi32>
          %add3A_383 = arith.addi %add3A_382, %and3A_374 : vector<16xi32>
          tpu.vector_store_idx %arg10[%add3A_381, %add3A_383], %gather3A_379 : memref<128x128xf32, #tpu.memory_space<vmem>>[vector<16xi32>, vector<16xi32>], vector<16xf32>,
          %add3A_384 = arith.constant 7 : i32
          %add3A_385 = vector.broadcast %add3A_384 : i32 to vector<16xi32>
          %add3A_386 = arith.addi %iota3A, %add3A_385 : vector<16xi32>
          %and3A_387 = arith.constant 15 : i32
          %and3A_388 = vector.broadcast %and3A_387 : i32 to vector<16xi32>
          %and3A_389 = arith.andi %add3A_386, %and3A_388 : vector<16xi32>
          %add3A_390 = vector.broadcast %mul3A_256 : i32 to vector<16xi32>
          %add3A_391 = arith.addi %add3A_390, %and3A_389 : vector<16xi32>
          %add3A_392 = vector.broadcast %mul3A_279 : i32 to vector<16xi32>
          %add3A_393 = arith.addi %add3A_392, %iota3A : vector<16xi32>
          %gather3A_394 = tpu.vector_load_idx %arg8[%add3A_391, %add3A_393] : memref<128x128xf32, #tpu.memory_space<vmem>>[vector<16xi32>, vector<16xi32>], vector<16xf32>,
          %add3A_395 = vector.broadcast %mul3A_279 : i32 to vector<16xi32>
          %add3A_396 = arith.addi %add3A_395, %iota3A : vector<16xi32>
          %add3A_397 = vector.broadcast %mul3A_256 : i32 to vector<16xi32>
          %add3A_398 = arith.addi %add3A_397, %and3A_389 : vector<16xi32>
          tpu.vector_store_idx %arg10[%add3A_396, %add3A_398], %gather3A_394 : memref<128x128xf32, #tpu.memory_space<vmem>>[vector<16xi32>, vector<16xi32>], vector<16xf32>,
          %add3A_399 = arith.constant 8 : i32
          %add3A_400 = vector.broadcast %add3A_399 : i32 to vector<16xi32>
          %add3A_401 = arith.addi %iota3A, %add3A_400 : vector<16xi32>
          %and3A_402 = arith.constant 15 : i32
          %and3A_403 = vector.broadcast %and3A_402 : i32 to vector<16xi32>
          %and3A_404 = arith.andi %add3A_401, %and3A_403 : vector<16xi32>
          %add3A_405 = vector.broadcast %mul3A_256 : i32 to vector<16xi32>
          %add3A_406 = arith.addi %add3A_405, %and3A_404 : vector<16xi32>
          %add3A_407 = vector.broadcast %mul3A_279 : i32 to vector<16xi32>
          %add3A_408 = arith.addi %add3A_407, %iota3A : vector<16xi32>
          %gather3A_409 = tpu.vector_load_idx %arg8[%add3A_406, %add3A_408] : memref<128x128xf32, #tpu.memory_space<vmem>>[vector<16xi32>, vector<16xi32>], vector<16xf32>,
          %add3A_410 = vector.broadcast %mul3A_279 : i32 to vector<16xi32>
          %add3A_411 = arith.addi %add3A_410, %iota3A : vector<16xi32>
          %add3A_412 = vector.broadcast %mul3A_256 : i32 to vector<16xi32>
          %add3A_413 = arith.addi %add3A_412, %and3A_404 : vector<16xi32>
          tpu.vector_store_idx %arg10[%add3A_411, %add3A_413], %gather3A_409 : memref<128x128xf32, #tpu.memory_space<vmem>>[vector<16xi32>, vector<16xi32>], vector<16xf32>,
          %add3A_414 = arith.constant 9 : i32
          %add3A_415 = vector.broadcast %add3A_414 : i32 to vector<16xi32>
          %add3A_416 = arith.addi %iota3A, %add3A_415 : vector<16xi32>
          %and3A_417 = arith.constant 15 : i32
          %and3A_418 = vector.broadcast %and3A_417 : i32 to vector<16xi32>
          %and3A_419 = arith.andi %add3A_416, %and3A_418 : vector<16xi32>
          %add3A_420 = vector.broadcast %mul3A_256 : i32 to vector<16xi32>
          %add3A_421 = arith.addi %add3A_420, %and3A_419 : vector<16xi32>
          %add3A_422 = vector.broadcast %mul3A_279 : i32 to vector<16xi32>
          %add3A_423 = arith.addi %add3A_422, %iota3A : vector<16xi32>
          %gather3A_424 = tpu.vector_load_idx %arg8[%add3A_421, %add3A_423] : memref<128x128xf32, #tpu.memory_space<vmem>>[vector<16xi32>, vector<16xi32>], vector<16xf32>,
          %add3A_425 = vector.broadcast %mul3A_279 : i32 to vector<16xi32>
          %add3A_426 = arith.addi %add3A_425, %iota3A : vector<16xi32>
          %add3A_427 = vector.broadcast %mul3A_256 : i32 to vector<16xi32>
          %add3A_428 = arith.addi %add3A_427, %and3A_419 : vector<16xi32>
          tpu.vector_store_idx %arg10[%add3A_426, %add3A_428], %gather3A_424 : memref<128x128xf32, #tpu.memory_space<vmem>>[vector<16xi32>, vector<16xi32>], vector<16xf32>,
          %add3A_429 = arith.constant 10 : i32
          %add3A_430 = vector.broadcast %add3A_429 : i32 to vector<16xi32>
          %add3A_431 = arith.addi %iota3A, %add3A_430 : vector<16xi32>
          %and3A_432 = arith.constant 15 : i32
          %and3A_433 = vector.broadcast %and3A_432 : i32 to vector<16xi32>
          %and3A_434 = arith.andi %add3A_431, %and3A_433 : vector<16xi32>
          %add3A_435 = vector.broadcast %mul3A_256 : i32 to vector<16xi32>
          %add3A_436 = arith.addi %add3A_435, %and3A_434 : vector<16xi32>
          %add3A_437 = vector.broadcast %mul3A_279 : i32 to vector<16xi32>
          %add3A_438 = arith.addi %add3A_437, %iota3A : vector<16xi32>
          %gather3A_439 = tpu.vector_load_idx %arg8[%add3A_436, %add3A_438] : memref<128x128xf32, #tpu.memory_space<vmem>>[vector<16xi32>, vector<16xi32>], vector<16xf32>,
          %add3A_440 = vector.broadcast %mul3A_279 : i32 to vector<16xi32>
          %add3A_441 = arith.addi %add3A_440, %iota3A : vector<16xi32>
          %add3A_442 = vector.broadcast %mul3A_256 : i32 to vector<16xi32>
          %add3A_443 = arith.addi %add3A_442, %and3A_434 : vector<16xi32>
          tpu.vector_store_idx %arg10[%add3A_441, %add3A_443], %gather3A_439 : memref<128x128xf32, #tpu.memory_space<vmem>>[vector<16xi32>, vector<16xi32>], vector<16xf32>,
          %add3A_444 = arith.constant 11 : i32
          %add3A_445 = vector.broadcast %add3A_444 : i32 to vector<16xi32>
          %add3A_446 = arith.addi %iota3A, %add3A_445 : vector<16xi32>
          %and3A_447 = arith.constant 15 : i32
          %and3A_448 = vector.broadcast %and3A_447 : i32 to vector<16xi32>
          %and3A_449 = arith.andi %add3A_446, %and3A_448 : vector<16xi32>
          %add3A_450 = vector.broadcast %mul3A_256 : i32 to vector<16xi32>
          %add3A_451 = arith.addi %add3A_450, %and3A_449 : vector<16xi32>
          %add3A_452 = vector.broadcast %mul3A_279 : i32 to vector<16xi32>
          %add3A_453 = arith.addi %add3A_452, %iota3A : vector<16xi32>
          %gather3A_454 = tpu.vector_load_idx %arg8[%add3A_451, %add3A_453] : memref<128x128xf32, #tpu.memory_space<vmem>>[vector<16xi32>, vector<16xi32>], vector<16xf32>,
          %add3A_455 = vector.broadcast %mul3A_279 : i32 to vector<16xi32>
          %add3A_456 = arith.addi %add3A_455, %iota3A : vector<16xi32>
          %add3A_457 = vector.broadcast %mul3A_256 : i32 to vector<16xi32>
          %add3A_458 = arith.addi %add3A_457, %and3A_449 : vector<16xi32>
          tpu.vector_store_idx %arg10[%add3A_456, %add3A_458], %gather3A_454 : memref<128x128xf32, #tpu.memory_space<vmem>>[vector<16xi32>, vector<16xi32>], vector<16xf32>,
          %add3A_459 = arith.constant 12 : i32
          %add3A_460 = vector.broadcast %add3A_459 : i32 to vector<16xi32>
          %add3A_461 = arith.addi %iota3A, %add3A_460 : vector<16xi32>
          %and3A_462 = arith.constant 15 : i32
          %and3A_463 = vector.broadcast %and3A_462 : i32 to vector<16xi32>
          %and3A_464 = arith.andi %add3A_461, %and3A_463 : vector<16xi32>
          %add3A_465 = vector.broadcast %mul3A_256 : i32 to vector<16xi32>
          %add3A_466 = arith.addi %add3A_465, %and3A_464 : vector<16xi32>
          %add3A_467 = vector.broadcast %mul3A_279 : i32 to vector<16xi32>
          %add3A_468 = arith.addi %add3A_467, %iota3A : vector<16xi32>
          %gather3A_469 = tpu.vector_load_idx %arg8[%add3A_466, %add3A_468] : memref<128x128xf32, #tpu.memory_space<vmem>>[vector<16xi32>, vector<16xi32>], vector<16xf32>,
          %add3A_470 = vector.broadcast %mul3A_279 : i32 to vector<16xi32>
          %add3A_471 = arith.addi %add3A_470, %iota3A : vector<16xi32>
          %add3A_472 = vector.broadcast %mul3A_256 : i32 to vector<16xi32>
          %add3A_473 = arith.addi %add3A_472, %and3A_464 : vector<16xi32>
          tpu.vector_store_idx %arg10[%add3A_471, %add3A_473], %gather3A_469 : memref<128x128xf32, #tpu.memory_space<vmem>>[vector<16xi32>, vector<16xi32>], vector<16xf32>,
          %add3A_474 = arith.constant 13 : i32
          %add3A_475 = vector.broadcast %add3A_474 : i32 to vector<16xi32>
          %add3A_476 = arith.addi %iota3A, %add3A_475 : vector<16xi32>
          %and3A_477 = arith.constant 15 : i32
          %and3A_478 = vector.broadcast %and3A_477 : i32 to vector<16xi32>
          %and3A_479 = arith.andi %add3A_476, %and3A_478 : vector<16xi32>
          %add3A_480 = vector.broadcast %mul3A_256 : i32 to vector<16xi32>
          %add3A_481 = arith.addi %add3A_480, %and3A_479 : vector<16xi32>
          %add3A_482 = vector.broadcast %mul3A_279 : i32 to vector<16xi32>
          %add3A_483 = arith.addi %add3A_482, %iota3A : vector<16xi32>
          %gather3A_484 = tpu.vector_load_idx %arg8[%add3A_481, %add3A_483] : memref<128x128xf32, #tpu.memory_space<vmem>>[vector<16xi32>, vector<16xi32>], vector<16xf32>,
          %add3A_485 = vector.broadcast %mul3A_279 : i32 to vector<16xi32>
          %add3A_486 = arith.addi %add3A_485, %iota3A : vector<16xi32>
          %add3A_487 = vector.broadcast %mul3A_256 : i32 to vector<16xi32>
          %add3A_488 = arith.addi %add3A_487, %and3A_479 : vector<16xi32>
          tpu.vector_store_idx %arg10[%add3A_486, %add3A_488], %gather3A_484 : memref<128x128xf32, #tpu.memory_space<vmem>>[vector<16xi32>, vector<16xi32>], vector<16xf32>,
          %add3A_489 = arith.constant 14 : i32
          %add3A_490 = vector.broadcast %add3A_489 : i32 to vector<16xi32>
          %add3A_491 = arith.addi %iota3A, %add3A_490 : vector<16xi32>
          %and3A_492 = arith.constant 15 : i32
          %and3A_493 = vector.broadcast %and3A_492 : i32 to vector<16xi32>
          %and3A_494 = arith.andi %add3A_491, %and3A_493 : vector<16xi32>
          %add3A_495 = vector.broadcast %mul3A_256 : i32 to vector<16xi32>
          %add3A_496 = arith.addi %add3A_495, %and3A_494 : vector<16xi32>
          %add3A_497 = vector.broadcast %mul3A_279 : i32 to vector<16xi32>
          %add3A_498 = arith.addi %add3A_497, %iota3A : vector<16xi32>
          %gather3A_499 = tpu.vector_load_idx %arg8[%add3A_496, %add3A_498] : memref<128x128xf32, #tpu.memory_space<vmem>>[vector<16xi32>, vector<16xi32>], vector<16xf32>,
          %add3A_500 = vector.broadcast %mul3A_279 : i32 to vector<16xi32>
          %add3A_501 = arith.addi %add3A_500, %iota3A : vector<16xi32>
          %add3A_502 = vector.broadcast %mul3A_256 : i32 to vector<16xi32>
          %add3A_503 = arith.addi %add3A_502, %and3A_494 : vector<16xi32>
          tpu.vector_store_idx %arg10[%add3A_501, %add3A_503], %gather3A_499 : memref<128x128xf32, #tpu.memory_space<vmem>>[vector<16xi32>, vector<16xi32>], vector<16xf32>,
          %add3A_504 = arith.constant 15 : i32
          %add3A_505 = vector.broadcast %add3A_504 : i32 to vector<16xi32>
          %add3A_506 = arith.addi %iota3A, %add3A_505 : vector<16xi32>
          %and3A_507 = arith.constant 15 : i32
          %and3A_508 = vector.broadcast %and3A_507 : i32 to vector<16xi32>
          %and3A_509 = arith.andi %add3A_506, %and3A_508 : vector<16xi32>
          %add3A_510 = vector.broadcast %mul3A_256 : i32 to vector<16xi32>
          %add3A_511 = arith.addi %add3A_510, %and3A_509 : vector<16xi32>
          %add3A_512 = vector.broadcast %mul3A_279 : i32 to vector<16xi32>
          %add3A_513 = arith.addi %add3A_512, %iota3A : vector<16xi32>
          %gather3A_514 = tpu.vector_load_idx %arg8[%add3A_511, %add3A_513] : memref<128x128xf32, #tpu.memory_space<vmem>>[vector<16xi32>, vector<16xi32>], vector<16xf32>,
          %add3A_515 = vector.broadcast %mul3A_279 : i32 to vector<16xi32>
          %add3A_516 = arith.addi %add3A_515, %iota3A : vector<16xi32>
          %add3A_517 = vector.broadcast %mul3A_256 : i32 to vector<16xi32>
          %add3A_518 = arith.addi %add3A_517, %and3A_509 : vector<16xi32>
          tpu.vector_store_idx %arg10[%add3A_516, %add3A_518], %gather3A_514 : memref<128x128xf32, #tpu.memory_space<vmem>>[vector<16xi32>, vector<16xi32>], vector<16xf32>,
        }
        %scan3A_238 = arith.constant 64 : i32
        %mul3A_239 = arith.constant 128 : i32
        %mul3A_240 = arith.muli %add3A_55, %mul3A_239 : i32
        %dma_start3A = arith.constant 0 : i32
        %dma_start3A_241 = tpu.memref_slice %arg6[%mul3A_240, %dma_start3A] : memref<100096x128xf32, #tpu.memory_space<hbm>> -> memref<128x128xf32, #tpu.memory_space<hbm>>
        %dma_start3A_242 = arith.constant 0 : i32
        %dma_start3A_243 = tpu.memref_slice %arg6[%mul3A_240, %dma_start3A_242] : memref<100096x128xf32, #tpu.memory_space<hbm>> -> memref<128x128xf32, #tpu.memory_space<hbm>>
        tpu.enqueue_dma source(%arg10 : memref<128x128xf32, #tpu.memory_space<vmem>>) target(%dma_start3A_243 : memref<128x128xf32, #tpu.memory_space<hbm>>) target_semaphore(%arg14 : memref<!tpu.dma_semaphore, #tpu.memory_space<semaphore_mem>>)
      } else {
      }
      %add3A_61 = arith.constant 64 : i32
      %add3A_62 = arith.addi %add3A_55, %add3A_61 : i32
      %lt3A_63 = arith.constant 782 : i32
      %lt3A_64 = arith.cmpi slt, %add3A_62, %lt3A_63 : i32
      %convert_element_type3A_65 = arith.extui %lt3A_64 : i1 to i32
      %cond3A_66 = arith.constant 0 : i32
      %cond3A_67 = arith.cmpi ne, %convert_element_type3A_65, %cond3A_66 : i32
      scf.if %cond3A_67 {
        %add3A_68 = arith.constant 64 : i32
        %add3A_69 = arith.addi %add3A_55, %add3A_68 : i32
        %mul3A_70 = arith.constant 128 : i32
        %mul3A_71 = arith.muli %add3A_69, %mul3A_70 : i32
        %dma_start3A = arith.constant 0 : i32
        %dma_start3A_72 = arith.constant 0 : i32
        %dma_start3A_73 = tpu.memref_slice %arg8[%dma_start3A, %dma_start3A_72] : memref<128x128xf32, #tpu.memory_space<vmem>> -> memref<8x128xf32, #tpu.memory_space<vmem>>
        %dma_start3A_74 = arith.constant 0 : i32
        %dma_start3A_75 = tpu.memref_slice %arg2[%dma_start3A_74, %mul3A_71] : memref<32x100000xf32, #tpu.memory_space<hbm>> -> memref<8x128xf32, #tpu.memory_space<hbm>>
        %dma_start3A_76 = arith.constant 0 : i32
        %dma_start3A_77 = arith.constant 0 : i32
        %dma_start3A_78 = tpu.memref_slice %arg8[%dma_start3A_76, %dma_start3A_77] : memref<128x128xf32, #tpu.memory_space<vmem>> -> memref<8x128xf32, #tpu.memory_space<vmem>>
        %dma_start3A_79 = arith.constant 0 : i32
        %dma_start3A_80 = tpu.memref_slice %arg2[%dma_start3A_79, %mul3A_71] : memref<32x100000xf32, #tpu.memory_space<hbm>> -> memref<8x128xf32, #tpu.memory_space<hbm>>
        tpu.enqueue_dma source(%dma_start3A_80 : memref<8x128xf32, #tpu.memory_space<hbm>>) target(%dma_start3A_78 : memref<8x128xf32, #tpu.memory_space<vmem>>) target_semaphore(%arg12 : memref<!tpu.dma_semaphore, #tpu.memory_space<semaphore_mem>>)
        %dma_start3A_81 = arith.constant 8 : i32
        %dma_start3A_82 = arith.constant 0 : i32
        %dma_start3A_83 = tpu.memref_slice %arg8[%dma_start3A_81, %dma_start3A_82] : memref<128x128xf32, #tpu.memory_space<vmem>> -> memref<8x128xf32, #tpu.memory_space<vmem>>
        %dma_start3A_84 = arith.constant 8 : i32
        %dma_start3A_85 = tpu.memref_slice %arg2[%dma_start3A_84, %mul3A_71] : memref<32x100000xf32, #tpu.memory_space<hbm>> -> memref<8x128xf32, #tpu.memory_space<hbm>>
        %dma_start3A_86 = arith.constant 8 : i32
        %dma_start3A_87 = arith.constant 0 : i32
        %dma_start3A_88 = tpu.memref_slice %arg8[%dma_start3A_86, %dma_start3A_87] : memref<128x128xf32, #tpu.memory_space<vmem>> -> memref<8x128xf32, #tpu.memory_space<vmem>>
        %dma_start3A_89 = arith.constant 8 : i32
        %dma_start3A_90 = tpu.memref_slice %arg2[%dma_start3A_89, %mul3A_71] : memref<32x100000xf32, #tpu.memory_space<hbm>> -> memref<8x128xf32, #tpu.memory_space<hbm>>
        tpu.enqueue_dma source(%dma_start3A_90 : memref<8x128xf32, #tpu.memory_space<hbm>>) target(%dma_start3A_88 : memref<8x128xf32, #tpu.memory_space<vmem>>) target_semaphore(%arg12 : memref<!tpu.dma_semaphore, #tpu.memory_space<semaphore_mem>>)
        %dma_start3A_91 = arith.constant 16 : i32
        %dma_start3A_92 = arith.constant 0 : i32
        %dma_start3A_93 = tpu.memref_slice %arg8[%dma_start3A_91, %dma_start3A_92] : memref<128x128xf32, #tpu.memory_space<vmem>> -> memref<8x128xf32, #tpu.memory_space<vmem>>
        %dma_start3A_94 = arith.constant 16 : i32
        %dma_start3A_95 = tpu.memref_slice %arg2[%dma_start3A_94, %mul3A_71] : memref<32x100000xf32, #tpu.memory_space<hbm>> -> memref<8x128xf32, #tpu.memory_space<hbm>>
        %dma_start3A_96 = arith.constant 16 : i32
        %dma_start3A_97 = arith.constant 0 : i32
        %dma_start3A_98 = tpu.memref_slice %arg8[%dma_start3A_96, %dma_start3A_97] : memref<128x128xf32, #tpu.memory_space<vmem>> -> memref<8x128xf32, #tpu.memory_space<vmem>>
        %dma_start3A_99 = arith.constant 16 : i32
        %dma_start3A_100 = tpu.memref_slice %arg2[%dma_start3A_99, %mul3A_71] : memref<32x100000xf32, #tpu.memory_space<hbm>> -> memref<8x128xf32, #tpu.memory_space<hbm>>
        tpu.enqueue_dma source(%dma_start3A_100 : memref<8x128xf32, #tpu.memory_space<hbm>>) target(%dma_start3A_98 : memref<8x128xf32, #tpu.memory_space<vmem>>) target_semaphore(%arg12 : memref<!tpu.dma_semaphore, #tpu.memory_space<semaphore_mem>>)
        %dma_start3A_101 = arith.constant 24 : i32
        %dma_start3A_102 = arith.constant 0 : i32
        %dma_start3A_103 = tpu.memref_slice %arg8[%dma_start3A_101, %dma_start3A_102] : memref<128x128xf32, #tpu.memory_space<vmem>> -> memref<8x128xf32, #tpu.memory_space<vmem>>
        %dma_start3A_104 = arith.constant 24 : i32
        %dma_start3A_105 = tpu.memref_slice %arg2[%dma_start3A_104, %mul3A_71] : memref<32x100000xf32, #tpu.memory_space<hbm>> -> memref<8x128xf32, #tpu.memory_space<hbm>>
        %dma_start3A_106 = arith.constant 24 : i32
        %dma_start3A_107 = arith.constant 0 : i32
        %dma_start3A_108 = tpu.memref_slice %arg8[%dma_start3A_106, %dma_start3A_107] : memref<128x128xf32, #tpu.memory_space<vmem>> -> memref<8x128xf32, #tpu.memory_space<vmem>>
        %dma_start3A_109 = arith.constant 24 : i32
        %dma_start3A_110 = tpu.memref_slice %arg2[%dma_start3A_109, %mul3A_71] : memref<32x100000xf32, #tpu.memory_space<hbm>> -> memref<8x128xf32, #tpu.memory_space<hbm>>
        tpu.enqueue_dma source(%dma_start3A_110 : memref<8x128xf32, #tpu.memory_space<hbm>>) target(%dma_start3A_108 : memref<8x128xf32, #tpu.memory_space<vmem>>) target_semaphore(%arg12 : memref<!tpu.dma_semaphore, #tpu.memory_space<semaphore_mem>>)
        %dma_start3A_111 = arith.constant 32 : i32
        %dma_start3A_112 = arith.constant 0 : i32
        %dma_start3A_113 = tpu.memref_slice %arg8[%dma_start3A_111, %dma_start3A_112] : memref<128x128xf32, #tpu.memory_space<vmem>> -> memref<8x128xf32, #tpu.memory_space<vmem>>
        %dma_start3A_114 = arith.constant 0 : i32
        %dma_start3A_115 = tpu.memref_slice %arg3[%dma_start3A_114, %mul3A_71] : memref<32x100000xf32, #tpu.memory_space<hbm>> -> memref<8x128xf32, #tpu.memory_space<hbm>>
        %dma_start3A_116 = arith.constant 32 : i32
        %dma_start3A_117 = arith.constant 0 : i32
        %dma_start3A_118 = tpu.memref_slice %arg8[%dma_start3A_116, %dma_start3A_117] : memref<128x128xf32, #tpu.memory_space<vmem>> -> memref<8x128xf32, #tpu.memory_space<vmem>>
        %dma_start3A_119 = arith.constant 0 : i32
        %dma_start3A_120 = tpu.memref_slice %arg3[%dma_start3A_119, %mul3A_71] : memref<32x100000xf32, #tpu.memory_space<hbm>> -> memref<8x128xf32, #tpu.memory_space<hbm>>
        tpu.enqueue_dma source(%dma_start3A_120 : memref<8x128xf32, #tpu.memory_space<hbm>>) target(%dma_start3A_118 : memref<8x128xf32, #tpu.memory_space<vmem>>) target_semaphore(%arg12 : memref<!tpu.dma_semaphore, #tpu.memory_space<semaphore_mem>>)
        %dma_start3A_121 = arith.constant 40 : i32
        %dma_start3A_122 = arith.constant 0 : i32
        %dma_start3A_123 = tpu.memref_slice %arg8[%dma_start3A_121, %dma_start3A_122] : memref<128x128xf32, #tpu.memory_space<vmem>> -> memref<8x128xf32, #tpu.memory_space<vmem>>
        %dma_start3A_124 = arith.constant 8 : i32
        %dma_start3A_125 = tpu.memref_slice %arg3[%dma_start3A_124, %mul3A_71] : memref<32x100000xf32, #tpu.memory_space<hbm>> -> memref<8x128xf32, #tpu.memory_space<hbm>>
        %dma_start3A_126 = arith.constant 40 : i32
        %dma_start3A_127 = arith.constant 0 : i32
        %dma_start3A_128 = tpu.memref_slice %arg8[%dma_start3A_126, %dma_start3A_127] : memref<128x128xf32, #tpu.memory_space<vmem>> -> memref<8x128xf32, #tpu.memory_space<vmem>>
        %dma_start3A_129 = arith.constant 8 : i32
        %dma_start3A_130 = tpu.memref_slice %arg3[%dma_start3A_129, %mul3A_71] : memref<32x100000xf32, #tpu.memory_space<hbm>> -> memref<8x128xf32, #tpu.memory_space<hbm>>
        tpu.enqueue_dma source(%dma_start3A_130 : memref<8x128xf32, #tpu.memory_space<hbm>>) target(%dma_start3A_128 : memref<8x128xf32, #tpu.memory_space<vmem>>) target_semaphore(%arg12 : memref<!tpu.dma_semaphore, #tpu.memory_space<semaphore_mem>>)
        %dma_start3A_131 = arith.constant 48 : i32
        %dma_start3A_132 = arith.constant 0 : i32
        %dma_start3A_133 = tpu.memref_slice %arg8[%dma_start3A_131, %dma_start3A_132] : memref<128x128xf32, #tpu.memory_space<vmem>> -> memref<8x128xf32, #tpu.memory_space<vmem>>
        %dma_start3A_134 = arith.constant 16 : i32
        %dma_start3A_135 = tpu.memref_slice %arg3[%dma_start3A_134, %mul3A_71] : memref<32x100000xf32, #tpu.memory_space<hbm>> -> memref<8x128xf32, #tpu.memory_space<hbm>>
        %dma_start3A_136 = arith.constant 48 : i32
        %dma_start3A_137 = arith.constant 0 : i32
        %dma_start3A_138 = tpu.memref_slice %arg8[%dma_start3A_136, %dma_start3A_137] : memref<128x128xf32, #tpu.memory_space<vmem>> -> memref<8x128xf32, #tpu.memory_space<vmem>>
        %dma_start3A_139 = arith.constant 16 : i32
        %dma_start3A_140 = tpu.memref_slice %arg3[%dma_start3A_139, %mul3A_71] : memref<32x100000xf32, #tpu.memory_space<hbm>> -> memref<8x128xf32, #tpu.memory_space<hbm>>
        tpu.enqueue_dma source(%dma_start3A_140 : memref<8x128xf32, #tpu.memory_space<hbm>>) target(%dma_start3A_138 : memref<8x128xf32, #tpu.memory_space<vmem>>) target_semaphore(%arg12 : memref<!tpu.dma_semaphore, #tpu.memory_space<semaphore_mem>>)
        %dma_start3A_141 = arith.constant 56 : i32
        %dma_start3A_142 = arith.constant 0 : i32
        %dma_start3A_143 = tpu.memref_slice %arg8[%dma_start3A_141, %dma_start3A_142] : memref<128x128xf32, #tpu.memory_space<vmem>> -> memref<8x128xf32, #tpu.memory_space<vmem>>
        %dma_start3A_144 = arith.constant 24 : i32
        %dma_start3A_145 = tpu.memref_slice %arg3[%dma_start3A_144, %mul3A_71] : memref<32x100000xf32, #tpu.memory_space<hbm>> -> memref<8x128xf32, #tpu.memory_space<hbm>>
        %dma_start3A_146 = arith.constant 56 : i32
        %dma_start3A_147 = arith.constant 0 : i32
        %dma_start3A_148 = tpu.memref_slice %arg8[%dma_start3A_146, %dma_start3A_147] : memref<128x128xf32, #tpu.memory_space<vmem>> -> memref<8x128xf32, #tpu.memory_space<vmem>>
        %dma_start3A_149 = arith.constant 24 : i32
        %dma_start3A_150 = tpu.memref_slice %arg3[%dma_start3A_149, %mul3A_71] : memref<32x100000xf32, #tpu.memory_space<hbm>> -> memref<8x128xf32, #tpu.memory_space<hbm>>
        tpu.enqueue_dma source(%dma_start3A_150 : memref<8x128xf32, #tpu.memory_space<hbm>>) target(%dma_start3A_148 : memref<8x128xf32, #tpu.memory_space<vmem>>) target_semaphore(%arg12 : memref<!tpu.dma_semaphore, #tpu.memory_space<semaphore_mem>>)
        %dma_start3A_151 = arith.constant 64 : i32
        %dma_start3A_152 = arith.constant 0 : i32
        %dma_start3A_153 = tpu.memref_slice %arg8[%dma_start3A_151, %dma_start3A_152] : memref<128x128xf32, #tpu.memory_space<vmem>> -> memref<8x128xf32, #tpu.memory_space<vmem>>
        %dma_start3A_154 = arith.constant 0 : i32
        %dma_start3A_155 = tpu.memref_slice %arg4[%dma_start3A_154, %mul3A_71] : memref<32x100000xf32, #tpu.memory_space<hbm>> -> memref<8x128xf32, #tpu.memory_space<hbm>>
        %dma_start3A_156 = arith.constant 64 : i32
        %dma_start3A_157 = arith.constant 0 : i32
        %dma_start3A_158 = tpu.memref_slice %arg8[%dma_start3A_156, %dma_start3A_157] : memref<128x128xf32, #tpu.memory_space<vmem>> -> memref<8x128xf32, #tpu.memory_space<vmem>>
        %dma_start3A_159 = arith.constant 0 : i32
        %dma_start3A_160 = tpu.memref_slice %arg4[%dma_start3A_159, %mul3A_71] : memref<32x100000xf32, #tpu.memory_space<hbm>> -> memref<8x128xf32, #tpu.memory_space<hbm>>
        tpu.enqueue_dma source(%dma_start3A_160 : memref<8x128xf32, #tpu.memory_space<hbm>>) target(%dma_start3A_158 : memref<8x128xf32, #tpu.memory_space<vmem>>) target_semaphore(%arg12 : memref<!tpu.dma_semaphore, #tpu.memory_space<semaphore_mem>>)
        %dma_start3A_161 = arith.constant 72 : i32
        %dma_start3A_162 = arith.constant 0 : i32
        %dma_start3A_163 = tpu.memref_slice %arg8[%dma_start3A_161, %dma_start3A_162] : memref<128x128xf32, #tpu.memory_space<vmem>> -> memref<8x128xf32, #tpu.memory_space<vmem>>
        %dma_start3A_164 = arith.constant 8 : i32
        %dma_start3A_165 = tpu.memref_slice %arg4[%dma_start3A_164, %mul3A_71] : memref<32x100000xf32, #tpu.memory_space<hbm>> -> memref<8x128xf32, #tpu.memory_space<hbm>>
        %dma_start3A_166 = arith.constant 72 : i32
        %dma_start3A_167 = arith.constant 0 : i32
        %dma_start3A_168 = tpu.memref_slice %arg8[%dma_start3A_166, %dma_start3A_167] : memref<128x128xf32, #tpu.memory_space<vmem>> -> memref<8x128xf32, #tpu.memory_space<vmem>>
        %dma_start3A_169 = arith.constant 8 : i32
        %dma_start3A_170 = tpu.memref_slice %arg4[%dma_start3A_169, %mul3A_71] : memref<32x100000xf32, #tpu.memory_space<hbm>> -> memref<8x128xf32, #tpu.memory_space<hbm>>
        tpu.enqueue_dma source(%dma_start3A_170 : memref<8x128xf32, #tpu.memory_space<hbm>>) target(%dma_start3A_168 : memref<8x128xf32, #tpu.memory_space<vmem>>) target_semaphore(%arg12 : memref<!tpu.dma_semaphore, #tpu.memory_space<semaphore_mem>>)
        %dma_start3A_171 = arith.constant 80 : i32
        %dma_start3A_172 = arith.constant 0 : i32
        %dma_start3A_173 = tpu.memref_slice %arg8[%dma_start3A_171, %dma_start3A_172] : memref<128x128xf32, #tpu.memory_space<vmem>> -> memref<8x128xf32, #tpu.memory_space<vmem>>
        %dma_start3A_174 = arith.constant 16 : i32
        %dma_start3A_175 = tpu.memref_slice %arg4[%dma_start3A_174, %mul3A_71] : memref<32x100000xf32, #tpu.memory_space<hbm>> -> memref<8x128xf32, #tpu.memory_space<hbm>>
        %dma_start3A_176 = arith.constant 80 : i32
        %dma_start3A_177 = arith.constant 0 : i32
        %dma_start3A_178 = tpu.memref_slice %arg8[%dma_start3A_176, %dma_start3A_177] : memref<128x128xf32, #tpu.memory_space<vmem>> -> memref<8x128xf32, #tpu.memory_space<vmem>>
        %dma_start3A_179 = arith.constant 16 : i32
        %dma_start3A_180 = tpu.memref_slice %arg4[%dma_start3A_179, %mul3A_71] : memref<32x100000xf32, #tpu.memory_space<hbm>> -> memref<8x128xf32, #tpu.memory_space<hbm>>
        tpu.enqueue_dma source(%dma_start3A_180 : memref<8x128xf32, #tpu.memory_space<hbm>>) target(%dma_start3A_178 : memref<8x128xf32, #tpu.memory_space<vmem>>) target_semaphore(%arg12 : memref<!tpu.dma_semaphore, #tpu.memory_space<semaphore_mem>>)
        %dma_start3A_181 = arith.constant 88 : i32
        %dma_start3A_182 = arith.constant 0 : i32
        %dma_start3A_183 = tpu.memref_slice %arg8[%dma_start3A_181, %dma_start3A_182] : memref<128x128xf32, #tpu.memory_space<vmem>> -> memref<8x128xf32, #tpu.memory_space<vmem>>
        %dma_start3A_184 = arith.constant 24 : i32
        %dma_start3A_185 = tpu.memref_slice %arg4[%dma_start3A_184, %mul3A_71] : memref<32x100000xf32, #tpu.memory_space<hbm>> -> memref<8x128xf32, #tpu.memory_space<hbm>>
        %dma_start3A_186 = arith.constant 88 : i32
        %dma_start3A_187 = arith.constant 0 : i32
        %dma_start3A_188 = tpu.memref_slice %arg8[%dma_start3A_186, %dma_start3A_187] : memref<128x128xf32, #tpu.memory_space<vmem>> -> memref<8x128xf32, #tpu.memory_space<vmem>>
        %dma_start3A_189 = arith.constant 24 : i32
        %dma_start3A_190 = tpu.memref_slice %arg4[%dma_start3A_189, %mul3A_71] : memref<32x100000xf32, #tpu.memory_space<hbm>> -> memref<8x128xf32, #tpu.memory_space<hbm>>
        tpu.enqueue_dma source(%dma_start3A_190 : memref<8x128xf32, #tpu.memory_space<hbm>>) target(%dma_start3A_188 : memref<8x128xf32, #tpu.memory_space<vmem>>) target_semaphore(%arg12 : memref<!tpu.dma_semaphore, #tpu.memory_space<semaphore_mem>>)
        %dma_start3A_191 = arith.constant 96 : i32
        %dma_start3A_192 = arith.constant 0 : i32
        %dma_start3A_193 = tpu.memref_slice %arg8[%dma_start3A_191, %dma_start3A_192] : memref<128x128xf32, #tpu.memory_space<vmem>> -> memref<8x128xf32, #tpu.memory_space<vmem>>
        %dma_start3A_194 = arith.constant 0 : i32
        %dma_start3A_195 = tpu.memref_slice %arg5[%dma_start3A_194, %mul3A_71] : memref<32x100000xf32, #tpu.memory_space<hbm>> -> memref<8x128xf32, #tpu.memory_space<hbm>>
        %dma_start3A_196 = arith.constant 96 : i32
        %dma_start3A_197 = arith.constant 0 : i32
        %dma_start3A_198 = tpu.memref_slice %arg8[%dma_start3A_196, %dma_start3A_197] : memref<128x128xf32, #tpu.memory_space<vmem>> -> memref<8x128xf32, #tpu.memory_space<vmem>>
        %dma_start3A_199 = arith.constant 0 : i32
        %dma_start3A_200 = tpu.memref_slice %arg5[%dma_start3A_199, %mul3A_71] : memref<32x100000xf32, #tpu.memory_space<hbm>> -> memref<8x128xf32, #tpu.memory_space<hbm>>
        tpu.enqueue_dma source(%dma_start3A_200 : memref<8x128xf32, #tpu.memory_space<hbm>>) target(%dma_start3A_198 : memref<8x128xf32, #tpu.memory_space<vmem>>) target_semaphore(%arg12 : memref<!tpu.dma_semaphore, #tpu.memory_space<semaphore_mem>>)
        %dma_start3A_201 = arith.constant 104 : i32
        %dma_start3A_202 = arith.constant 0 : i32
        %dma_start3A_203 = tpu.memref_slice %arg8[%dma_start3A_201, %dma_start3A_202] : memref<128x128xf32, #tpu.memory_space<vmem>> -> memref<8x128xf32, #tpu.memory_space<vmem>>
        %dma_start3A_204 = arith.constant 8 : i32
        %dma_start3A_205 = tpu.memref_slice %arg5[%dma_start3A_204, %mul3A_71] : memref<32x100000xf32, #tpu.memory_space<hbm>> -> memref<8x128xf32, #tpu.memory_space<hbm>>
        %dma_start3A_206 = arith.constant 104 : i32
        %dma_start3A_207 = arith.constant 0 : i32
        %dma_start3A_208 = tpu.memref_slice %arg8[%dma_start3A_206, %dma_start3A_207] : memref<128x128xf32, #tpu.memory_space<vmem>> -> memref<8x128xf32, #tpu.memory_space<vmem>>
        %dma_start3A_209 = arith.constant 8 : i32
        %dma_start3A_210 = tpu.memref_slice %arg5[%dma_start3A_209, %mul3A_71] : memref<32x100000xf32, #tpu.memory_space<hbm>> -> memref<8x128xf32, #tpu.memory_space<hbm>>
        tpu.enqueue_dma source(%dma_start3A_210 : memref<8x128xf32, #tpu.memory_space<hbm>>) target(%dma_start3A_208 : memref<8x128xf32, #tpu.memory_space<vmem>>) target_semaphore(%arg12 : memref<!tpu.dma_semaphore, #tpu.memory_space<semaphore_mem>>)
        %dma_start3A_211 = arith.constant 112 : i32
        %dma_start3A_212 = arith.constant 0 : i32
        %dma_start3A_213 = tpu.memref_slice %arg8[%dma_start3A_211, %dma_start3A_212] : memref<128x128xf32, #tpu.memory_space<vmem>> -> memref<8x128xf32, #tpu.memory_space<vmem>>
        %dma_start3A_214 = arith.constant 16 : i32
        %dma_start3A_215 = tpu.memref_slice %arg5[%dma_start3A_214, %mul3A_71] : memref<32x100000xf32, #tpu.memory_space<hbm>> -> memref<8x128xf32, #tpu.memory_space<hbm>>
        %dma_start3A_216 = arith.constant 112 : i32
        %dma_start3A_217 = arith.constant 0 : i32
        %dma_start3A_218 = tpu.memref_slice %arg8[%dma_start3A_216, %dma_start3A_217] : memref<128x128xf32, #tpu.memory_space<vmem>> -> memref<8x128xf32, #tpu.memory_space<vmem>>
        %dma_start3A_219 = arith.constant 16 : i32
        %dma_start3A_220 = tpu.memref_slice %arg5[%dma_start3A_219, %mul3A_71] : memref<32x100000xf32, #tpu.memory_space<hbm>> -> memref<8x128xf32, #tpu.memory_space<hbm>>
        tpu.enqueue_dma source(%dma_start3A_220 : memref<8x128xf32, #tpu.memory_space<hbm>>) target(%dma_start3A_218 : memref<8x128xf32, #tpu.memory_space<vmem>>) target_semaphore(%arg12 : memref<!tpu.dma_semaphore, #tpu.memory_space<semaphore_mem>>)
        %dma_start3A_221 = arith.constant 120 : i32
        %dma_start3A_222 = arith.constant 0 : i32
        %dma_start3A_223 = tpu.memref_slice %arg8[%dma_start3A_221, %dma_start3A_222] : memref<128x128xf32, #tpu.memory_space<vmem>> -> memref<8x128xf32, #tpu.memory_space<vmem>>
        %dma_start3A_224 = arith.constant 24 : i32
        %dma_start3A_225 = tpu.memref_slice %arg5[%dma_start3A_224, %mul3A_71] : memref<32x100000xf32, #tpu.memory_space<hbm>> -> memref<8x128xf32, #tpu.memory_space<hbm>>
        %dma_start3A_226 = arith.constant 120 : i32
        %dma_start3A_227 = arith.constant 0 : i32
        %dma_start3A_228 = tpu.memref_slice %arg8[%dma_start3A_226, %dma_start3A_227] : memref<128x128xf32, #tpu.memory_space<vmem>> -> memref<8x128xf32, #tpu.memory_space<vmem>>
        %dma_start3A_229 = arith.constant 24 : i32
        %dma_start3A_230 = tpu.memref_slice %arg5[%dma_start3A_229, %mul3A_71] : memref<32x100000xf32, #tpu.memory_space<hbm>> -> memref<8x128xf32, #tpu.memory_space<hbm>>
        tpu.enqueue_dma source(%dma_start3A_230 : memref<8x128xf32, #tpu.memory_space<hbm>>) target(%dma_start3A_228 : memref<8x128xf32, #tpu.memory_space<vmem>>) target_semaphore(%arg12 : memref<!tpu.dma_semaphore, #tpu.memory_space<semaphore_mem>>)
      } else {
      }
    }
    %scan3A_14 = arith.constant 13 : i32
    %add3A_15 = arith.constant 768 : i32
    %add3A_16 = arith.addi %add3A, %add3A_15 : i32
    %lt3A_17 = arith.constant 782 : i32
    %lt3A_18 = arith.cmpi slt, %add3A_16, %lt3A_17 : i32
    %convert_element_type3A_19 = arith.extui %lt3A_18 : i1 to i32
    %cond3A_20 = arith.constant 0 : i32
    %cond3A_21 = arith.cmpi ne, %convert_element_type3A_19, %cond3A_20 : i32
    scf.if %cond3A_21 {
      %mul3A_29 = arith.constant 128 : i32
      %mul3A_30 = arith.muli %add3A_16, %mul3A_29 : i32
      %dma_wait3A = arith.constant 0 : i32
      %dma_wait3A_31 = tpu.memref_slice %arg6[%mul3A_30, %dma_wait3A] : memref<100096x128xf32, #tpu.memory_space<hbm>> -> memref<128x128xf32, #tpu.memory_space<hbm>>
      %dma_wait3A_32 = arith.constant 0 : i32
      %dma_wait3A_33 = tpu.memref_slice %arg6[%mul3A_30, %dma_wait3A_32] : memref<100096x128xf32, #tpu.memory_space<hbm>> -> memref<128x128xf32, #tpu.memory_space<hbm>>
      tpu.wait_dma2 semaphore(%arg13 : memref<!tpu.dma_semaphore, #tpu.memory_space<semaphore_mem>>) src(%arg9 : memref<128x128xf32, #tpu.memory_space<vmem>>) dst(%dma_wait3A_33 : memref<128x128xf32, #tpu.memory_space<hbm>>)
    } else {
    }
    %add3A_22 = arith.constant 736 : i32
    %add3A_23 = arith.addi %add3A, %add3A_22 : i32
    %lt3A_24 = arith.constant 782 : i32
    %lt3A_25 = arith.cmpi slt, %add3A_23, %lt3A_24 : i32
    %convert_element_type3A_26 = arith.extui %lt3A_25 : i1 to i32
    %cond3A_27 = arith.constant 0 : i32
    %cond3A_28 = arith.cmpi ne, %convert_element_type3A_26, %cond3A_27 : i32
    scf.if %cond3A_28 {
      %mul3A_29 = arith.constant 128 : i32
      %mul3A_30 = arith.muli %add3A_23, %mul3A_29 : i32
      %dma_wait3A = arith.constant 0 : i32
      %dma_wait3A_31 = tpu.memref_slice %arg6[%mul3A_30, %dma_wait3A] : memref<100096x128xf32, #tpu.memory_space<hbm>> -> memref<128x128xf32, #tpu.memory_space<hbm>>
      %dma_wait3A_32 = arith.constant 0 : i32
      %dma_wait3A_33 = tpu.memref_slice %arg6[%mul3A_30, %dma_wait3A_32] : memref<100096x128xf32, #tpu.memory_space<hbm>> -> memref<128x128xf32, #tpu.memory_space<hbm>>
      tpu.wait_dma2 semaphore(%arg14 : memref<!tpu.dma_semaphore, #tpu.memory_space<semaphore_mem>>) src(%arg10 : memref<128x128xf32, #tpu.memory_space<vmem>>) dst(%dma_wait3A_33 : memref<128x128xf32, #tpu.memory_space<hbm>>)
    } else {
    }
    return
  }
}

#map = affine_map<(d0, d1) -> (0)>
#map1 = affine_map<(d0, d1) -> (0, 0)>
module attributes {stable_mosaic.version = 14 : i64} {
  func.func @_hetero_gather(%arg0: i32, %arg1: i32, %arg2: memref<425984xi32, #tpu.memory_space<hbm>>, %arg3: memref<425984xi32, #tpu.memory_space<hbm>>, %arg4: memref<100096x128xf32, #tpu.memory_space<hbm>>, %arg5: memref<32x425984xf32, #tpu.memory_space<hbm>>, %arg6: memref<256xi32, #tpu.memory_space<vmem>>, %arg7: memref<256xi32, #tpu.memory_space<vmem>>, %arg8: memref<256xi32, #tpu.memory_space<vmem>>, %arg9: memref<256xi32, #tpu.memory_space<vmem>>, %arg10: memref<256x128xf32, #tpu.memory_space<vmem>>, %arg11: memref<256x128xf32, #tpu.memory_space<vmem>>, %arg12: memref<32x256xf32, #tpu.memory_space<vmem>>, %arg13: memref<32x256xf32, #tpu.memory_space<vmem>>, %arg14: memref<!tpu.dma_semaphore, #tpu.memory_space<semaphore_mem>>, %arg15: memref<!tpu.dma_semaphore, #tpu.memory_space<semaphore_mem>>, %arg16: memref<!tpu.dma_semaphore, #tpu.memory_space<semaphore_mem>>, %arg17: memref<!tpu.dma_semaphore, #tpu.memory_space<semaphore_mem>>, %arg18: memref<!tpu.dma_semaphore, #tpu.memory_space<semaphore_mem>>, %arg19: memref<!tpu.dma_semaphore, #tpu.memory_space<semaphore_mem>>) attributes {dimension_semantics = [#tpu.dimension_semantics<core_parallel>, #tpu.dimension_semantics<subcore_parallel>], iteration_bounds = array<i64: 2, 16>, scalar_prefetch = 0 : i64, scratch_operands = 14 : i64, tpu.core_type = #tpu.core_type<sc_vector_subcore>, window_params = [{transform_indices = #map}, {transform_indices = #map}, {transform_indices = #map1}, {transform_indices = #map1}]} {
    %mul3A = arith.constant 2 : i32
    %mul3A_0 = arith.muli %arg1, %mul3A : i32
    %add3A = arith.addi %mul3A_0, %arg0 : i32
    %mul3A_1 = arith.constant 13312 : i32
    %mul3A_2 = arith.muli %add3A, %mul3A_1 : i32
    %iota3A = tpu.iota {dimensions = array<i32: 0>} : vector<16xi32>
    %add3A_3 = arith.constant 0 : i32
    %add3A_4 = arith.addi %mul3A_2, %add3A_3 : i32
    %dma_start3A = tpu.memref_slice %arg2[%add3A_4] : memref<425984xi32, #tpu.memory_space<hbm>> -> memref<256xi32, #tpu.memory_space<hbm>>
    %dma_start3A_5 = tpu.memref_slice %arg2[%add3A_4] : memref<425984xi32, #tpu.memory_space<hbm>> -> memref<256xi32, #tpu.memory_space<hbm>>
    tpu.enqueue_dma source(%dma_start3A_5 : memref<256xi32, #tpu.memory_space<hbm>>) target(%arg6 : memref<256xi32, #tpu.memory_space<vmem>>) target_semaphore(%arg14 : memref<!tpu.dma_semaphore, #tpu.memory_space<semaphore_mem>>)
    %dma_start3A_6 = tpu.memref_slice %arg3[%add3A_4] : memref<425984xi32, #tpu.memory_space<hbm>> -> memref<256xi32, #tpu.memory_space<hbm>>
    %dma_start3A_7 = tpu.memref_slice %arg3[%add3A_4] : memref<425984xi32, #tpu.memory_space<hbm>> -> memref<256xi32, #tpu.memory_space<hbm>>
    tpu.enqueue_dma source(%dma_start3A_7 : memref<256xi32, #tpu.memory_space<hbm>>) target(%arg8 : memref<256xi32, #tpu.memory_space<vmem>>) target_semaphore(%arg14 : memref<!tpu.dma_semaphore, #tpu.memory_space<semaphore_mem>>)
    %add3A_8 = arith.constant 256 : i32
    %add3A_9 = arith.addi %mul3A_2, %add3A_8 : i32
    %dma_start3A_10 = tpu.memref_slice %arg2[%add3A_9] : memref<425984xi32, #tpu.memory_space<hbm>> -> memref<256xi32, #tpu.memory_space<hbm>>
    %dma_start3A_11 = tpu.memref_slice %arg2[%add3A_9] : memref<425984xi32, #tpu.memory_space<hbm>> -> memref<256xi32, #tpu.memory_space<hbm>>
    tpu.enqueue_dma source(%dma_start3A_11 : memref<256xi32, #tpu.memory_space<hbm>>) target(%arg7 : memref<256xi32, #tpu.memory_space<vmem>>) target_semaphore(%arg15 : memref<!tpu.dma_semaphore, #tpu.memory_space<semaphore_mem>>)
    %dma_start3A_12 = tpu.memref_slice %arg3[%add3A_9] : memref<425984xi32, #tpu.memory_space<hbm>> -> memref<256xi32, #tpu.memory_space<hbm>>
    %dma_start3A_13 = tpu.memref_slice %arg3[%add3A_9] : memref<425984xi32, #tpu.memory_space<hbm>> -> memref<256xi32, #tpu.memory_space<hbm>>
    tpu.enqueue_dma source(%dma_start3A_13 : memref<256xi32, #tpu.memory_space<hbm>>) target(%arg9 : memref<256xi32, #tpu.memory_space<vmem>>) target_semaphore(%arg15 : memref<!tpu.dma_semaphore, #tpu.memory_space<semaphore_mem>>)
    %add3A_14 = arith.constant 0 : i32
    %add3A_15 = arith.addi %mul3A_2, %add3A_14 : i32
    %dma_wait3A = tpu.memref_slice %arg2[%add3A_15] : memref<425984xi32, #tpu.memory_space<hbm>> -> memref<256xi32, #tpu.memory_space<hbm>>
    %dma_wait3A_16 = tpu.memref_slice %arg2[%add3A_15] : memref<425984xi32, #tpu.memory_space<hbm>> -> memref<256xi32, #tpu.memory_space<hbm>>
    tpu.wait_dma2 semaphore(%arg14 : memref<!tpu.dma_semaphore, #tpu.memory_space<semaphore_mem>>) src(%dma_wait3A_16 : memref<256xi32, #tpu.memory_space<hbm>>) dst(%arg6 : memref<256xi32, #tpu.memory_space<vmem>>)
    %dma_wait3A_17 = tpu.memref_slice %arg3[%add3A_15] : memref<425984xi32, #tpu.memory_space<hbm>> -> memref<256xi32, #tpu.memory_space<hbm>>
    %dma_wait3A_18 = tpu.memref_slice %arg3[%add3A_15] : memref<425984xi32, #tpu.memory_space<hbm>> -> memref<256xi32, #tpu.memory_space<hbm>>
    tpu.wait_dma2 semaphore(%arg14 : memref<!tpu.dma_semaphore, #tpu.memory_space<semaphore_mem>>) src(%dma_wait3A_18 : memref<256xi32, #tpu.memory_space<hbm>>) dst(%arg8 : memref<256xi32, #tpu.memory_space<vmem>>)
    %dma_start3A_19 = arith.constant 0 : i32
    %dma_start3A_20 = arith.constant 0 : i32
    %dma_start3A_21 = tpu.memref_slice %arg4[%dma_start3A_19, %dma_start3A_20] : memref<100096x128xf32, #tpu.memory_space<hbm>> -> memref<100096x128xf32, #tpu.memory_space<hbm>>
    tpu.enqueue_indirect_dma source(%dma_start3A_21 : memref<100096x128xf32, #tpu.memory_space<hbm>>) target(%arg10 : memref<256x128xf32, #tpu.memory_space<vmem>>) offsets(%arg6 : memref<256xi32, #tpu.memory_space<vmem>>) semaphore(%arg16 : memref<!tpu.dma_semaphore, #tpu.memory_space<semaphore_mem>>)
    %scan3A = arith.constant 0 : i32
    %scan3A_22 = arith.constant 0 : i32
    %scan3A_23 = arith.constant 26 : i32
    %scan3A_24 = arith.addi %scan3A_22, %scan3A_23 : i32
    %scan3A_25 = arith.constant 1 : i32
    scf.for %scan3A_39 = %scan3A_22 to %scan3A_24 step %scan3A_25  : i32 {
      %mul3A_40 = arith.constant 2 : i32
      %mul3A_41 = arith.muli %scan3A_39, %mul3A_40 : i32
      %add3A_42 = arith.constant 0 : i32
      %add3A_43 = arith.addi %mul3A_41, %add3A_42 : i32
      %add3A_44 = arith.constant 1 : i32
      %add3A_45 = arith.addi %add3A_43, %add3A_44 : i32
      %lt3A = arith.constant 52 : i32
      %lt3A_46 = arith.cmpi slt, %add3A_45, %lt3A : i32
      %convert_element_type3A = arith.extui %lt3A_46 : i1 to i32
      %cond3A = arith.constant 0 : i32
      %cond3A_47 = arith.cmpi ne, %convert_element_type3A, %cond3A : i32
      scf.if %cond3A_47 {
        %add3A_114 = arith.constant 1 : i32
        %add3A_115 = arith.addi %add3A_43, %add3A_114 : i32
        %mul3A_116 = arith.constant 256 : i32
        %mul3A_117 = arith.muli %add3A_115, %mul3A_116 : i32
        %add3A_118 = arith.addi %mul3A_2, %mul3A_117 : i32
        %dma_wait3A_119 = tpu.memref_slice %arg2[%add3A_118] : memref<425984xi32, #tpu.memory_space<hbm>> -> memref<256xi32, #tpu.memory_space<hbm>>
        %dma_wait3A_120 = tpu.memref_slice %arg2[%add3A_118] : memref<425984xi32, #tpu.memory_space<hbm>> -> memref<256xi32, #tpu.memory_space<hbm>>
        tpu.wait_dma2 semaphore(%arg15 : memref<!tpu.dma_semaphore, #tpu.memory_space<semaphore_mem>>) src(%dma_wait3A_120 : memref<256xi32, #tpu.memory_space<hbm>>) dst(%arg7 : memref<256xi32, #tpu.memory_space<vmem>>)
        %dma_wait3A_121 = tpu.memref_slice %arg3[%add3A_118] : memref<425984xi32, #tpu.memory_space<hbm>> -> memref<256xi32, #tpu.memory_space<hbm>>
        %dma_wait3A_122 = tpu.memref_slice %arg3[%add3A_118] : memref<425984xi32, #tpu.memory_space<hbm>> -> memref<256xi32, #tpu.memory_space<hbm>>
        tpu.wait_dma2 semaphore(%arg15 : memref<!tpu.dma_semaphore, #tpu.memory_space<semaphore_mem>>) src(%dma_wait3A_122 : memref<256xi32, #tpu.memory_space<hbm>>) dst(%arg9 : memref<256xi32, #tpu.memory_space<vmem>>)
        %dma_start3A_123 = arith.constant 0 : i32
        %dma_start3A_124 = arith.constant 0 : i32
        %dma_start3A_125 = tpu.memref_slice %arg4[%dma_start3A_123, %dma_start3A_124] : memref<100096x128xf32, #tpu.memory_space<hbm>> -> memref<100096x128xf32, #tpu.memory_space<hbm>>
        tpu.enqueue_indirect_dma source(%dma_start3A_125 : memref<100096x128xf32, #tpu.memory_space<hbm>>) target(%arg11 : memref<256x128xf32, #tpu.memory_space<vmem>>) offsets(%arg7 : memref<256xi32, #tpu.memory_space<vmem>>) semaphore(%arg17 : memref<!tpu.dma_semaphore, #tpu.memory_space<semaphore_mem>>)
      } else {
      }
      %dma_wait3A_48 = arith.constant 0 : i32
      %dma_wait3A_49 = arith.constant 0 : i32
      %dma_wait3A_50 = tpu.memref_slice %arg4[%dma_wait3A_48, %dma_wait3A_49] : memref<100096x128xf32, #tpu.memory_space<hbm>> -> memref<100096x128xf32, #tpu.memory_space<hbm>>
      tpu.wait_indirect_dma semaphore(%arg16 : memref<!tpu.dma_semaphore, #tpu.memory_space<semaphore_mem>>) src(%dma_wait3A_50 : memref<100096x128xf32, #tpu.memory_space<hbm>>) dst(%arg10 : memref<256x128xf32, #tpu.memory_space<vmem>>)
      %ge3A = arith.constant 2 : i32
      %ge3A_51 = arith.cmpi sge, %add3A_43, %ge3A : i32
      %convert_element_type3A_52 = arith.extui %ge3A_51 : i1 to i32
      %cond3A_53 = arith.constant 0 : i32
      %cond3A_54 = arith.cmpi ne, %convert_element_type3A_52, %cond3A_53 : i32
      scf.if %cond3A_54 {
        %sub3A = arith.constant 2 : i32
        %sub3A_114 = arith.subi %add3A_43, %sub3A : i32
        %mul3A_115 = arith.constant 256 : i32
        %mul3A_116 = arith.muli %sub3A_114, %mul3A_115 : i32
        %add3A_117 = arith.addi %mul3A_2, %mul3A_116 : i32
        %dma_wait3A_118 = arith.constant 0 : i32
        %dma_wait3A_119 = tpu.memref_slice %arg5[%dma_wait3A_118, %add3A_117] : memref<32x425984xf32, #tpu.memory_space<hbm>> -> memref<32x256xf32, #tpu.memory_space<hbm>>
        %dma_wait3A_120 = arith.constant 0 : i32
        %dma_wait3A_121 = tpu.memref_slice %arg5[%dma_wait3A_120, %add3A_117] : memref<32x425984xf32, #tpu.memory_space<hbm>> -> memref<32x256xf32, #tpu.memory_space<hbm>>
        tpu.wait_dma2 semaphore(%arg18 : memref<!tpu.dma_semaphore, #tpu.memory_space<semaphore_mem>>) src(%arg12 : memref<32x256xf32, #tpu.memory_space<vmem>>) dst(%dma_wait3A_121 : memref<32x256xf32, #tpu.memory_space<hbm>>)
      } else {
      }
      %scan3A_55 = arith.constant 0 : i32
      %scan3A_56 = arith.constant 0 : i32
      %scan3A_57 = arith.constant 16 : i32
      %scan3A_58 = arith.addi %scan3A_56, %scan3A_57 : i32
      %scan3A_59 = arith.constant 1 : i32
      scf.for %scan3A_114 = %scan3A_56 to %scan3A_58 step %scan3A_59  : i32 {
        %mul3A_115 = arith.constant 16 : i32
        %mul3A_116 = arith.muli %scan3A_114, %mul3A_115 : i32
        %add3A_117 = vector.broadcast %mul3A_116 : i32 to vector<16xi32>
        %add3A_118 = arith.addi %add3A_117, %iota3A : vector<16xi32>
        %get3A = arith.index_cast %mul3A_116 : i32 to index
        %get3A_119 = tpu.vector_load %arg8[%get3A] {strides = array<i32>} : memref<256xi32, #tpu.memory_space<vmem>>, vector<16xi32>,
        %mul3A_120 = arith.constant 32 : i32
        %mul3A_121 = vector.broadcast %mul3A_120 : i32 to vector<16xi32>
        %mul3A_122 = arith.muli %get3A_119, %mul3A_121 : vector<16xi32>
        %add3A_123 = arith.constant 0 : i32
        %add3A_124 = vector.broadcast %add3A_123 : i32 to vector<16xi32>
        %add3A_125 = arith.addi %mul3A_122, %add3A_124 : vector<16xi32>
        %add3A_126 = arith.constant 0 : i32
        %add3A_127 = vector.broadcast %add3A_126 : i32 to vector<16xi32>
        %add3A_128 = arith.addi %iota3A, %add3A_127 : vector<16xi32>
        %and3A = arith.constant 15 : i32
        %and3A_129 = vector.broadcast %and3A : i32 to vector<16xi32>
        %and3A_130 = arith.andi %add3A_128, %and3A_129 : vector<16xi32>
        %add3A_131 = arith.addi %add3A_125, %and3A_130 : vector<16xi32>
        %gather3A = tpu.vector_load_idx %arg10[%add3A_118, %add3A_131] : memref<256x128xf32, #tpu.memory_space<vmem>>[vector<16xi32>, vector<16xi32>], vector<16xf32>,
        %add3A_132 = arith.constant 0 : i32
        %add3A_133 = vector.broadcast %add3A_132 : i32 to vector<16xi32>
        %add3A_134 = arith.addi %add3A_133, %and3A_130 : vector<16xi32>
        tpu.vector_store_idx %arg12[%add3A_134, %add3A_118], %gather3A : memref<32x256xf32, #tpu.memory_space<vmem>>[vector<16xi32>, vector<16xi32>], vector<16xf32>,
        %add3A_135 = arith.constant 1 : i32
        %add3A_136 = vector.broadcast %add3A_135 : i32 to vector<16xi32>
        %add3A_137 = arith.addi %iota3A, %add3A_136 : vector<16xi32>
        %and3A_138 = arith.constant 15 : i32
        %and3A_139 = vector.broadcast %and3A_138 : i32 to vector<16xi32>
        %and3A_140 = arith.andi %add3A_137, %and3A_139 : vector<16xi32>
        %add3A_141 = arith.addi %add3A_125, %and3A_140 : vector<16xi32>
        %gather3A_142 = tpu.vector_load_idx %arg10[%add3A_118, %add3A_141] : memref<256x128xf32, #tpu.memory_space<vmem>>[vector<16xi32>, vector<16xi32>], vector<16xf32>,
        %add3A_143 = arith.constant 0 : i32
        %add3A_144 = vector.broadcast %add3A_143 : i32 to vector<16xi32>
        %add3A_145 = arith.addi %add3A_144, %and3A_140 : vector<16xi32>
        tpu.vector_store_idx %arg12[%add3A_145, %add3A_118], %gather3A_142 : memref<32x256xf32, #tpu.memory_space<vmem>>[vector<16xi32>, vector<16xi32>], vector<16xf32>,
        %add3A_146 = arith.constant 2 : i32
        %add3A_147 = vector.broadcast %add3A_146 : i32 to vector<16xi32>
        %add3A_148 = arith.addi %iota3A, %add3A_147 : vector<16xi32>
        %and3A_149 = arith.constant 15 : i32
        %and3A_150 = vector.broadcast %and3A_149 : i32 to vector<16xi32>
        %and3A_151 = arith.andi %add3A_148, %and3A_150 : vector<16xi32>
        %add3A_152 = arith.addi %add3A_125, %and3A_151 : vector<16xi32>
        %gather3A_153 = tpu.vector_load_idx %arg10[%add3A_118, %add3A_152] : memref<256x128xf32, #tpu.memory_space<vmem>>[vector<16xi32>, vector<16xi32>], vector<16xf32>,
        %add3A_154 = arith.constant 0 : i32
        %add3A_155 = vector.broadcast %add3A_154 : i32 to vector<16xi32>
        %add3A_156 = arith.addi %add3A_155, %and3A_151 : vector<16xi32>
        tpu.vector_store_idx %arg12[%add3A_156, %add3A_118], %gather3A_153 : memref<32x256xf32, #tpu.memory_space<vmem>>[vector<16xi32>, vector<16xi32>], vector<16xf32>,
        %add3A_157 = arith.constant 3 : i32
        %add3A_158 = vector.broadcast %add3A_157 : i32 to vector<16xi32>
        %add3A_159 = arith.addi %iota3A, %add3A_158 : vector<16xi32>
        %and3A_160 = arith.constant 15 : i32
        %and3A_161 = vector.broadcast %and3A_160 : i32 to vector<16xi32>
        %and3A_162 = arith.andi %add3A_159, %and3A_161 : vector<16xi32>
        %add3A_163 = arith.addi %add3A_125, %and3A_162 : vector<16xi32>
        %gather3A_164 = tpu.vector_load_idx %arg10[%add3A_118, %add3A_163] : memref<256x128xf32, #tpu.memory_space<vmem>>[vector<16xi32>, vector<16xi32>], vector<16xf32>,
        %add3A_165 = arith.constant 0 : i32
        %add3A_166 = vector.broadcast %add3A_165 : i32 to vector<16xi32>
        %add3A_167 = arith.addi %add3A_166, %and3A_162 : vector<16xi32>
        tpu.vector_store_idx %arg12[%add3A_167, %add3A_118], %gather3A_164 : memref<32x256xf32, #tpu.memory_space<vmem>>[vector<16xi32>, vector<16xi32>], vector<16xf32>,
        %add3A_168 = arith.constant 4 : i32
        %add3A_169 = vector.broadcast %add3A_168 : i32 to vector<16xi32>
        %add3A_170 = arith.addi %iota3A, %add3A_169 : vector<16xi32>
        %and3A_171 = arith.constant 15 : i32
        %and3A_172 = vector.broadcast %and3A_171 : i32 to vector<16xi32>
        %and3A_173 = arith.andi %add3A_170, %and3A_172 : vector<16xi32>
        %add3A_174 = arith.addi %add3A_125, %and3A_173 : vector<16xi32>
        %gather3A_175 = tpu.vector_load_idx %arg10[%add3A_118, %add3A_174] : memref<256x128xf32, #tpu.memory_space<vmem>>[vector<16xi32>, vector<16xi32>], vector<16xf32>,
        %add3A_176 = arith.constant 0 : i32
        %add3A_177 = vector.broadcast %add3A_176 : i32 to vector<16xi32>
        %add3A_178 = arith.addi %add3A_177, %and3A_173 : vector<16xi32>
        tpu.vector_store_idx %arg12[%add3A_178, %add3A_118], %gather3A_175 : memref<32x256xf32, #tpu.memory_space<vmem>>[vector<16xi32>, vector<16xi32>], vector<16xf32>,
        %add3A_179 = arith.constant 5 : i32
        %add3A_180 = vector.broadcast %add3A_179 : i32 to vector<16xi32>
        %add3A_181 = arith.addi %iota3A, %add3A_180 : vector<16xi32>
        %and3A_182 = arith.constant 15 : i32
        %and3A_183 = vector.broadcast %and3A_182 : i32 to vector<16xi32>
        %and3A_184 = arith.andi %add3A_181, %and3A_183 : vector<16xi32>
        %add3A_185 = arith.addi %add3A_125, %and3A_184 : vector<16xi32>
        %gather3A_186 = tpu.vector_load_idx %arg10[%add3A_118, %add3A_185] : memref<256x128xf32, #tpu.memory_space<vmem>>[vector<16xi32>, vector<16xi32>], vector<16xf32>,
        %add3A_187 = arith.constant 0 : i32
        %add3A_188 = vector.broadcast %add3A_187 : i32 to vector<16xi32>
        %add3A_189 = arith.addi %add3A_188, %and3A_184 : vector<16xi32>
        tpu.vector_store_idx %arg12[%add3A_189, %add3A_118], %gather3A_186 : memref<32x256xf32, #tpu.memory_space<vmem>>[vector<16xi32>, vector<16xi32>], vector<16xf32>,
        %add3A_190 = arith.constant 6 : i32
        %add3A_191 = vector.broadcast %add3A_190 : i32 to vector<16xi32>
        %add3A_192 = arith.addi %iota3A, %add3A_191 : vector<16xi32>
        %and3A_193 = arith.constant 15 : i32
        %and3A_194 = vector.broadcast %and3A_193 : i32 to vector<16xi32>
        %and3A_195 = arith.andi %add3A_192, %and3A_194 : vector<16xi32>
        %add3A_196 = arith.addi %add3A_125, %and3A_195 : vector<16xi32>
        %gather3A_197 = tpu.vector_load_idx %arg10[%add3A_118, %add3A_196] : memref<256x128xf32, #tpu.memory_space<vmem>>[vector<16xi32>, vector<16xi32>], vector<16xf32>,
        %add3A_198 = arith.constant 0 : i32
        %add3A_199 = vector.broadcast %add3A_198 : i32 to vector<16xi32>
        %add3A_200 = arith.addi %add3A_199, %and3A_195 : vector<16xi32>
        tpu.vector_store_idx %arg12[%add3A_200, %add3A_118], %gather3A_197 : memref<32x256xf32, #tpu.memory_space<vmem>>[vector<16xi32>, vector<16xi32>], vector<16xf32>,
        %add3A_201 = arith.constant 7 : i32
        %add3A_202 = vector.broadcast %add3A_201 : i32 to vector<16xi32>
        %add3A_203 = arith.addi %iota3A, %add3A_202 : vector<16xi32>
        %and3A_204 = arith.constant 15 : i32
        %and3A_205 = vector.broadcast %and3A_204 : i32 to vector<16xi32>
        %and3A_206 = arith.andi %add3A_203, %and3A_205 : vector<16xi32>
        %add3A_207 = arith.addi %add3A_125, %and3A_206 : vector<16xi32>
        %gather3A_208 = tpu.vector_load_idx %arg10[%add3A_118, %add3A_207] : memref<256x128xf32, #tpu.memory_space<vmem>>[vector<16xi32>, vector<16xi32>], vector<16xf32>,
        %add3A_209 = arith.constant 0 : i32
        %add3A_210 = vector.broadcast %add3A_209 : i32 to vector<16xi32>
        %add3A_211 = arith.addi %add3A_210, %and3A_206 : vector<16xi32>
        tpu.vector_store_idx %arg12[%add3A_211, %add3A_118], %gather3A_208 : memref<32x256xf32, #tpu.memory_space<vmem>>[vector<16xi32>, vector<16xi32>], vector<16xf32>,
        %add3A_212 = arith.constant 8 : i32
        %add3A_213 = vector.broadcast %add3A_212 : i32 to vector<16xi32>
        %add3A_214 = arith.addi %iota3A, %add3A_213 : vector<16xi32>
        %and3A_215 = arith.constant 15 : i32
        %and3A_216 = vector.broadcast %and3A_215 : i32 to vector<16xi32>
        %and3A_217 = arith.andi %add3A_214, %and3A_216 : vector<16xi32>
        %add3A_218 = arith.addi %add3A_125, %and3A_217 : vector<16xi32>
        %gather3A_219 = tpu.vector_load_idx %arg10[%add3A_118, %add3A_218] : memref<256x128xf32, #tpu.memory_space<vmem>>[vector<16xi32>, vector<16xi32>], vector<16xf32>,
        %add3A_220 = arith.constant 0 : i32
        %add3A_221 = vector.broadcast %add3A_220 : i32 to vector<16xi32>
        %add3A_222 = arith.addi %add3A_221, %and3A_217 : vector<16xi32>
        tpu.vector_store_idx %arg12[%add3A_222, %add3A_118], %gather3A_219 : memref<32x256xf32, #tpu.memory_space<vmem>>[vector<16xi32>, vector<16xi32>], vector<16xf32>,
        %add3A_223 = arith.constant 9 : i32
        %add3A_224 = vector.broadcast %add3A_223 : i32 to vector<16xi32>
        %add3A_225 = arith.addi %iota3A, %add3A_224 : vector<16xi32>
        %and3A_226 = arith.constant 15 : i32
        %and3A_227 = vector.broadcast %and3A_226 : i32 to vector<16xi32>
        %and3A_228 = arith.andi %add3A_225, %and3A_227 : vector<16xi32>
        %add3A_229 = arith.addi %add3A_125, %and3A_228 : vector<16xi32>
        %gather3A_230 = tpu.vector_load_idx %arg10[%add3A_118, %add3A_229] : memref<256x128xf32, #tpu.memory_space<vmem>>[vector<16xi32>, vector<16xi32>], vector<16xf32>,
        %add3A_231 = arith.constant 0 : i32
        %add3A_232 = vector.broadcast %add3A_231 : i32 to vector<16xi32>
        %add3A_233 = arith.addi %add3A_232, %and3A_228 : vector<16xi32>
        tpu.vector_store_idx %arg12[%add3A_233, %add3A_118], %gather3A_230 : memref<32x256xf32, #tpu.memory_space<vmem>>[vector<16xi32>, vector<16xi32>], vector<16xf32>,
        %add3A_234 = arith.constant 10 : i32
        %add3A_235 = vector.broadcast %add3A_234 : i32 to vector<16xi32>
        %add3A_236 = arith.addi %iota3A, %add3A_235 : vector<16xi32>
        %and3A_237 = arith.constant 15 : i32
        %and3A_238 = vector.broadcast %and3A_237 : i32 to vector<16xi32>
        %and3A_239 = arith.andi %add3A_236, %and3A_238 : vector<16xi32>
        %add3A_240 = arith.addi %add3A_125, %and3A_239 : vector<16xi32>
        %gather3A_241 = tpu.vector_load_idx %arg10[%add3A_118, %add3A_240] : memref<256x128xf32, #tpu.memory_space<vmem>>[vector<16xi32>, vector<16xi32>], vector<16xf32>,
        %add3A_242 = arith.constant 0 : i32
        %add3A_243 = vector.broadcast %add3A_242 : i32 to vector<16xi32>
        %add3A_244 = arith.addi %add3A_243, %and3A_239 : vector<16xi32>
        tpu.vector_store_idx %arg12[%add3A_244, %add3A_118], %gather3A_241 : memref<32x256xf32, #tpu.memory_space<vmem>>[vector<16xi32>, vector<16xi32>], vector<16xf32>,
        %add3A_245 = arith.constant 11 : i32
        %add3A_246 = vector.broadcast %add3A_245 : i32 to vector<16xi32>
        %add3A_247 = arith.addi %iota3A, %add3A_246 : vector<16xi32>
        %and3A_248 = arith.constant 15 : i32
        %and3A_249 = vector.broadcast %and3A_248 : i32 to vector<16xi32>
        %and3A_250 = arith.andi %add3A_247, %and3A_249 : vector<16xi32>
        %add3A_251 = arith.addi %add3A_125, %and3A_250 : vector<16xi32>
        %gather3A_252 = tpu.vector_load_idx %arg10[%add3A_118, %add3A_251] : memref<256x128xf32, #tpu.memory_space<vmem>>[vector<16xi32>, vector<16xi32>], vector<16xf32>,
        %add3A_253 = arith.constant 0 : i32
        %add3A_254 = vector.broadcast %add3A_253 : i32 to vector<16xi32>
        %add3A_255 = arith.addi %add3A_254, %and3A_250 : vector<16xi32>
        tpu.vector_store_idx %arg12[%add3A_255, %add3A_118], %gather3A_252 : memref<32x256xf32, #tpu.memory_space<vmem>>[vector<16xi32>, vector<16xi32>], vector<16xf32>,
        %add3A_256 = arith.constant 12 : i32
        %add3A_257 = vector.broadcast %add3A_256 : i32 to vector<16xi32>
        %add3A_258 = arith.addi %iota3A, %add3A_257 : vector<16xi32>
        %and3A_259 = arith.constant 15 : i32
        %and3A_260 = vector.broadcast %and3A_259 : i32 to vector<16xi32>
        %and3A_261 = arith.andi %add3A_258, %and3A_260 : vector<16xi32>
        %add3A_262 = arith.addi %add3A_125, %and3A_261 : vector<16xi32>
        %gather3A_263 = tpu.vector_load_idx %arg10[%add3A_118, %add3A_262] : memref<256x128xf32, #tpu.memory_space<vmem>>[vector<16xi32>, vector<16xi32>], vector<16xf32>,
        %add3A_264 = arith.constant 0 : i32
        %add3A_265 = vector.broadcast %add3A_264 : i32 to vector<16xi32>
        %add3A_266 = arith.addi %add3A_265, %and3A_261 : vector<16xi32>
        tpu.vector_store_idx %arg12[%add3A_266, %add3A_118], %gather3A_263 : memref<32x256xf32, #tpu.memory_space<vmem>>[vector<16xi32>, vector<16xi32>], vector<16xf32>,
        %add3A_267 = arith.constant 13 : i32
        %add3A_268 = vector.broadcast %add3A_267 : i32 to vector<16xi32>
        %add3A_269 = arith.addi %iota3A, %add3A_268 : vector<16xi32>
        %and3A_270 = arith.constant 15 : i32
        %and3A_271 = vector.broadcast %and3A_270 : i32 to vector<16xi32>
        %and3A_272 = arith.andi %add3A_269, %and3A_271 : vector<16xi32>
        %add3A_273 = arith.addi %add3A_125, %and3A_272 : vector<16xi32>
        %gather3A_274 = tpu.vector_load_idx %arg10[%add3A_118, %add3A_273] : memref<256x128xf32, #tpu.memory_space<vmem>>[vector<16xi32>, vector<16xi32>], vector<16xf32>,
        %add3A_275 = arith.constant 0 : i32
        %add3A_276 = vector.broadcast %add3A_275 : i32 to vector<16xi32>
        %add3A_277 = arith.addi %add3A_276, %and3A_272 : vector<16xi32>
        tpu.vector_store_idx %arg12[%add3A_277, %add3A_118], %gather3A_274 : memref<32x256xf32, #tpu.memory_space<vmem>>[vector<16xi32>, vector<16xi32>], vector<16xf32>,
        %add3A_278 = arith.constant 14 : i32
        %add3A_279 = vector.broadcast %add3A_278 : i32 to vector<16xi32>
        %add3A_280 = arith.addi %iota3A, %add3A_279 : vector<16xi32>
        %and3A_281 = arith.constant 15 : i32
        %and3A_282 = vector.broadcast %and3A_281 : i32 to vector<16xi32>
        %and3A_283 = arith.andi %add3A_280, %and3A_282 : vector<16xi32>
        %add3A_284 = arith.addi %add3A_125, %and3A_283 : vector<16xi32>
        %gather3A_285 = tpu.vector_load_idx %arg10[%add3A_118, %add3A_284] : memref<256x128xf32, #tpu.memory_space<vmem>>[vector<16xi32>, vector<16xi32>], vector<16xf32>,
        %add3A_286 = arith.constant 0 : i32
        %add3A_287 = vector.broadcast %add3A_286 : i32 to vector<16xi32>
        %add3A_288 = arith.addi %add3A_287, %and3A_283 : vector<16xi32>
        tpu.vector_store_idx %arg12[%add3A_288, %add3A_118], %gather3A_285 : memref<32x256xf32, #tpu.memory_space<vmem>>[vector<16xi32>, vector<16xi32>], vector<16xf32>,
        %add3A_289 = arith.constant 15 : i32
        %add3A_290 = vector.broadcast %add3A_289 : i32 to vector<16xi32>
        %add3A_291 = arith.addi %iota3A, %add3A_290 : vector<16xi32>
        %and3A_292 = arith.constant 15 : i32
        %and3A_293 = vector.broadcast %and3A_292 : i32 to vector<16xi32>
        %and3A_294 = arith.andi %add3A_291, %and3A_293 : vector<16xi32>
        %add3A_295 = arith.addi %add3A_125, %and3A_294 : vector<16xi32>
        %gather3A_296 = tpu.vector_load_idx %arg10[%add3A_118, %add3A_295] : memref<256x128xf32, #tpu.memory_space<vmem>>[vector<16xi32>, vector<16xi32>], vector<16xf32>,
        %add3A_297 = arith.constant 0 : i32
        %add3A_298 = vector.broadcast %add3A_297 : i32 to vector<16xi32>
        %add3A_299 = arith.addi %add3A_298, %and3A_294 : vector<16xi32>
        tpu.vector_store_idx %arg12[%add3A_299, %add3A_118], %gather3A_296 : memref<32x256xf32, #tpu.memory_space<vmem>>[vector<16xi32>, vector<16xi32>], vector<16xf32>,
        %add3A_300 = arith.constant 16 : i32
        %add3A_301 = vector.broadcast %add3A_300 : i32 to vector<16xi32>
        %add3A_302 = arith.addi %mul3A_122, %add3A_301 : vector<16xi32>
        %add3A_303 = arith.constant 0 : i32
        %add3A_304 = vector.broadcast %add3A_303 : i32 to vector<16xi32>
        %add3A_305 = arith.addi %iota3A, %add3A_304 : vector<16xi32>
        %and3A_306 = arith.constant 15 : i32
        %and3A_307 = vector.broadcast %and3A_306 : i32 to vector<16xi32>
        %and3A_308 = arith.andi %add3A_305, %and3A_307 : vector<16xi32>
        %add3A_309 = arith.addi %add3A_302, %and3A_308 : vector<16xi32>
        %gather3A_310 = tpu.vector_load_idx %arg10[%add3A_118, %add3A_309] : memref<256x128xf32, #tpu.memory_space<vmem>>[vector<16xi32>, vector<16xi32>], vector<16xf32>,
        %add3A_311 = arith.constant 16 : i32
        %add3A_312 = vector.broadcast %add3A_311 : i32 to vector<16xi32>
        %add3A_313 = arith.addi %add3A_312, %and3A_308 : vector<16xi32>
        tpu.vector_store_idx %arg12[%add3A_313, %add3A_118], %gather3A_310 : memref<32x256xf32, #tpu.memory_space<vmem>>[vector<16xi32>, vector<16xi32>], vector<16xf32>,
        %add3A_314 = arith.constant 1 : i32
        %add3A_315 = vector.broadcast %add3A_314 : i32 to vector<16xi32>
        %add3A_316 = arith.addi %iota3A, %add3A_315 : vector<16xi32>
        %and3A_317 = arith.constant 15 : i32
        %and3A_318 = vector.broadcast %and3A_317 : i32 to vector<16xi32>
        %and3A_319 = arith.andi %add3A_316, %and3A_318 : vector<16xi32>
        %add3A_320 = arith.addi %add3A_302, %and3A_319 : vector<16xi32>
        %gather3A_321 = tpu.vector_load_idx %arg10[%add3A_118, %add3A_320] : memref<256x128xf32, #tpu.memory_space<vmem>>[vector<16xi32>, vector<16xi32>], vector<16xf32>,
        %add3A_322 = arith.constant 16 : i32
        %add3A_323 = vector.broadcast %add3A_322 : i32 to vector<16xi32>
        %add3A_324 = arith.addi %add3A_323, %and3A_319 : vector<16xi32>
        tpu.vector_store_idx %arg12[%add3A_324, %add3A_118], %gather3A_321 : memref<32x256xf32, #tpu.memory_space<vmem>>[vector<16xi32>, vector<16xi32>], vector<16xf32>,
        %add3A_325 = arith.constant 2 : i32
        %add3A_326 = vector.broadcast %add3A_325 : i32 to vector<16xi32>
        %add3A_327 = arith.addi %iota3A, %add3A_326 : vector<16xi32>
        %and3A_328 = arith.constant 15 : i32
        %and3A_329 = vector.broadcast %and3A_328 : i32 to vector<16xi32>
        %and3A_330 = arith.andi %add3A_327, %and3A_329 : vector<16xi32>
        %add3A_331 = arith.addi %add3A_302, %and3A_330 : vector<16xi32>
        %gather3A_332 = tpu.vector_load_idx %arg10[%add3A_118, %add3A_331] : memref<256x128xf32, #tpu.memory_space<vmem>>[vector<16xi32>, vector<16xi32>], vector<16xf32>,
        %add3A_333 = arith.constant 16 : i32
        %add3A_334 = vector.broadcast %add3A_333 : i32 to vector<16xi32>
        %add3A_335 = arith.addi %add3A_334, %and3A_330 : vector<16xi32>
        tpu.vector_store_idx %arg12[%add3A_335, %add3A_118], %gather3A_332 : memref<32x256xf32, #tpu.memory_space<vmem>>[vector<16xi32>, vector<16xi32>], vector<16xf32>,
        %add3A_336 = arith.constant 3 : i32
        %add3A_337 = vector.broadcast %add3A_336 : i32 to vector<16xi32>
        %add3A_338 = arith.addi %iota3A, %add3A_337 : vector<16xi32>
        %and3A_339 = arith.constant 15 : i32
        %and3A_340 = vector.broadcast %and3A_339 : i32 to vector<16xi32>
        %and3A_341 = arith.andi %add3A_338, %and3A_340 : vector<16xi32>
        %add3A_342 = arith.addi %add3A_302, %and3A_341 : vector<16xi32>
        %gather3A_343 = tpu.vector_load_idx %arg10[%add3A_118, %add3A_342] : memref<256x128xf32, #tpu.memory_space<vmem>>[vector<16xi32>, vector<16xi32>], vector<16xf32>,
        %add3A_344 = arith.constant 16 : i32
        %add3A_345 = vector.broadcast %add3A_344 : i32 to vector<16xi32>
        %add3A_346 = arith.addi %add3A_345, %and3A_341 : vector<16xi32>
        tpu.vector_store_idx %arg12[%add3A_346, %add3A_118], %gather3A_343 : memref<32x256xf32, #tpu.memory_space<vmem>>[vector<16xi32>, vector<16xi32>], vector<16xf32>,
        %add3A_347 = arith.constant 4 : i32
        %add3A_348 = vector.broadcast %add3A_347 : i32 to vector<16xi32>
        %add3A_349 = arith.addi %iota3A, %add3A_348 : vector<16xi32>
        %and3A_350 = arith.constant 15 : i32
        %and3A_351 = vector.broadcast %and3A_350 : i32 to vector<16xi32>
        %and3A_352 = arith.andi %add3A_349, %and3A_351 : vector<16xi32>
        %add3A_353 = arith.addi %add3A_302, %and3A_352 : vector<16xi32>
        %gather3A_354 = tpu.vector_load_idx %arg10[%add3A_118, %add3A_353] : memref<256x128xf32, #tpu.memory_space<vmem>>[vector<16xi32>, vector<16xi32>], vector<16xf32>,
        %add3A_355 = arith.constant 16 : i32
        %add3A_356 = vector.broadcast %add3A_355 : i32 to vector<16xi32>
        %add3A_357 = arith.addi %add3A_356, %and3A_352 : vector<16xi32>
        tpu.vector_store_idx %arg12[%add3A_357, %add3A_118], %gather3A_354 : memref<32x256xf32, #tpu.memory_space<vmem>>[vector<16xi32>, vector<16xi32>], vector<16xf32>,
        %add3A_358 = arith.constant 5 : i32
        %add3A_359 = vector.broadcast %add3A_358 : i32 to vector<16xi32>
        %add3A_360 = arith.addi %iota3A, %add3A_359 : vector<16xi32>
        %and3A_361 = arith.constant 15 : i32
        %and3A_362 = vector.broadcast %and3A_361 : i32 to vector<16xi32>
        %and3A_363 = arith.andi %add3A_360, %and3A_362 : vector<16xi32>
        %add3A_364 = arith.addi %add3A_302, %and3A_363 : vector<16xi32>
        %gather3A_365 = tpu.vector_load_idx %arg10[%add3A_118, %add3A_364] : memref<256x128xf32, #tpu.memory_space<vmem>>[vector<16xi32>, vector<16xi32>], vector<16xf32>,
        %add3A_366 = arith.constant 16 : i32
        %add3A_367 = vector.broadcast %add3A_366 : i32 to vector<16xi32>
        %add3A_368 = arith.addi %add3A_367, %and3A_363 : vector<16xi32>
        tpu.vector_store_idx %arg12[%add3A_368, %add3A_118], %gather3A_365 : memref<32x256xf32, #tpu.memory_space<vmem>>[vector<16xi32>, vector<16xi32>], vector<16xf32>,
        %add3A_369 = arith.constant 6 : i32
        %add3A_370 = vector.broadcast %add3A_369 : i32 to vector<16xi32>
        %add3A_371 = arith.addi %iota3A, %add3A_370 : vector<16xi32>
        %and3A_372 = arith.constant 15 : i32
        %and3A_373 = vector.broadcast %and3A_372 : i32 to vector<16xi32>
        %and3A_374 = arith.andi %add3A_371, %and3A_373 : vector<16xi32>
        %add3A_375 = arith.addi %add3A_302, %and3A_374 : vector<16xi32>
        %gather3A_376 = tpu.vector_load_idx %arg10[%add3A_118, %add3A_375] : memref<256x128xf32, #tpu.memory_space<vmem>>[vector<16xi32>, vector<16xi32>], vector<16xf32>,
        %add3A_377 = arith.constant 16 : i32
        %add3A_378 = vector.broadcast %add3A_377 : i32 to vector<16xi32>
        %add3A_379 = arith.addi %add3A_378, %and3A_374 : vector<16xi32>
        tpu.vector_store_idx %arg12[%add3A_379, %add3A_118], %gather3A_376 : memref<32x256xf32, #tpu.memory_space<vmem>>[vector<16xi32>, vector<16xi32>], vector<16xf32>,
        %add3A_380 = arith.constant 7 : i32
        %add3A_381 = vector.broadcast %add3A_380 : i32 to vector<16xi32>
        %add3A_382 = arith.addi %iota3A, %add3A_381 : vector<16xi32>
        %and3A_383 = arith.constant 15 : i32
        %and3A_384 = vector.broadcast %and3A_383 : i32 to vector<16xi32>
        %and3A_385 = arith.andi %add3A_382, %and3A_384 : vector<16xi32>
        %add3A_386 = arith.addi %add3A_302, %and3A_385 : vector<16xi32>
        %gather3A_387 = tpu.vector_load_idx %arg10[%add3A_118, %add3A_386] : memref<256x128xf32, #tpu.memory_space<vmem>>[vector<16xi32>, vector<16xi32>], vector<16xf32>,
        %add3A_388 = arith.constant 16 : i32
        %add3A_389 = vector.broadcast %add3A_388 : i32 to vector<16xi32>
        %add3A_390 = arith.addi %add3A_389, %and3A_385 : vector<16xi32>
        tpu.vector_store_idx %arg12[%add3A_390, %add3A_118], %gather3A_387 : memref<32x256xf32, #tpu.memory_space<vmem>>[vector<16xi32>, vector<16xi32>], vector<16xf32>,
        %add3A_391 = arith.constant 8 : i32
        %add3A_392 = vector.broadcast %add3A_391 : i32 to vector<16xi32>
        %add3A_393 = arith.addi %iota3A, %add3A_392 : vector<16xi32>
        %and3A_394 = arith.constant 15 : i32
        %and3A_395 = vector.broadcast %and3A_394 : i32 to vector<16xi32>
        %and3A_396 = arith.andi %add3A_393, %and3A_395 : vector<16xi32>
        %add3A_397 = arith.addi %add3A_302, %and3A_396 : vector<16xi32>
        %gather3A_398 = tpu.vector_load_idx %arg10[%add3A_118, %add3A_397] : memref<256x128xf32, #tpu.memory_space<vmem>>[vector<16xi32>, vector<16xi32>], vector<16xf32>,
        %add3A_399 = arith.constant 16 : i32
        %add3A_400 = vector.broadcast %add3A_399 : i32 to vector<16xi32>
        %add3A_401 = arith.addi %add3A_400, %and3A_396 : vector<16xi32>
        tpu.vector_store_idx %arg12[%add3A_401, %add3A_118], %gather3A_398 : memref<32x256xf32, #tpu.memory_space<vmem>>[vector<16xi32>, vector<16xi32>], vector<16xf32>,
        %add3A_402 = arith.constant 9 : i32
        %add3A_403 = vector.broadcast %add3A_402 : i32 to vector<16xi32>
        %add3A_404 = arith.addi %iota3A, %add3A_403 : vector<16xi32>
        %and3A_405 = arith.constant 15 : i32
        %and3A_406 = vector.broadcast %and3A_405 : i32 to vector<16xi32>
        %and3A_407 = arith.andi %add3A_404, %and3A_406 : vector<16xi32>
        %add3A_408 = arith.addi %add3A_302, %and3A_407 : vector<16xi32>
        %gather3A_409 = tpu.vector_load_idx %arg10[%add3A_118, %add3A_408] : memref<256x128xf32, #tpu.memory_space<vmem>>[vector<16xi32>, vector<16xi32>], vector<16xf32>,
        %add3A_410 = arith.constant 16 : i32
        %add3A_411 = vector.broadcast %add3A_410 : i32 to vector<16xi32>
        %add3A_412 = arith.addi %add3A_411, %and3A_407 : vector<16xi32>
        tpu.vector_store_idx %arg12[%add3A_412, %add3A_118], %gather3A_409 : memref<32x256xf32, #tpu.memory_space<vmem>>[vector<16xi32>, vector<16xi32>], vector<16xf32>,
        %add3A_413 = arith.constant 10 : i32
        %add3A_414 = vector.broadcast %add3A_413 : i32 to vector<16xi32>
        %add3A_415 = arith.addi %iota3A, %add3A_414 : vector<16xi32>
        %and3A_416 = arith.constant 15 : i32
        %and3A_417 = vector.broadcast %and3A_416 : i32 to vector<16xi32>
        %and3A_418 = arith.andi %add3A_415, %and3A_417 : vector<16xi32>
        %add3A_419 = arith.addi %add3A_302, %and3A_418 : vector<16xi32>
        %gather3A_420 = tpu.vector_load_idx %arg10[%add3A_118, %add3A_419] : memref<256x128xf32, #tpu.memory_space<vmem>>[vector<16xi32>, vector<16xi32>], vector<16xf32>,
        %add3A_421 = arith.constant 16 : i32
        %add3A_422 = vector.broadcast %add3A_421 : i32 to vector<16xi32>
        %add3A_423 = arith.addi %add3A_422, %and3A_418 : vector<16xi32>
        tpu.vector_store_idx %arg12[%add3A_423, %add3A_118], %gather3A_420 : memref<32x256xf32, #tpu.memory_space<vmem>>[vector<16xi32>, vector<16xi32>], vector<16xf32>,
        %add3A_424 = arith.constant 11 : i32
        %add3A_425 = vector.broadcast %add3A_424 : i32 to vector<16xi32>
        %add3A_426 = arith.addi %iota3A, %add3A_425 : vector<16xi32>
        %and3A_427 = arith.constant 15 : i32
        %and3A_428 = vector.broadcast %and3A_427 : i32 to vector<16xi32>
        %and3A_429 = arith.andi %add3A_426, %and3A_428 : vector<16xi32>
        %add3A_430 = arith.addi %add3A_302, %and3A_429 : vector<16xi32>
        %gather3A_431 = tpu.vector_load_idx %arg10[%add3A_118, %add3A_430] : memref<256x128xf32, #tpu.memory_space<vmem>>[vector<16xi32>, vector<16xi32>], vector<16xf32>,
        %add3A_432 = arith.constant 16 : i32
        %add3A_433 = vector.broadcast %add3A_432 : i32 to vector<16xi32>
        %add3A_434 = arith.addi %add3A_433, %and3A_429 : vector<16xi32>
        tpu.vector_store_idx %arg12[%add3A_434, %add3A_118], %gather3A_431 : memref<32x256xf32, #tpu.memory_space<vmem>>[vector<16xi32>, vector<16xi32>], vector<16xf32>,
        %add3A_435 = arith.constant 12 : i32
        %add3A_436 = vector.broadcast %add3A_435 : i32 to vector<16xi32>
        %add3A_437 = arith.addi %iota3A, %add3A_436 : vector<16xi32>
        %and3A_438 = arith.constant 15 : i32
        %and3A_439 = vector.broadcast %and3A_438 : i32 to vector<16xi32>
        %and3A_440 = arith.andi %add3A_437, %and3A_439 : vector<16xi32>
        %add3A_441 = arith.addi %add3A_302, %and3A_440 : vector<16xi32>
        %gather3A_442 = tpu.vector_load_idx %arg10[%add3A_118, %add3A_441] : memref<256x128xf32, #tpu.memory_space<vmem>>[vector<16xi32>, vector<16xi32>], vector<16xf32>,
        %add3A_443 = arith.constant 16 : i32
        %add3A_444 = vector.broadcast %add3A_443 : i32 to vector<16xi32>
        %add3A_445 = arith.addi %add3A_444, %and3A_440 : vector<16xi32>
        tpu.vector_store_idx %arg12[%add3A_445, %add3A_118], %gather3A_442 : memref<32x256xf32, #tpu.memory_space<vmem>>[vector<16xi32>, vector<16xi32>], vector<16xf32>,
        %add3A_446 = arith.constant 13 : i32
        %add3A_447 = vector.broadcast %add3A_446 : i32 to vector<16xi32>
        %add3A_448 = arith.addi %iota3A, %add3A_447 : vector<16xi32>
        %and3A_449 = arith.constant 15 : i32
        %and3A_450 = vector.broadcast %and3A_449 : i32 to vector<16xi32>
        %and3A_451 = arith.andi %add3A_448, %and3A_450 : vector<16xi32>
        %add3A_452 = arith.addi %add3A_302, %and3A_451 : vector<16xi32>
        %gather3A_453 = tpu.vector_load_idx %arg10[%add3A_118, %add3A_452] : memref<256x128xf32, #tpu.memory_space<vmem>>[vector<16xi32>, vector<16xi32>], vector<16xf32>,
        %add3A_454 = arith.constant 16 : i32
        %add3A_455 = vector.broadcast %add3A_454 : i32 to vector<16xi32>
        %add3A_456 = arith.addi %add3A_455, %and3A_451 : vector<16xi32>
        tpu.vector_store_idx %arg12[%add3A_456, %add3A_118], %gather3A_453 : memref<32x256xf32, #tpu.memory_space<vmem>>[vector<16xi32>, vector<16xi32>], vector<16xf32>,
        %add3A_457 = arith.constant 14 : i32
        %add3A_458 = vector.broadcast %add3A_457 : i32 to vector<16xi32>
        %add3A_459 = arith.addi %iota3A, %add3A_458 : vector<16xi32>
        %and3A_460 = arith.constant 15 : i32
        %and3A_461 = vector.broadcast %and3A_460 : i32 to vector<16xi32>
        %and3A_462 = arith.andi %add3A_459, %and3A_461 : vector<16xi32>
        %add3A_463 = arith.addi %add3A_302, %and3A_462 : vector<16xi32>
        %gather3A_464 = tpu.vector_load_idx %arg10[%add3A_118, %add3A_463] : memref<256x128xf32, #tpu.memory_space<vmem>>[vector<16xi32>, vector<16xi32>], vector<16xf32>,
        %add3A_465 = arith.constant 16 : i32
        %add3A_466 = vector.broadcast %add3A_465 : i32 to vector<16xi32>
        %add3A_467 = arith.addi %add3A_466, %and3A_462 : vector<16xi32>
        tpu.vector_store_idx %arg12[%add3A_467, %add3A_118], %gather3A_464 : memref<32x256xf32, #tpu.memory_space<vmem>>[vector<16xi32>, vector<16xi32>], vector<16xf32>,
        %add3A_468 = arith.constant 15 : i32
        %add3A_469 = vector.broadcast %add3A_468 : i32 to vector<16xi32>
        %add3A_470 = arith.addi %iota3A, %add3A_469 : vector<16xi32>
        %and3A_471 = arith.constant 15 : i32
        %and3A_472 = vector.broadcast %and3A_471 : i32 to vector<16xi32>
        %and3A_473 = arith.andi %add3A_470, %and3A_472 : vector<16xi32>
        %add3A_474 = arith.addi %add3A_302, %and3A_473 : vector<16xi32>
        %gather3A_475 = tpu.vector_load_idx %arg10[%add3A_118, %add3A_474] : memref<256x128xf32, #tpu.memory_space<vmem>>[vector<16xi32>, vector<16xi32>], vector<16xf32>,
        %add3A_476 = arith.constant 16 : i32
        %add3A_477 = vector.broadcast %add3A_476 : i32 to vector<16xi32>
        %add3A_478 = arith.addi %add3A_477, %and3A_473 : vector<16xi32>
        tpu.vector_store_idx %arg12[%add3A_478, %add3A_118], %gather3A_475 : memref<32x256xf32, #tpu.memory_space<vmem>>[vector<16xi32>, vector<16xi32>], vector<16xf32>,
      }
      %scan3A_60 = arith.constant 16 : i32
      %add3A_61 = arith.constant 2 : i32
      %add3A_62 = arith.addi %add3A_43, %add3A_61 : i32
      %lt3A_63 = arith.constant 52 : i32
      %lt3A_64 = arith.cmpi slt, %add3A_62, %lt3A_63 : i32
      %convert_element_type3A_65 = arith.extui %lt3A_64 : i1 to i32
      %cond3A_66 = arith.constant 0 : i32
      %cond3A_67 = arith.cmpi ne, %convert_element_type3A_65, %cond3A_66 : i32
      scf.if %cond3A_67 {
        %add3A_114 = arith.constant 2 : i32
        %add3A_115 = arith.addi %add3A_43, %add3A_114 : i32
        %mul3A_116 = arith.constant 256 : i32
        %mul3A_117 = arith.muli %add3A_115, %mul3A_116 : i32
        %add3A_118 = arith.addi %mul3A_2, %mul3A_117 : i32
        %dma_start3A_119 = tpu.memref_slice %arg2[%add3A_118] : memref<425984xi32, #tpu.memory_space<hbm>> -> memref<256xi32, #tpu.memory_space<hbm>>
        %dma_start3A_120 = tpu.memref_slice %arg2[%add3A_118] : memref<425984xi32, #tpu.memory_space<hbm>> -> memref<256xi32, #tpu.memory_space<hbm>>
        tpu.enqueue_dma source(%dma_start3A_120 : memref<256xi32, #tpu.memory_space<hbm>>) target(%arg6 : memref<256xi32, #tpu.memory_space<vmem>>) target_semaphore(%arg14 : memref<!tpu.dma_semaphore, #tpu.memory_space<semaphore_mem>>)
        %dma_start3A_121 = tpu.memref_slice %arg3[%add3A_118] : memref<425984xi32, #tpu.memory_space<hbm>> -> memref<256xi32, #tpu.memory_space<hbm>>
        %dma_start3A_122 = tpu.memref_slice %arg3[%add3A_118] : memref<425984xi32, #tpu.memory_space<hbm>> -> memref<256xi32, #tpu.memory_space<hbm>>
        tpu.enqueue_dma source(%dma_start3A_122 : memref<256xi32, #tpu.memory_space<hbm>>) target(%arg8 : memref<256xi32, #tpu.memory_space<vmem>>) target_semaphore(%arg14 : memref<!tpu.dma_semaphore, #tpu.memory_space<semaphore_mem>>)
      } else {
      }
      %mul3A_68 = arith.constant 256 : i32
      %mul3A_69 = arith.muli %add3A_43, %mul3A_68 : i32
      %add3A_70 = arith.addi %mul3A_2, %mul3A_69 : i32
      %dma_start3A_71 = arith.constant 0 : i32
      %dma_start3A_72 = tpu.memref_slice %arg5[%dma_start3A_71, %add3A_70] : memref<32x425984xf32, #tpu.memory_space<hbm>> -> memref<32x256xf32, #tpu.memory_space<hbm>>
      %dma_start3A_73 = arith.constant 0 : i32
      %dma_start3A_74 = tpu.memref_slice %arg5[%dma_start3A_73, %add3A_70] : memref<32x425984xf32, #tpu.memory_space<hbm>> -> memref<32x256xf32, #tpu.memory_space<hbm>>
      tpu.enqueue_dma source(%arg12 : memref<32x256xf32, #tpu.memory_space<vmem>>) target(%dma_start3A_74 : memref<32x256xf32, #tpu.memory_space<hbm>>) target_semaphore(%arg18 : memref<!tpu.dma_semaphore, #tpu.memory_space<semaphore_mem>>)
      %mul3A_75 = arith.constant 2 : i32
      %mul3A_76 = arith.muli %scan3A_39, %mul3A_75 : i32
      %add3A_77 = arith.constant 1 : i32
      %add3A_78 = arith.addi %mul3A_76, %add3A_77 : i32
      %add3A_79 = arith.constant 1 : i32
      %add3A_80 = arith.addi %add3A_78, %add3A_79 : i32
      %lt3A_81 = arith.constant 52 : i32
      %lt3A_82 = arith.cmpi slt, %add3A_80, %lt3A_81 : i32
      %convert_element_type3A_83 = arith.extui %lt3A_82 : i1 to i32
      %cond3A_84 = arith.constant 0 : i32
      %cond3A_85 = arith.cmpi ne, %convert_element_type3A_83, %cond3A_84 : i32
      scf.if %cond3A_85 {
        %add3A_114 = arith.constant 1 : i32
        %add3A_115 = arith.addi %add3A_78, %add3A_114 : i32
        %mul3A_116 = arith.constant 256 : i32
        %mul3A_117 = arith.muli %add3A_115, %mul3A_116 : i32
        %add3A_118 = arith.addi %mul3A_2, %mul3A_117 : i32
        %dma_wait3A_119 = tpu.memref_slice %arg2[%add3A_118] : memref<425984xi32, #tpu.memory_space<hbm>> -> memref<256xi32, #tpu.memory_space<hbm>>
        %dma_wait3A_120 = tpu.memref_slice %arg2[%add3A_118] : memref<425984xi32, #tpu.memory_space<hbm>> -> memref<256xi32, #tpu.memory_space<hbm>>
        tpu.wait_dma2 semaphore(%arg14 : memref<!tpu.dma_semaphore, #tpu.memory_space<semaphore_mem>>) src(%dma_wait3A_120 : memref<256xi32, #tpu.memory_space<hbm>>) dst(%arg6 : memref<256xi32, #tpu.memory_space<vmem>>)
        %dma_wait3A_121 = tpu.memref_slice %arg3[%add3A_118] : memref<425984xi32, #tpu.memory_space<hbm>> -> memref<256xi32, #tpu.memory_space<hbm>>
        %dma_wait3A_122 = tpu.memref_slice %arg3[%add3A_118] : memref<425984xi32, #tpu.memory_space<hbm>> -> memref<256xi32, #tpu.memory_space<hbm>>
        tpu.wait_dma2 semaphore(%arg14 : memref<!tpu.dma_semaphore, #tpu.memory_space<semaphore_mem>>) src(%dma_wait3A_122 : memref<256xi32, #tpu.memory_space<hbm>>) dst(%arg8 : memref<256xi32, #tpu.memory_space<vmem>>)
        %dma_start3A_123 = arith.constant 0 : i32
        %dma_start3A_124 = arith.constant 0 : i32
        %dma_start3A_125 = tpu.memref_slice %arg4[%dma_start3A_123, %dma_start3A_124] : memref<100096x128xf32, #tpu.memory_space<hbm>> -> memref<100096x128xf32, #tpu.memory_space<hbm>>
        tpu.enqueue_indirect_dma source(%dma_start3A_125 : memref<100096x128xf32, #tpu.memory_space<hbm>>) target(%arg10 : memref<256x128xf32, #tpu.memory_space<vmem>>) offsets(%arg6 : memref<256xi32, #tpu.memory_space<vmem>>) semaphore(%arg16 : memref<!tpu.dma_semaphore, #tpu.memory_space<semaphore_mem>>)
      } else {
      }
      %dma_wait3A_86 = arith.constant 0 : i32
      %dma_wait3A_87 = arith.constant 0 : i32
      %dma_wait3A_88 = tpu.memref_slice %arg4[%dma_wait3A_86, %dma_wait3A_87] : memref<100096x128xf32, #tpu.memory_space<hbm>> -> memref<100096x128xf32, #tpu.memory_space<hbm>>
      tpu.wait_indirect_dma semaphore(%arg17 : memref<!tpu.dma_semaphore, #tpu.memory_space<semaphore_mem>>) src(%dma_wait3A_88 : memref<100096x128xf32, #tpu.memory_space<hbm>>) dst(%arg11 : memref<256x128xf32, #tpu.memory_space<vmem>>)
      %ge3A_89 = arith.constant 2 : i32
      %ge3A_90 = arith.cmpi sge, %add3A_78, %ge3A_89 : i32
      %convert_element_type3A_91 = arith.extui %ge3A_90 : i1 to i32
      %cond3A_92 = arith.constant 0 : i32
      %cond3A_93 = arith.cmpi ne, %convert_element_type3A_91, %cond3A_92 : i32
      scf.if %cond3A_93 {
        %sub3A = arith.constant 2 : i32
        %sub3A_114 = arith.subi %add3A_78, %sub3A : i32
        %mul3A_115 = arith.constant 256 : i32
        %mul3A_116 = arith.muli %sub3A_114, %mul3A_115 : i32
        %add3A_117 = arith.addi %mul3A_2, %mul3A_116 : i32
        %dma_wait3A_118 = arith.constant 0 : i32
        %dma_wait3A_119 = tpu.memref_slice %arg5[%dma_wait3A_118, %add3A_117] : memref<32x425984xf32, #tpu.memory_space<hbm>> -> memref<32x256xf32, #tpu.memory_space<hbm>>
        %dma_wait3A_120 = arith.constant 0 : i32
        %dma_wait3A_121 = tpu.memref_slice %arg5[%dma_wait3A_120, %add3A_117] : memref<32x425984xf32, #tpu.memory_space<hbm>> -> memref<32x256xf32, #tpu.memory_space<hbm>>
        tpu.wait_dma2 semaphore(%arg19 : memref<!tpu.dma_semaphore, #tpu.memory_space<semaphore_mem>>) src(%arg13 : memref<32x256xf32, #tpu.memory_space<vmem>>) dst(%dma_wait3A_121 : memref<32x256xf32, #tpu.memory_space<hbm>>)
      } else {
      }
      %scan3A_94 = arith.constant 0 : i32
      %scan3A_95 = arith.constant 0 : i32
      %scan3A_96 = arith.constant 16 : i32
      %scan3A_97 = arith.addi %scan3A_95, %scan3A_96 : i32
      %scan3A_98 = arith.constant 1 : i32
      scf.for %scan3A_114 = %scan3A_95 to %scan3A_97 step %scan3A_98  : i32 {
        %mul3A_115 = arith.constant 16 : i32
        %mul3A_116 = arith.muli %scan3A_114, %mul3A_115 : i32
        %add3A_117 = vector.broadcast %mul3A_116 : i32 to vector<16xi32>
        %add3A_118 = arith.addi %add3A_117, %iota3A : vector<16xi32>
        %get3A = arith.index_cast %mul3A_116 : i32 to index
        %get3A_119 = tpu.vector_load %arg9[%get3A] {strides = array<i32>} : memref<256xi32, #tpu.memory_space<vmem>>, vector<16xi32>,
        %mul3A_120 = arith.constant 32 : i32
        %mul3A_121 = vector.broadcast %mul3A_120 : i32 to vector<16xi32>
        %mul3A_122 = arith.muli %get3A_119, %mul3A_121 : vector<16xi32>
        %add3A_123 = arith.constant 0 : i32
        %add3A_124 = vector.broadcast %add3A_123 : i32 to vector<16xi32>
        %add3A_125 = arith.addi %mul3A_122, %add3A_124 : vector<16xi32>
        %add3A_126 = arith.constant 0 : i32
        %add3A_127 = vector.broadcast %add3A_126 : i32 to vector<16xi32>
        %add3A_128 = arith.addi %iota3A, %add3A_127 : vector<16xi32>
        %and3A = arith.constant 15 : i32
        %and3A_129 = vector.broadcast %and3A : i32 to vector<16xi32>
        %and3A_130 = arith.andi %add3A_128, %and3A_129 : vector<16xi32>
        %add3A_131 = arith.addi %add3A_125, %and3A_130 : vector<16xi32>
        %gather3A = tpu.vector_load_idx %arg11[%add3A_118, %add3A_131] : memref<256x128xf32, #tpu.memory_space<vmem>>[vector<16xi32>, vector<16xi32>], vector<16xf32>,
        %add3A_132 = arith.constant 0 : i32
        %add3A_133 = vector.broadcast %add3A_132 : i32 to vector<16xi32>
        %add3A_134 = arith.addi %add3A_133, %and3A_130 : vector<16xi32>
        tpu.vector_store_idx %arg13[%add3A_134, %add3A_118], %gather3A : memref<32x256xf32, #tpu.memory_space<vmem>>[vector<16xi32>, vector<16xi32>], vector<16xf32>,
        %add3A_135 = arith.constant 1 : i32
        %add3A_136 = vector.broadcast %add3A_135 : i32 to vector<16xi32>
        %add3A_137 = arith.addi %iota3A, %add3A_136 : vector<16xi32>
        %and3A_138 = arith.constant 15 : i32
        %and3A_139 = vector.broadcast %and3A_138 : i32 to vector<16xi32>
        %and3A_140 = arith.andi %add3A_137, %and3A_139 : vector<16xi32>
        %add3A_141 = arith.addi %add3A_125, %and3A_140 : vector<16xi32>
        %gather3A_142 = tpu.vector_load_idx %arg11[%add3A_118, %add3A_141] : memref<256x128xf32, #tpu.memory_space<vmem>>[vector<16xi32>, vector<16xi32>], vector<16xf32>,
        %add3A_143 = arith.constant 0 : i32
        %add3A_144 = vector.broadcast %add3A_143 : i32 to vector<16xi32>
        %add3A_145 = arith.addi %add3A_144, %and3A_140 : vector<16xi32>
        tpu.vector_store_idx %arg13[%add3A_145, %add3A_118], %gather3A_142 : memref<32x256xf32, #tpu.memory_space<vmem>>[vector<16xi32>, vector<16xi32>], vector<16xf32>,
        %add3A_146 = arith.constant 2 : i32
        %add3A_147 = vector.broadcast %add3A_146 : i32 to vector<16xi32>
        %add3A_148 = arith.addi %iota3A, %add3A_147 : vector<16xi32>
        %and3A_149 = arith.constant 15 : i32
        %and3A_150 = vector.broadcast %and3A_149 : i32 to vector<16xi32>
        %and3A_151 = arith.andi %add3A_148, %and3A_150 : vector<16xi32>
        %add3A_152 = arith.addi %add3A_125, %and3A_151 : vector<16xi32>
        %gather3A_153 = tpu.vector_load_idx %arg11[%add3A_118, %add3A_152] : memref<256x128xf32, #tpu.memory_space<vmem>>[vector<16xi32>, vector<16xi32>], vector<16xf32>,
        %add3A_154 = arith.constant 0 : i32
        %add3A_155 = vector.broadcast %add3A_154 : i32 to vector<16xi32>
        %add3A_156 = arith.addi %add3A_155, %and3A_151 : vector<16xi32>
        tpu.vector_store_idx %arg13[%add3A_156, %add3A_118], %gather3A_153 : memref<32x256xf32, #tpu.memory_space<vmem>>[vector<16xi32>, vector<16xi32>], vector<16xf32>,
        %add3A_157 = arith.constant 3 : i32
        %add3A_158 = vector.broadcast %add3A_157 : i32 to vector<16xi32>
        %add3A_159 = arith.addi %iota3A, %add3A_158 : vector<16xi32>
        %and3A_160 = arith.constant 15 : i32
        %and3A_161 = vector.broadcast %and3A_160 : i32 to vector<16xi32>
        %and3A_162 = arith.andi %add3A_159, %and3A_161 : vector<16xi32>
        %add3A_163 = arith.addi %add3A_125, %and3A_162 : vector<16xi32>
        %gather3A_164 = tpu.vector_load_idx %arg11[%add3A_118, %add3A_163] : memref<256x128xf32, #tpu.memory_space<vmem>>[vector<16xi32>, vector<16xi32>], vector<16xf32>,
        %add3A_165 = arith.constant 0 : i32
        %add3A_166 = vector.broadcast %add3A_165 : i32 to vector<16xi32>
        %add3A_167 = arith.addi %add3A_166, %and3A_162 : vector<16xi32>
        tpu.vector_store_idx %arg13[%add3A_167, %add3A_118], %gather3A_164 : memref<32x256xf32, #tpu.memory_space<vmem>>[vector<16xi32>, vector<16xi32>], vector<16xf32>,
        %add3A_168 = arith.constant 4 : i32
        %add3A_169 = vector.broadcast %add3A_168 : i32 to vector<16xi32>
        %add3A_170 = arith.addi %iota3A, %add3A_169 : vector<16xi32>
        %and3A_171 = arith.constant 15 : i32
        %and3A_172 = vector.broadcast %and3A_171 : i32 to vector<16xi32>
        %and3A_173 = arith.andi %add3A_170, %and3A_172 : vector<16xi32>
        %add3A_174 = arith.addi %add3A_125, %and3A_173 : vector<16xi32>
        %gather3A_175 = tpu.vector_load_idx %arg11[%add3A_118, %add3A_174] : memref<256x128xf32, #tpu.memory_space<vmem>>[vector<16xi32>, vector<16xi32>], vector<16xf32>,
        %add3A_176 = arith.constant 0 : i32
        %add3A_177 = vector.broadcast %add3A_176 : i32 to vector<16xi32>
        %add3A_178 = arith.addi %add3A_177, %and3A_173 : vector<16xi32>
        tpu.vector_store_idx %arg13[%add3A_178, %add3A_118], %gather3A_175 : memref<32x256xf32, #tpu.memory_space<vmem>>[vector<16xi32>, vector<16xi32>], vector<16xf32>,
        %add3A_179 = arith.constant 5 : i32
        %add3A_180 = vector.broadcast %add3A_179 : i32 to vector<16xi32>
        %add3A_181 = arith.addi %iota3A, %add3A_180 : vector<16xi32>
        %and3A_182 = arith.constant 15 : i32
        %and3A_183 = vector.broadcast %and3A_182 : i32 to vector<16xi32>
        %and3A_184 = arith.andi %add3A_181, %and3A_183 : vector<16xi32>
        %add3A_185 = arith.addi %add3A_125, %and3A_184 : vector<16xi32>
        %gather3A_186 = tpu.vector_load_idx %arg11[%add3A_118, %add3A_185] : memref<256x128xf32, #tpu.memory_space<vmem>>[vector<16xi32>, vector<16xi32>], vector<16xf32>,
        %add3A_187 = arith.constant 0 : i32
        %add3A_188 = vector.broadcast %add3A_187 : i32 to vector<16xi32>
        %add3A_189 = arith.addi %add3A_188, %and3A_184 : vector<16xi32>
        tpu.vector_store_idx %arg13[%add3A_189, %add3A_118], %gather3A_186 : memref<32x256xf32, #tpu.memory_space<vmem>>[vector<16xi32>, vector<16xi32>], vector<16xf32>,
        %add3A_190 = arith.constant 6 : i32
        %add3A_191 = vector.broadcast %add3A_190 : i32 to vector<16xi32>
        %add3A_192 = arith.addi %iota3A, %add3A_191 : vector<16xi32>
        %and3A_193 = arith.constant 15 : i32
        %and3A_194 = vector.broadcast %and3A_193 : i32 to vector<16xi32>
        %and3A_195 = arith.andi %add3A_192, %and3A_194 : vector<16xi32>
        %add3A_196 = arith.addi %add3A_125, %and3A_195 : vector<16xi32>
        %gather3A_197 = tpu.vector_load_idx %arg11[%add3A_118, %add3A_196] : memref<256x128xf32, #tpu.memory_space<vmem>>[vector<16xi32>, vector<16xi32>], vector<16xf32>,
        %add3A_198 = arith.constant 0 : i32
        %add3A_199 = vector.broadcast %add3A_198 : i32 to vector<16xi32>
        %add3A_200 = arith.addi %add3A_199, %and3A_195 : vector<16xi32>
        tpu.vector_store_idx %arg13[%add3A_200, %add3A_118], %gather3A_197 : memref<32x256xf32, #tpu.memory_space<vmem>>[vector<16xi32>, vector<16xi32>], vector<16xf32>,
        %add3A_201 = arith.constant 7 : i32
        %add3A_202 = vector.broadcast %add3A_201 : i32 to vector<16xi32>
        %add3A_203 = arith.addi %iota3A, %add3A_202 : vector<16xi32>
        %and3A_204 = arith.constant 15 : i32
        %and3A_205 = vector.broadcast %and3A_204 : i32 to vector<16xi32>
        %and3A_206 = arith.andi %add3A_203, %and3A_205 : vector<16xi32>
        %add3A_207 = arith.addi %add3A_125, %and3A_206 : vector<16xi32>
        %gather3A_208 = tpu.vector_load_idx %arg11[%add3A_118, %add3A_207] : memref<256x128xf32, #tpu.memory_space<vmem>>[vector<16xi32>, vector<16xi32>], vector<16xf32>,
        %add3A_209 = arith.constant 0 : i32
        %add3A_210 = vector.broadcast %add3A_209 : i32 to vector<16xi32>
        %add3A_211 = arith.addi %add3A_210, %and3A_206 : vector<16xi32>
        tpu.vector_store_idx %arg13[%add3A_211, %add3A_118], %gather3A_208 : memref<32x256xf32, #tpu.memory_space<vmem>>[vector<16xi32>, vector<16xi32>], vector<16xf32>,
        %add3A_212 = arith.constant 8 : i32
        %add3A_213 = vector.broadcast %add3A_212 : i32 to vector<16xi32>
        %add3A_214 = arith.addi %iota3A, %add3A_213 : vector<16xi32>
        %and3A_215 = arith.constant 15 : i32
        %and3A_216 = vector.broadcast %and3A_215 : i32 to vector<16xi32>
        %and3A_217 = arith.andi %add3A_214, %and3A_216 : vector<16xi32>
        %add3A_218 = arith.addi %add3A_125, %and3A_217 : vector<16xi32>
        %gather3A_219 = tpu.vector_load_idx %arg11[%add3A_118, %add3A_218] : memref<256x128xf32, #tpu.memory_space<vmem>>[vector<16xi32>, vector<16xi32>], vector<16xf32>,
        %add3A_220 = arith.constant 0 : i32
        %add3A_221 = vector.broadcast %add3A_220 : i32 to vector<16xi32>
        %add3A_222 = arith.addi %add3A_221, %and3A_217 : vector<16xi32>
        tpu.vector_store_idx %arg13[%add3A_222, %add3A_118], %gather3A_219 : memref<32x256xf32, #tpu.memory_space<vmem>>[vector<16xi32>, vector<16xi32>], vector<16xf32>,
        %add3A_223 = arith.constant 9 : i32
        %add3A_224 = vector.broadcast %add3A_223 : i32 to vector<16xi32>
        %add3A_225 = arith.addi %iota3A, %add3A_224 : vector<16xi32>
        %and3A_226 = arith.constant 15 : i32
        %and3A_227 = vector.broadcast %and3A_226 : i32 to vector<16xi32>
        %and3A_228 = arith.andi %add3A_225, %and3A_227 : vector<16xi32>
        %add3A_229 = arith.addi %add3A_125, %and3A_228 : vector<16xi32>
        %gather3A_230 = tpu.vector_load_idx %arg11[%add3A_118, %add3A_229] : memref<256x128xf32, #tpu.memory_space<vmem>>[vector<16xi32>, vector<16xi32>], vector<16xf32>,
        %add3A_231 = arith.constant 0 : i32
        %add3A_232 = vector.broadcast %add3A_231 : i32 to vector<16xi32>
        %add3A_233 = arith.addi %add3A_232, %and3A_228 : vector<16xi32>
        tpu.vector_store_idx %arg13[%add3A_233, %add3A_118], %gather3A_230 : memref<32x256xf32, #tpu.memory_space<vmem>>[vector<16xi32>, vector<16xi32>], vector<16xf32>,
        %add3A_234 = arith.constant 10 : i32
        %add3A_235 = vector.broadcast %add3A_234 : i32 to vector<16xi32>
        %add3A_236 = arith.addi %iota3A, %add3A_235 : vector<16xi32>
        %and3A_237 = arith.constant 15 : i32
        %and3A_238 = vector.broadcast %and3A_237 : i32 to vector<16xi32>
        %and3A_239 = arith.andi %add3A_236, %and3A_238 : vector<16xi32>
        %add3A_240 = arith.addi %add3A_125, %and3A_239 : vector<16xi32>
        %gather3A_241 = tpu.vector_load_idx %arg11[%add3A_118, %add3A_240] : memref<256x128xf32, #tpu.memory_space<vmem>>[vector<16xi32>, vector<16xi32>], vector<16xf32>,
        %add3A_242 = arith.constant 0 : i32
        %add3A_243 = vector.broadcast %add3A_242 : i32 to vector<16xi32>
        %add3A_244 = arith.addi %add3A_243, %and3A_239 : vector<16xi32>
        tpu.vector_store_idx %arg13[%add3A_244, %add3A_118], %gather3A_241 : memref<32x256xf32, #tpu.memory_space<vmem>>[vector<16xi32>, vector<16xi32>], vector<16xf32>,
        %add3A_245 = arith.constant 11 : i32
        %add3A_246 = vector.broadcast %add3A_245 : i32 to vector<16xi32>
        %add3A_247 = arith.addi %iota3A, %add3A_246 : vector<16xi32>
        %and3A_248 = arith.constant 15 : i32
        %and3A_249 = vector.broadcast %and3A_248 : i32 to vector<16xi32>
        %and3A_250 = arith.andi %add3A_247, %and3A_249 : vector<16xi32>
        %add3A_251 = arith.addi %add3A_125, %and3A_250 : vector<16xi32>
        %gather3A_252 = tpu.vector_load_idx %arg11[%add3A_118, %add3A_251] : memref<256x128xf32, #tpu.memory_space<vmem>>[vector<16xi32>, vector<16xi32>], vector<16xf32>,
        %add3A_253 = arith.constant 0 : i32
        %add3A_254 = vector.broadcast %add3A_253 : i32 to vector<16xi32>
        %add3A_255 = arith.addi %add3A_254, %and3A_250 : vector<16xi32>
        tpu.vector_store_idx %arg13[%add3A_255, %add3A_118], %gather3A_252 : memref<32x256xf32, #tpu.memory_space<vmem>>[vector<16xi32>, vector<16xi32>], vector<16xf32>,
        %add3A_256 = arith.constant 12 : i32
        %add3A_257 = vector.broadcast %add3A_256 : i32 to vector<16xi32>
        %add3A_258 = arith.addi %iota3A, %add3A_257 : vector<16xi32>
        %and3A_259 = arith.constant 15 : i32
        %and3A_260 = vector.broadcast %and3A_259 : i32 to vector<16xi32>
        %and3A_261 = arith.andi %add3A_258, %and3A_260 : vector<16xi32>
        %add3A_262 = arith.addi %add3A_125, %and3A_261 : vector<16xi32>
        %gather3A_263 = tpu.vector_load_idx %arg11[%add3A_118, %add3A_262] : memref<256x128xf32, #tpu.memory_space<vmem>>[vector<16xi32>, vector<16xi32>], vector<16xf32>,
        %add3A_264 = arith.constant 0 : i32
        %add3A_265 = vector.broadcast %add3A_264 : i32 to vector<16xi32>
        %add3A_266 = arith.addi %add3A_265, %and3A_261 : vector<16xi32>
        tpu.vector_store_idx %arg13[%add3A_266, %add3A_118], %gather3A_263 : memref<32x256xf32, #tpu.memory_space<vmem>>[vector<16xi32>, vector<16xi32>], vector<16xf32>,
        %add3A_267 = arith.constant 13 : i32
        %add3A_268 = vector.broadcast %add3A_267 : i32 to vector<16xi32>
        %add3A_269 = arith.addi %iota3A, %add3A_268 : vector<16xi32>
        %and3A_270 = arith.constant 15 : i32
        %and3A_271 = vector.broadcast %and3A_270 : i32 to vector<16xi32>
        %and3A_272 = arith.andi %add3A_269, %and3A_271 : vector<16xi32>
        %add3A_273 = arith.addi %add3A_125, %and3A_272 : vector<16xi32>
        %gather3A_274 = tpu.vector_load_idx %arg11[%add3A_118, %add3A_273] : memref<256x128xf32, #tpu.memory_space<vmem>>[vector<16xi32>, vector<16xi32>], vector<16xf32>,
        %add3A_275 = arith.constant 0 : i32
        %add3A_276 = vector.broadcast %add3A_275 : i32 to vector<16xi32>
        %add3A_277 = arith.addi %add3A_276, %and3A_272 : vector<16xi32>
        tpu.vector_store_idx %arg13[%add3A_277, %add3A_118], %gather3A_274 : memref<32x256xf32, #tpu.memory_space<vmem>>[vector<16xi32>, vector<16xi32>], vector<16xf32>,
        %add3A_278 = arith.constant 14 : i32
        %add3A_279 = vector.broadcast %add3A_278 : i32 to vector<16xi32>
        %add3A_280 = arith.addi %iota3A, %add3A_279 : vector<16xi32>
        %and3A_281 = arith.constant 15 : i32
        %and3A_282 = vector.broadcast %and3A_281 : i32 to vector<16xi32>
        %and3A_283 = arith.andi %add3A_280, %and3A_282 : vector<16xi32>
        %add3A_284 = arith.addi %add3A_125, %and3A_283 : vector<16xi32>
        %gather3A_285 = tpu.vector_load_idx %arg11[%add3A_118, %add3A_284] : memref<256x128xf32, #tpu.memory_space<vmem>>[vector<16xi32>, vector<16xi32>], vector<16xf32>,
        %add3A_286 = arith.constant 0 : i32
        %add3A_287 = vector.broadcast %add3A_286 : i32 to vector<16xi32>
        %add3A_288 = arith.addi %add3A_287, %and3A_283 : vector<16xi32>
        tpu.vector_store_idx %arg13[%add3A_288, %add3A_118], %gather3A_285 : memref<32x256xf32, #tpu.memory_space<vmem>>[vector<16xi32>, vector<16xi32>], vector<16xf32>,
        %add3A_289 = arith.constant 15 : i32
        %add3A_290 = vector.broadcast %add3A_289 : i32 to vector<16xi32>
        %add3A_291 = arith.addi %iota3A, %add3A_290 : vector<16xi32>
        %and3A_292 = arith.constant 15 : i32
        %and3A_293 = vector.broadcast %and3A_292 : i32 to vector<16xi32>
        %and3A_294 = arith.andi %add3A_291, %and3A_293 : vector<16xi32>
        %add3A_295 = arith.addi %add3A_125, %and3A_294 : vector<16xi32>
        %gather3A_296 = tpu.vector_load_idx %arg11[%add3A_118, %add3A_295] : memref<256x128xf32, #tpu.memory_space<vmem>>[vector<16xi32>, vector<16xi32>], vector<16xf32>,
        %add3A_297 = arith.constant 0 : i32
        %add3A_298 = vector.broadcast %add3A_297 : i32 to vector<16xi32>
        %add3A_299 = arith.addi %add3A_298, %and3A_294 : vector<16xi32>
        tpu.vector_store_idx %arg13[%add3A_299, %add3A_118], %gather3A_296 : memref<32x256xf32, #tpu.memory_space<vmem>>[vector<16xi32>, vector<16xi32>], vector<16xf32>,
        %add3A_300 = arith.constant 16 : i32
        %add3A_301 = vector.broadcast %add3A_300 : i32 to vector<16xi32>
        %add3A_302 = arith.addi %mul3A_122, %add3A_301 : vector<16xi32>
        %add3A_303 = arith.constant 0 : i32
        %add3A_304 = vector.broadcast %add3A_303 : i32 to vector<16xi32>
        %add3A_305 = arith.addi %iota3A, %add3A_304 : vector<16xi32>
        %and3A_306 = arith.constant 15 : i32
        %and3A_307 = vector.broadcast %and3A_306 : i32 to vector<16xi32>
        %and3A_308 = arith.andi %add3A_305, %and3A_307 : vector<16xi32>
        %add3A_309 = arith.addi %add3A_302, %and3A_308 : vector<16xi32>
        %gather3A_310 = tpu.vector_load_idx %arg11[%add3A_118, %add3A_309] : memref<256x128xf32, #tpu.memory_space<vmem>>[vector<16xi32>, vector<16xi32>], vector<16xf32>,
        %add3A_311 = arith.constant 16 : i32
        %add3A_312 = vector.broadcast %add3A_311 : i32 to vector<16xi32>
        %add3A_313 = arith.addi %add3A_312, %and3A_308 : vector<16xi32>
        tpu.vector_store_idx %arg13[%add3A_313, %add3A_118], %gather3A_310 : memref<32x256xf32, #tpu.memory_space<vmem>>[vector<16xi32>, vector<16xi32>], vector<16xf32>,
        %add3A_314 = arith.constant 1 : i32
        %add3A_315 = vector.broadcast %add3A_314 : i32 to vector<16xi32>
        %add3A_316 = arith.addi %iota3A, %add3A_315 : vector<16xi32>
        %and3A_317 = arith.constant 15 : i32
        %and3A_318 = vector.broadcast %and3A_317 : i32 to vector<16xi32>
        %and3A_319 = arith.andi %add3A_316, %and3A_318 : vector<16xi32>
        %add3A_320 = arith.addi %add3A_302, %and3A_319 : vector<16xi32>
        %gather3A_321 = tpu.vector_load_idx %arg11[%add3A_118, %add3A_320] : memref<256x128xf32, #tpu.memory_space<vmem>>[vector<16xi32>, vector<16xi32>], vector<16xf32>,
        %add3A_322 = arith.constant 16 : i32
        %add3A_323 = vector.broadcast %add3A_322 : i32 to vector<16xi32>
        %add3A_324 = arith.addi %add3A_323, %and3A_319 : vector<16xi32>
        tpu.vector_store_idx %arg13[%add3A_324, %add3A_118], %gather3A_321 : memref<32x256xf32, #tpu.memory_space<vmem>>[vector<16xi32>, vector<16xi32>], vector<16xf32>,
        %add3A_325 = arith.constant 2 : i32
        %add3A_326 = vector.broadcast %add3A_325 : i32 to vector<16xi32>
        %add3A_327 = arith.addi %iota3A, %add3A_326 : vector<16xi32>
        %and3A_328 = arith.constant 15 : i32
        %and3A_329 = vector.broadcast %and3A_328 : i32 to vector<16xi32>
        %and3A_330 = arith.andi %add3A_327, %and3A_329 : vector<16xi32>
        %add3A_331 = arith.addi %add3A_302, %and3A_330 : vector<16xi32>
        %gather3A_332 = tpu.vector_load_idx %arg11[%add3A_118, %add3A_331] : memref<256x128xf32, #tpu.memory_space<vmem>>[vector<16xi32>, vector<16xi32>], vector<16xf32>,
        %add3A_333 = arith.constant 16 : i32
        %add3A_334 = vector.broadcast %add3A_333 : i32 to vector<16xi32>
        %add3A_335 = arith.addi %add3A_334, %and3A_330 : vector<16xi32>
        tpu.vector_store_idx %arg13[%add3A_335, %add3A_118], %gather3A_332 : memref<32x256xf32, #tpu.memory_space<vmem>>[vector<16xi32>, vector<16xi32>], vector<16xf32>,
        %add3A_336 = arith.constant 3 : i32
        %add3A_337 = vector.broadcast %add3A_336 : i32 to vector<16xi32>
        %add3A_338 = arith.addi %iota3A, %add3A_337 : vector<16xi32>
        %and3A_339 = arith.constant 15 : i32
        %and3A_340 = vector.broadcast %and3A_339 : i32 to vector<16xi32>
        %and3A_341 = arith.andi %add3A_338, %and3A_340 : vector<16xi32>
        %add3A_342 = arith.addi %add3A_302, %and3A_341 : vector<16xi32>
        %gather3A_343 = tpu.vector_load_idx %arg11[%add3A_118, %add3A_342] : memref<256x128xf32, #tpu.memory_space<vmem>>[vector<16xi32>, vector<16xi32>], vector<16xf32>,
        %add3A_344 = arith.constant 16 : i32
        %add3A_345 = vector.broadcast %add3A_344 : i32 to vector<16xi32>
        %add3A_346 = arith.addi %add3A_345, %and3A_341 : vector<16xi32>
        tpu.vector_store_idx %arg13[%add3A_346, %add3A_118], %gather3A_343 : memref<32x256xf32, #tpu.memory_space<vmem>>[vector<16xi32>, vector<16xi32>], vector<16xf32>,
        %add3A_347 = arith.constant 4 : i32
        %add3A_348 = vector.broadcast %add3A_347 : i32 to vector<16xi32>
        %add3A_349 = arith.addi %iota3A, %add3A_348 : vector<16xi32>
        %and3A_350 = arith.constant 15 : i32
        %and3A_351 = vector.broadcast %and3A_350 : i32 to vector<16xi32>
        %and3A_352 = arith.andi %add3A_349, %and3A_351 : vector<16xi32>
        %add3A_353 = arith.addi %add3A_302, %and3A_352 : vector<16xi32>
        %gather3A_354 = tpu.vector_load_idx %arg11[%add3A_118, %add3A_353] : memref<256x128xf32, #tpu.memory_space<vmem>>[vector<16xi32>, vector<16xi32>], vector<16xf32>,
        %add3A_355 = arith.constant 16 : i32
        %add3A_356 = vector.broadcast %add3A_355 : i32 to vector<16xi32>
        %add3A_357 = arith.addi %add3A_356, %and3A_352 : vector<16xi32>
        tpu.vector_store_idx %arg13[%add3A_357, %add3A_118], %gather3A_354 : memref<32x256xf32, #tpu.memory_space<vmem>>[vector<16xi32>, vector<16xi32>], vector<16xf32>,
        %add3A_358 = arith.constant 5 : i32
        %add3A_359 = vector.broadcast %add3A_358 : i32 to vector<16xi32>
        %add3A_360 = arith.addi %iota3A, %add3A_359 : vector<16xi32>
        %and3A_361 = arith.constant 15 : i32
        %and3A_362 = vector.broadcast %and3A_361 : i32 to vector<16xi32>
        %and3A_363 = arith.andi %add3A_360, %and3A_362 : vector<16xi32>
        %add3A_364 = arith.addi %add3A_302, %and3A_363 : vector<16xi32>
        %gather3A_365 = tpu.vector_load_idx %arg11[%add3A_118, %add3A_364] : memref<256x128xf32, #tpu.memory_space<vmem>>[vector<16xi32>, vector<16xi32>], vector<16xf32>,
        %add3A_366 = arith.constant 16 : i32
        %add3A_367 = vector.broadcast %add3A_366 : i32 to vector<16xi32>
        %add3A_368 = arith.addi %add3A_367, %and3A_363 : vector<16xi32>
        tpu.vector_store_idx %arg13[%add3A_368, %add3A_118], %gather3A_365 : memref<32x256xf32, #tpu.memory_space<vmem>>[vector<16xi32>, vector<16xi32>], vector<16xf32>,
        %add3A_369 = arith.constant 6 : i32
        %add3A_370 = vector.broadcast %add3A_369 : i32 to vector<16xi32>
        %add3A_371 = arith.addi %iota3A, %add3A_370 : vector<16xi32>
        %and3A_372 = arith.constant 15 : i32
        %and3A_373 = vector.broadcast %and3A_372 : i32 to vector<16xi32>
        %and3A_374 = arith.andi %add3A_371, %and3A_373 : vector<16xi32>
        %add3A_375 = arith.addi %add3A_302, %and3A_374 : vector<16xi32>
        %gather3A_376 = tpu.vector_load_idx %arg11[%add3A_118, %add3A_375] : memref<256x128xf32, #tpu.memory_space<vmem>>[vector<16xi32>, vector<16xi32>], vector<16xf32>,
        %add3A_377 = arith.constant 16 : i32
        %add3A_378 = vector.broadcast %add3A_377 : i32 to vector<16xi32>
        %add3A_379 = arith.addi %add3A_378, %and3A_374 : vector<16xi32>
        tpu.vector_store_idx %arg13[%add3A_379, %add3A_118], %gather3A_376 : memref<32x256xf32, #tpu.memory_space<vmem>>[vector<16xi32>, vector<16xi32>], vector<16xf32>,
        %add3A_380 = arith.constant 7 : i32
        %add3A_381 = vector.broadcast %add3A_380 : i32 to vector<16xi32>
        %add3A_382 = arith.addi %iota3A, %add3A_381 : vector<16xi32>
        %and3A_383 = arith.constant 15 : i32
        %and3A_384 = vector.broadcast %and3A_383 : i32 to vector<16xi32>
        %and3A_385 = arith.andi %add3A_382, %and3A_384 : vector<16xi32>
        %add3A_386 = arith.addi %add3A_302, %and3A_385 : vector<16xi32>
        %gather3A_387 = tpu.vector_load_idx %arg11[%add3A_118, %add3A_386] : memref<256x128xf32, #tpu.memory_space<vmem>>[vector<16xi32>, vector<16xi32>], vector<16xf32>,
        %add3A_388 = arith.constant 16 : i32
        %add3A_389 = vector.broadcast %add3A_388 : i32 to vector<16xi32>
        %add3A_390 = arith.addi %add3A_389, %and3A_385 : vector<16xi32>
        tpu.vector_store_idx %arg13[%add3A_390, %add3A_118], %gather3A_387 : memref<32x256xf32, #tpu.memory_space<vmem>>[vector<16xi32>, vector<16xi32>], vector<16xf32>,
        %add3A_391 = arith.constant 8 : i32
        %add3A_392 = vector.broadcast %add3A_391 : i32 to vector<16xi32>
        %add3A_393 = arith.addi %iota3A, %add3A_392 : vector<16xi32>
        %and3A_394 = arith.constant 15 : i32
        %and3A_395 = vector.broadcast %and3A_394 : i32 to vector<16xi32>
        %and3A_396 = arith.andi %add3A_393, %and3A_395 : vector<16xi32>
        %add3A_397 = arith.addi %add3A_302, %and3A_396 : vector<16xi32>
        %gather3A_398 = tpu.vector_load_idx %arg11[%add3A_118, %add3A_397] : memref<256x128xf32, #tpu.memory_space<vmem>>[vector<16xi32>, vector<16xi32>], vector<16xf32>,
        %add3A_399 = arith.constant 16 : i32
        %add3A_400 = vector.broadcast %add3A_399 : i32 to vector<16xi32>
        %add3A_401 = arith.addi %add3A_400, %and3A_396 : vector<16xi32>
        tpu.vector_store_idx %arg13[%add3A_401, %add3A_118], %gather3A_398 : memref<32x256xf32, #tpu.memory_space<vmem>>[vector<16xi32>, vector<16xi32>], vector<16xf32>,
        %add3A_402 = arith.constant 9 : i32
        %add3A_403 = vector.broadcast %add3A_402 : i32 to vector<16xi32>
        %add3A_404 = arith.addi %iota3A, %add3A_403 : vector<16xi32>
        %and3A_405 = arith.constant 15 : i32
        %and3A_406 = vector.broadcast %and3A_405 : i32 to vector<16xi32>
        %and3A_407 = arith.andi %add3A_404, %and3A_406 : vector<16xi32>
        %add3A_408 = arith.addi %add3A_302, %and3A_407 : vector<16xi32>
        %gather3A_409 = tpu.vector_load_idx %arg11[%add3A_118, %add3A_408] : memref<256x128xf32, #tpu.memory_space<vmem>>[vector<16xi32>, vector<16xi32>], vector<16xf32>,
        %add3A_410 = arith.constant 16 : i32
        %add3A_411 = vector.broadcast %add3A_410 : i32 to vector<16xi32>
        %add3A_412 = arith.addi %add3A_411, %and3A_407 : vector<16xi32>
        tpu.vector_store_idx %arg13[%add3A_412, %add3A_118], %gather3A_409 : memref<32x256xf32, #tpu.memory_space<vmem>>[vector<16xi32>, vector<16xi32>], vector<16xf32>,
        %add3A_413 = arith.constant 10 : i32
        %add3A_414 = vector.broadcast %add3A_413 : i32 to vector<16xi32>
        %add3A_415 = arith.addi %iota3A, %add3A_414 : vector<16xi32>
        %and3A_416 = arith.constant 15 : i32
        %and3A_417 = vector.broadcast %and3A_416 : i32 to vector<16xi32>
        %and3A_418 = arith.andi %add3A_415, %and3A_417 : vector<16xi32>
        %add3A_419 = arith.addi %add3A_302, %and3A_418 : vector<16xi32>
        %gather3A_420 = tpu.vector_load_idx %arg11[%add3A_118, %add3A_419] : memref<256x128xf32, #tpu.memory_space<vmem>>[vector<16xi32>, vector<16xi32>], vector<16xf32>,
        %add3A_421 = arith.constant 16 : i32
        %add3A_422 = vector.broadcast %add3A_421 : i32 to vector<16xi32>
        %add3A_423 = arith.addi %add3A_422, %and3A_418 : vector<16xi32>
        tpu.vector_store_idx %arg13[%add3A_423, %add3A_118], %gather3A_420 : memref<32x256xf32, #tpu.memory_space<vmem>>[vector<16xi32>, vector<16xi32>], vector<16xf32>,
        %add3A_424 = arith.constant 11 : i32
        %add3A_425 = vector.broadcast %add3A_424 : i32 to vector<16xi32>
        %add3A_426 = arith.addi %iota3A, %add3A_425 : vector<16xi32>
        %and3A_427 = arith.constant 15 : i32
        %and3A_428 = vector.broadcast %and3A_427 : i32 to vector<16xi32>
        %and3A_429 = arith.andi %add3A_426, %and3A_428 : vector<16xi32>
        %add3A_430 = arith.addi %add3A_302, %and3A_429 : vector<16xi32>
        %gather3A_431 = tpu.vector_load_idx %arg11[%add3A_118, %add3A_430] : memref<256x128xf32, #tpu.memory_space<vmem>>[vector<16xi32>, vector<16xi32>], vector<16xf32>,
        %add3A_432 = arith.constant 16 : i32
        %add3A_433 = vector.broadcast %add3A_432 : i32 to vector<16xi32>
        %add3A_434 = arith.addi %add3A_433, %and3A_429 : vector<16xi32>
        tpu.vector_store_idx %arg13[%add3A_434, %add3A_118], %gather3A_431 : memref<32x256xf32, #tpu.memory_space<vmem>>[vector<16xi32>, vector<16xi32>], vector<16xf32>,
        %add3A_435 = arith.constant 12 : i32
        %add3A_436 = vector.broadcast %add3A_435 : i32 to vector<16xi32>
        %add3A_437 = arith.addi %iota3A, %add3A_436 : vector<16xi32>
        %and3A_438 = arith.constant 15 : i32
        %and3A_439 = vector.broadcast %and3A_438 : i32 to vector<16xi32>
        %and3A_440 = arith.andi %add3A_437, %and3A_439 : vector<16xi32>
        %add3A_441 = arith.addi %add3A_302, %and3A_440 : vector<16xi32>
        %gather3A_442 = tpu.vector_load_idx %arg11[%add3A_118, %add3A_441] : memref<256x128xf32, #tpu.memory_space<vmem>>[vector<16xi32>, vector<16xi32>], vector<16xf32>,
        %add3A_443 = arith.constant 16 : i32
        %add3A_444 = vector.broadcast %add3A_443 : i32 to vector<16xi32>
        %add3A_445 = arith.addi %add3A_444, %and3A_440 : vector<16xi32>
        tpu.vector_store_idx %arg13[%add3A_445, %add3A_118], %gather3A_442 : memref<32x256xf32, #tpu.memory_space<vmem>>[vector<16xi32>, vector<16xi32>], vector<16xf32>,
        %add3A_446 = arith.constant 13 : i32
        %add3A_447 = vector.broadcast %add3A_446 : i32 to vector<16xi32>
        %add3A_448 = arith.addi %iota3A, %add3A_447 : vector<16xi32>
        %and3A_449 = arith.constant 15 : i32
        %and3A_450 = vector.broadcast %and3A_449 : i32 to vector<16xi32>
        %and3A_451 = arith.andi %add3A_448, %and3A_450 : vector<16xi32>
        %add3A_452 = arith.addi %add3A_302, %and3A_451 : vector<16xi32>
        %gather3A_453 = tpu.vector_load_idx %arg11[%add3A_118, %add3A_452] : memref<256x128xf32, #tpu.memory_space<vmem>>[vector<16xi32>, vector<16xi32>], vector<16xf32>,
        %add3A_454 = arith.constant 16 : i32
        %add3A_455 = vector.broadcast %add3A_454 : i32 to vector<16xi32>
        %add3A_456 = arith.addi %add3A_455, %and3A_451 : vector<16xi32>
        tpu.vector_store_idx %arg13[%add3A_456, %add3A_118], %gather3A_453 : memref<32x256xf32, #tpu.memory_space<vmem>>[vector<16xi32>, vector<16xi32>], vector<16xf32>,
        %add3A_457 = arith.constant 14 : i32
        %add3A_458 = vector.broadcast %add3A_457 : i32 to vector<16xi32>
        %add3A_459 = arith.addi %iota3A, %add3A_458 : vector<16xi32>
        %and3A_460 = arith.constant 15 : i32
        %and3A_461 = vector.broadcast %and3A_460 : i32 to vector<16xi32>
        %and3A_462 = arith.andi %add3A_459, %and3A_461 : vector<16xi32>
        %add3A_463 = arith.addi %add3A_302, %and3A_462 : vector<16xi32>
        %gather3A_464 = tpu.vector_load_idx %arg11[%add3A_118, %add3A_463] : memref<256x128xf32, #tpu.memory_space<vmem>>[vector<16xi32>, vector<16xi32>], vector<16xf32>,
        %add3A_465 = arith.constant 16 : i32
        %add3A_466 = vector.broadcast %add3A_465 : i32 to vector<16xi32>
        %add3A_467 = arith.addi %add3A_466, %and3A_462 : vector<16xi32>
        tpu.vector_store_idx %arg13[%add3A_467, %add3A_118], %gather3A_464 : memref<32x256xf32, #tpu.memory_space<vmem>>[vector<16xi32>, vector<16xi32>], vector<16xf32>,
        %add3A_468 = arith.constant 15 : i32
        %add3A_469 = vector.broadcast %add3A_468 : i32 to vector<16xi32>
        %add3A_470 = arith.addi %iota3A, %add3A_469 : vector<16xi32>
        %and3A_471 = arith.constant 15 : i32
        %and3A_472 = vector.broadcast %and3A_471 : i32 to vector<16xi32>
        %and3A_473 = arith.andi %add3A_470, %and3A_472 : vector<16xi32>
        %add3A_474 = arith.addi %add3A_302, %and3A_473 : vector<16xi32>
        %gather3A_475 = tpu.vector_load_idx %arg11[%add3A_118, %add3A_474] : memref<256x128xf32, #tpu.memory_space<vmem>>[vector<16xi32>, vector<16xi32>], vector<16xf32>,
        %add3A_476 = arith.constant 16 : i32
        %add3A_477 = vector.broadcast %add3A_476 : i32 to vector<16xi32>
        %add3A_478 = arith.addi %add3A_477, %and3A_473 : vector<16xi32>
        tpu.vector_store_idx %arg13[%add3A_478, %add3A_118], %gather3A_475 : memref<32x256xf32, #tpu.memory_space<vmem>>[vector<16xi32>, vector<16xi32>], vector<16xf32>,
      }
      %scan3A_99 = arith.constant 16 : i32
      %add3A_100 = arith.constant 2 : i32
      %add3A_101 = arith.addi %add3A_78, %add3A_100 : i32
      %lt3A_102 = arith.constant 52 : i32
      %lt3A_103 = arith.cmpi slt, %add3A_101, %lt3A_102 : i32
      %convert_element_type3A_104 = arith.extui %lt3A_103 : i1 to i32
      %cond3A_105 = arith.constant 0 : i32
      %cond3A_106 = arith.cmpi ne, %convert_element_type3A_104, %cond3A_105 : i32
      scf.if %cond3A_106 {
        %add3A_114 = arith.constant 2 : i32
        %add3A_115 = arith.addi %add3A_78, %add3A_114 : i32
        %mul3A_116 = arith.constant 256 : i32
        %mul3A_117 = arith.muli %add3A_115, %mul3A_116 : i32
        %add3A_118 = arith.addi %mul3A_2, %mul3A_117 : i32
        %dma_start3A_119 = tpu.memref_slice %arg2[%add3A_118] : memref<425984xi32, #tpu.memory_space<hbm>> -> memref<256xi32, #tpu.memory_space<hbm>>
        %dma_start3A_120 = tpu.memref_slice %arg2[%add3A_118] : memref<425984xi32, #tpu.memory_space<hbm>> -> memref<256xi32, #tpu.memory_space<hbm>>
        tpu.enqueue_dma source(%dma_start3A_120 : memref<256xi32, #tpu.memory_space<hbm>>) target(%arg7 : memref<256xi32, #tpu.memory_space<vmem>>) target_semaphore(%arg15 : memref<!tpu.dma_semaphore, #tpu.memory_space<semaphore_mem>>)
        %dma_start3A_121 = tpu.memref_slice %arg3[%add3A_118] : memref<425984xi32, #tpu.memory_space<hbm>> -> memref<256xi32, #tpu.memory_space<hbm>>
        %dma_start3A_122 = tpu.memref_slice %arg3[%add3A_118] : memref<425984xi32, #tpu.memory_space<hbm>> -> memref<256xi32, #tpu.memory_space<hbm>>
        tpu.enqueue_dma source(%dma_start3A_122 : memref<256xi32, #tpu.memory_space<hbm>>) target(%arg9 : memref<256xi32, #tpu.memory_space<vmem>>) target_semaphore(%arg15 : memref<!tpu.dma_semaphore, #tpu.memory_space<semaphore_mem>>)
      } else {
      }
      %mul3A_107 = arith.constant 256 : i32
      %mul3A_108 = arith.muli %add3A_78, %mul3A_107 : i32
      %add3A_109 = arith.addi %mul3A_2, %mul3A_108 : i32
      %dma_start3A_110 = arith.constant 0 : i32
      %dma_start3A_111 = tpu.memref_slice %arg5[%dma_start3A_110, %add3A_109] : memref<32x425984xf32, #tpu.memory_space<hbm>> -> memref<32x256xf32, #tpu.memory_space<hbm>>
      %dma_start3A_112 = arith.constant 0 : i32
      %dma_start3A_113 = tpu.memref_slice %arg5[%dma_start3A_112, %add3A_109] : memref<32x425984xf32, #tpu.memory_space<hbm>> -> memref<32x256xf32, #tpu.memory_space<hbm>>
      tpu.enqueue_dma source(%arg13 : memref<32x256xf32, #tpu.memory_space<vmem>>) target(%dma_start3A_113 : memref<32x256xf32, #tpu.memory_space<hbm>>) target_semaphore(%arg19 : memref<!tpu.dma_semaphore, #tpu.memory_space<semaphore_mem>>)
    }
    %scan3A_26 = arith.constant 26 : i32
    %add3A_27 = arith.constant 12800 : i32
    %add3A_28 = arith.addi %mul3A_2, %add3A_27 : i32
    %dma_wait3A_29 = arith.constant 0 : i32
    %dma_wait3A_30 = tpu.memref_slice %arg5[%dma_wait3A_29, %add3A_28] : memref<32x425984xf32, #tpu.memory_space<hbm>> -> memref<32x256xf32, #tpu.memory_space<hbm>>
    %dma_wait3A_31 = arith.constant 0 : i32
    %dma_wait3A_32 = tpu.memref_slice %arg5[%dma_wait3A_31, %add3A_28] : memref<32x425984xf32, #tpu.memory_space<hbm>> -> memref<32x256xf32, #tpu.memory_space<hbm>>
    tpu.wait_dma2 semaphore(%arg18 : memref<!tpu.dma_semaphore, #tpu.memory_space<semaphore_mem>>) src(%arg12 : memref<32x256xf32, #tpu.memory_space<vmem>>) dst(%dma_wait3A_32 : memref<32x256xf32, #tpu.memory_space<hbm>>)
    %add3A_33 = arith.constant 13056 : i32
    %add3A_34 = arith.addi %mul3A_2, %add3A_33 : i32
    %dma_wait3A_35 = arith.constant 0 : i32
    %dma_wait3A_36 = tpu.memref_slice %arg5[%dma_wait3A_35, %add3A_34] : memref<32x425984xf32, #tpu.memory_space<hbm>> -> memref<32x256xf32, #tpu.memory_space<hbm>>
    %dma_wait3A_37 = arith.constant 0 : i32
    %dma_wait3A_38 = tpu.memref_slice %arg5[%dma_wait3A_37, %add3A_34] : memref<32x425984xf32, #tpu.memory_space<hbm>> -> memref<32x256xf32, #tpu.memory_space<hbm>>
    tpu.wait_dma2 semaphore(%arg19 : memref<!tpu.dma_semaphore, #tpu.memory_space<semaphore_mem>>) src(%arg13 : memref<32x256xf32, #tpu.memory_space<vmem>>) dst(%dma_wait3A_38 : memref<32x256xf32, #tpu.memory_space<hbm>>)
    return
  }
}

</mosaic_0001>

<sc_bundles>
// kernel: kernel.4.cloned.1.call-start
scs
__scs_entry_jumppad:
0x0: {  	(pc) =	sbr.rel $0x88, $3  }
0x1: {  	(tag) =	ssettag $0x0;
	lr =	simm.s32 $0x1  }
0x2: {  	[smem:$0x3F9B] =	sst lr;
	_ =	strace $0xD0000000  }
0x3: {  	_ = 	snop  }
0x4: {  	_ = 	snop  }
0x5: {  	_ = 	snop  }
0x6: {  	_ = 	snop  }
0x7: {  	_ = 	snop  }
__scs_overlays_trampoline_lowered:
0x8: {  	[smem:$0x3FAA] =	sst s0  }
0x9: {  	[smem:$0x3FAB] =	sst s1  }
0xa: {  	[smem:$0x3FAC] =	sst s2  }
0xb: {  	[smem:$0x3FAD] =	sst s3  }
0xc: {  	[smem:$0x3FAE] =	sst s4  }
0xd: {  	[smem:$0x3FAF] =	sst s5  }
0xe: {  	[smem:$0x3FB0] =	sst s6  }
0xf: {  	[smem:$0x3FB1] =	sst s7  }
0x10: {  	[smem:$0x3FB2] =	sst s8  }
0x11: {  	[smem:$0x3FB3] =	sst s9;
	s0 =	simm.s32 @!p0 $0x0  }
0x12: {  	s1 =	sld [smem:$0x3F99];
	s0 =	simm.s32 @p0 $0x1  }
0x13: {  	[smem:$0x3FB4] =	sst s0;
	s0 =	simm.s32 @!p1 $0x0  }
0x14: {  	s2 =	sld [smem:$0x3F98];
	s0 =	simm.s32 @p1 $0x1  }
0x15: {  	[smem:$0x3FB5] =	sst s0;
	s0 =	simm.s32 @!p2 $0x0  }
0x16: {  	s3 =	sld [smem:$0x3FDB];
	s0 =	simm.s32 @p2 $0x1  }
0x17: {  	s4 =	simm.s32 $0x1BF5;
	[smem:$0x3FB7] =	sst s0  }
0x18: {  	s0 =	sld [smem:$0x3F9A];
	_ =	swait.ge [sflag:s4], $0x0  }
0x19: {  	s7 =	sld [smem:$0x3F9B]  }
0x1a: {  	s8 =	sadd.s32 $0xFFFFE003, lr  }
0x1b: {  	s9 =	sadd.s32 $0xFFFFFEF7, lr;
	s5 =	simm.s32 $0xFFFFFFFF;
	p2 =	slt.u32 s8, $0xFFFFF086  }
0x1c: {  	p1 =	slt.u32 s9, $0xF7A;
	s5 =	simm.s32 @!p2 $0x0  }
0x1d: {  	s5 =	simm.s32 @p1 $0x1;
	p0 =	seq.s32 s7, s2  }
0x1e: {  	s7 =	smul.u32 @!p0 $0xF7A, s2;
	p2 =	seq.s32 @!p0 s5, $0x0  }
0x1f: {  	s9 =	smul.u32 $0xF7A, s1;
	s8 =	simm.s32 @!p0 $0x1BF5;
	p2 =	por !p2, p0  }
0x20: {  	[sflag:s8] =	ssyncset.s32 @!p0 $0xFFFFF086;
	s6 =	sadd.s32 @!p0 s3, s7;
	s7 =	simm.s32 @!p0 $0x108  }
0x21: {  	s3 =	sadd.s32 s3, s9;
	s6 =	sadd.s32 @!p0 $0x88, s6;
	s7 =	simm.s32 @p2 $0x1082  }
0x22: {  	[simem:s7], [sflag:s8] =	dma.local @!p0 [hbm:s6], $0xF7A  }
0x23: {  	s9 =	sor.u32 $0xD0000000, s2;
	s6 =	simm.s32 $0x108;
	_ =	swait.ge @!p0 [sflag:s8], $0x0  }
0x24: {  	s3 =	sadd.s32 $0x88, s3;
	s6 =	simm.s32 @!p1 $0x1082;
	[sflag:s4] =	ssyncset.s32 $0xFFFFF086  }
0x25: {  	[simem:s6], [sflag:s4] =	dma.local [hbm:s3], $0xF7A  }
0x26: {  	[smem:$0x3F9B] =	sst s1;
	(tag) =	ssettag s2;
	_ =	strace s9  }
0x27: {  	s1 =	sld [smem:$0x3FAB]  }
0x28: {  	s2 =	sld [smem:$0x3FAC]  }
0x29: {  	s4 =	sld [smem:$0x3FAE]  }
0x2a: {  	p0 =	seq.s32 s5, $0x0;
	s5 =	sld [smem:$0x3FAF]  }
0x2b: {  	s6 =	sld [smem:$0x3FB0]  }
0x2c: {  	s7 =	sld [smem:$0x3FB1]  }
0x2d: {  	s3 =	simm.s32 $0x108;
	s8 =	sld [smem:$0x3FB2]  }
0x2e: {  	s3 =	simm.s32 @!p0 $0x1082;
	s9 =	sld [smem:$0x3FB3]  }
0x2f: {  	lr =	sadd.s32 s0, s3;
	s0 =	sld [smem:$0x3FAA]  }
0x30: {  	s3 =	sld [smem:$0x3FAD]  }
0x31: {  	[smem:$0x3FB6] =	sst s10  }
0x32: {  	s10 =	sld [smem:$0x3FB4];
	_ =	sdelay $0x3  }
0x33: {  	p0 =	seq.s32 s10, $0x1;
	s10 =	sld [smem:$0x3FB6];
	_ =	sdelay $0x3  }
0x34: {  	[smem:$0x3FB6] =	sst s10  }
0x35: {  	s10 =	sld [smem:$0x3FB5];
	_ =	sdelay $0x3  }
0x36: {  	p1 =	seq.s32 s10, $0x1;
	s10 =	sld [smem:$0x3FB6];
	_ =	sdelay $0x3  }
0x37: {  	[smem:$0x3FB6] =	sst s10  }
0x38: {  	s10 =	sld [smem:$0x3FB7]  }
0x39: {  	_ = 	snop;
	(pc) =	sbr.ind lr, $3  }
0x3a: {  	_ = 	snop  }
0x3b: {  	_ = 	snop  }
0x3c: {  	p2 =	seq.s32 s10, $0x1;
	s10 =	sld [smem:$0x3FB6]  }
0x3d: {  	_ =	shalt  }
0x3e: {  	_ =	shalt  }
0x3f: {  	_ =	shalt  }
0x40: {  	_ =	shalt  }
0x41: {  	_ =	shalt  }
0x42: {  	_ =	shalt  }
0x43: {  	_ =	shalt  }
0x44: {  	_ =	shalt  }
0x45: {  	_ =	shalt  }
0x46: {  	_ =	shalt  }
0x47: {  	_ =	shalt  }
0x48: {  	_ =	shalt  }
0x49: {  	_ =	shalt  }
0x4a: {  	_ =	shalt  }
0x4b: {  	_ =	shalt  }
0x4c: {  	_ =	shalt  }
0x4d: {  	_ =	shalt  }
0x4e: {  	_ =	shalt  }
0x4f: {  	_ =	shalt  }
0x50: {  	_ =	shalt  }
0x51: {  	_ =	shalt  }
0x52: {  	_ =	shalt  }
0x53: {  	_ =	shalt  }
0x54: {  	_ =	shalt  }
0x55: {  	_ =	shalt  }
0x56: {  	_ =	shalt  }
0x57: {  	_ =	shalt  }
0x58: {  	_ =	shalt  }
0x59: {  	_ =	shalt  }
0x5a: {  	_ =	shalt  }
0x5b: {  	_ =	shalt  }
0x5c: {  	_ =	shalt  }
0x5d: {  	_ =	shalt  }
0x5e: {  	_ =	shalt  }
0x5f: {  	_ =	shalt  }
0x60: {  	_ =	shalt  }
0x61: {  	_ =	shalt  }
0x62: {  	_ =	shalt  }
0x63: {  	_ =	shalt  }
0x64: {  	_ =	shalt  }
0x65: {  	_ =	shalt  }
0x66: {  	_ =	shalt  }
0x67: {  	_ =	shalt  }
0x68: {  	_ =	shalt  }
0x69: {  	_ =	shalt  }
0x6a: {  	_ =	shalt  }
0x6b: {  	_ =	shalt  }
0x6c: {  	_ =	shalt  }
0x6d: {  	_ =	shalt  }
0x6e: {  	_ =	shalt  }
0x6f: {  	_ =	shalt  }
0x70: {  	_ =	shalt  }
0x71: {  	_ =	shalt  }
0x72: {  	_ =	shalt  }
0x73: {  	_ =	shalt  }
0x74: {  	_ =	shalt  }
0x75: {  	_ =	shalt  }
0x76: {  	_ =	shalt  }
0x77: {  	_ =	shalt  }
0x78: {  	_ =	shalt  }
0x79: {  	_ =	shalt  }
0x7a: {  	_ =	shalt  }
0x7b: {  	_ =	shalt  }
0x7c: {  	_ =	shalt  }
0x7d: {  	_ =	shalt  }
0x7e: {  	_ =	shalt  }
0x7f: {  	_ =	shalt  }
0x80: {  	_ =	shalt  }
0x81: {  	_ =	shalt  }
0x82: {  	_ =	shalt  }
0x83: {  	_ =	shalt  }
0x84: {  	_ =	shalt  }
0x85: {  	_ =	shalt  }
0x86: {  	_ =	shalt  }
0x87: {  	_ =	shalt  }
.Lfunc_end0:
.L_simem_size_0:
called_computation_lowered:
.L_overlay_start_0:
0x88: {  	s2 =	sld [smem:$0x3FD9]  }
0x89: {  	s3 =	sld [smem:$0x3FFE];
	_ =	sdelay $0x1  }
0x8a: {  	s1 =	srdreg.scid  }
0x8b: {  	s0 =	sand.u32 $0x1, s1  }
0x8c: {  	s17 =	sshll.u32 s0, $0xA;
	s2 =	sadd.s32 s3, s2  }
0x8d: {  	s2 =	sadd.s32 s2, s17  }
0x8e: {  	[smem:$0x3FC2] =	sst s2  }
0x8f: {  	_ = 	snop  }
0x90: {  	s2 =	sld [smem:$0x3FC7]  }
0x91: {  	s18 =	sld [smem:$0x3FC6]  }
0x92: {  	s4 =	sld [smem:$0x3FC5]  }
0x93: {  	s5 =	sld [smem:$0x3FC4];
	(tm) =	ssettm $0x1  }
0x94: {  	s6 =	sld [smem:$0x3FFB];
	_ =	sdelay $0x3  }
0x95: {  	_ =	strace s6  }
0x96: {  	s6 =	sld [smem:$0x3FFC];
	_ =	sdelay $0x3  }
0x97: {  	_ =	strace s6  }
0x98: {  	s6 =	sld [smem:$0x3FFD];
	_ =	sdelay $0x3  }
0x99: {  	_ =	strace s6  }
0x9a: {  	_ =	strace $0x8FFFFFFF  }
0x9b: {  	s19 =	sld [smem:$0x3FDB];
	_ =	sdelay $0x1  }
0x9c: {  	s7 =	simm.s32 $_scs_section_size  }
0x9d: {  	s8 =	simm.s32 $_size__tile_overlayer_lowered;
	s9 =	simm.s32 $_tile_overlayer_lowered  }
0x9e: {  	s22 =	simm.s32 $0x1BFF;
	s21 =	sshll.u32 s9, $0x1;
	s6 =	sadd.s32 s7, s19  }
0x9f: {  	s10 =	simm.s32 $0x0;
	s20 =	sshll.u32 s8, $0x1;
	s8 =	sadd.s32 s21, s6  }
0xa0: {  	[timem:s10], [sflag:s22] =	dma.local [hbm:s8], s20  }
0xa1: {  	_ =	swait.ge [sflag:s22], s20  }
0xa2: {  	s7 =	ssub.s32 $0x0, s20;
	[sflag:s22] =	ssyncset.done $0x0  }
0xa3: {  	[sflag:s22] =	ssyncadd.s32 s7;
	_ =	sdelay $0x1  }
0xa4: {  	s23 =	simm.s32 $0x1B8B  }
0xa5: {  	_ =	swait.ge [sflag:s23], $0x1  }
0xa6: {  	[sflag:s23] =	ssyncset.done $0x0  }
0xa7: {  	s25 =	simm.s32 $0x1B8E;
	s24 =	sld [smem:$0x3FFE];
	[sflag:s23] =	ssyncadd.s32 $0xFFFFFFFF  }
0xa8: {  	s26 =	simm.s32 $execute0_lowered;
	[smem:$0x3FD2] =	sst s25  }
0xa9: {  	s8 =	sshll.u32 s26, $0x1;
	_ =	strace $0x80000046;
	[dreg:$0x1] =	wrdreg $0xFFFFFFFF  }
0xaa: {  	s28 =	simm.s32 $_size_execute0_lowered;
	s6 =	sadd.s32 s6, s8;
	[dreg:$0x0] =	wrdreg $0x0  }
0xab: {  	s8 =	sshll.u32 s28, $0x1;
	[dreg:$0x2] =	wrdreg s6  }
0xac: {  	[dreg:$0x3] =	wrdreg s8  }
0xad: {  	[dreg:$0x4] =	wrdreg $0xC0  }
0xae: {  	_ =	task [dreg:s10], $0x5FFFF  }
0xaf: {  	[dreg:$0x1] =	wrdreg $0xFFFFFFFF  }
0xb0: {  	[dreg:$0x0] =	wrdreg $0x60  }
0xb1: {  	[dreg:$0x2] =	wrdreg s2  }
0xb2: {  	[dreg:$0x3] =	wrdreg s18  }
0xb3: {  	[dreg:$0x4] =	wrdreg s4  }
0xb4: {  	[dreg:$0x5] =	wrdreg s5  }
0xb5: {  	[dreg:$0x6] =	wrdreg s24  }
0xb6: {  	[dreg:$0x7] =	wrdreg $0x9  }
0xb7: {  	_ =	task.clear_ibuf [dreg:s10], $0x8FFFF;
	_ =	strace $0x90000046  }
0xb8: {  	s29 =	simm.s32 $0x9;
	_ =	strace $0x80000048  }
0xb9: {  	_ =	swait.ge [sflag:s29], $0x1  }
0xba: {  	[sflag:s29] =	ssyncadd.s32 $0xFFFFFFFF  }
0xbb: {  	_ =	strace $0x90000048  }
0xbc: {  	_ =	sfence  }
0xbd: {  	s30 =	sld [smem:$0x0];
	_ =	sdelay $0x2  }
0xbe: {  	s31 =	sshll.u32 s1, $0xD;
	s1 =	sshrl.u32 s1, $0x2  }
0xbf: {  	s3 =	sand.u32 $0x4000, s31;
	s1 =	sadd.s32 s1, s30  }
0xc0: {  	s0 =	sor.u32 s3, s0;
	s1 =	sshll.u32 s1, $0x11  }
0xc1: {  	s0 =	sor.u32 s1, s0  }
0xc2: {  	s0 =	sadd.s32 $0x8F2B, s0  }
0xc3: {  	[sflag:s0] =	ssyncadd.remote.s32 $0x1  }
0xc4: {  	_ =	sfence.sel $0xFFFF  }
0xc5: {  	[dreg:$0x0] =	wrdreg $0xFFFFFFFF;
	(pc) =	sbr.abs _section_cstart, $3  }
0xc6: {  	[dreg:$0x1] =	wrdreg $0xFFFFFFFF  }
0xc7: {  	_ =	task.clear_ibuf [dreg:s10], $0x2FFFF;
	_ =	strace $0x9FFFFFFF  }
0xc8: {  	(tm) =	ssettm $0x7FFFFFFF  }
0xc9: {  	_ =	shalt  }
tec
execute0_lowered:
.L_overlay_start_1:
0x0: {  	(tag) =	ssettag $0x1  }
0x1: {  	s1 =	rddreg [dreg:$0x0]  }
0x2: {  	s2 =	rddreg [dreg:$0x1]  }
0x3: {  	s3 =	rddreg [dreg:$0x2]  }
0x4: {  	s5 =	srdreg.scid;
	s18 =	stileid.u32  }
0x5: {  	s4 =	rddreg [dreg:$0x3];
	s5 =	sand.u32 $0x1, s5;
	s7 =	sshll.u32 s18, $0x1  }
0x6: {  	s0 =	rddreg [dreg:$0x4];
	s7 =	sor.u32 s5, s7  }
0x7: {  	s6 =	simm.s32 $0x0;
	s8 =	sadd.s32 $0x800, s0;
	s0 =	sshll.u32 s7, $0x7  }
0x8: {  	[smem:$0x7FF] =	sst s6;
	s20 =	sadd.s32 s1, s0  }
0x9: {  	v0 =	vimm.s32 $0xFEDCBA9;
	_ =	strace $0x80000047;
	s26 =	sadd.s32 s2, s0;
	[dreg:$0x6] =	wrdreg s20  }
0xa: {  	v2 =	vimm.s32 $0x87654321;
	v3 =	vimm.s32 $0x98765432;
	v4 =	vimm.s32 $0x210FEDCB;
	s31 =	sadd.s32 s3, s0;
	[dreg:$0xa] =	wrdreg s26  }
0xb: {  	v5 =	vimm.s32 $0xA9876543;
	v15 =	vimm.s32 $0xCBA98765;
	s21 =	sadd.s32 $0x18700, s0;
	s19 =	sadd.s32 s4, s0;
	[dreg:$0xe] =	wrdreg s31  }
0xc: {  	v17 =	vimm.s32 $0x6543210F;
	v18 =	vimm.s32 $0xEDCBA987;
	s22 =	sadd.s32 $0x30E00, s0;
	s23 =	sadd.s32 s1, s21;
	[dreg:$0x15] =	wrdreg s19  }
0xd: {  	v19 =	vimm.s32 $0xFEDCBA98;
	v20 =	vimm.s32 $0x76543210;
	s25 =	sadd.s32 $0x49500, s0;
	s24 =	sadd.s32 s1, s22;
	[dreg:$0x7] =	wrdreg s23  }
0xe: {  	v1 =	vunpack.c.l.s4.s8 v0;
	v0 =	vlaneseq.u32;
	v3 =	vunpack.c.l.s4.s8 v3;
	s11 =	sadd.s32 s1, s25;
	[dreg:$0x8] =	wrdreg s24  }
0xf: {  	v4 =	vunpack.c.l.s4.s8 v4;
	v17 =	vunpack.c.l.s4.s8 v17;
	v18 =	vunpack.c.l.s4.s8 v18;
	s28 =	sadd.s32 s2, s21;
	[dreg:$0x9] =	wrdreg s11  }
0x10: {  	v19 =	vunpack.c.l.s4.s8 v19;
	v7 =	vunpack.c.0.s8.s32 v1;
	v1 =	vunpack.c.l.s4.s8 v2;
	s29 =	sadd.s32 s2, s22;
	[dreg:$0xb] =	wrdreg s28  }
0x11: {  	v2 =	vimm.s32 $0x10FEDCBA;
	v10 =	vunpack.c.0.s8.s32 v3;
	v11 =	vunpack.c.0.s8.s32 v4;
	s30 =	sadd.s32 s2, s25;
	[dreg:$0xc] =	wrdreg s29  }
0x12: {  	v17 =	vunpack.c.0.s8.s32 v17;
	v18 =	vunpack.c.0.s8.s32 v18;
	v2 =	vunpack.c.l.s4.s8 v2;
	s12 =	sadd.s32 s3, s21;
	[dreg:$0xd] =	wrdreg s30  }
0x13: {  	v19 =	vunpack.c.0.s8.s32 v19;
	s13 =	sadd.s32 s3, s22;
	v8 =	vunpack.c.0.s8.s32 v1;
	v1 =	vunpack.c.l.s4.s8 v5;
	[dreg:$0xf] =	wrdreg s12  }
0x14: {  	p0 =	sgt.u32 s18, $0x6;
	s14 =	sadd.s32 s3, s25;
	v23 =	vcombine.low v18, v17;
	[dreg:$0x10] =	wrdreg s13;
	v9 =	vunpack.c.0.s8.s32 v2;
	v2 =	vimm.s32 $0x3210FEDC  }
0x15: {  	s9 =	ssub.s32 $0x2, s5;
	s5 =	sadd.s32 s4, s21;
	v19 =	vand.u32 $0xF, v19;
	[dreg:$0x11] =	wrdreg s14;
	v12 =	vunpack.c.0.s8.s32 v1;
	v1 =	vunpack.c.l.s4.s8 v2  }
0x16: {  	s18 =	simm.s32 $0x4000;
	s15 =	sadd.s32 s4, s22;
	[dreg:$0x12] =	wrdreg s5;
	v2 =	vimm.s32 $0xBA987654;
	v3 =	vcombine.low v8, v7;
	v63 =	vcombine.low v7, v8  }
0x17: {  	s16 =	sadd.s32 s4, s25;
	s20 =	sor.u32 $0x1000, s0;
	[dreg:$0x13] =	wrdreg s15;
	v8 =	vand.u32 $0xF, v23;
	v4 =	vcombine.low v10, v9;
	v2 =	vunpack.c.l.s4.s8 v2  }
0x18: {  	s10 =	sshrl.u32 s9, $0x1;
	[dreg:$0x14] =	wrdreg s16;
	s22 =	sadd.s32 s1, s20;
	v10 =	vcombine.low v9, v10;
	v5 =	vcombine.low v12, v11;
	v13 =	vunpack.c.0.s8.s32 v1  }
0x19: {  	s17 =	ssub.s32 s9, s10;
	s23 =	sadd.s32 s2, s20;
	[dreg:$0x16] =	wrdreg s22;
	v1 =	vimm.s32 $0x43210FED;
	v11 =	vcombine.low v11, v12;
	v14 =	vunpack.c.0.s8.s32 v2  }
0x1a: {  	s21 =	sadd.s32 $0x19700, s0;
	s24 =	sadd.s32 s3, s20;
	[dreg:$0x17] =	wrdreg s23;
	v6 =	vunpack.c.l.s4.s8 v1;
	v2 =	vand.u32 $0xF, v4;
	v4 =	vunpack.c.l.s4.s8 v15  }
0x1b: {  	s17 =	smax.u32 s17, $0x1;
	s25 =	sadd.s32 s4, s20;
	[dreg:$0x18] =	wrdreg s24;
	v9 =	vand.u32 $0xF, v63;
	v1 =	vand.u32 $0xF, v3;
	v10 =	vand.u32 $0xF, v10  }
0x1c: {  	s19 =	simm.s32 $0x1;
	s26 =	sadd.s32 s1, s21;
	[dreg:$0x19] =	wrdreg s25;
	v3 =	vand.u32 $0xF, v5;
	v15 =	vunpack.c.0.s8.s32 v6;
	v16 =	vunpack.c.0.s8.s32 v4  }
0x1d: {  	s12 =	sadd.s32 $0x31E00, s0;
	s28 =	sadd.s32 s2, s21;
	[dreg:$0x1a] =	wrdreg s26;
	v4 =	vimm.s32 $0x543210FE;
	v6 =	vimm.s32 $0xDCBA9876;
	v12 =	vcombine.low v13, v14  }
0x1e: {  	s16 =	sadd.s32 $0x4A500, s0;
	s29 =	sadd.s32 s3, s21;
	[dreg:$0x1b] =	wrdreg s28;
	v11 =	vand.u32 $0xF, v11;
	v4 =	vunpack.c.l.s4.s8 v4;
	v6 =	vunpack.c.l.s4.s8 v6  }
0x1f: {  	s30 =	sadd.s32 s4, s21;
	s20 =	simm.s32 $0x8000;
	[dreg:$0x1c] =	wrdreg s29;
	v5 =	vcombine.low v14, v13;
	v13 =	vcombine.low v15, v16;
	v12 =	vand.u32 $0xF, v12  }
.Ltmp0:
0x20: {  	s21 =	simm.s32 $0x2;
	[dreg:$0x1d] =	wrdreg s30;
	v21 =	vunpack.c.0.s8.s32 v4;
	v22 =	vunpack.c.0.s8.s32 v6;
	v6 =	vunpack.c.l.s4.s8 v20;
	(pc) =	sbr.rel .LBB2_1-.Ltmp0, $4  }
0x21: {  	s31 =	sadd.s32 s1, s12;
	s10 =	sadd.s32 s2, s12;
	s11 =	sadd.s32 s3, s12;
	v4 =	vand.u32 $0xF, v5;
	v5 =	vcombine.low v16, v15;
	v15 =	vcombine.low v17, v18  }
0x22: {  	s12 =	sadd.s32 s4, s12;
	s13 =	sadd.s32 s1, s16;
	s14 =	sadd.s32 s2, s16;
	v6 =	vunpack.c.0.s8.s32 v6;
	v62 =	vcombine.low v22, v21;
	v14 =	vcombine.low v21, v22  }
0x23: {  	s15 =	sadd.s32 s3, s16;
	s16 =	sadd.s32 s4, s16;
	s22 =	simm.s32 $0xC000;
	v13 =	vand.u32 $0xF, v13;
	v5 =	vand.u32 $0xF, v5;
	v15 =	vand.u32 $0xF, v15  }
0x24: {  	s23 =	simm.s32 $0x4;
	s24 =	simm.s32 $0x0;
	[dreg:$0x1e] =	wrdreg s31;
	v6 =	vcombine.low v19, v6;
	v7 =	vand.u32 $0xF, v62;
	v14 =	vand.u32 $0xF, v14  }
.LBB2_11:
0x25: {  	s0 =	simm.s32 @!p0 $0x3;
	s24 =	sadd.s32 $0x1, s24  }
0x26: {  	_ =	swait.ge @!p0 [sflag:s0], $0x4000;
	p1 =	sne.s32 s24, s17  }
.Ltmp1:
0x27: {  	[sflag:s0] =	ssyncset.done @!p0 $0x0;
	(pc) =	sbr.rel @!p1 .LBB2_12-.Ltmp1, $4  }
0x28: {  	[sflag:s0] =	ssyncadd.s32 @!p0 $0xFFFFC000  }
0x29: {  	_ =	swait.ge [sflag:s23], $0x4000  }
0x2a: {  	[sflag:s23] =	ssyncset.done $0x0  }
0x2b: {  	[sflag:s23] =	ssyncadd.s32 $0xFFFFC000  }
.LBB2_1:
0x2c: {  	s0 =	rddreg [dreg:$0x6]  }
0x2d: {  	[tilespmem:s6], [sflag:$0x1] =	stream.linear.gather [hbm4b:s0+s6], $0x400, $0x38;
	[tilespmem:$0x10000] =	vst v63  }
0x2e: {  	s26 =	rddreg [dreg:$0x7];
	s5 =	simm.s32 $0x400  }
0x2f: {  	[tilespmem:s5], [sflag:$0x1] =	stream.linear.gather [hbm4b:s26+s6], $0x400, $0x38;
	[tilespmem:$0x10000] =	vst v63  }
0x30: {  	s28 =	rddreg [dreg:$0x8];
	s29 =	simm.s32 $0x800  }
0x31: {  	[tilespmem:s29], [sflag:$0x1] =	stream.linear.gather [hbm4b:s28+s6], $0x400, $0x38;
	[tilespmem:$0x10000] =	vst v63  }
0x32: {  	s30 =	rddreg [dreg:$0x9];
	s31 =	simm.s32 $0xC00  }
0x33: {  	[tilespmem:s31], [sflag:$0x1] =	stream.linear.gather [hbm4b:s30+s6], $0x400, $0x38;
	[tilespmem:$0x10000] =	vst v63  }
0x34: {  	s9 =	simm.s32 $0x1000;
	s5 =	rddreg [dreg:$0xa]  }
0x35: {  	[tilespmem:s9], [sflag:$0x1] =	stream.linear.gather [hbm4b:s5+s6], $0x400, $0x38;
	[tilespmem:$0x10000] =	vst v63  }
0x36: {  	s25 =	rddreg [dreg:$0xb];
	s26 =	simm.s32 $0x1400  }
0x37: {  	[tilespmem:s26], [sflag:$0x1] =	stream.linear.gather [hbm4b:s25+s6], $0x400, $0x38;
	[tilespmem:$0x10000] =	vst v63  }
0x38: {  	s28 =	rddreg [dreg:$0xc];
	s29 =	simm.s32 $0x1800  }
0x39: {  	[tilespmem:s29], [sflag:$0x1] =	stream.linear.gather [hbm4b:s28+s6], $0x400, $0x38;
	[tilespmem:$0x10000] =	vst v63  }
0x3a: {  	s30 =	rddreg [dreg:$0xd];
	s31 =	simm.s32 $0x1C00  }
0x3b: {  	[tilespmem:s31], [sflag:$0x1] =	stream.linear.gather [hbm4b:s30+s6], $0x400, $0x38;
	[tilespmem:$0x10000] =	vst v63  }
0x3c: {  	s5 =	rddreg [dreg:$0xe];
	s9 =	simm.s32 $0x2000  }
0x3d: {  	[tilespmem:s9], [sflag:$0x1] =	stream.linear.gather [hbm4b:s5+s6], $0x400, $0x38;
	[tilespmem:$0x10000] =	vst v63  }
0x3e: {  	s25 =	rddreg [dreg:$0xf];
	s26 =	simm.s32 $0x2400  }
0x3f: {  	[tilespmem:s26], [sflag:$0x1] =	stream.linear.gather [hbm4b:s25+s6], $0x400, $0x38;
	[tilespmem:$0x10000] =	vst v63  }
0x40: {  	s28 =	rddreg [dreg:$0x10];
	s29 =	simm.s32 $0x2800  }
0x41: {  	[tilespmem:s29], [sflag:$0x1] =	stream.linear.gather [hbm4b:s28+s6], $0x400, $0x38;
	[tilespmem:$0x10000] =	vst v63  }
0x42: {  	s30 =	rddreg [dreg:$0x11];
	s31 =	simm.s32 $0x2C00  }
0x43: {  	[tilespmem:s31], [sflag:$0x1] =	stream.linear.gather [hbm4b:s30+s6], $0x400, $0x38;
	[tilespmem:$0x10000] =	vst v63  }
0x44: {  	s5 =	rddreg [dreg:$0x15];
	s9 =	simm.s32 $0x3000  }
0x45: {  	[tilespmem:s9], [sflag:$0x1] =	stream.linear.gather [hbm4b:s5+s6], $0x400, $0x38;
	[tilespmem:$0x10000] =	vst v63  }
0x46: {  	s25 =	rddreg [dreg:$0x12];
	s26 =	simm.s32 $0x3400  }
0x47: {  	[tilespmem:s26], [sflag:$0x1] =	stream.linear.gather [hbm4b:s25+s6], $0x400, $0x38;
	[tilespmem:$0x10000] =	vst v63  }
0x48: {  	s28 =	rddreg [dreg:$0x13];
	s29 =	simm.s32 $0x3800  }
0x49: {  	[tilespmem:s29], [sflag:$0x1] =	stream.linear.gather [hbm4b:s28+s6], $0x400, $0x38;
	[tilespmem:$0x10000] =	vst v63  }
0x4a: {  	s30 =	rddreg [dreg:$0x14];
	s31 =	simm.s32 $0x3C00  }
0x4b: {  	[tilespmem:s31], [sflag:$0x1] =	stream.linear.gather [hbm4b:s30+s6], $0x400, $0x38;
	[tilespmem:$0x10000] =	vst v63  }
0x4c: {  	s5 =	rddreg [dreg:$0x16]  }
0x4d: {  	[tilespmem:s18], [sflag:$0x2] =	stream.linear.gather [hbm4b:s5+s6], $0x400, $0x38;
	[tilespmem:$0x10000] =	vst v63  }
0x4e: {  	s9 =	rddreg [dreg:$0x1a];
	s25 =	simm.s32 $0x4400  }
0x4f: {  	[tilespmem:s25], [sflag:$0x2] =	stream.linear.gather [hbm4b:s9+s6], $0x400, $0x38;
	[tilespmem:$0x10000] =	vst v63  }
0x50: {  	s26 =	rddreg [dreg:$0x1e];
	s28 =	simm.s32 $0x4800  }
0x51: {  	[tilespmem:s28], [sflag:$0x2] =	stream.linear.gather [hbm4b:s26+s6], $0x400, $0x38;
	[tilespmem:$0x10000] =	vst v63  }
0x52: {  	s29 =	simm.s32 $0x4C00  }
0x53: {  	[tilespmem:s29], [sflag:$0x2] =	stream.linear.gather [hbm4b:s13+s6], $0x400, $0x38;
	[tilespmem:$0x10000] =	vst v63  }
0x54: {  	s30 =	rddreg [dreg:$0x17];
	s31 =	simm.s32 $0x5000  }
0x55: {  	[tilespmem:s31], [sflag:$0x2] =	stream.linear.gather [hbm4b:s30+s6], $0x400, $0x38;
	[tilespmem:$0x10000] =	vst v63  }
0x56: {  	s5 =	rddreg [dreg:$0x1b];
	s9 =	simm.s32 $0x5400  }
0x57: {  	[tilespmem:s9], [sflag:$0x2] =	stream.linear.gather [hbm4b:s5+s6], $0x400, $0x38;
	[tilespmem:$0x10000] =	vst v63  }
0x58: {  	s25 =	simm.s32 $0x5800  }
0x59: {  	[tilespmem:s25], [sflag:$0x2] =	stream.linear.gather [hbm4b:s10+s6], $0x400, $0x38;
	[tilespmem:$0x10000] =	vst v63  }
0x5a: {  	s26 =	simm.s32 $0x5C00  }
0x5b: {  	[tilespmem:s26], [sflag:$0x2] =	stream.linear.gather [hbm4b:s14+s6], $0x400, $0x38;
	[tilespmem:$0x10000] =	vst v63  }
0x5c: {  	s28 =	rddreg [dreg:$0x18];
	s29 =	simm.s32 $0x6000  }
0x5d: {  	[tilespmem:s29], [sflag:$0x2] =	stream.linear.gather [hbm4b:s28+s6], $0x400, $0x38;
	[tilespmem:$0x10000] =	vst v63  }
0x5e: {  	s30 =	rddreg [dreg:$0x1c];
	s31 =	simm.s32 $0x6400  }
0x5f: {  	[tilespmem:s31], [sflag:$0x2] =	stream.linear.gather [hbm4b:s30+s6], $0x400, $0x38;
	[tilespmem:$0x10000] =	vst v63  }
0x60: {  	s5 =	simm.s32 $0x6800  }
0x61: {  	[tilespmem:s5], [sflag:$0x2] =	stream.linear.gather [hbm4b:s11+s6], $0x400, $0x38;
	[tilespmem:$0x10000] =	vst v63  }
0x62: {  	s9 =	simm.s32 $0x6C00  }
0x63: {  	[tilespmem:s9], [sflag:$0x2] =	stream.linear.gather [hbm4b:s15+s6], $0x400, $0x38;
	[tilespmem:$0x10000] =	vst v63  }
0x64: {  	s25 =	rddreg [dreg:$0x19];
	s26 =	simm.s32 $0x7000  }
0x65: {  	[tilespmem:s26], [sflag:$0x2] =	stream.linear.gather [hbm4b:s25+s6], $0x400, $0x38;
	[tilespmem:$0x10000] =	vst v63  }
0x66: {  	s28 =	rddreg [dreg:$0x1d];
	s29 =	simm.s32 $0x7400  }
0x67: {  	[tilespmem:s29], [sflag:$0x2] =	stream.linear.gather [hbm4b:s28+s6], $0x400, $0x38;
	[tilespmem:$0x10000] =	vst v63  }
.Ltmp2:
0x68: {  	_ = 	snop;
	(pc) =	sbr.rel .LBB2_2-.Ltmp2, $4  }
0x69: {  	s30 =	simm.s32 $0x7800  }
0x6a: {  	[tilespmem:s30], [sflag:$0x2] =	stream.linear.gather [hbm4b:s12+s6], $0x400, $0x38;
	[tilespmem:$0x10000] =	vst v63  }
0x6b: {  	s31 =	simm.s32 $0x7C00;
	s25 =	simm.s32 $0x0  }
0x6c: {  	[tilespmem:s31], [sflag:$0x2] =	stream.linear.gather [hbm4b:s16+s6], $0x400, $0x38;
	[tilespmem:$0x10000] =	vst v63  }
.LBB2_10:
0x6d: {  	s25 =	sadd.s32 $0x1, s25  }
0x6e: {  	p1 =	sne.s32 s25, $0xD  }
.Ltmp3:
0x6f: {  	_ = 	snop;
	(pc) =	sbr.rel @!p1 .LBB2_11-.Ltmp3, $1  }
0x70: {  	_ =	sdelay $0x3  }
.LBB2_2:
0x71: {  	s26 =	sshll.u32 s25, $0x6  }
0x72: {  	s26 =	sor.u32 s7, s26  }
0x73: {  	p1 =	sgt.u32 s26, $0x30D  }
.Ltmp4:
0x74: {  	_ = 	snop;
	(pc) =	sbr.rel @p1 .LBB2_6-.Ltmp4, $1  }
0x75: {  	_ =	sdelay $0x3  }
0x76: {  	_ =	swait.ge [sflag:s19], $0x400  }
0x77: {  	[sflag:s19] =	ssyncset.done $0x0  }
0x78: {  	[sflag:s19] =	ssyncadd.s32 $0xFFFFFC00  }
0x79: {  	_ =	swait.ge [sflag:s19], $0x400  }
0x7a: {  	[sflag:s19] =	ssyncset.done $0x0  }
0x7b: {  	[sflag:s19] =	ssyncadd.s32 $0xFFFFFC00  }
0x7c: {  	_ =	swait.ge [sflag:s19], $0x400  }
0x7d: {  	[sflag:s19] =	ssyncset.done $0x0  }
0x7e: {  	[sflag:s19] =	ssyncadd.s32 $0xFFFFFC00  }
0x7f: {  	_ =	swait.ge [sflag:s19], $0x400  }
0x80: {  	[sflag:s19] =	ssyncset.done $0x0  }
0x81: {  	[sflag:s19] =	ssyncadd.s32 $0xFFFFFC00  }
0x82: {  	_ =	swait.ge [sflag:s19], $0x400  }
0x83: {  	[sflag:s19] =	ssyncset.done $0x0  }
0x84: {  	[sflag:s19] =	ssyncadd.s32 $0xFFFFFC00  }
0x85: {  	_ =	swait.ge [sflag:s19], $0x400  }
0x86: {  	[sflag:s19] =	ssyncset.done $0x0  }
0x87: {  	[sflag:s19] =	ssyncadd.s32 $0xFFFFFC00  }
0x88: {  	_ =	swait.ge [sflag:s19], $0x400  }
0x89: {  	[sflag:s19] =	ssyncset.done $0x0  }
0x8a: {  	[sflag:s19] =	ssyncadd.s32 $0xFFFFFC00  }
0x8b: {  	_ =	swait.ge [sflag:s19], $0x400  }
0x8c: {  	[sflag:s19] =	ssyncset.done $0x0  }
0x8d: {  	[sflag:s19] =	ssyncadd.s32 $0xFFFFFC00  }
0x8e: {  	_ =	swait.ge [sflag:s19], $0x400  }
0x8f: {  	[sflag:s19] =	ssyncset.done $0x0  }
0x90: {  	[sflag:s19] =	ssyncadd.s32 $0xFFFFFC00  }
0x91: {  	_ =	swait.ge [sflag:s19], $0x400  }
0x92: {  	[sflag:s19] =	ssyncset.done $0x0  }
0x93: {  	[sflag:s19] =	ssyncadd.s32 $0xFFFFFC00  }
0x94: {  	_ =	swait.ge [sflag:s19], $0x400  }
0x95: {  	[sflag:s19] =	ssyncset.done $0x0  }
0x96: {  	[sflag:s19] =	ssyncadd.s32 $0xFFFFFC00  }
0x97: {  	_ =	swait.ge [sflag:s19], $0x400  }
0x98: {  	[sflag:s19] =	ssyncset.done $0x0  }
0x99: {  	[sflag:s19] =	ssyncadd.s32 $0xFFFFFC00  }
0x9a: {  	_ =	swait.ge [sflag:s19], $0x400  }
0x9b: {  	[sflag:s19] =	ssyncset.done $0x0  }
0x9c: {  	[sflag:s19] =	ssyncadd.s32 $0xFFFFFC00  }
0x9d: {  	_ =	swait.ge [sflag:s19], $0x400  }
0x9e: {  	[sflag:s19] =	ssyncset.done $0x0  }
0x9f: {  	[sflag:s19] =	ssyncadd.s32 $0xFFFFFC00  }
0xa0: {  	s29 =	simm.s32 $0x0;
	_ =	swait.ge [sflag:s19], $0x400  }
0xa1: {  	s28 =	sand.u32 $0x70, s29;
	[sflag:s19] =	ssyncset.done $0x0  }
0xa2: {  	s29 =	sand.u32 $0x70, s29;
	v17 =	vor.u32 s28, v0;
	[sflag:s19] =	ssyncadd.s32 $0xFFFFFC00  }
0xa3: {  	v19 =	vor.u32 s29, v0;
	v16 =	vshll.u32 v17, $0x7;
	_ =	swait.ge [sflag:s19], $0x400  }
0xa4: {  	p1 =	seq.s32 s25, $0x0;
	v18 =	vor.u32 v19, v16;
	[sflag:s19] =	ssyncset.done $0x0  }
0xa5: {  	s29 =	simm.s32 @!p1 $0x3;
	[sflag:s19] =	ssyncadd.s32 $0xFFFFFC00  }
0xa6: {  	_ =	swait.ge @!p1 [sflag:s29], $0x4000  }
0xa7: {  	[sflag:s29] =	ssyncset.done @!p1 $0x0  }
0xa8: {  	v20 =	vor.u32 s28, v1;
	v16 =	vshll.u32 v19, $0x7;
	[sflag:s29] =	ssyncadd.s32 @!p1 $0xFFFFC000  }
0xa9: {  	v21 =	vshll.u32 v20, $0x7;
	v17 =	vor.u32 v17, v16;
	v18 =	vld.idx.msk [tilespmem:v18+s6+$0x0], $0xffff  }
0xaa: {  	v21 =	vor.u32 v19, v21;
	_ =	sdelay $0x3  }
0xab: {  	[tilespmem:v17+s20+$0x0] =	vst.idx.msk $0xffff, v18;
	v17 =	vor.u32 s28, v2  }
0xac: {  	v20 =	vor.u32 v20, v16;
	v18 =	vld.idx.msk [tilespmem:v21+s6+$0x0], $0xffff;
	v50 =	vshll.u32 v17, $0x7  }
0xad: {  	v21 =	vor.u32 v19, v50;
	_ =	sdelay $0x3  }
0xae: {  	[tilespmem:v20+s20+$0x0] =	vst.idx.msk $0xffff, v18;
	v18 =	vor.u32 s28, v3  }
0xaf: {  	v17 =	vor.u32 v17, v16;
	v20 =	vld.idx.msk [tilespmem:v21+s6+$0x0], $0xffff;
	v51 =	vshll.u32 v18, $0x7  }
0xb0: {  	v21 =	vor.u32 v19, v51;
	_ =	sdelay $0x3  }
0xb1: {  	[tilespmem:v17+s20+$0x0] =	vst.idx.msk $0xffff, v20;
	v17 =	vor.u32 s28, v4  }
0xb2: {  	v18 =	vor.u32 v18, v16;
	v20 =	vld.idx.msk [tilespmem:v21+s6+$0x0], $0xffff;
	v52 =	vshll.u32 v17, $0x7  }
0xb3: {  	v21 =	vor.u32 v19, v52;
	_ =	sdelay $0x3  }
0xb4: {  	[tilespmem:v18+s20+$0x0] =	vst.idx.msk $0xffff, v20;
	v18 =	vor.u32 s28, v5  }
0xb5: {  	v17 =	vor.u32 v17, v16;
	v20 =	vld.idx.msk [tilespmem:v21+s6+$0x0], $0xffff;
	v53 =	vshll.u32 v18, $0x7  }
0xb6: {  	v21 =	vor.u32 v19, v53;
	_ =	sdelay $0x3  }
0xb7: {  	[tilespmem:v17+s20+$0x0] =	vst.idx.msk $0xffff, v20;
	v17 =	vor.u32 s28, v7  }
0xb8: {  	v18 =	vor.u32 v18, v16;
	v20 =	vld.idx.msk [tilespmem:v21+s6+$0x0], $0xffff;
	v54 =	vshll.u32 v17, $0x7  }
0xb9: {  	v21 =	vor.u32 v19, v54;
	_ =	sdelay $0x3  }
0xba: {  	[tilespmem:v18+s20+$0x0] =	vst.idx.msk $0xffff, v20;
	v18 =	vor.u32 s28, v8  }
0xbb: {  	v17 =	vor.u32 v17, v16;
	v20 =	vld.idx.msk [tilespmem:v21+s6+$0x0], $0xffff;
	v55 =	vshll.u32 v18, $0x7  }
0xbc: {  	v21 =	vor.u32 v19, v55;
	_ =	sdelay $0x3  }
0xbd: {  	[tilespmem:v17+s20+$0x0] =	vst.idx.msk $0xffff, v20;
	v17 =	vor.u32 s28, v6  }
0xbe: {  	v18 =	vor.u32 v18, v16;
	v20 =	vld.idx.msk [tilespmem:v21+s6+$0x0], $0xffff;
	v56 =	vshll.u32 v17, $0x7  }
0xbf: {  	v21 =	vor.u32 v19, v56;
	_ =	sdelay $0x3  }
0xc0: {  	[tilespmem:v18+s20+$0x0] =	vst.idx.msk $0xffff, v20;
	v18 =	vor.u32 s28, v9  }
0xc1: {  	v17 =	vor.u32 v17, v16;
	v20 =	vld.idx.msk [tilespmem:v21+s6+$0x0], $0xffff;
	v57 =	vshll.u32 v18, $0x7  }
0xc2: {  	v21 =	vor.u32 v19, v57;
	_ =	sdelay $0x3  }
0xc3: {  	[tilespmem:v17+s20+$0x0] =	vst.idx.msk $0xffff, v20;
	v17 =	vor.u32 s28, v10  }
0xc4: {  	v18 =	vor.u32 v18, v16;
	v20 =	vld.idx.msk [tilespmem:v21+s6+$0x0], $0xffff;
	v58 =	vshll.u32 v17, $0x7  }
0xc5: {  	v21 =	vor.u32 v19, v58;
	_ =	sdelay $0x3  }
0xc6: {  	[tilespmem:v18+s20+$0x0] =	vst.idx.msk $0xffff, v20;
	v18 =	vor.u32 s28, v11  }
0xc7: {  	v17 =	vor.u32 v17, v16;
	v20 =	vld.idx.msk [tilespmem:v21+s6+$0x0], $0xffff;
	v59 =	vshll.u32 v18, $0x7  }
0xc8: {  	v21 =	vor.u32 v19, v59;
	_ =	sdelay $0x3  }
0xc9: {  	[tilespmem:v17+s20+$0x0] =	vst.idx.msk $0xffff, v20;
	v17 =	vor.u32 s28, v12  }
0xca: {  	v18 =	vor.u32 v18, v16;
	v20 =	vld.idx.msk [tilespmem:v21+s6+$0x0], $0xffff;
	v60 =	vshll.u32 v17, $0x7  }
0xcb: {  	v21 =	vor.u32 v19, v60;
	_ =	sdelay $0x3  }
0xcc: {  	[tilespmem:v18+s20+$0x0] =	vst.idx.msk $0xffff, v20;
	v18 =	vor.u32 s28, v13  }
0xcd: {  	v17 =	vor.u32 v17, v16;
	v20 =	vld.idx.msk [tilespmem:v21+s6+$0x0], $0xffff;
	v61 =	vshll.u32 v18, $0x7  }
0xce: {  	v21 =	vor.u32 v19, v61;
	_ =	sdelay $0x3  }
0xcf: {  	[tilespmem:v17+s20+$0x0] =	vst.idx.msk $0xffff, v20;
	v17 =	vor.u32 s28, v14  }
0xd0: {  	v18 =	vor.u32 v18, v16;
	v20 =	vld.idx.msk [tilespmem:v21+s6+$0x0], $0xffff;
	v62 =	vshll.u32 v17, $0x7  }
0xd1: {  	v21 =	vor.u32 v19, v62;
	_ =	sdelay $0x3  }
0xd2: {  	[tilespmem:v18+s20+$0x0] =	vst.idx.msk $0xffff, v20;
	v18 =	vor.u32 s28, v15  }
0xd3: {  	v63 =	vor.u32 v17, v16;
	v20 =	vld.idx.msk [tilespmem:v21+s6+$0x0], $0xffff;
	v17 =	vshll.u32 v18, $0x7  }
0xd4: {  	v17 =	vor.u32 v19, v17;
	_ =	sdelay $0x2  }
0xd5: {  	s29 =	simm.s32 $0x10  }
0xd6: {  	s30 =	simm.s32 $0x2;
	s31 =	simm.s32 $0x4;
	s28 =	sand.u32 $0x70, s29;
	[tilespmem:v63+s20+$0x0] =	vst.idx.msk $0xffff, v20  }
.LBB2_4:
0xd7: {  	p1 =	sne.s32 s31, $0x7E;
	s0 =	sand.u32 $0x70, s30;
	v19 =	vor.u32 s28, v0;
	v20 =	vld.idx.msk [tilespmem:v17+s6+$0x0], $0xffff;
	s30 =	smov.u32 s31  }
0xd8: {  	v16 =	vor.u32 v18, v16;
	v17 =	vor.u32 s0, v0;
	v21 =	vshll.u32 v19, $0x7  }
0xd9: {  	v18 =	vor.u32 v17, v21;
	_ =	sdelay $0x3  }
0xda: {  	[tilespmem:v16+s20+$0x0] =	vst.idx.msk $0xffff, v20  }
0xdb: {  	v16 =	vshll.u32 v17, $0x7;
	v20 =	vor.u32 s28, v1;
	v18 =	vld.idx.msk [tilespmem:v18+s6+$0x0], $0xffff  }
0xdc: {  	v19 =	vor.u32 v19, v16;
	v21 =	vshll.u32 v20, $0x7  }
0xdd: {  	v21 =	vor.u32 v17, v21;
	_ =	sdelay $0x3  }
0xde: {  	[tilespmem:v19+s20+$0x0] =	vst.idx.msk $0xffff, v18  }
0xdf: {  	v19 =	vor.u32 s28, v2;
	v18 =	vld.idx.msk [tilespmem:v21+s6+$0x0], $0xffff  }
0xe0: {  	v20 =	vor.u32 v20, v16;
	v21 =	vshll.u32 v19, $0x7  }
0xe1: {  	v21 =	vor.u32 v17, v21;
	_ =	sdelay $0x3  }
0xe2: {  	[tilespmem:v20+s20+$0x0] =	vst.idx.msk $0xffff, v18  }
0xe3: {  	v20 =	vor.u32 s28, v3;
	v18 =	vld.idx.msk [tilespmem:v21+s6+$0x0], $0xffff  }
0xe4: {  	v19 =	vor.u32 v19, v16;
	v21 =	vshll.u32 v20, $0x7  }
0xe5: {  	v21 =	vor.u32 v17, v21;
	_ =	sdelay $0x3  }
0xe6: {  	[tilespmem:v19+s20+$0x0] =	vst.idx.msk $0xffff, v18  }
0xe7: {  	v19 =	vor.u32 s28, v4;
	v18 =	vld.idx.msk [tilespmem:v21+s6+$0x0], $0xffff  }
0xe8: {  	v20 =	vor.u32 v20, v16;
	v21 =	vshll.u32 v19, $0x7  }
0xe9: {  	v21 =	vor.u32 v17, v21;
	_ =	sdelay $0x3  }
0xea: {  	[tilespmem:v20+s20+$0x0] =	vst.idx.msk $0xffff, v18  }
0xeb: {  	v20 =	vor.u32 s28, v5;
	v18 =	vld.idx.msk [tilespmem:v21+s6+$0x0], $0xffff  }
0xec: {  	v19 =	vor.u32 v19, v16;
	v21 =	vshll.u32 v20, $0x7  }
0xed: {  	v21 =	vor.u32 v17, v21;
	_ =	sdelay $0x3  }
0xee: {  	[tilespmem:v19+s20+$0x0] =	vst.idx.msk $0xffff, v18  }
0xef: {  	v19 =	vor.u32 s28, v7;
	v18 =	vld.idx.msk [tilespmem:v21+s6+$0x0], $0xffff  }
0xf0: {  	v20 =	vor.u32 v20, v16;
	v21 =	vshll.u32 v19, $0x7  }
0xf1: {  	v21 =	vor.u32 v17, v21;
	_ =	sdelay $0x3  }
0xf2: {  	[tilespmem:v20+s20+$0x0] =	vst.idx.msk $0xffff, v18  }
0xf3: {  	v20 =	vor.u32 s28, v8;
	v18 =	vld.idx.msk [tilespmem:v21+s6+$0x0], $0xffff  }
0xf4: {  	v19 =	vor.u32 v19, v16;
	v21 =	vshll.u32 v20, $0x7  }
0xf5: {  	v21 =	vor.u32 v17, v21;
	_ =	sdelay $0x3  }
0xf6: {  	[tilespmem:v19+s20+$0x0] =	vst.idx.msk $0xffff, v18  }
0xf7: {  	v19 =	vor.u32 s28, v6;
	v18 =	vld.idx.msk [tilespmem:v21+s6+$0x0], $0xffff  }
0xf8: {  	v20 =	vor.u32 v20, v16;
	v21 =	vshll.u32 v19, $0x7  }
0xf9: {  	v21 =	vor.u32 v17, v21;
	_ =	sdelay $0x3  }
0xfa: {  	[tilespmem:v20+s20+$0x0] =	vst.idx.msk $0xffff, v18  }
0xfb: {  	v20 =	vor.u32 s28, v9;
	v18 =	vld.idx.msk [tilespmem:v21+s6+$0x0], $0xffff  }
0xfc: {  	v19 =	vor.u32 v19, v16;
	v21 =	vshll.u32 v20, $0x7  }
0xfd: {  	v21 =	vor.u32 v17, v21;
	_ =	sdelay $0x3  }
0xfe: {  	[tilespmem:v19+s20+$0x0] =	vst.idx.msk $0xffff, v18  }
0xff: {  	v19 =	vor.u32 s28, v10;
	v18 =	vld.idx.msk [tilespmem:v21+s6+$0x0], $0xffff  }
0x100: {  	v20 =	vor.u32 v20, v16;
	v21 =	vshll.u32 v19, $0x7  }
0x101: {  	v21 =	vor.u32 v17, v21;
	_ =	sdelay $0x3  }
0x102: {  	[tilespmem:v20+s20+$0x0] =	vst.idx.msk $0xffff, v18  }
0x103: {  	v20 =	vor.u32 s28, v11;
	v18 =	vld.idx.msk [tilespmem:v21+s6+$0x0], $0xffff  }
0x104: {  	v19 =	vor.u32 v19, v16;
	v21 =	vshll.u32 v20, $0x7  }
0x105: {  	v21 =	vor.u32 v17, v21;
	_ =	sdelay $0x3  }
0x106: {  	[tilespmem:v19+s20+$0x0] =	vst.idx.msk $0xffff, v18  }
0x107: {  	v19 =	vor.u32 s28, v12;
	v18 =	vld.idx.msk [tilespmem:v21+s6+$0x0], $0xffff  }
0x108: {  	v20 =	vor.u32 v20, v16;
	v21 =	vshll.u32 v19, $0x7  }
0x109: {  	v21 =	vor.u32 v17, v21;
	_ =	sdelay $0x3  }
0x10a: {  	[tilespmem:v20+s20+$0x0] =	vst.idx.msk $0xffff, v18  }
0x10b: {  	v20 =	vor.u32 s28, v13;
	v18 =	vld.idx.msk [tilespmem:v21+s6+$0x0], $0xffff  }
0x10c: {  	v19 =	vor.u32 v19, v16;
	v21 =	vshll.u32 v20, $0x7  }
0x10d: {  	v21 =	vor.u32 v17, v21;
	_ =	sdelay $0x3  }
0x10e: {  	[tilespmem:v19+s20+$0x0] =	vst.idx.msk $0xffff, v18  }
0x10f: {  	v19 =	vor.u32 s28, v14;
	v18 =	vld.idx.msk [tilespmem:v21+s6+$0x0], $0xffff  }
0x110: {  	v20 =	vor.u32 v20, v16;
	v21 =	vshll.u32 v19, $0x7  }
0x111: {  	v21 =	vor.u32 v17, v21;
	_ =	sdelay $0x3  }
0x112: {  	[tilespmem:v20+s20+$0x0] =	vst.idx.msk $0xffff, v18  }
0x113: {  	v18 =	vor.u32 s28, v15;
	v20 =	vld.idx.msk [tilespmem:v21+s6+$0x0], $0xffff  }
0x114: {  	v19 =	vor.u32 v19, v16;
	v21 =	vshll.u32 v18, $0x7  }
.Ltmp5:
0x115: {  	v17 =	vor.u32 v17, v21;
	(pc) =	sbr.rel @p1 .LBB2_4-.Ltmp5, $3  }
0x116: {  	_ =	sdelay $0x1  }
0x117: {  	s29 =	sadd.s32 $0x10, s29  }
0x118: {  	s31 =	sadd.s32 $0x2, s31;
	s28 =	sand.u32 $0x70, s29;
	[tilespmem:v19+s20+$0x0] =	vst.idx.msk $0xffff, v20  }
0x119: {  	_ =	sdelay $0x2  }
0x11a: {  	s0 =	sand.u32 $0x70, s30;
	v19 =	vor.u32 s28, v0  }
0x11b: {  	v17 =	vld.idx.msk [tilespmem:v17+s6+$0x0], $0xffff;
	v16 =	vor.u32 v18, v16;
	v20 =	vor.u32 s0, v0;
	v21 =	vshll.u32 v19, $0x7  }
0x11c: {  	v41 =	vor.u32 v20, v21;
	_ =	sdelay $0x3  }
0x11d: {  	[tilespmem:v16+s20+$0x0] =	vst.idx.msk $0xffff, v17;
	v16 =	vshll.u32 v20, $0x7;
	v17 =	vor.u32 s28, v1  }
0x11e: {  	v19 =	vor.u32 v19, v16;
	v42 =	vshll.u32 v17, $0x7;
	v18 =	vld.idx.msk [tilespmem:v41+s6+$0x0], $0xffff  }
0x11f: {  	v21 =	vor.u32 v20, v42;
	_ =	sdelay $0x3  }
0x120: {  	v43 =	vor.u32 s28, v2;
	[tilespmem:v19+s20+$0x0] =	vst.idx.msk $0xffff, v18  }
0x121: {  	v44 =	vshll.u32 v43, $0x7;
	v17 =	vor.u32 v17, v16;
	v19 =	vld.idx.msk [tilespmem:v21+s6+$0x0], $0xffff  }
0x122: {  	v21 =	vor.u32 v20, v44;
	_ =	sdelay $0x3  }
0x123: {  	[tilespmem:v17+s20+$0x0] =	vst.idx.msk $0xffff, v19;
	v17 =	vor.u32 s28, v3  }
0x124: {  	v18 =	vor.u32 v43, v16;
	v19 =	vld.idx.msk [tilespmem:v21+s6+$0x0], $0xffff;
	v45 =	vshll.u32 v17, $0x7  }
0x125: {  	v21 =	vor.u32 v20, v45;
	_ =	sdelay $0x3  }
0x126: {  	v46 =	vor.u32 s28, v4;
	[tilespmem:v18+s20+$0x0] =	vst.idx.msk $0xffff, v19  }
0x127: {  	v47 =	vshll.u32 v46, $0x7;
	v17 =	vor.u32 v17, v16;
	v19 =	vld.idx.msk [tilespmem:v21+s6+$0x0], $0xffff  }
0x128: {  	v21 =	vor.u32 v20, v47;
	_ =	sdelay $0x3  }
0x129: {  	[tilespmem:v17+s20+$0x0] =	vst.idx.msk $0xffff, v19;
	v17 =	vor.u32 s28, v5  }
0x12a: {  	v18 =	vor.u32 v46, v16;
	v19 =	vld.idx.msk [tilespmem:v21+s6+$0x0], $0xffff;
	v48 =	vshll.u32 v17, $0x7  }
0x12b: {  	v21 =	vor.u32 v20, v48;
	_ =	sdelay $0x3  }
0x12c: {  	v49 =	vor.u32 s28, v7;
	[tilespmem:v18+s20+$0x0] =	vst.idx.msk $0xffff, v19  }
0x12d: {  	v50 =	vshll.u32 v49, $0x7;
	v17 =	vor.u32 v17, v16;
	v19 =	vld.idx.msk [tilespmem:v21+s6+$0x0], $0xffff  }
0x12e: {  	v21 =	vor.u32 v20, v50;
	_ =	sdelay $0x3  }
0x12f: {  	[tilespmem:v17+s20+$0x0] =	vst.idx.msk $0xffff, v19;
	v17 =	vor.u32 s28, v8  }
0x130: {  	v18 =	vor.u32 v49, v16;
	v19 =	vld.idx.msk [tilespmem:v21+s6+$0x0], $0xffff;
	v51 =	vshll.u32 v17, $0x7  }
0x131: {  	v21 =	vor.u32 v20, v51;
	_ =	sdelay $0x3  }
0x132: {  	v52 =	vor.u32 s28, v6;
	[tilespmem:v18+s20+$0x0] =	vst.idx.msk $0xffff, v19  }
0x133: {  	v53 =	vshll.u32 v52, $0x7;
	v17 =	vor.u32 v17, v16;
	v19 =	vld.idx.msk [tilespmem:v21+s6+$0x0], $0xffff  }
0x134: {  	v21 =	vor.u32 v20, v53;
	_ =	sdelay $0x3  }
0x135: {  	[tilespmem:v17+s20+$0x0] =	vst.idx.msk $0xffff, v19;
	v17 =	vor.u32 s28, v9  }
0x136: {  	v18 =	vor.u32 v52, v16;
	v19 =	vld.idx.msk [tilespmem:v21+s6+$0x0], $0xffff;
	v54 =	vshll.u32 v17, $0x7  }
0x137: {  	v21 =	vor.u32 v20, v54;
	_ =	sdelay $0x3  }
0x138: {  	v55 =	vor.u32 s28, v10;
	[tilespmem:v18+s20+$0x0] =	vst.idx.msk $0xffff, v19  }
0x139: {  	v56 =	vshll.u32 v55, $0x7;
	v17 =	vor.u32 v17, v16;
	v19 =	vld.idx.msk [tilespmem:v21+s6+$0x0], $0xffff  }
0x13a: {  	v21 =	vor.u32 v20, v56;
	_ =	sdelay $0x3  }
0x13b: {  	[tilespmem:v17+s20+$0x0] =	vst.idx.msk $0xffff, v19;
	v17 =	vor.u32 s28, v11  }
0x13c: {  	v18 =	vor.u32 v55, v16;
	v19 =	vld.idx.msk [tilespmem:v21+s6+$0x0], $0xffff;
	v57 =	vshll.u32 v17, $0x7  }
0x13d: {  	v21 =	vor.u32 v20, v57;
	_ =	sdelay $0x3  }
0x13e: {  	v58 =	vor.u32 s28, v12;
	[tilespmem:v18+s20+$0x0] =	vst.idx.msk $0xffff, v19  }
0x13f: {  	v59 =	vshll.u32 v58, $0x7;
	v17 =	vor.u32 v17, v16;
	v19 =	vld.idx.msk [tilespmem:v21+s6+$0x0], $0xffff  }
0x140: {  	v21 =	vor.u32 v20, v59;
	_ =	sdelay $0x3  }
0x141: {  	[tilespmem:v17+s20+$0x0] =	vst.idx.msk $0xffff, v19;
	v17 =	vor.u32 s28, v13  }
0x142: {  	v18 =	vor.u32 v58, v16;
	v19 =	vld.idx.msk [tilespmem:v21+s6+$0x0], $0xffff;
	v60 =	vshll.u32 v17, $0x7  }
0x143: {  	v21 =	vor.u32 v20, v60;
	_ =	sdelay $0x3  }
0x144: {  	v61 =	vor.u32 s28, v14;
	[tilespmem:v18+s20+$0x0] =	vst.idx.msk $0xffff, v19  }
0x145: {  	v62 =	vshll.u32 v61, $0x7;
	v17 =	vor.u32 v17, v16;
	v19 =	vld.idx.msk [tilespmem:v21+s6+$0x0], $0xffff  }
0x146: {  	v21 =	vor.u32 v20, v62;
	_ =	sdelay $0x3  }
0x147: {  	[tilespmem:v17+s20+$0x0] =	vst.idx.msk $0xffff, v19;
	v17 =	vor.u32 s28, v15  }
0x148: {  	v18 =	vor.u32 v61, v16;
	v19 =	vld.idx.msk [tilespmem:v21+s6+$0x0], $0xffff;
	v63 =	vshll.u32 v17, $0x7  }
0x149: {  	v20 =	vor.u32 v20, v63;
	_ =	sdelay $0x3  }
0x14a: {  	[tilespmem:v18+s20+$0x0] =	vst.idx.msk $0xffff, v19  }
0x14b: {  	v16 =	vor.u32 v17, v16;
	v18 =	vld.idx.msk [tilespmem:v20+s6+$0x0], $0xffff;
	_ =	sdelay $0x3  }
0x14c: {  	s31 =	sshll.u32 s26, $0xB  }
0x14d: {  	p1 =	sgt.u32 s26, $0x2CD;
	s0 =	sadd.s32 s8, s31;
	[tilespmem:v16+s20+$0x0] =	vst.idx.msk $0xffff, v18  }
0x14e: {  	[hbm4b:s0+s6] =	stream.linear.scatter [tilespmem:s20], [sflag:$0x3], $0x4000, $0x38;
	[tilespmem:$0x10000] =	vst v63  }
0x14f: {  	s0 =	sshll.u32 @!p1 s26, $0x7  }
0x150: {  	s0 =	sand.u32 @!p1 $0x1FFFFF80, s0  }
0x151: {  	s28 =	sadd.s32 @!p1 $0x2000, s0  }
0x152: {  	s30 =	simm.s32 @!p1 $0x0;
	s29 =	sadd.s32 @!p1 s1, s28  }
0x153: {  	[tilespmem:s30], [sflag:$0x1] =	stream.linear.gather @!p1 [hbm4b:s29+s30], $0x400, $0x38;
	[tilespmem:$0x10000] =	vst v63  }
0x154: {  	s29 =	sadd.s32 @!p1 $0x1A700, s0  }
0x155: {  	s5 =	simm.s32 @!p1 $0x400;
	s31 =	sadd.s32 @!p1 s1, s29  }
0x156: {  	[tilespmem:s5], [sflag:$0x1] =	stream.linear.gather @!p1 [hbm4b:s31+s30], $0x400, $0x38;
	[tilespmem:$0x10000] =	vst v63  }
0x157: {  	s5 =	sadd.s32 @!p1 $0x32E00, s0  }
0x158: {  	s9 =	simm.s32 @!p1 $0x800;
	s0 =	sadd.s32 @!p1 $0x4B500, s0;
	s31 =	sadd.s32 @!p1 s1, s5  }
0x159: {  	[tilespmem:s9], [sflag:$0x1] =	stream.linear.gather @!p1 [hbm4b:s31+s30], $0x400, $0x38;
	[tilespmem:$0x10000] =	vst v63  }
0x15a: {  	s9 =	sadd.s32 @!p1 s1, s0;
	s31 =	simm.s32 @!p1 $0xC00  }
0x15b: {  	[tilespmem:s31], [sflag:$0x1] =	stream.linear.gather @!p1 [hbm4b:s9+s30], $0x400, $0x38;
	[tilespmem:$0x10000] =	vst v63  }
0x15c: {  	s9 =	sadd.s32 @!p1 s2, s28;
	s31 =	simm.s32 @!p1 $0x1000  }
0x15d: {  	[tilespmem:s31], [sflag:$0x1] =	stream.linear.gather @!p1 [hbm4b:s9+s30], $0x400, $0x38;
	[tilespmem:$0x10000] =	vst v63  }
0x15e: {  	s9 =	sadd.s32 @!p1 s2, s29;
	s31 =	simm.s32 @!p1 $0x1400  }
0x15f: {  	[tilespmem:s31], [sflag:$0x1] =	stream.linear.gather @!p1 [hbm4b:s9+s30], $0x400, $0x38;
	[tilespmem:$0x10000] =	vst v63  }
0x160: {  	s9 =	sadd.s32 @!p1 s2, s5;
	s31 =	simm.s32 @!p1 $0x1800  }
0x161: {  	[tilespmem:s31], [sflag:$0x1] =	stream.linear.gather @!p1 [hbm4b:s9+s30], $0x400, $0x38;
	[tilespmem:$0x10000] =	vst v63  }
0x162: {  	s9 =	sadd.s32 @!p1 s2, s0;
	s31 =	simm.s32 @!p1 $0x1C00  }
0x163: {  	[tilespmem:s31], [sflag:$0x1] =	stream.linear.gather @!p1 [hbm4b:s9+s30], $0x400, $0x38;
	[tilespmem:$0x10000] =	vst v63  }
0x164: {  	s9 =	sadd.s32 @!p1 s3, s28;
	s31 =	simm.s32 @!p1 $0x2000  }
0x165: {  	[tilespmem:s31], [sflag:$0x1] =	stream.linear.gather @!p1 [hbm4b:s9+s30], $0x400, $0x38;
	[tilespmem:$0x10000] =	vst v63  }
0x166: {  	s9 =	sadd.s32 @!p1 s3, s29;
	s31 =	simm.s32 @!p1 $0x2400  }
0x167: {  	[tilespmem:s31], [sflag:$0x1] =	stream.linear.gather @!p1 [hbm4b:s9+s30], $0x400, $0x38;
	[tilespmem:$0x10000] =	vst v63  }
0x168: {  	s9 =	sadd.s32 @!p1 s3, s5;
	s31 =	simm.s32 @!p1 $0x2800  }
0x169: {  	[tilespmem:s31], [sflag:$0x1] =	stream.linear.gather @!p1 [hbm4b:s9+s30], $0x400, $0x38;
	[tilespmem:$0x10000] =	vst v63  }
0x16a: {  	s9 =	sadd.s32 @!p1 s3, s0;
	s31 =	simm.s32 @!p1 $0x2C00  }
0x16b: {  	[tilespmem:s31], [sflag:$0x1] =	stream.linear.gather @!p1 [hbm4b:s9+s30], $0x400, $0x38;
	[tilespmem:$0x10000] =	vst v63  }
0x16c: {  	s9 =	sadd.s32 @!p1 s4, s28;
	s28 =	simm.s32 @!p1 $0x3000  }
0x16d: {  	[tilespmem:s28], [sflag:$0x1] =	stream.linear.gather @!p1 [hbm4b:s9+s30], $0x400, $0x38;
	[tilespmem:$0x10000] =	vst v63  }
0x16e: {  	s9 =	sadd.s32 @!p1 s4, s29;
	s28 =	simm.s32 @!p1 $0x3400  }
0x16f: {  	[tilespmem:s28], [sflag:$0x1] =	stream.linear.gather @!p1 [hbm4b:s9+s30], $0x400, $0x38;
	[tilespmem:$0x10000] =	vst v63  }
0x170: {  	s5 =	sadd.s32 @!p1 s4, s5;
	s9 =	simm.s32 @!p1 $0x3800  }
0x171: {  	[tilespmem:s9], [sflag:$0x1] =	stream.linear.gather @!p1 [hbm4b:s5+s30], $0x400, $0x38;
	[tilespmem:$0x10000] =	vst v63  }
0x172: {  	s0 =	sadd.s32 @!p1 s4, s0;
	s5 =	simm.s32 @!p1 $0x3C00  }
0x173: {  	[tilespmem:s5], [sflag:$0x1] =	stream.linear.gather @!p1 [hbm4b:s0+s30], $0x400, $0x38;
	[tilespmem:$0x10000] =	vst v63  }
.LBB2_6:
0x174: {  	s26 =	sor.u32 $0x20, s26  }
0x175: {  	p1 =	sgt.u32 s26, $0x30D  }
.Ltmp6:
0x176: {  	_ = 	snop;
	(pc) =	sbr.rel @p1 .LBB2_10-.Ltmp6, $1  }
0x177: {  	_ =	sdelay $0x3  }
0x178: {  	_ =	swait.ge [sflag:s21], $0x400  }
0x179: {  	[sflag:s21] =	ssyncset.done $0x0  }
0x17a: {  	[sflag:s21] =	ssyncadd.s32 $0xFFFFFC00  }
0x17b: {  	_ =	swait.ge [sflag:s21], $0x400  }
0x17c: {  	[sflag:s21] =	ssyncset.done $0x0  }
0x17d: {  	[sflag:s21] =	ssyncadd.s32 $0xFFFFFC00  }
0x17e: {  	_ =	swait.ge [sflag:s21], $0x400  }
0x17f: {  	[sflag:s21] =	ssyncset.done $0x0  }
0x180: {  	[sflag:s21] =	ssyncadd.s32 $0xFFFFFC00  }
0x181: {  	_ =	swait.ge [sflag:s21], $0x400  }
0x182: {  	[sflag:s21] =	ssyncset.done $0x0  }
0x183: {  	[sflag:s21] =	ssyncadd.s32 $0xFFFFFC00  }
0x184: {  	_ =	swait.ge [sflag:s21], $0x400  }
0x185: {  	[sflag:s21] =	ssyncset.done $0x0  }
0x186: {  	[sflag:s21] =	ssyncadd.s32 $0xFFFFFC00  }
0x187: {  	_ =	swait.ge [sflag:s21], $0x400  }
0x188: {  	[sflag:s21] =	ssyncset.done $0x0  }
0x189: {  	[sflag:s21] =	ssyncadd.s32 $0xFFFFFC00  }
0x18a: {  	_ =	swait.ge [sflag:s21], $0x400  }
0x18b: {  	[sflag:s21] =	ssyncset.done $0x0  }
0x18c: {  	[sflag:s21] =	ssyncadd.s32 $0xFFFFFC00  }
0x18d: {  	_ =	swait.ge [sflag:s21], $0x400  }
0x18e: {  	[sflag:s21] =	ssyncset.done $0x0  }
0x18f: {  	[sflag:s21] =	ssyncadd.s32 $0xFFFFFC00  }
0x190: {  	_ =	swait.ge [sflag:s21], $0x400  }
0x191: {  	[sflag:s21] =	ssyncset.done $0x0  }
0x192: {  	[sflag:s21] =	ssyncadd.s32 $0xFFFFFC00  }
0x193: {  	_ =	swait.ge [sflag:s21], $0x400  }
0x194: {  	[sflag:s21] =	ssyncset.done $0x0  }
0x195: {  	[sflag:s21] =	ssyncadd.s32 $0xFFFFFC00  }
0x196: {  	_ =	swait.ge [sflag:s21], $0x400  }
0x197: {  	[sflag:s21] =	ssyncset.done $0x0  }
0x198: {  	[sflag:s21] =	ssyncadd.s32 $0xFFFFFC00  }
0x199: {  	_ =	swait.ge [sflag:s21], $0x400  }
0x19a: {  	[sflag:s21] =	ssyncset.done $0x0  }
0x19b: {  	[sflag:s21] =	ssyncadd.s32 $0xFFFFFC00  }
0x19c: {  	_ =	swait.ge [sflag:s21], $0x400  }
0x19d: {  	[sflag:s21] =	ssyncset.done $0x0  }
0x19e: {  	[sflag:s21] =	ssyncadd.s32 $0xFFFFFC00  }
0x19f: {  	_ =	swait.ge [sflag:s21], $0x400  }
0x1a0: {  	[sflag:s21] =	ssyncset.done $0x0  }
0x1a1: {  	[sflag:s21] =	ssyncadd.s32 $0xFFFFFC00  }
0x1a2: {  	s0 =	simm.s32 $0x0;
	_ =	swait.ge [sflag:s21], $0x400  }
0x1a3: {  	s28 =	sand.u32 $0x70, s0;
	[sflag:s21] =	ssyncset.done $0x0  }
0x1a4: {  	s0 =	sand.u32 $0x70, s0;
	v17 =	vor.u32 s28, v0;
	[sflag:s21] =	ssyncadd.s32 $0xFFFFFC00  }
0x1a5: {  	v19 =	vor.u32 s0, v0;
	v16 =	vshll.u32 v17, $0x7;
	_ =	swait.ge [sflag:s21], $0x400  }
0x1a6: {  	p1 =	seq.s32 s25, $0x0;
	v18 =	vor.u32 v19, v16;
	[sflag:s21] =	ssyncset.done $0x0  }
0x1a7: {  	s0 =	simm.s32 @!p1 $0x4;
	[sflag:s21] =	ssyncadd.s32 $0xFFFFFC00  }
0x1a8: {  	_ =	swait.ge @!p1 [sflag:s0], $0x4000  }
0x1a9: {  	[sflag:s0] =	ssyncset.done @!p1 $0x0  }
0x1aa: {  	v20 =	vor.u32 s28, v1;
	v16 =	vshll.u32 v19, $0x7;
	[sflag:s0] =	ssyncadd.s32 @!p1 $0xFFFFC000  }
0x1ab: {  	v21 =	vshll.u32 v20, $0x7;
	v17 =	vor.u32 v17, v16;
	v18 =	vld.idx.msk [tilespmem:v18+s18+$0x0], $0xffff  }
0x1ac: {  	v21 =	vor.u32 v19, v21;
	_ =	sdelay $0x3  }
0x1ad: {  	[tilespmem:v17+s22+$0x0] =	vst.idx.msk $0xffff, v18;
	v17 =	vor.u32 s28, v2  }
0x1ae: {  	v20 =	vor.u32 v20, v16;
	v18 =	vld.idx.msk [tilespmem:v21+s18+$0x0], $0xffff;
	v50 =	vshll.u32 v17, $0x7  }
0x1af: {  	v21 =	vor.u32 v19, v50;
	_ =	sdelay $0x3  }
0x1b0: {  	[tilespmem:v20+s22+$0x0] =	vst.idx.msk $0xffff, v18;
	v18 =	vor.u32 s28, v3  }
0x1b1: {  	v17 =	vor.u32 v17, v16;
	v20 =	vld.idx.msk [tilespmem:v21+s18+$0x0], $0xffff;
	v51 =	vshll.u32 v18, $0x7  }
0x1b2: {  	v21 =	vor.u32 v19, v51;
	_ =	sdelay $0x3  }
0x1b3: {  	[tilespmem:v17+s22+$0x0] =	vst.idx.msk $0xffff, v20;
	v17 =	vor.u32 s28, v4  }
0x1b4: {  	v18 =	vor.u32 v18, v16;
	v20 =	vld.idx.msk [tilespmem:v21+s18+$0x0], $0xffff;
	v52 =	vshll.u32 v17, $0x7  }
0x1b5: {  	v21 =	vor.u32 v19, v52;
	_ =	sdelay $0x3  }
0x1b6: {  	[tilespmem:v18+s22+$0x0] =	vst.idx.msk $0xffff, v20;
	v18 =	vor.u32 s28, v5  }
0x1b7: {  	v17 =	vor.u32 v17, v16;
	v20 =	vld.idx.msk [tilespmem:v21+s18+$0x0], $0xffff;
	v53 =	vshll.u32 v18, $0x7  }
0x1b8: {  	v21 =	vor.u32 v19, v53;
	_ =	sdelay $0x3  }
0x1b9: {  	[tilespmem:v17+s22+$0x0] =	vst.idx.msk $0xffff, v20;
	v17 =	vor.u32 s28, v7  }
0x1ba: {  	v18 =	vor.u32 v18, v16;
	v20 =	vld.idx.msk [tilespmem:v21+s18+$0x0], $0xffff;
	v54 =	vshll.u32 v17, $0x7  }
0x1bb: {  	v21 =	vor.u32 v19, v54;
	_ =	sdelay $0x3  }
0x1bc: {  	[tilespmem:v18+s22+$0x0] =	vst.idx.msk $0xffff, v20;
	v18 =	vor.u32 s28, v8  }
0x1bd: {  	v17 =	vor.u32 v17, v16;
	v20 =	vld.idx.msk [tilespmem:v21+s18+$0x0], $0xffff;
	v55 =	vshll.u32 v18, $0x7  }
0x1be: {  	v21 =	vor.u32 v19, v55;
	_ =	sdelay $0x3  }
0x1bf: {  	[tilespmem:v17+s22+$0x0] =	vst.idx.msk $0xffff, v20;
	v17 =	vor.u32 s28, v6  }
0x1c0: {  	v18 =	vor.u32 v18, v16;
	v20 =	vld.idx.msk [tilespmem:v21+s18+$0x0], $0xffff;
	v56 =	vshll.u32 v17, $0x7  }
0x1c1: {  	v21 =	vor.u32 v19, v56;
	_ =	sdelay $0x3  }
0x1c2: {  	[tilespmem:v18+s22+$0x0] =	vst.idx.msk $0xffff, v20;
	v18 =	vor.u32 s28, v9  }
0x1c3: {  	v17 =	vor.u32 v17, v16;
	v20 =	vld.idx.msk [tilespmem:v21+s18+$0x0], $0xffff;
	v57 =	vshll.u32 v18, $0x7  }
0x1c4: {  	v21 =	vor.u32 v19, v57;
	_ =	sdelay $0x3  }
0x1c5: {  	[tilespmem:v17+s22+$0x0] =	vst.idx.msk $0xffff, v20;
	v17 =	vor.u32 s28, v10  }
0x1c6: {  	v18 =	vor.u32 v18, v16;
	v20 =	vld.idx.msk [tilespmem:v21+s18+$0x0], $0xffff;
	v58 =	vshll.u32 v17, $0x7  }
0x1c7: {  	v21 =	vor.u32 v19, v58;
	_ =	sdelay $0x3  }
0x1c8: {  	[tilespmem:v18+s22+$0x0] =	vst.idx.msk $0xffff, v20;
	v18 =	vor.u32 s28, v11  }
0x1c9: {  	v17 =	vor.u32 v17, v16;
	v20 =	vld.idx.msk [tilespmem:v21+s18+$0x0], $0xffff;
	v59 =	vshll.u32 v18, $0x7  }
0x1ca: {  	v21 =	vor.u32 v19, v59;
	_ =	sdelay $0x3  }
0x1cb: {  	[tilespmem:v17+s22+$0x0] =	vst.idx.msk $0xffff, v20;
	v17 =	vor.u32 s28, v12  }
0x1cc: {  	v18 =	vor.u32 v18, v16;
	v20 =	vld.idx.msk [tilespmem:v21+s18+$0x0], $0xffff;
	v60 =	vshll.u32 v17, $0x7  }
0x1cd: {  	v21 =	vor.u32 v19, v60;
	_ =	sdelay $0x3  }
0x1ce: {  	[tilespmem:v18+s22+$0x0] =	vst.idx.msk $0xffff, v20;
	v18 =	vor.u32 s28, v13  }
0x1cf: {  	v17 =	vor.u32 v17, v16;
	v20 =	vld.idx.msk [tilespmem:v21+s18+$0x0], $0xffff;
	v61 =	vshll.u32 v18, $0x7  }
0x1d0: {  	v21 =	vor.u32 v19, v61;
	_ =	sdelay $0x3  }
0x1d1: {  	[tilespmem:v17+s22+$0x0] =	vst.idx.msk $0xffff, v20;
	v17 =	vor.u32 s28, v14  }
0x1d2: {  	v18 =	vor.u32 v18, v16;
	v20 =	vld.idx.msk [tilespmem:v21+s18+$0x0], $0xffff;
	v62 =	vshll.u32 v17, $0x7  }
0x1d3: {  	v21 =	vor.u32 v19, v62;
	_ =	sdelay $0x3  }
0x1d4: {  	[tilespmem:v18+s22+$0x0] =	vst.idx.msk $0xffff, v20;
	v18 =	vor.u32 s28, v15  }
0x1d5: {  	v63 =	vor.u32 v17, v16;
	v20 =	vld.idx.msk [tilespmem:v21+s18+$0x0], $0xffff;
	v17 =	vshll.u32 v18, $0x7  }
0x1d6: {  	v17 =	vor.u32 v19, v17;
	_ =	sdelay $0x2  }
0x1d7: {  	s29 =	simm.s32 $0x10  }
0x1d8: {  	s30 =	simm.s32 $0x2;
	s31 =	simm.s32 $0x4;
	s28 =	sand.u32 $0x70, s29;
	[tilespmem:v63+s22+$0x0] =	vst.idx.msk $0xffff, v20  }
.LBB2_8:
0x1d9: {  	p1 =	sne.s32 s31, $0x7E;
	s0 =	sand.u32 $0x70, s30;
	v19 =	vor.u32 s28, v0;
	v20 =	vld.idx.msk [tilespmem:v17+s18+$0x0], $0xffff;
	s30 =	smov.u32 s31  }
0x1da: {  	v16 =	vor.u32 v18, v16;
	v17 =	vor.u32 s0, v0;
	v21 =	vshll.u32 v19, $0x7  }
0x1db: {  	v18 =	vor.u32 v17, v21;
	_ =	sdelay $0x3  }
0x1dc: {  	[tilespmem:v16+s22+$0x0] =	vst.idx.msk $0xffff, v20  }
0x1dd: {  	v16 =	vshll.u32 v17, $0x7;
	v20 =	vor.u32 s28, v1;
	v18 =	vld.idx.msk [tilespmem:v18+s18+$0x0], $0xffff  }
0x1de: {  	v19 =	vor.u32 v19, v16;
	v21 =	vshll.u32 v20, $0x7  }
0x1df: {  	v21 =	vor.u32 v17, v21;
	_ =	sdelay $0x3  }
0x1e0: {  	[tilespmem:v19+s22+$0x0] =	vst.idx.msk $0xffff, v18  }
0x1e1: {  	v19 =	vor.u32 s28, v2;
	v18 =	vld.idx.msk [tilespmem:v21+s18+$0x0], $0xffff  }
0x1e2: {  	v20 =	vor.u32 v20, v16;
	v21 =	vshll.u32 v19, $0x7  }
0x1e3: {  	v21 =	vor.u32 v17, v21;
	_ =	sdelay $0x3  }
0x1e4: {  	[tilespmem:v20+s22+$0x0] =	vst.idx.msk $0xffff, v18  }
0x1e5: {  	v20 =	vor.u32 s28, v3;
	v18 =	vld.idx.msk [tilespmem:v21+s18+$0x0], $0xffff  }
0x1e6: {  	v19 =	vor.u32 v19, v16;
	v21 =	vshll.u32 v20, $0x7  }
0x1e7: {  	v21 =	vor.u32 v17, v21;
	_ =	sdelay $0x3  }
0x1e8: {  	[tilespmem:v19+s22+$0x0] =	vst.idx.msk $0xffff, v18  }
0x1e9: {  	v19 =	vor.u32 s28, v4;
	v18 =	vld.idx.msk [tilespmem:v21+s18+$0x0], $0xffff  }
0x1ea: {  	v20 =	vor.u32 v20, v16;
	v21 =	vshll.u32 v19, $0x7  }
0x1eb: {  	v21 =	vor.u32 v17, v21;
	_ =	sdelay $0x3  }
0x1ec: {  	[tilespmem:v20+s22+$0x0] =	vst.idx.msk $0xffff, v18  }
0x1ed: {  	v20 =	vor.u32 s28, v5;
	v18 =	vld.idx.msk [tilespmem:v21+s18+$0x0], $0xffff  }
0x1ee: {  	v19 =	vor.u32 v19, v16;
	v21 =	vshll.u32 v20, $0x7  }
0x1ef: {  	v21 =	vor.u32 v17, v21;
	_ =	sdelay $0x3  }
0x1f0: {  	[tilespmem:v19+s22+$0x0] =	vst.idx.msk $0xffff, v18  }
0x1f1: {  	v19 =	vor.u32 s28, v7;
	v18 =	vld.idx.msk [tilespmem:v21+s18+$0x0], $0xffff  }
0x1f2: {  	v20 =	vor.u32 v20, v16;
	v21 =	vshll.u32 v19, $0x7  }
0x1f3: {  	v21 =	vor.u32 v17, v21;
	_ =	sdelay $0x3  }
0x1f4: {  	[tilespmem:v20+s22+$0x0] =	vst.idx.msk $0xffff, v18  }
0x1f5: {  	v20 =	vor.u32 s28, v8;
	v18 =	vld.idx.msk [tilespmem:v21+s18+$0x0], $0xffff  }
0x1f6: {  	v19 =	vor.u32 v19, v16;
	v21 =	vshll.u32 v20, $0x7  }
0x1f7: {  	v21 =	vor.u32 v17, v21;
	_ =	sdelay $0x3  }
0x1f8: {  	[tilespmem:v19+s22+$0x0] =	vst.idx.msk $0xffff, v18  }
0x1f9: {  	v19 =	vor.u32 s28, v6;
	v18 =	vld.idx.msk [tilespmem:v21+s18+$0x0], $0xffff  }
0x1fa: {  	v20 =	vor.u32 v20, v16;
	v21 =	vshll.u32 v19, $0x7  }
0x1fb: {  	v21 =	vor.u32 v17, v21;
	_ =	sdelay $0x3  }
0x1fc: {  	[tilespmem:v20+s22+$0x0] =	vst.idx.msk $0xffff, v18  }
0x1fd: {  	v20 =	vor.u32 s28, v9;
	v18 =	vld.idx.msk [tilespmem:v21+s18+$0x0], $0xffff  }
0x1fe: {  	v19 =	vor.u32 v19, v16;
	v21 =	vshll.u32 v20, $0x7  }
0x1ff: {  	v21 =	vor.u32 v17, v21;
	_ =	sdelay $0x3  }
0x200: {  	[tilespmem:v19+s22+$0x0] =	vst.idx.msk $0xffff, v18  }
0x201: {  	v19 =	vor.u32 s28, v10;
	v18 =	vld.idx.msk [tilespmem:v21+s18+$0x0], $0xffff  }
0x202: {  	v20 =	vor.u32 v20, v16;
	v21 =	vshll.u32 v19, $0x7  }
0x203: {  	v21 =	vor.u32 v17, v21;
	_ =	sdelay $0x3  }
0x204: {  	[tilespmem:v20+s22+$0x0] =	vst.idx.msk $0xffff, v18  }
0x205: {  	v20 =	vor.u32 s28, v11;
	v18 =	vld.idx.msk [tilespmem:v21+s18+$0x0], $0xffff  }
0x206: {  	v19 =	vor.u32 v19, v16;
	v21 =	vshll.u32 v20, $0x7  }
0x207: {  	v21 =	vor.u32 v17, v21;
	_ =	sdelay $0x3  }
0x208: {  	[tilespmem:v19+s22+$0x0] =	vst.idx.msk $0xffff, v18  }
0x209: {  	v19 =	vor.u32 s28, v12;
	v18 =	vld.idx.msk [tilespmem:v21+s18+$0x0], $0xffff  }
0x20a: {  	v20 =	vor.u32 v20, v16;
	v21 =	vshll.u32 v19, $0x7  }
0x20b: {  	v21 =	vor.u32 v17, v21;
	_ =	sdelay $0x3  }
0x20c: {  	[tilespmem:v20+s22+$0x0] =	vst.idx.msk $0xffff, v18  }
0x20d: {  	v20 =	vor.u32 s28, v13;
	v18 =	vld.idx.msk [tilespmem:v21+s18+$0x0], $0xffff  }
0x20e: {  	v19 =	vor.u32 v19, v16;
	v21 =	vshll.u32 v20, $0x7  }
0x20f: {  	v21 =	vor.u32 v17, v21;
	_ =	sdelay $0x3  }
0x210: {  	[tilespmem:v19+s22+$0x0] =	vst.idx.msk $0xffff, v18  }
0x211: {  	v19 =	vor.u32 s28, v14;
	v18 =	vld.idx.msk [tilespmem:v21+s18+$0x0], $0xffff  }
0x212: {  	v20 =	vor.u32 v20, v16;
	v21 =	vshll.u32 v19, $0x7  }
0x213: {  	v21 =	vor.u32 v17, v21;
	_ =	sdelay $0x3  }
0x214: {  	[tilespmem:v20+s22+$0x0] =	vst.idx.msk $0xffff, v18  }
0x215: {  	v18 =	vor.u32 s28, v15;
	v20 =	vld.idx.msk [tilespmem:v21+s18+$0x0], $0xffff  }
0x216: {  	v19 =	vor.u32 v19, v16;
	v21 =	vshll.u32 v18, $0x7  }
.Ltmp7:
0x217: {  	v17 =	vor.u32 v17, v21;
	(pc) =	sbr.rel @p1 .LBB2_8-.Ltmp7, $3  }
0x218: {  	_ =	sdelay $0x1  }
0x219: {  	s29 =	sadd.s32 $0x10, s29  }
0x21a: {  	s31 =	sadd.s32 $0x2, s31;
	s28 =	sand.u32 $0x70, s29;
	[tilespmem:v19+s22+$0x0] =	vst.idx.msk $0xffff, v20  }
0x21b: {  	_ =	sdelay $0x2  }
0x21c: {  	s0 =	sand.u32 $0x70, s30;
	v19 =	vor.u32 s28, v0  }
0x21d: {  	v17 =	vld.idx.msk [tilespmem:v17+s18+$0x0], $0xffff;
	v16 =	vor.u32 v18, v16;
	v20 =	vor.u32 s0, v0;
	v21 =	vshll.u32 v19, $0x7  }
0x21e: {  	v41 =	vor.u32 v20, v21;
	_ =	sdelay $0x3  }
0x21f: {  	[tilespmem:v16+s22+$0x0] =	vst.idx.msk $0xffff, v17;
	v16 =	vshll.u32 v20, $0x7;
	v17 =	vor.u32 s28, v1  }
0x220: {  	v19 =	vor.u32 v19, v16;
	v42 =	vshll.u32 v17, $0x7;
	v18 =	vld.idx.msk [tilespmem:v41+s18+$0x0], $0xffff  }
0x221: {  	v21 =	vor.u32 v20, v42;
	_ =	sdelay $0x3  }
0x222: {  	v43 =	vor.u32 s28, v2;
	[tilespmem:v19+s22+$0x0] =	vst.idx.msk $0xffff, v18  }
0x223: {  	v44 =	vshll.u32 v43, $0x7;
	v17 =	vor.u32 v17, v16;
	v19 =	vld.idx.msk [tilespmem:v21+s18+$0x0], $0xffff  }
0x224: {  	v21 =	vor.u32 v20, v44;
	_ =	sdelay $0x3  }
0x225: {  	[tilespmem:v17+s22+$0x0] =	vst.idx.msk $0xffff, v19;
	v17 =	vor.u32 s28, v3  }
0x226: {  	v18 =	vor.u32 v43, v16;
	v19 =	vld.idx.msk [tilespmem:v21+s18+$0x0], $0xffff;
	v45 =	vshll.u32 v17, $0x7  }
0x227: {  	v21 =	vor.u32 v20, v45;
	_ =	sdelay $0x3  }
0x228: {  	v46 =	vor.u32 s28, v4;
	[tilespmem:v18+s22+$0x0] =	vst.idx.msk $0xffff, v19  }
0x229: {  	v47 =	vshll.u32 v46, $0x7;
	v17 =	vor.u32 v17, v16;
	v19 =	vld.idx.msk [tilespmem:v21+s18+$0x0], $0xffff  }
0x22a: {  	v21 =	vor.u32 v20, v47;
	_ =	sdelay $0x3  }
0x22b: {  	[tilespmem:v17+s22+$0x0] =	vst.idx.msk $0xffff, v19;
	v17 =	vor.u32 s28, v5  }
0x22c: {  	v18 =	vor.u32 v46, v16;
	v19 =	vld.idx.msk [tilespmem:v21+s18+$0x0], $0xffff;
	v48 =	vshll.u32 v17, $0x7  }
0x22d: {  	v21 =	vor.u32 v20, v48;
	_ =	sdelay $0x3  }
0x22e: {  	v49 =	vor.u32 s28, v7;
	[tilespmem:v18+s22+$0x0] =	vst.idx.msk $0xffff, v19  }
0x22f: {  	v50 =	vshll.u32 v49, $0x7;
	v17 =	vor.u32 v17, v16;
	v19 =	vld.idx.msk [tilespmem:v21+s18+$0x0], $0xffff  }
0x230: {  	v21 =	vor.u32 v20, v50;
	_ =	sdelay $0x3  }
0x231: {  	[tilespmem:v17+s22+$0x0] =	vst.idx.msk $0xffff, v19;
	v17 =	vor.u32 s28, v8  }
0x232: {  	v18 =	vor.u32 v49, v16;
	v19 =	vld.idx.msk [tilespmem:v21+s18+$0x0], $0xffff;
	v51 =	vshll.u32 v17, $0x7  }
0x233: {  	v21 =	vor.u32 v20, v51;
	_ =	sdelay $0x3  }
0x234: {  	v52 =	vor.u32 s28, v6;
	[tilespmem:v18+s22+$0x0] =	vst.idx.msk $0xffff, v19  }
0x235: {  	v53 =	vshll.u32 v52, $0x7;
	v17 =	vor.u32 v17, v16;
	v19 =	vld.idx.msk [tilespmem:v21+s18+$0x0], $0xffff  }
0x236: {  	v21 =	vor.u32 v20, v53;
	_ =	sdelay $0x3  }
0x237: {  	[tilespmem:v17+s22+$0x0] =	vst.idx.msk $0xffff, v19;
	v17 =	vor.u32 s28, v9  }
0x238: {  	v18 =	vor.u32 v52, v16;
	v19 =	vld.idx.msk [tilespmem:v21+s18+$0x0], $0xffff;
	v54 =	vshll.u32 v17, $0x7  }
0x239: {  	v21 =	vor.u32 v20, v54;
	_ =	sdelay $0x3  }
0x23a: {  	v55 =	vor.u32 s28, v10;
	[tilespmem:v18+s22+$0x0] =	vst.idx.msk $0xffff, v19  }
0x23b: {  	v56 =	vshll.u32 v55, $0x7;
	v17 =	vor.u32 v17, v16;
	v19 =	vld.idx.msk [tilespmem:v21+s18+$0x0], $0xffff  }
0x23c: {  	v21 =	vor.u32 v20, v56;
	_ =	sdelay $0x3  }
0x23d: {  	[tilespmem:v17+s22+$0x0] =	vst.idx.msk $0xffff, v19;
	v17 =	vor.u32 s28, v11  }
0x23e: {  	v18 =	vor.u32 v55, v16;
	v19 =	vld.idx.msk [tilespmem:v21+s18+$0x0], $0xffff;
	v57 =	vshll.u32 v17, $0x7  }
0x23f: {  	v21 =	vor.u32 v20, v57;
	_ =	sdelay $0x3  }
0x240: {  	v58 =	vor.u32 s28, v12;
	[tilespmem:v18+s22+$0x0] =	vst.idx.msk $0xffff, v19  }
0x241: {  	v59 =	vshll.u32 v58, $0x7;
	v17 =	vor.u32 v17, v16;
	v19 =	vld.idx.msk [tilespmem:v21+s18+$0x0], $0xffff  }
0x242: {  	v21 =	vor.u32 v20, v59;
	_ =	sdelay $0x3  }
0x243: {  	[tilespmem:v17+s22+$0x0] =	vst.idx.msk $0xffff, v19;
	v17 =	vor.u32 s28, v13  }
0x244: {  	v18 =	vor.u32 v58, v16;
	v19 =	vld.idx.msk [tilespmem:v21+s18+$0x0], $0xffff;
	v60 =	vshll.u32 v17, $0x7  }
0x245: {  	v21 =	vor.u32 v20, v60;
	_ =	sdelay $0x3  }
0x246: {  	v61 =	vor.u32 s28, v14;
	[tilespmem:v18+s22+$0x0] =	vst.idx.msk $0xffff, v19  }
0x247: {  	v62 =	vshll.u32 v61, $0x7;
	v17 =	vor.u32 v17, v16;
	v19 =	vld.idx.msk [tilespmem:v21+s18+$0x0], $0xffff  }
0x248: {  	v21 =	vor.u32 v20, v62;
	_ =	sdelay $0x3  }
0x249: {  	[tilespmem:v17+s22+$0x0] =	vst.idx.msk $0xffff, v19;
	v17 =	vor.u32 s28, v15  }
0x24a: {  	v18 =	vor.u32 v61, v16;
	v19 =	vld.idx.msk [tilespmem:v21+s18+$0x0], $0xffff;
	v63 =	vshll.u32 v17, $0x7  }
0x24b: {  	v20 =	vor.u32 v20, v63;
	_ =	sdelay $0x3  }
0x24c: {  	[tilespmem:v18+s22+$0x0] =	vst.idx.msk $0xffff, v19  }
0x24d: {  	v16 =	vor.u32 v17, v16;
	v18 =	vld.idx.msk [tilespmem:v20+s18+$0x0], $0xffff;
	_ =	sdelay $0x3  }
0x24e: {  	s31 =	sshll.u32 s26, $0xB  }
0x24f: {  	p1 =	sgt.u32 s26, $0x2CD;
	s0 =	sadd.s32 s8, s31;
	[tilespmem:v16+s22+$0x0] =	vst.idx.msk $0xffff, v18  }
0x250: {  	[hbm4b:s0+s6] =	stream.linear.scatter [tilespmem:s22], [sflag:$0x4], $0x4000, $0x38;
	[tilespmem:$0x10000] =	vst v63  }
0x251: {  	s0 =	sshll.u32 @!p1 s26, $0x7  }
0x252: {  	s0 =	sand.u32 @!p1 $0x1FFFFF80, s0  }
0x253: {  	s5 =	sadd.s32 @!p1 $0x2000, s0  }
0x254: {  	s28 =	simm.s32 @!p1 $0x4000;
	s26 =	simm.s32 @!p1 $0x0;
	s9 =	sadd.s32 @!p1 s1, s5  }
0x255: {  	[tilespmem:s28], [sflag:$0x2] =	stream.linear.gather @!p1 [hbm4b:s9+s26], $0x400, $0x38;
	[tilespmem:$0x10000] =	vst v63  }
0x256: {  	s9 =	sadd.s32 @!p1 $0x1A700, s0  }
0x257: {  	s29 =	simm.s32 @!p1 $0x4400;
	s28 =	sadd.s32 @!p1 s1, s9  }
0x258: {  	[tilespmem:s29], [sflag:$0x2] =	stream.linear.gather @!p1 [hbm4b:s28+s26], $0x400, $0x38;
	[tilespmem:$0x10000] =	vst v63  }
0x259: {  	s28 =	sadd.s32 @!p1 $0x32E00, s0  }
0x25a: {  	s30 =	simm.s32 @!p1 $0x4800;
	s0 =	sadd.s32 @!p1 $0x4B500, s0;
	s29 =	sadd.s32 @!p1 s1, s28  }
0x25b: {  	[tilespmem:s30], [sflag:$0x2] =	stream.linear.gather @!p1 [hbm4b:s29+s26], $0x400, $0x38;
	[tilespmem:$0x10000] =	vst v63  }
0x25c: {  	s29 =	sadd.s32 @!p1 s1, s0;
	s30 =	simm.s32 @!p1 $0x4C00  }
0x25d: {  	[tilespmem:s30], [sflag:$0x2] =	stream.linear.gather @!p1 [hbm4b:s29+s26], $0x400, $0x38;
	[tilespmem:$0x10000] =	vst v63  }
0x25e: {  	s29 =	sadd.s32 @!p1 s2, s5;
	s30 =	simm.s32 @!p1 $0x5000  }
0x25f: {  	[tilespmem:s30], [sflag:$0x2] =	stream.linear.gather @!p1 [hbm4b:s29+s26], $0x400, $0x38;
	[tilespmem:$0x10000] =	vst v63  }
0x260: {  	s29 =	sadd.s32 @!p1 s2, s9;
	s30 =	simm.s32 @!p1 $0x5400  }
0x261: {  	[tilespmem:s30], [sflag:$0x2] =	stream.linear.gather @!p1 [hbm4b:s29+s26], $0x400, $0x38;
	[tilespmem:$0x10000] =	vst v63  }
0x262: {  	s29 =	sadd.s32 @!p1 s2, s28;
	s30 =	simm.s32 @!p1 $0x5800  }
0x263: {  	[tilespmem:s30], [sflag:$0x2] =	stream.linear.gather @!p1 [hbm4b:s29+s26], $0x400, $0x38;
	[tilespmem:$0x10000] =	vst v63  }
0x264: {  	s29 =	sadd.s32 @!p1 s2, s0;
	s30 =	simm.s32 @!p1 $0x5C00  }
0x265: {  	[tilespmem:s30], [sflag:$0x2] =	stream.linear.gather @!p1 [hbm4b:s29+s26], $0x400, $0x38;
	[tilespmem:$0x10000] =	vst v63  }
0x266: {  	s29 =	sadd.s32 @!p1 s3, s5;
	s30 =	simm.s32 @!p1 $0x6000  }
0x267: {  	[tilespmem:s30], [sflag:$0x2] =	stream.linear.gather @!p1 [hbm4b:s29+s26], $0x400, $0x38;
	[tilespmem:$0x10000] =	vst v63  }
0x268: {  	s29 =	sadd.s32 @!p1 s3, s9;
	s30 =	simm.s32 @!p1 $0x6400  }
0x269: {  	[tilespmem:s30], [sflag:$0x2] =	stream.linear.gather @!p1 [hbm4b:s29+s26], $0x400, $0x38;
	[tilespmem:$0x10000] =	vst v63  }
0x26a: {  	s29 =	sadd.s32 @!p1 s3, s28;
	s30 =	simm.s32 @!p1 $0x6800  }
0x26b: {  	[tilespmem:s30], [sflag:$0x2] =	stream.linear.gather @!p1 [hbm4b:s29+s26], $0x400, $0x38;
	[tilespmem:$0x10000] =	vst v63  }
0x26c: {  	s29 =	sadd.s32 @!p1 s3, s0;
	s30 =	simm.s32 @!p1 $0x6C00  }
0x26d: {  	[tilespmem:s30], [sflag:$0x2] =	stream.linear.gather @!p1 [hbm4b:s29+s26], $0x400, $0x38;
	[tilespmem:$0x10000] =	vst v63  }
0x26e: {  	s5 =	sadd.s32 @!p1 s4, s5;
	s29 =	simm.s32 @!p1 $0x7000  }
0x26f: {  	[tilespmem:s29], [sflag:$0x2] =	stream.linear.gather @!p1 [hbm4b:s5+s26], $0x400, $0x38;
	[tilespmem:$0x10000] =	vst v63  }
0x270: {  	s5 =	sadd.s32 @!p1 s4, s9;
	s9 =	simm.s32 @!p1 $0x7400  }
0x271: {  	[tilespmem:s9], [sflag:$0x2] =	stream.linear.gather @!p1 [hbm4b:s5+s26], $0x400, $0x38;
	[tilespmem:$0x10000] =	vst v63  }
.Ltmp8:
0x272: {  	_ = 	snop;
	(pc) =	sbr.rel .LBB2_10-.Ltmp8, $4  }
0x273: {  	s5 =	sadd.s32 @!p1 s4, s28;
	s9 =	simm.s32 @!p1 $0x7800  }
0x274: {  	[tilespmem:s9], [sflag:$0x2] =	stream.linear.gather @!p1 [hbm4b:s5+s26], $0x400, $0x38;
	[tilespmem:$0x10000] =	vst v63  }
0x275: {  	s0 =	sadd.s32 @!p1 s4, s0;
	s5 =	simm.s32 @!p1 $0x7C00  }
0x276: {  	[tilespmem:s5], [sflag:$0x2] =	stream.linear.gather @!p1 [hbm4b:s0+s26], $0x400, $0x38;
	[tilespmem:$0x10000] =	vst v63  }
.LBB2_12:
0x277: {  	_ =	sfence.sel $0x180000  }
0x278: {  	[bflag:$0x0] =	sbarrier.arrive $0xFFFF  }
0x279: {  	_ =	strace $0x90000047  }
0x27a: {  	s0 =	stileid.u32;
	[bflag:$0x2] =	sbarrier.arrive $0xFFFF  }
0x27b: {  	p0 =	sne.s32 s0, $0x0;
	s0 =	rddreg [dreg:$0x5]  }
0x27c: {  	s0 =	sadd.s32 @!p0 $0x100000, s0  }
0x27d: {  	[sflag:s0] =	ssyncadd.tile.s32 @!p0 $0x1;
	_ =	shalt  }
.Lfunc_end2:
_tile_overlayer_lowered:
.L_overlay_start_2:
0x27e: {  	(tag) =	ssettag $0x2  }
0x27f: {  	s0 =	rddreg [dreg:$0x0];
	s2 =	stileid.u32  }
0x280: {  	s1 =	rddreg [dreg:$0x1];
	p0 =	sne.s32 s2, $0x0  }
0x281: {  	s3 =	rddreg [dreg:$0x2];
	[bflag:$0x3] =	sbarrier.arrive $0xFFFF;
	s2 =	simm.s32 @!p0 $0x1C05  }
0x282: {  	[timem:s3], [sflag:s2] =	dma.local @!p0 [hbm:s0], s1  }
0x283: {  	s0 =	simm.s32 @!p0 $0x5  }
0x284: {  	_ =	swait.ge @!p0 [sflag:s0], s1  }
0x285: {  	s1 =	ssub.s32 @!p0 $0x0, s1;
	[sflag:s0] =	ssyncset.done @!p0 $0x0  }
0x286: {  	[sflag:s0] =	ssyncadd.s32 @!p0 s1  }
0x287: {  	[bflag:$0x3] =	sbarrier.arrive $0xFFFF  }
0x288: {  	_ =	shalt  }

// kernel: kernel.7.cloned.1.call-start
scs
__scs_entry_jumppad:
0x0: {  	(pc) =	sbr.rel $0x88, $3  }
0x1: {  	(tag) =	ssettag $0x0;
	lr =	simm.s32 $0x1  }
0x2: {  	[smem:$0x3F9B] =	sst lr;
	_ =	strace $0xD0000000  }
0x3: {  	_ = 	snop  }
0x4: {  	_ = 	snop  }
0x5: {  	_ = 	snop  }
0x6: {  	_ = 	snop  }
0x7: {  	_ = 	snop  }
__scs_overlays_trampoline_lowered:
0x8: {  	[smem:$0x3FAA] =	sst s0  }
0x9: {  	[smem:$0x3FAB] =	sst s1  }
0xa: {  	[smem:$0x3FAC] =	sst s2  }
0xb: {  	[smem:$0x3FAD] =	sst s3  }
0xc: {  	[smem:$0x3FAE] =	sst s4  }
0xd: {  	[smem:$0x3FAF] =	sst s5  }
0xe: {  	[smem:$0x3FB0] =	sst s6  }
0xf: {  	[smem:$0x3FB1] =	sst s7  }
0x10: {  	[smem:$0x3FB2] =	sst s8  }
0x11: {  	[smem:$0x3FB3] =	sst s9;
	s0 =	simm.s32 @!p0 $0x0  }
0x12: {  	s1 =	sld [smem:$0x3F99];
	s0 =	simm.s32 @p0 $0x1  }
0x13: {  	[smem:$0x3FB4] =	sst s0;
	s0 =	simm.s32 @!p1 $0x0  }
0x14: {  	s2 =	sld [smem:$0x3F98];
	s0 =	simm.s32 @p1 $0x1  }
0x15: {  	[smem:$0x3FB5] =	sst s0;
	s0 =	simm.s32 @!p2 $0x0  }
0x16: {  	s3 =	sld [smem:$0x3FDB];
	s0 =	simm.s32 @p2 $0x1  }
0x17: {  	s4 =	simm.s32 $0x1BF5;
	[smem:$0x3FB7] =	sst s0  }
0x18: {  	s0 =	sld [smem:$0x3F9A];
	_ =	swait.ge [sflag:s4], $0x0  }
0x19: {  	s7 =	sld [smem:$0x3F9B]  }
0x1a: {  	s8 =	sadd.s32 $0xFFFFE003, lr  }
0x1b: {  	s9 =	sadd.s32 $0xFFFFFEF7, lr;
	s5 =	simm.s32 $0xFFFFFFFF;
	p2 =	slt.u32 s8, $0xFFFFF086  }
0x1c: {  	p1 =	slt.u32 s9, $0xF7A;
	s5 =	simm.s32 @!p2 $0x0  }
0x1d: {  	s5 =	simm.s32 @p1 $0x1;
	p0 =	seq.s32 s7, s2  }
0x1e: {  	s7 =	smul.u32 @!p0 $0xF7A, s2;
	p2 =	seq.s32 @!p0 s5, $0x0  }
0x1f: {  	s9 =	smul.u32 $0xF7A, s1;
	s8 =	simm.s32 @!p0 $0x1BF5;
	p2 =	por !p2, p0  }
0x20: {  	[sflag:s8] =	ssyncset.s32 @!p0 $0xFFFFF086;
	s6 =	sadd.s32 @!p0 s3, s7;
	s7 =	simm.s32 @!p0 $0x108  }
0x21: {  	s3 =	sadd.s32 s3, s9;
	s6 =	sadd.s32 @!p0 $0x88, s6;
	s7 =	simm.s32 @p2 $0x1082  }
0x22: {  	[simem:s7], [sflag:s8] =	dma.local @!p0 [hbm:s6], $0xF7A  }
0x23: {  	s9 =	sor.u32 $0xD0000000, s2;
	s6 =	simm.s32 $0x108;
	_ =	swait.ge @!p0 [sflag:s8], $0x0  }
0x24: {  	s3 =	sadd.s32 $0x88, s3;
	s6 =	simm.s32 @!p1 $0x1082;
	[sflag:s4] =	ssyncset.s32 $0xFFFFF086  }
0x25: {  	[simem:s6], [sflag:s4] =	dma.local [hbm:s3], $0xF7A  }
0x26: {  	[smem:$0x3F9B] =	sst s1;
	(tag) =	ssettag s2;
	_ =	strace s9  }
0x27: {  	s1 =	sld [smem:$0x3FAB]  }
0x28: {  	s2 =	sld [smem:$0x3FAC]  }
0x29: {  	s4 =	sld [smem:$0x3FAE]  }
0x2a: {  	p0 =	seq.s32 s5, $0x0;
	s5 =	sld [smem:$0x3FAF]  }
0x2b: {  	s6 =	sld [smem:$0x3FB0]  }
0x2c: {  	s7 =	sld [smem:$0x3FB1]  }
0x2d: {  	s3 =	simm.s32 $0x108;
	s8 =	sld [smem:$0x3FB2]  }
0x2e: {  	s3 =	simm.s32 @!p0 $0x1082;
	s9 =	sld [smem:$0x3FB3]  }
0x2f: {  	lr =	sadd.s32 s0, s3;
	s0 =	sld [smem:$0x3FAA]  }
0x30: {  	s3 =	sld [smem:$0x3FAD]  }
0x31: {  	[smem:$0x3FB6] =	sst s10  }
0x32: {  	s10 =	sld [smem:$0x3FB4];
	_ =	sdelay $0x3  }
0x33: {  	p0 =	seq.s32 s10, $0x1;
	s10 =	sld [smem:$0x3FB6];
	_ =	sdelay $0x3  }
0x34: {  	[smem:$0x3FB6] =	sst s10  }
0x35: {  	s10 =	sld [smem:$0x3FB5];
	_ =	sdelay $0x3  }
0x36: {  	p1 =	seq.s32 s10, $0x1;
	s10 =	sld [smem:$0x3FB6];
	_ =	sdelay $0x3  }
0x37: {  	[smem:$0x3FB6] =	sst s10  }
0x38: {  	s10 =	sld [smem:$0x3FB7]  }
0x39: {  	_ = 	snop;
	(pc) =	sbr.ind lr, $3  }
0x3a: {  	_ = 	snop  }
0x3b: {  	_ = 	snop  }
0x3c: {  	p2 =	seq.s32 s10, $0x1;
	s10 =	sld [smem:$0x3FB6]  }
0x3d: {  	_ =	shalt  }
0x3e: {  	_ =	shalt  }
0x3f: {  	_ =	shalt  }
0x40: {  	_ =	shalt  }
0x41: {  	_ =	shalt  }
0x42: {  	_ =	shalt  }
0x43: {  	_ =	shalt  }
0x44: {  	_ =	shalt  }
0x45: {  	_ =	shalt  }
0x46: {  	_ =	shalt  }
0x47: {  	_ =	shalt  }
0x48: {  	_ =	shalt  }
0x49: {  	_ =	shalt  }
0x4a: {  	_ =	shalt  }
0x4b: {  	_ =	shalt  }
0x4c: {  	_ =	shalt  }
0x4d: {  	_ =	shalt  }
0x4e: {  	_ =	shalt  }
0x4f: {  	_ =	shalt  }
0x50: {  	_ =	shalt  }
0x51: {  	_ =	shalt  }
0x52: {  	_ =	shalt  }
0x53: {  	_ =	shalt  }
0x54: {  	_ =	shalt  }
0x55: {  	_ =	shalt  }
0x56: {  	_ =	shalt  }
0x57: {  	_ =	shalt  }
0x58: {  	_ =	shalt  }
0x59: {  	_ =	shalt  }
0x5a: {  	_ =	shalt  }
0x5b: {  	_ =	shalt  }
0x5c: {  	_ =	shalt  }
0x5d: {  	_ =	shalt  }
0x5e: {  	_ =	shalt  }
0x5f: {  	_ =	shalt  }
0x60: {  	_ =	shalt  }
0x61: {  	_ =	shalt  }
0x62: {  	_ =	shalt  }
0x63: {  	_ =	shalt  }
0x64: {  	_ =	shalt  }
0x65: {  	_ =	shalt  }
0x66: {  	_ =	shalt  }
0x67: {  	_ =	shalt  }
0x68: {  	_ =	shalt  }
0x69: {  	_ =	shalt  }
0x6a: {  	_ =	shalt  }
0x6b: {  	_ =	shalt  }
0x6c: {  	_ =	shalt  }
0x6d: {  	_ =	shalt  }
0x6e: {  	_ =	shalt  }
0x6f: {  	_ =	shalt  }
0x70: {  	_ =	shalt  }
0x71: {  	_ =	shalt  }
0x72: {  	_ =	shalt  }
0x73: {  	_ =	shalt  }
0x74: {  	_ =	shalt  }
0x75: {  	_ =	shalt  }
0x76: {  	_ =	shalt  }
0x77: {  	_ =	shalt  }
0x78: {  	_ =	shalt  }
0x79: {  	_ =	shalt  }
0x7a: {  	_ =	shalt  }
0x7b: {  	_ =	shalt  }
0x7c: {  	_ =	shalt  }
0x7d: {  	_ =	shalt  }
0x7e: {  	_ =	shalt  }
0x7f: {  	_ =	shalt  }
0x80: {  	_ =	shalt  }
0x81: {  	_ =	shalt  }
0x82: {  	_ =	shalt  }
0x83: {  	_ =	shalt  }
0x84: {  	_ =	shalt  }
0x85: {  	_ =	shalt  }
0x86: {  	_ =	shalt  }
0x87: {  	_ =	shalt  }
.Lfunc_end0:
.L_simem_size_0:
called_computation.1_lowered:
.L_overlay_start_0:
0x88: {  	s2 =	sld [smem:$0x3FD9]  }
0x89: {  	s3 =	sld [smem:$0x3FFE];
	_ =	sdelay $0x1  }
0x8a: {  	s1 =	srdreg.scid  }
0x8b: {  	s0 =	sand.u32 $0x1, s1  }
0x8c: {  	s17 =	sshll.u32 s0, $0xA;
	s2 =	sadd.s32 s3, s2  }
0x8d: {  	s2 =	sadd.s32 s2, s17  }
0x8e: {  	[smem:$0x3FC2] =	sst s2  }
0x8f: {  	_ = 	snop  }
0x90: {  	s2 =	sld [smem:$0x3FC9]  }
0x91: {  	s18 =	sld [smem:$0x3FC8]  }
0x92: {  	s4 =	sld [smem:$0x3FD0];
	(tm) =	ssettm $0x1  }
0x93: {  	s5 =	sld [smem:$0x3FFB];
	_ =	sdelay $0x3  }
0x94: {  	_ =	strace s5  }
0x95: {  	s5 =	sld [smem:$0x3FFC];
	_ =	sdelay $0x3  }
0x96: {  	_ =	strace s5  }
0x97: {  	s5 =	sld [smem:$0x3FFD];
	_ =	sdelay $0x3  }
0x98: {  	_ =	strace s5  }
0x99: {  	_ =	strace $0x8FFFFFFF  }
0x9a: {  	s19 =	sld [smem:$0x3FDB];
	_ =	sdelay $0x1  }
0x9b: {  	s6 =	simm.s32 $_scs_section_size  }
0x9c: {  	s7 =	simm.s32 $_size__tile_overlayer_lowered;
	s8 =	simm.s32 $_tile_overlayer_lowered  }
0x9d: {  	s22 =	simm.s32 $0x1BFF;
	s21 =	sshll.u32 s8, $0x1;
	s5 =	sadd.s32 s6, s19  }
0x9e: {  	s9 =	simm.s32 $0x0;
	s20 =	sshll.u32 s7, $0x1;
	s7 =	sadd.s32 s21, s5  }
0x9f: {  	[timem:s9], [sflag:s22] =	dma.local [hbm:s7], s20  }
0xa0: {  	_ =	swait.ge [sflag:s22], s20  }
0xa1: {  	s6 =	ssub.s32 $0x0, s20;
	[sflag:s22] =	ssyncset.done $0x0  }
0xa2: {  	[sflag:s22] =	ssyncadd.s32 s6;
	_ =	sdelay $0x1  }
0xa3: {  	s23 =	simm.s32 $0x1B8B  }
0xa4: {  	_ =	swait.ge [sflag:s23], $0x1  }
0xa5: {  	[sflag:s23] =	ssyncset.done $0x0  }
0xa6: {  	s25 =	simm.s32 $0x1B8E;
	s24 =	sld [smem:$0x3FFE];
	[sflag:s23] =	ssyncadd.s32 $0xFFFFFFFF  }
0xa7: {  	s26 =	simm.s32 $execute0_lowered;
	[smem:$0x3FD2] =	sst s25  }
0xa8: {  	s7 =	sshll.u32 s26, $0x1;
	_ =	strace $0x80000049;
	[dreg:$0x1] =	wrdreg $0xFFFFFFFF  }
0xa9: {  	s28 =	simm.s32 $_size_execute0_lowered;
	s5 =	sadd.s32 s5, s7;
	[dreg:$0x0] =	wrdreg $0x0  }
0xaa: {  	s7 =	sshll.u32 s28, $0x1;
	[dreg:$0x2] =	wrdreg s5  }
0xab: {  	[dreg:$0x3] =	wrdreg s7  }
0xac: {  	[dreg:$0x4] =	wrdreg $0xC0  }
0xad: {  	_ =	task [dreg:s9], $0x5FFFF  }
0xae: {  	[dreg:$0x1] =	wrdreg $0xFFFFFFFF  }
0xaf: {  	[dreg:$0x0] =	wrdreg $0x60  }
0xb0: {  	[dreg:$0x2] =	wrdreg s2  }
0xb1: {  	[dreg:$0x3] =	wrdreg s18  }
0xb2: {  	[dreg:$0x4] =	wrdreg s24  }
0xb3: {  	[dreg:$0x5] =	wrdreg s4  }
0xb4: {  	[dreg:$0x6] =	wrdreg $0x9  }
0xb5: {  	_ =	task.clear_ibuf [dreg:s9], $0x7FFFF;
	_ =	strace $0x90000049  }
0xb6: {  	s29 =	simm.s32 $0x9;
	_ =	strace $0x8000004B  }
0xb7: {  	_ =	swait.ge [sflag:s29], $0x1  }
0xb8: {  	[sflag:s29] =	ssyncadd.s32 $0xFFFFFFFF  }
0xb9: {  	_ =	strace $0x9000004B  }
0xba: {  	_ =	sfence  }
0xbb: {  	s30 =	sld [smem:$0x0];
	_ =	sdelay $0x2  }
0xbc: {  	s31 =	sshll.u32 s1, $0xD;
	s1 =	sshrl.u32 s1, $0x2  }
0xbd: {  	s3 =	sand.u32 $0x4000, s31;
	s1 =	sadd.s32 s1, s30  }
0xbe: {  	s0 =	sor.u32 s3, s0;
	s1 =	sshll.u32 s1, $0x11  }
0xbf: {  	s0 =	sor.u32 s1, s0  }
0xc0: {  	s0 =	sadd.s32 $0x8F2B, s0  }
0xc1: {  	[sflag:s0] =	ssyncadd.remote.s32 $0x1  }
0xc2: {  	_ =	sfence.sel $0xFFFF  }
0xc3: {  	[dreg:$0x0] =	wrdreg $0xFFFFFFFF;
	(pc) =	sbr.abs _section_cstart, $3  }
0xc4: {  	[dreg:$0x1] =	wrdreg $0xFFFFFFFF  }
0xc5: {  	_ =	task.clear_ibuf [dreg:s9], $0x2FFFF;
	_ =	strace $0x9FFFFFFF  }
0xc6: {  	(tm) =	ssettm $0x7FFFFFFF  }
0xc7: {  	_ =	shalt  }
tec
execute0_lowered:
.L_overlay_start_1:
0x0: {  	(tag) =	ssettag $0x1  }
0x1: {  	vm15 =	vcmask $0x300;
	v0 =	vimm.s32 $0xB80  }
0x2: {  	vm14 =	vcmask $0x704;
	vm13 =	vcmask $0xB08;
	vm12 =	vcmask $0xF0C  }
0x3: {  	vm11 =	vcmask $0x1310;
	vm10 =	vcmask $0x1714;
	vm9 =	vcmask $0x1B18  }
0x4: {  	vm8 =	vcmask $0x1F1C;
	v32 =	vlaneseq.u32;
	vm7 =	vcmask $0x2320  }
0x5: {  	vm6 =	vcmask $0x2724;
	v1 =	vimm.s32 $0x0;
	vm5 =	vcmask $0x2B28  }
0x6: {  	vm2 =	vcmask $0x2F2C;
	vm1 =	vcmask $0x3330;
	v2 =	vimm.s32 $0xFEDCBA9  }
0x7: {  	v3 =	vimm.s32 $0x87654321;
	vm3 =	vcmask $0x3734;
	vm4 =	vcmask $0x3B38  }
0x8: {  	v7 =	vimm.s32 $0x100;
	v9 =	vimm.s32 $0x3210FEDC;
	v10 =	vimm.s32 $0xBA987654  }
0x9: {  	v14 =	vimm.s32 $0x300;
	v15 =	vimm.s32 $0x6543210F;
	v16 =	vimm.s32 $0xEDCBA987  }
0xa: {  	v50 =	vimm.s32 $0x980;
	v54 =	vimm.s32 $0xA00;
	v58 =	vimm.s32 $0xA80  }
0xb: {  	v36 =	vimm.s32 $0xB00;
	vm0 =	vcmask $0x1F10;
	v0 =	vsel vm15, $0x0, v0  }
0xc: {  	v1 =	vsel vm15, $0x80, v1;
	v2 =	vunpack.c.l.s4.s8 v2;
	v3 =	vunpack.c.l.s4.s8 v3  }
0xd: {  	v9 =	vunpack.c.l.s4.s8 v9;
	v10 =	vunpack.c.l.s4.s8 v10;
	v14 =	vsel vm15, $0x380, v14  }
0xe: {  	v15 =	vunpack.c.l.s4.s8 v15;
	v16 =	vunpack.c.l.s4.s8 v16;
	v0 =	vsel vm14, $0x80, v0  }
0xf: {  	v1 =	vsel vm14, $0x100, v1;
	v14 =	vsel vm14, $0x800, v14;
	v0 =	vsel vm13, $0x100, v0  }
0x10: {  	v1 =	vsel vm13, $0x180, v1;
	v37 =	vunpack.c.0.s8.s32 v2;
	v0 =	vsel vm12, $0x180, v0  }
0x11: {  	v38 =	vunpack.c.0.s8.s32 v3;
	v1 =	vsel vm12, $0x200, v1;
	v0 =	vsel vm11, $0x200, v0  }
0x12: {  	v14 =	vsel vm13, $0x880, v14;
	v1 =	vsel vm11, $0x280, v1;
	v0 =	vsel vm10, $0x280, v0  }
0x13: {  	v33 =	vunpack.c.0.s8.s32 v16;
	v5 =	vsel vm10, $0x300, v1;
	v0 =	vsel vm9, $0x300, v0  }
0x14: {  	v16 =	vimm.s32 $0x380;
	v39 =	vsel vm9, $0x380, v5;
	v0 =	vsel vm8, $0x380, v0  }
0x15: {  	v5 =	vimm.s32 $0x80;
	v2 =	vsel vm8, $0x800, v39;
	v0 =	vsel vm7, $0x800, v0  }
0x16: {  	v41 =	vsel vm15, $0x100, v5;
	v5 =	vimm.s32 $0x98765432;
	v0 =	vsel vm6, $0x880, v0  }
0x17: {  	v2 =	vsel vm7, $0x880, v2;
	v3 =	vsel vm14, $0x180, v41;
	v0 =	vsel vm5, $0x900, v0  }
0x18: {  	v5 =	vunpack.c.l.s4.s8 v5;
	v2 =	vsel vm6, $0x900, v2;
	v0 =	vsel vm2, $0x980, v0  }
0x19: {  	v3 =	vsel vm13, $0x200, v3;
	v2 =	vsel vm5, $0x980, v2;
	v4 =	vsel vm1, $0xA00, v0  }
0x1a: {  	v3 =	vsel vm12, $0x280, v3;
	v40 =	vsel vm3, $0xA80, v4;
	v4 =	vcombine.low v38, v37  }
0x1b: {  	v43 =	vunpack.c.0.s8.s32 v5;
	v5 =	vsel vm15, $0x180, v7;
	v2 =	vsel vm2, $0xA00, v2  }
0x1c: {  	v5 =	vsel vm14, $0x200, v5;
	v19 =	vand.u32 $0xF, v4;
	v4 =	vimm.s32 $0x10FEDCBA  }
0x1d: {  	v6 =	vsel vm1, $0xA80, v2;
	v5 =	vsel vm13, $0x280, v5;
	v4 =	vunpack.c.l.s4.s8 v4  }
0x1e: {  	v3 =	vsel vm11, $0x300, v3;
	v6 =	vsel vm3, $0xB00, v6;
	v5 =	vsel vm12, $0x300, v5  }
0x1f: {  	v20 =	vsel vm4, $0xB80, v6;
	v42 =	vunpack.c.0.s8.s32 v4;
	v4 =	vsel vm10, $0x380, v3  }
0x20: {  	v5 =	vsel vm11, $0x380, v5;
	v6 =	vimm.s32 $0x210FEDCB;
	v4 =	vsel vm9, $0x800, v4  }
0x21: {  	v5 =	vsel vm10, $0x800, v5;
	v6 =	vunpack.c.l.s4.s8 v6;
	v4 =	vsel vm8, $0x880, v4  }
0x22: {  	v5 =	vsel vm9, $0x880, v5;
	v7 =	vcombine.low v43, v42;
	v4 =	vsel vm7, $0x900, v4  }
0x23: {  	v8 =	vsel vm8, $0x900, v5;
	v5 =	vunpack.c.0.s8.s32 v6;
	v4 =	vsel vm6, $0x980, v4  }
0x24: {  	v21 =	vand.u32 $0xF, v7;
	v7 =	vimm.s32 $0xA9876543;
	v4 =	vsel vm5, $0xA00, v4  }
0x25: {  	v6 =	vsel vm7, $0x980, v8;
	v7 =	vunpack.c.l.s4.s8 v7;
	v4 =	vsel vm2, $0xA80, v4  }
0x26: {  	v16 =	vsel vm15, $0x800, v16;
	v6 =	vsel vm6, $0xA00, v6;
	v4 =	vsel vm1, $0xB00, v4  }
0x27: {  	v8 =	vunpack.c.0.s8.s32 v7;
	v7 =	vimm.s32 $0x180;
	v4 =	vsel vm3, $0xB80, v4  }
0x28: {  	v29 =	vsel vm4, $0x0, v4;
	v4 =	vsel vm5, $0xA80, v6;
	v6 =	vsel vm15, $0x200, v7  }
0x29: {  	v0 =	vcombine.low v37, v38;
	v38 =	vimm.s32 $0x1B80;
	v6 =	vsel vm14, $0x280, v6  }
0x2a: {  	v18 =	vsel vm4, $0xB00, v40;
	v7 =	vcombine.low v8, v5;
	v6 =	vsel vm13, $0x300, v6  }
0x2b: {  	v2 =	vcombine.low v42, v43;
	v4 =	vsel vm2, $0xB00, v4;
	v6 =	vsel vm12, $0x380, v6  }
0x2c: {  	v22 =	vand.u32 $0xF, v7;
	v7 =	vsel vm1, $0xB80, v4;
	v11 =	vsel vm11, $0x800, v6  }
0x2d: {  	v4 =	vunpack.c.0.s8.s32 v9;
	v6 =	vunpack.c.0.s8.s32 v10;
	v9 =	vsel vm10, $0x880, v11  }
0x2e: {  	v51 =	vcombine.low v5, v8;
	v7 =	vsel vm3, $0x0, v7;
	v9 =	vsel vm9, $0x900, v9  }
0x2f: {  	v10 =	vimm.s32 $0x200;
	v11 =	vcombine.low v6, v4;
	v9 =	vsel vm8, $0x980, v9  }
0x30: {  	v30 =	vsel vm4, $0x80, v7;
	v10 =	vsel vm15, $0x280, v10;
	v7 =	vsel vm7, $0xA00, v9  }
0x31: {  	v9 =	vsel vm14, $0x300, v10;
	v24 =	vand.u32 $0xF, v11;
	v10 =	vimm.s32 $0x43210FED  }
0x32: {  	v11 =	vimm.s32 $0xCBA98765;
	v7 =	vsel vm6, $0xA80, v7;
	v9 =	vsel vm13, $0x380, v9  }
0x33: {  	v10 =	vunpack.c.l.s4.s8 v10;
	v7 =	vsel vm5, $0xB00, v7;
	v9 =	vsel vm12, $0x800, v9  }
0x34: {  	v11 =	vunpack.c.l.s4.s8 v11;
	v9 =	vsel vm11, $0x880, v9;
	v7 =	vsel vm2, $0xB80, v7  }
0x35: {  	v9 =	vsel vm10, $0x900, v9;
	v12 =	vsel vm1, $0x0, v7;
	v7 =	vunpack.c.0.s8.s32 v10  }
0x36: {  	v10 =	vsel vm9, $0x980, v9;
	v9 =	vunpack.c.0.s8.s32 v11;
	v11 =	vimm.s32 $0x280  }
0x37: {  	v55 =	vcombine.low v4, v6;
	v12 =	vsel vm3, $0x80, v12;
	v11 =	vsel vm15, $0x300, v11  }
0x38: {  	v10 =	vsel vm8, $0xA00, v10;
	v31 =	vsel vm4, $0x100, v12;
	v11 =	vsel vm14, $0x380, v11  }
0x39: {  	v12 =	vimm.s32 $0x543210FE;
	v10 =	vsel vm7, $0xA80, v10;
	v11 =	vsel vm13, $0x800, v11  }
0x3a: {  	v13 =	vcombine.low v9, v7;
	v10 =	vsel vm6, $0xB00, v10;
	v11 =	vsel vm12, $0x880, v11  }
0x3b: {  	v12 =	vunpack.c.l.s4.s8 v12;
	v10 =	vsel vm5, $0xB80, v10;
	v11 =	vsel vm11, $0x900, v11  }
0x3c: {  	v25 =	vand.u32 $0xF, v13;
	v13 =	vimm.s32 $0xDCBA9876;
	v11 =	vsel vm10, $0x980, v11  }
0x3d: {  	v10 =	vsel vm2, $0x0, v10;
	v13 =	vunpack.c.l.s4.s8 v13;
	v11 =	vsel vm9, $0xA00, v11  }
0x3e: {  	v12 =	vunpack.c.0.s8.s32 v12;
	v10 =	vsel vm1, $0x80, v10;
	v11 =	vsel vm8, $0xA80, v11  }
0x3f: {  	v10 =	vsel vm3, $0x100, v10;
	v13 =	vunpack.c.0.s8.s32 v13;
	v11 =	vsel vm7, $0xB00, v11  }
0x40: {  	v37 =	vand.u32 $0xF, v55;
	v59 =	vsel vm4, $0x180, v10;
	v11 =	vsel vm6, $0xB80, v11  }
0x41: {  	v10 =	vsel vm5, $0x0, v11;
	v11 =	vsel vm12, $0x900, v14;
	v14 =	vcombine.low v13, v12  }
0x42: {  	v55 =	vimm.s32 $0x1080;
	v63 =	vcombine.low v12, v13;
	v11 =	vsel vm11, $0x980, v11  }
0x43: {  	v10 =	vsel vm2, $0x80, v10;
	v11 =	vsel vm10, $0xA00, v11;
	v26 =	vand.u32 $0xF, v14  }
0x44: {  	v14 =	vsel vm1, $0x100, v10;
	v10 =	vunpack.c.0.s8.s32 v15;
	v11 =	vsel vm9, $0xA80, v11  }
0x45: {  	v62 =	vcombine.low v7, v9;
	v40 =	vand.u32 $0xF, v63;
	v17 =	vsel vm8, $0xB00, v11  }
0x46: {  	v63 =	vimm.s32 $0x11101F1E;
	v15 =	vsel vm7, $0xB80, v17;
	v17 =	vcombine.low v33, v10  }
0x47: {  	v8 =	vunpack.c.0.s8.s32 v63;
	v14 =	vsel vm3, $0x180, v14;
	v15 =	vsel vm6, $0x0, v15  }
0x48: {  	v28 =	vsel vm4, $0x200, v14;
	v15 =	vsel vm5, $0x80, v15;
	v27 =	vand.u32 $0xF, v17  }
0x49: {  	v17 =	vimm.s32 $0x76543210;
	v14 =	vsel vm2, $0x100, v15;
	v15 =	vsel vm14, $0x880, v16  }
0x4a: {  	v16 =	vimm.s32 $0xFEDCBA98;
	v14 =	vsel vm1, $0x180, v14;
	v15 =	vsel vm13, $0x900, v15  }
0x4b: {  	v16 =	vunpack.c.l.s4.s8 v16;
	v14 =	vsel vm3, $0x200, v14;
	v15 =	vsel vm12, $0x980, v15  }
0x4c: {  	v15 =	vsel vm11, $0xA00, v15;
	v11 =	vsel vm4, $0x280, v14;
	v14 =	vunpack.c.l.s4.s8 v17  }
0x4d: {  	v39 =	vcombine.low v10, v33;
	v16 =	vunpack.c.0.s8.s32 v16;
	v15 =	vsel vm10, $0xA80, v15  }
0x4e: {  	v17 =	vimm.s32 $0x800;
	v15 =	vsel vm9, $0xB00, v15;
	v14 =	vunpack.c.0.s8.s32 v14  }
0x4f: {  	v17 =	vsel vm15, $0x880, v17;
	v16 =	vand.u32 $0xF, v16;
	v15 =	vsel vm8, $0xB80, v15  }
0x50: {  	v17 =	vsel vm14, $0x900, v17;
	v15 =	vsel vm7, $0x0, v15;
	v34 =	vcombine.low v16, v14  }
0x51: {  	v16 =	vimm.s32 $0x880;
	v14 =	vsel vm6, $0x80, v15;
	v15 =	vsel vm13, $0x980, v17  }
0x52: {  	v16 =	vsel vm15, $0x900, v16;
	v17 =	vand.u32 $0xF, v2;
	v2 =	vsel vm15, $0xA00, v50  }
0x53: {  	v50 =	vand.u32 $0xF, v51;
	v14 =	vsel vm5, $0x100, v14;
	v15 =	vsel vm12, $0xA00, v15  }
0x54: {  	v16 =	vsel vm14, $0x980, v16;
	v53 =	vsel vm14, $0xA80, v2;
	v2 =	vsel vm15, $0xA80, v54  }
0x55: {  	v10 =	vmovc v34;
	v54 =	vimm.s32 $0x101F1E1D;
	v34 =	vimm.s32 $0x15141312;
	v14 =	vsel vm2, $0x180, v14  }
0x56: {  	v15 =	vsel vm11, $0xA80, v15;
	v16 =	vsel vm13, $0xA00, v16;
	v2 =	vsel vm14, $0xB00, v2  }
0x57: {  	v4 =	vunpack.c.0.s8.s32 v54;
	v9 =	vunpack.c.0.s8.s32 v34;
	v15 =	vsel vm10, $0xB00, v15  }
0x58: {  	v14 =	vsel vm1, $0x200, v14;
	v2 =	vsel vm13, $0xB80, v2;
	v15 =	vsel vm9, $0xB80, v15  }
0x59: {  	v14 =	vsel vm3, $0x280, v14;
	v2 =	vsel vm12, $0x0, v2;
	v44 =	vsel vm8, $0x0, v15  }
0x5a: {  	v15 =	vsel vm12, $0xA80, v16;
	v16 =	vsel vm4, $0x300, v14;
	v57 =	vsel vm11, $0x80, v2  }
0x5b: {  	v2 =	vsel vm15, $0xB00, v58;
	v58 =	vimm.s32 $0x1100;
	v1 =	vsel vm7, $0x80, v44  }
0x5c: {  	v14 =	vsel vm11, $0xB00, v15;
	v15 =	vand.u32 $0xF, v0;
	v2 =	vsel vm14, $0xB80, v2  }
0x5d: {  	v45 =	vsel vm6, $0x100, v1;
	v46 =	vsel vm10, $0xB80, v14;
	v14 =	vimm.s32 $0x900  }
0x5e: {  	v2 =	vsel vm13, $0x0, v2;
	v0 =	vsel vm5, $0x180, v45;
	v1 =	vsel vm9, $0x0, v46  }
0x5f: {  	v14 =	vsel vm15, $0x980, v14;
	v61 =	vsel vm12, $0x80, v2;
	v2 =	vsel vm15, $0x1000, v38  }
0x60: {  	v45 =	vimm.s32 $0x1000;
	v38 =	vimm.s32 $0x1211101F;
	v0 =	vsel vm2, $0x200, v0  }
0x61: {  	v1 =	vsel vm8, $0x80, v1;
	v14 =	vsel vm14, $0xA00, v14;
	v2 =	vsel vm14, $0x1080, v2  }
0x62: {  	v0 =	vsel vm1, $0x280, v0;
	v1 =	vsel vm7, $0x100, v1;
	v14 =	vsel vm13, $0xA80, v14  }
0x63: {  	v2 =	vsel vm13, $0x1100, v2;
	v0 =	vsel vm3, $0x300, v0;
	v1 =	vsel vm6, $0x180, v1  }
0x64: {  	v47 =	vsel vm12, $0xB00, v14;
	v2 =	vsel vm12, $0x1180, v2;
	v14 =	vand.u32 $0xF, v39  }
0x65: {  	v1 =	vsel vm5, $0x200, v1;
	v41 =	vsel vm4, $0x380, v0;
	v49 =	vsel vm11, $0xB80, v47  }
0x66: {  	v2 =	vsel vm11, $0x1200, v2;
	v48 =	vsel vm2, $0x280, v1;
	v1 =	vsel vm10, $0x0, v49  }
0x67: {  	v2 =	vsel vm10, $0x1280, v2;
	v0 =	vsel vm1, $0x300, v48;
	v1 =	vsel vm9, $0x80, v1  }
0x68: {  	v48 =	vand.u32 $0xF, v62;
	v44 =	vsel vm9, $0x1300, v2;
	v1 =	vsel vm8, $0x100, v1  }
0x69: {  	v2 =	vsel vm15, $0x1080, v45;
	v52 =	vsel vm7, $0x180, v1;
	v1 =	vsel vm13, $0xB00, v53  }
0x6a: {  	v62 =	vimm.s32 $0x1D1C1B1A;
	v0 =	vsel vm3, $0x380, v0;
	v1 =	vsel vm12, $0xB80, v1  }
0x6b: {  	v47 =	vsel vm4, $0x800, v0;
	v0 =	vsel vm6, $0x200, v52;
	v1 =	vsel vm11, $0x0, v1  }
0x6c: {  	v45 =	vimm.s32 $0x1A191817;
	v0 =	vsel vm5, $0x280, v0;
	v1 =	vsel vm10, $0x80, v1  }
0x6d: {  	v2 =	vsel vm14, $0x1100, v2;
	v0 =	vsel vm2, $0x300, v0;
	v1 =	vsel vm9, $0x100, v1  }
0x6e: {  	v7 =	vunpack.c.0.s8.s32 v62;
	v0 =	vsel vm1, $0x380, v0;
	v1 =	vsel vm8, $0x180, v1  }
0x6f: {  	v0 =	vsel vm3, $0x800, v0;
	v56 =	vsel vm7, $0x200, v1;
	v1 =	vsel vm10, $0x100, v57  }
0x70: {  	v51 =	vsel vm4, $0x880, v0;
	v0 =	vsel vm6, $0x280, v56;
	v1 =	vsel vm9, $0x180, v1  }
0x71: {  	v62 =	vimm.s32 $0x1280;
	v0 =	vsel vm5, $0x300, v0;
	v1 =	vsel vm8, $0x200, v1  }
0x72: {  	v2 =	vsel vm13, $0x1180, v2;
	v0 =	vsel vm2, $0x380, v0;
	v1 =	vsel vm7, $0x280, v1  }
0x73: {  	v53 =	vimm.s32 $0x1C1B1A19;
	v0 =	vsel vm1, $0x800, v0;
	v1 =	vsel vm6, $0x300, v1  }
0x74: {  	v0 =	vsel vm3, $0x880, v0;
	v60 =	vsel vm5, $0x380, v1;
	v1 =	vsel vm11, $0x100, v61  }
0x75: {  	v46 =	vsel vm4, $0x900, v0;
	v0 =	vsel vm2, $0x800, v60;
	v1 =	vsel vm10, $0x180, v1  }
0x76: {  	v2 =	vsel vm12, $0x1200, v2;
	v0 =	vsel vm1, $0x880, v0;
	v1 =	vsel vm9, $0x200, v1  }
0x77: {  	v0 =	vsel vm3, $0x900, v0;
	v35 =	vsel vm8, $0x280, v1;
	v1 =	vsel vm15, $0xB80, v36  }
0x78: {  	v49 =	vsel vm4, $0x980, v0;
	v0 =	vsel vm7, $0x300, v35;
	v1 =	vsel vm14, $0x0, v1  }
0x79: {  	v3 =	vunpack.c.0.s8.s32 v53;
	v0 =	vsel vm6, $0x380, v0;
	v1 =	vsel vm13, $0x80, v1  }
0x7a: {  	v53 =	vimm.s32 $0x1F1E1D1C;
	v0 =	vsel vm5, $0x800, v0;
	v1 =	vsel vm12, $0x100, v1  }
0x7b: {  	v2 =	vsel vm11, $0x1280, v2;
	v0 =	vsel vm2, $0x880, v0;
	v1 =	vsel vm11, $0x180, v1  }
0x7c: {  	v54 =	vunpack.c.0.s8.s32 v53;
	v0 =	vsel vm1, $0x900, v0;
	v1 =	vsel vm10, $0x200, v1  }
0x7d: {  	v52 =	vsel vm10, $0x1300, v2;
	v0 =	vsel vm3, $0x980, v0;
	v43 =	vsel vm9, $0x280, v1  }
0x7e: {  	v2 =	vsel vm15, $0x1300, v62;
	v42 =	vsel vm4, $0xA00, v0;
	v0 =	vsel vm8, $0x300, v43  }
0x7f: {  	[tilespmem:$0x1FCA0] =	vst v54;
	v2 =	vsel vm14, $0x1380, v2;
	v54 =	vsel vm0, v8, v7;
	v0 =	vsel vm7, $0x380, v0  }
0x80: {  	v2 =	vsel vm13, $0x1800, v2;
	v1 =	vsel vm8, $0x1380, v44;
	v0 =	vsel vm6, $0x800, v0  }
0x81: {  	v57 =	vimm.s32 $0x18171615;
	v1 =	vsel vm7, $0x1800, v1;
	v0 =	vsel vm5, $0x880, v0  }
0x82: {  	v2 =	vsel vm12, $0x1880, v2;
	v1 =	vsel vm6, $0x1880, v1;
	v0 =	vsel vm2, $0x900, v0  }
0x83: {  	v56 =	vimm.s32 $0x14131211;
	v1 =	vsel vm5, $0x1900, v1;
	v0 =	vsel vm1, $0x980, v0  }
0x84: {  	v6 =	vunpack.c.0.s8.s32 v57;
	v1 =	vsel vm2, $0x1980, v1;
	v0 =	vsel vm3, $0xA00, v0  }
0x85: {  	v1 =	vsel vm1, $0x1A00, v1;
	v33 =	vsel vm4, $0xA80, v0;
	v0 =	vsel vm9, $0x1380, v52  }
0x86: {  	v57 =	vimm.s32 $0x1B1A1918;
	v1 =	vsel vm3, $0x1A80, v1;
	v0 =	vsel vm8, $0x1800, v0  }
0x87: {  	v44 =	vsel vm4, $0x1B00, v1;
	v1 =	vsel vm15, $0x1100, v55;
	v0 =	vsel vm7, $0x1880, v0  }
0x88: {  	v2 =	vsel vm11, $0x1900, v2;
	v1 =	vsel vm14, $0x1180, v1;
	v0 =	vsel vm6, $0x1900, v0  }
0x89: {  	v5 =	vunpack.c.0.s8.s32 v56;
	v1 =	vsel vm13, $0x1200, v1;
	v0 =	vsel vm5, $0x1980, v0  }
0x8a: {  	v56 =	vimm.s32 $0x17161514;
	v1 =	vsel vm12, $0x1280, v1;
	v0 =	vsel vm2, $0x1A00, v0  }
0x8b: {  	v2 =	vsel vm10, $0x1980, v2;
	v1 =	vsel vm11, $0x1300, v1;
	v0 =	vsel vm1, $0x1A80, v0  }
0x8c: {  	v61 =	vsel vm15, $0x1180, v58;
	v60 =	vsel vm10, $0x1380, v1;
	v0 =	vsel vm3, $0x1B00, v0  }
0x8d: {  	v1 =	vsel vm14, $0x1200, v61;
	v39 =	vsel vm4, $0x1B80, v0;
	v0 =	vsel vm9, $0x1800, v60  }
0x8e: {  	v2 =	vsel vm9, $0x1A00, v2;
	v1 =	vsel vm13, $0x1280, v1;
	v0 =	vsel vm8, $0x1880, v0  }
0x8f: {  	v2 =	vsel vm8, $0x1A80, v2;
	v1 =	vsel vm12, $0x1300, v1;
	v0 =	vsel vm7, $0x1900, v0  }
0x90: {  	v2 =	vsel vm7, $0x1B00, v2;
	v1 =	vsel vm11, $0x1380, v1;
	v0 =	vsel vm6, $0x1980, v0  }
0x91: {  	v2 =	vsel vm6, $0x1B80, v2;
	v1 =	vsel vm10, $0x1800, v1;
	v0 =	vsel vm5, $0x1A00, v0  }
0x92: {  	v36 =	vimm.s32 $0x1E1D1C1B;
	v1 =	vsel vm9, $0x1880, v1;
	v0 =	vsel vm2, $0x1A80, v0  }
0x93: {  	v35 =	vimm.s32 $0x19181716;
	v1 =	vsel vm8, $0x1900, v1;
	v0 =	vsel vm1, $0x1B00, v0  }
0x94: {  	v13 =	vunpack.c.0.s8.s32 v35;
	v1 =	vsel vm7, $0x1980, v1;
	v0 =	vsel vm3, $0x1B80, v0  }
0x95: {  	v1 =	vsel vm6, $0x1A00, v1;
	v35 =	vsel vm4, $0x1000, v0;
	v0 =	vunpack.c.0.s8.s32 v36  }
0x96: {  	v58 =	vunpack.c.0.s8.s32 v57;
	v2 =	vsel vm5, $0x1000, v2;
	v1 =	vsel vm5, $0x1A80, v1  }
0x97: {  	v2 =	vsel vm2, $0x1080, v2;
	v1 =	vsel vm2, $0x1B00, v1;
	[tilespmem:$0x1FC60] =	vst v0;
	v0 =	vunpack.c.0.s8.s32 v38  }
0x98: {  	v43 =	vimm.s32 $0x16151413;
	v61 =	vimm.s32 $0x1200;
	v1 =	vsel vm1, $0x1B80, v1  }
0x99: {  	v52 =	vsel vm3, $0x1000, v1;
	v1 =	vsel vm15, $0x1280, v61;
	[tilespmem:$0x1FC70] =	vst v0;
	v0 =	vunpack.c.0.s8.s32 v43  }
0x9a: {  	v57 =	vimm.s32 $0x1A00;
	v2 =	vsel vm1, $0x1100, v2;
	v1 =	vsel vm14, $0x1300, v1  }
0x9b: {  	v34 =	vsel vm3, $0x1180, v2;
	v1 =	vsel vm13, $0x1380, v1;
	[tilespmem:$0x1FC80] =	vst v0;
	v0 =	vunpack.c.0.s8.s32 v45  }
0x9c: {  	v55 =	vimm.s32 $0x13121110;
	v60 =	vimm.s32 $0x1180;
	v1 =	vsel vm12, $0x1800, v1  }
0x9d: {  	v36 =	vimm.s32 $0x1300;
	v1 =	vsel vm11, $0x1880, v1;
	[tilespmem:$0x1FC90] =	vst v0;
	v0 =	vunpack.c.0.s8.s32 v55  }
0x9e: {  	v61 =	vimm.s32 $0x1880;
	v12 =	vsel vm4, $0x1080, v52;
	v1 =	vsel vm10, $0x1900, v1  }
0x9f: {  	v1 =	vsel vm9, $0x1980, v1;
	v45 =	vimm.s32 $0x1800;
	[tilespmem:$0x1FCB0] =	vst v0;
	v0 =	vunpack.c.0.s8.s32 v56  }
0xa0: {  	v38 =	vimm.s32 $0x1380;
	v1 =	vsel vm8, $0x1A00, v1;
	v2 =	vsel vm15, $0x1880, v45  }
0xa1: {  	v1 =	vsel vm7, $0x1A80, v1;
	v2 =	vsel vm14, $0x1900, v2;
	[tilespmem:$0x1FCC0] =	vst v0;
	v0 =	vsel vm15, $0x1200, v60  }
0xa2: {  	v1 =	vsel vm6, $0x1B00, v1;
	v2 =	vsel vm13, $0x1980, v2;
	v0 =	vsel vm14, $0x1280, v0  }
0xa3: {  	s0 =	rddreg [dreg:$0x0];
	v1 =	vsel vm5, $0x1B80, v1;
	v2 =	vsel vm12, $0x1A00, v2;
	v0 =	vsel vm13, $0x1300, v0  }
0xa4: {  	s1 =	rddreg [dreg:$0x1];
	s5 =	stileid.u32;
	v1 =	vsel vm2, $0x1000, v1;
	v2 =	vsel vm11, $0x1A80, v2;
	v0 =	vsel vm12, $0x1380, v0  }
0xa5: {  	s2 =	rddreg [dreg:$0x2];
	s6 =	sshll.u32 s5, $0x1;
	s5 =	simm.s32 $0x0;
	v1 =	vsel vm1, $0x1080, v1;
	v2 =	vsel vm10, $0x1B00, v2;
	v0 =	vsel vm11, $0x1800, v0  }
0xa6: {  	[smem:$0x7FF] =	sst s5;
	[tilespmem:$0x1FCD0] =	vst v58;
	v63 =	vsel vm3, $0x1100, v1;
	v1 =	vsel vm15, $0x1800, v38;
	v0 =	vsel vm10, $0x1880, v0  }
0xa7: {  	s4 =	rddreg [dreg:$0x3];
	v2 =	vsel vm9, $0x1B80, v2;
	_ =	strace $0x8000004A;
	[tilespmem:$0x1FD20] =	vst v7;
	v7 =	vor.u32 $0x10, v32;
	v0 =	vsel vm9, $0x1900, v0  }
0xa8: {  	v60 =	vsel vm4, $0x1180, v63;
	v1 =	vsel vm14, $0x1880, v1;
	v0 =	vsel vm8, $0x1980, v0  }
0xa9: {  	v63 =	vsel vm4, $0x1200, v34;
	v1 =	vsel vm13, $0x1900, v1;
	v0 =	vsel vm7, $0x1A00, v0  }
0xaa: {  	[tilespmem:$0x1FCE0] =	vst v3;
	v2 =	vsel vm8, $0x1000, v2;
	v1 =	vsel vm12, $0x1980, v1;
	v0 =	vsel vm6, $0x1A80, v0  }
0xab: {  	[tilespmem:$0x1FCF0] =	vst v4;
	v34 =	vimm.s32 $0x1900;
	v1 =	vsel vm11, $0x1A00, v1;
	v0 =	vsel vm5, $0x1B00, v0  }
0xac: {  	[tilespmem:$0x1FD00] =	vst v5;
	v2 =	vsel vm7, $0x1080, v2;
	v1 =	vsel vm10, $0x1A80, v1;
	v0 =	vsel vm2, $0x1B80, v0  }
0xad: {  	[tilespmem:$0x1FD10] =	vst v6;
	v2 =	vsel vm6, $0x1100, v2;
	v1 =	vsel vm9, $0x1B00, v1;
	v0 =	vsel vm1, $0x1000, v0  }
0xae: {  	[tilespmem:$0x1FD30] =	vst v8;
	v2 =	vsel vm5, $0x1180, v2;
	v1 =	vsel vm8, $0x1B80, v1;
	v0 =	vsel vm3, $0x1080, v0  }
0xaf: {  	[tilespmem:$0x1FD40] =	vst v9;
	v1 =	vsel vm7, $0x1000, v1;
	v43 =	vsel vm4, $0x1100, v0;
	v0 =	vsel vm15, $0x1380, v36  }
0xb0: {  	[tilespmem:$0x1FD50] =	vst v13;
	v2 =	vsel vm2, $0x1200, v2;
	v1 =	vsel vm6, $0x1080, v1;
	v0 =	vsel vm14, $0x1800, v0  }
0xb1: {  	[tilespmem:$0x1FD80] =	vst v54;
	v2 =	vsel vm1, $0x1280, v2;
	v1 =	vsel vm5, $0x1100, v1;
	v0 =	vsel vm13, $0x1880, v0  }
0xb2: {  	[tilespmem:$0x1FDA0] =	vst v17;
	v53 =	vsel vm3, $0x1300, v2;
	v1 =	vsel vm2, $0x1180, v1;
	v0 =	vsel vm12, $0x1900, v0  }
0xb3: {  	[tilespmem:$0x1FDE0] =	vst v10;
	v23 =	vsel vm4, $0x1380, v53;
	v1 =	vsel vm1, $0x1200, v1;
	v0 =	vsel vm11, $0x1980, v0  }
0xb4: {  	[tilespmem:$0x1FE00] =	vst v15;
	v53 =	vsel vm0, v6, v5;
	v52 =	vsel vm3, $0x1280, v1;
	v0 =	vsel vm10, $0x1A00, v0  }
0xb5: {  	[tilespmem:$0x1FE20] =	vst v31;
	v36 =	vimm.s32 $0x1980;
	v1 =	vsel vm15, $0x1980, v34;
	v0 =	vsel vm9, $0x1A80, v0  }
0xb6: {  	[tilespmem:$0x1FE40] =	vst v27;
	v56 =	vsel vm4, $0x1300, v52;
	v2 =	vsel vm15, $0x1A00, v36;
	v0 =	vsel vm8, $0x1B00, v0  }
0xb7: {  	[tilespmem:$0x1FE80] =	vst v11;
	v1 =	vsel vm14, $0x1A00, v1;
	v36 =	vimm.s32 $0x1B00;
	v0 =	vsel vm7, $0x1B80, v0  }
0xb8: {  	[tilespmem:$0x1FE90] =	vst v50;
	v52 =	vsel vm0, v4, v3;
	v2 =	vsel vm14, $0x1A80, v2;
	v0 =	vsel vm6, $0x1000, v0  }
0xb9: {  	[tilespmem:$0x1FEA0] =	vst v37;
	v1 =	vsel vm13, $0x1A80, v1;
	v8 =	vcombine.low v53, v52;
	v0 =	vsel vm5, $0x1080, v0  }
0xba: {  	[tilespmem:$0x1FEB0] =	vst v51;
	v2 =	vsel vm13, $0x1B00, v2;
	v1 =	vsel vm12, $0x1B00, v1;
	v0 =	vsel vm2, $0x1100, v0  }
0xbb: {  	[tilespmem:$0x1FEC0] =	vst v48;
	v2 =	vsel vm12, $0x1B80, v2;
	v1 =	vsel vm11, $0x1B80, v1;
	v0 =	vsel vm1, $0x1180, v0  }
0xbc: {  	[tilespmem:$0x1FED0] =	vst v46;
	v2 =	vsel vm11, $0x1000, v2;
	v1 =	vsel vm10, $0x1000, v1;
	v0 =	vsel vm3, $0x1200, v0  }
0xbd: {  	[tilespmem:$0x1FEE0] =	vst v49;
	v2 =	vsel vm10, $0x1080, v2;
	v62 =	vsel vm4, $0x1280, v0;
	v0 =	vsel vm15, $0x1900, v61  }
0xbe: {  	[tilespmem:$0x1FEF0] =	vst v40;
	v1 =	vsel vm9, $0x1080, v1;
	v2 =	vsel vm9, $0x1100, v2;
	v0 =	vsel vm14, $0x1980, v0  }
0xbf: {  	[tilespmem:$0x1FF00] =	vst v42;
	v1 =	vsel vm8, $0x1100, v1;
	v2 =	vsel vm8, $0x1180, v2;
	v0 =	vsel vm13, $0x1A00, v0  }
0xc0: {  	[tilespmem:$0x1FF10] =	vst v14;
	v1 =	vsel vm7, $0x1180, v1;
	v2 =	vsel vm7, $0x1200, v2;
	v0 =	vsel vm12, $0x1A80, v0  }
0xc1: {  	[tilespmem:$0x1FF20] =	vst v33;
	v1 =	vsel vm6, $0x1200, v1;
	v2 =	vsel vm6, $0x1280, v2;
	v0 =	vsel vm11, $0x1B00, v0  }
0xc2: {  	[tilespmem:$0x1FF40] =	vst v44;
	v1 =	vsel vm5, $0x1280, v1;
	v2 =	vsel vm5, $0x1300, v2;
	v0 =	vsel vm10, $0x1B80, v0  }
0xc3: {  	[tilespmem:$0x1FF70] =	vst v39;
	v1 =	vsel vm2, $0x1300, v1;
	v2 =	vsel vm2, $0x1380, v2;
	v0 =	vsel vm9, $0x1000, v0  }
0xc4: {  	[tilespmem:$0x1FF80] =	vst v12;
	v1 =	vsel vm1, $0x1380, v1;
	v2 =	vsel vm1, $0x1800, v2;
	v0 =	vsel vm8, $0x1080, v0  }
0xc5: {  	[tilespmem:$0x1FF90] =	vst v35;
	v38 =	vsel vm3, $0x1800, v1;
	v45 =	vsel vm3, $0x1880, v2;
	v0 =	vsel vm7, $0x1100, v0  }
0xc6: {  	[tilespmem:$0x1FFA0] =	vst v41;
	v55 =	vsel vm4, $0x1880, v38;
	v61 =	vimm.s32 $0x1A80;
	v0 =	vsel vm6, $0x1180, v0  }
0xc7: {  	[tilespmem:$0x1FFC0] =	vst v16;
	v2 =	vsel vm15, $0x1B80, v36;
	v34 =	vsel vm4, $0x1900, v45;
	v0 =	vsel vm5, $0x1200, v0  }
0xc8: {  	[tilespmem:$0x1FFF0] =	vst v47;
	v1 =	vsel vm15, $0x1B00, v61;
	v2 =	vsel vm14, $0x1000, v2;
	v0 =	vsel vm2, $0x1280, v0  }
0xc9: {  	[tilespmem:$0x1FF30] =	vst v7;
	v1 =	vsel vm14, $0x1B80, v1;
	v2 =	vsel vm13, $0x1080, v2;
	v0 =	vsel vm1, $0x1300, v0  }
0xca: {  	[tilespmem:$0x1FFD0] =	vst v60;
	v1 =	vsel vm13, $0x1000, v1;
	v2 =	vsel vm12, $0x1100, v2;
	v0 =	vsel vm3, $0x1380, v0  }
0xcb: {  	[tilespmem:$0x1FFE0] =	vst v63;
	v1 =	vsel vm12, $0x1080, v1;
	v58 =	vsel vm4, $0x1800, v0;
	v0 =	vsel vm15, $0x1A80, v57  }
0xcc: {  	[tilespmem:$0x1FD70] =	vst v53;
	v2 =	vsel vm11, $0x1180, v2;
	v1 =	vsel vm11, $0x1100, v1;
	v0 =	vsel vm14, $0x1B00, v0  }
0xcd: {  	s3 =	srdreg.scid;
	s17 =	simm.s32 $0x200;
	s18 =	simm.s32 $0x100;
	[tilespmem:$0x1FE50] =	vst v23;
	v2 =	vsel vm10, $0x1200, v2;
	v1 =	vsel vm10, $0x1180, v1;
	v0 =	vsel vm13, $0x1B80, v0  }
0xce: {  	s20 =	simm.s32 $0x1;
	s21 =	simm.s32 $0x400;
	s22 =	simm.s32 $0x2;
	[tilespmem:$0x1FFB0] =	vst v43;
	v2 =	vsel vm9, $0x1280, v2;
	v1 =	vsel vm9, $0x1200, v1;
	v0 =	vsel vm12, $0x1000, v0  }
0xcf: {  	s28 =	simm.s32 $0x340000;
	s29 =	simm.s32 $0x4;
	s3 =	sand.u32 $0x1, s3;
	[tilespmem:$0x1FD60] =	vst v52;
	v2 =	vsel vm8, $0x1300, v2;
	v1 =	vsel vm8, $0x1280, v1;
	v0 =	vsel vm11, $0x1080, v0  }
0xd0: {  	s30 =	simm.s32 $0x6;
	s7 =	sor.u32 s3, s6;
	s3 =	ssub.s32 $0x2, s3;
	[tilespmem:$0x1FE60] =	vst v56;
	v2 =	vsel vm7, $0x1380, v2;
	v1 =	vsel vm7, $0x1300, v1;
	v0 =	vsel vm10, $0x1100, v0  }
0xd1: {  	s31 =	simm.s32 $0x12400;
	s8 =	smul.u32 $0x3400, s7;
	s23 =	sshrl.u32 s3, $0x1;
	[tilespmem:$0x1FF50] =	vst v8;
	v2 =	vsel vm6, $0x1800, v2;
	v1 =	vsel vm6, $0x1380, v1;
	v0 =	vsel vm9, $0x1180, v0  }
0xd2: {  	s6 =	sadd.s32 $0x800, s2;
	s7 =	smul.u32 $0x1A000, s7;
	s2 =	ssub.s32 s3, s23;
	[tilespmem:$0x1FDC0] =	vst v55;
	v2 =	vsel vm5, $0x1880, v2;
	v1 =	vsel vm5, $0x1800, v1;
	v0 =	vsel vm8, $0x1200, v0  }
0xd3: {  	s23 =	simm.s32 $0x8400;
	s9 =	sshrl.u32 s8, $0x3;
	s12 =	sor.u32 $0x200, s8;
	[tilespmem:$0x1FE70] =	vst v62;
	v2 =	vsel vm2, $0x1900, v2;
	v1 =	vsel vm2, $0x1880, v1;
	v0 =	vsel vm7, $0x1280, v0  }
0xd4: {  	s26 =	sshrl.u32 s7, $0x3;
	s13 =	sor.u32 $0x300, s8;
	s10 =	sadd.s32 s0, s9;
	[tilespmem:$0x1FDD0] =	vst v34;
	v2 =	vsel vm1, $0x1980, v2;
	v57 =	vsel vm0, v13, v9;
	v0 =	vsel vm6, $0x1300, v0  }
0xd5: {  	s24 =	sor.u32 $0x20, s9;
	s9 =	sadd.s32 s1, s9;
	[dreg:$0x5] =	wrdreg s10;
	v1 =	vsel vm1, $0x1900, v1;
	v45 =	vsel vm3, $0x1A00, v2;
	[tilespmem:$0x1FD90] =	vst v57;
	v0 =	vsel vm5, $0x1380, v0  }
0xd6: {  	s14 =	sor.u32 $0x800, s7;
	s25 =	sadd.s32 s0, s24;
	[dreg:$0x6] =	wrdreg s9;
	v38 =	vsel vm3, $0x1980, v1;
	v36 =	vsel vm4, $0x1A80, v45;
	[tilespmem:$0x1FDB0] =	vst v58;
	v0 =	vsel vm2, $0x1800, v0  }
0xd7: {  	s2 =	smax.u32 s2, $0x1;
	s3 =	sadd.s32 s1, s24;
	[dreg:$0x7] =	wrdreg s25;
	v38 =	vsel vm4, $0x1A00, v38;
	v9 =	vcombine.low v57, v54;
	[tilespmem:$0x1FE30] =	vst v36;
	v0 =	vsel vm1, $0x1880, v0  }
0xd8: {  	s24 =	simm.s32 $0x3;
	[dreg:$0x8] =	wrdreg s3;
	s3 =	sadd.s32 s4, s26;
	[tilespmem:$0x1FE10] =	vst v38;
	v0 =	vsel vm3, $0x1900, v0  }
0xd9: {  	[dreg:$0x9] =	wrdreg s2;
	s25 =	simm.s32 $0x10400;
	s26 =	simm.s32 $0x800;
	[tilespmem:$0x1FF60] =	vst v9;
	v61 =	vsel vm4, $0x1980, v0  }
0xda: {  	s2 =	simm.s32 $0x0;
	s16 =	sadd.s32 $0x3200, s3;
	s3 =	simm.s32 $0x5;
	[tilespmem:$0x1FDF0] =	vst v61  }
.LBB2_1:
0xdb: {  	s8 =	rddreg [dreg:$0x5]  }
0xdc: {  	[tilespmem:s5], [sflag:$0x1] =	stream.linear.gather [hbm4b:s8+s5], $0x100, $0x38;
	[tilespmem:$0x14400] =	vst v63  }
0xdd: {  	s11 =	rddreg [dreg:$0x6]  }
0xde: {  	[tilespmem:s17], [sflag:$0x1] =	stream.linear.gather [hbm4b:s11+s5], $0x100, $0x38;
	[tilespmem:$0x14400] =	vst v63  }
0xdf: {  	s15 =	rddreg [dreg:$0x7]  }
0xe0: {  	[tilespmem:s18], [sflag:$0x2] =	stream.linear.gather [hbm4b:s15+s5], $0x100, $0x38;
	[tilespmem:$0x14400] =	vst v63  }
0xe1: {  	s19 =	rddreg [dreg:$0x8];
	s9 =	simm.s32 $0x300  }
0xe2: {  	[tilespmem:s9], [sflag:$0x2] =	stream.linear.gather [hbm4b:s19+s5], $0x100, $0x38;
	[tilespmem:$0x14400] =	vst v63  }
0xe3: {  	_ =	swait.ge [sflag:s20], $0x100  }
0xe4: {  	[sflag:s20] =	ssyncset.done $0x0  }
0xe5: {  	[sflag:s20] =	ssyncadd.s32 $0xFFFFFF00  }
0xe6: {  	_ =	swait.ge [sflag:s20], $0x100  }
0xe7: {  	[sflag:s20] =	ssyncset.done $0x0  }
0xe8: {  	s19 =	simm.s32 $0x0;
	[sflag:s20] =	ssyncadd.s32 $0xFFFFFF00  }
0xe9: {  	[tilespmem:s21], [sflag:$0x3] =	stream.indirect.gather [hbm4b:s6+s18], $0x80, s5, s18, $0xb8;
	[tilespmem:$0x14400] =	vst v63  }
.LBB2_2:
0xea: {  	_ =	swait.ge [sflag:s22], $0x100  }
0xeb: {  	[sflag:s22] =	ssyncset.done $0x0  }
0xec: {  	[sflag:s22] =	ssyncadd.s32 $0xFFFFFF00  }
0xed: {  	_ =	swait.ge [sflag:s22], $0x100  }
0xee: {  	[sflag:s22] =	ssyncset.done $0x0  }
0xef: {  	[sflag:s22] =	ssyncadd.s32 $0xFFFFFF00  }
0xf0: {  	[tilespmem:s23], [sflag:$0x4] =	stream.indirect.gather [hbm4b:s6+s18], $0x80, s18, s18, $0xb8;
	[tilespmem:$0x14400] =	vst v63  }
0xf1: {  	_ =	swait.ge [sflag:s24], $0x8000  }
0xf2: {  	p0 =	seq.s32 s19, $0x0;
	[sflag:s24] =	ssyncset.done $0x0  }
0xf3: {  	s8 =	simm.s32 @!p0 $0x5;
	[sflag:s24] =	ssyncadd.s32 $0xFFFF8000  }
0xf4: {  	_ =	swait.ge @!p0 [sflag:s8], $0x2000  }
0xf5: {  	[sflag:s8] =	ssyncset.done @!p0 $0x0  }
0xf6: {  	s9 =	simm.s32 $0x200;
	[sflag:s8] =	ssyncadd.s32 @!p0 $0xFFFFE000  }
0xf7: {  	v0 =	vld [tilespmem:s9+$0x0];
	_ =	sdelay $0x3  }
0xf8: {  	s15 =	simm.s32 $0x0  }
0xf9: {  	v2 =	vor.u32 s15, v32;
	v0 =	vshll.u32 v0, $0x5  }
0xfa: {  	v1 =	vshll.u32 v2, $0x7;
	v3 =	vor.u32 v32, v0;
	v4 =	vand.u32 $0xFFFFFF80, v0  }
0xfb: {  	v3 =	vand.u32 $0x6F, v3;
	v1 =	vadd.s32 v1, v4  }
0xfc: {  	v3 =	vor.u32 v3, v1  }
0xfd: {  	v54 =	vmov s15  }
0xfe: {  	v4 =	vshll.u32 v54, $0x3  }
0xff: {  	v2 =	vand.u32 $0x7F, v2;
	v4 =	vand.u32 $0x400, v4  }
0x100: {  	v5 =	vor.u32 v19, v0;
	v2 =	vor.u32 v4, v2  }
0x101: {  	v57 =	vand.u32 $0x6F, v5;
	v13 =	vor.u32 v18, v2;
	v3 =	vld.idx.msk [tilespmem:v3+s21+$0x0], $0xffff  }
0x102: {  	v4 =	vor.u32 v57, v1;
	_ =	sdelay $0x3  }
0x103: {  	v6 =	vor.u32 v21, v0;
	[tilespmem:v13+s25+$0x0] =	vst.idx.msk $0xffff, v3  }
0x104: {  	v45 =	vor.u32 v20, v2;
	v3 =	vand.u32 $0x6F, v6;
	v4 =	vld.idx.msk [tilespmem:v4+s21+$0x0], $0xffff  }
0x105: {  	v3 =	vor.u32 v3, v1;
	_ =	sdelay $0x3  }
0x106: {  	v52 =	vor.u32 v22, v0;
	[tilespmem:v45+s25+$0x0] =	vst.idx.msk $0xffff, v4  }
0x107: {  	v53 =	vand.u32 $0x6F, v52;
	v54 =	vor.u32 v29, v2;
	v3 =	vld.idx.msk [tilespmem:v3+s21+$0x0], $0xffff  }
0x108: {  	v4 =	vor.u32 v53, v1;
	_ =	sdelay $0x3  }
0x109: {  	v57 =	vor.u32 v24, v0;
	[tilespmem:v54+s25+$0x0] =	vst.idx.msk $0xffff, v3  }
0x10a: {  	v13 =	vor.u32 v30, v2;
	v3 =	vand.u32 $0x6F, v57;
	v4 =	vld.idx.msk [tilespmem:v4+s21+$0x0], $0xffff  }
0x10b: {  	v3 =	vor.u32 v3, v1;
	_ =	sdelay $0x3  }
0x10c: {  	v45 =	vor.u32 v25, v0;
	[tilespmem:v13+s25+$0x0] =	vst.idx.msk $0xffff, v4  }
0x10d: {  	v53 =	vor.u32 v31, v2;
	v52 =	vand.u32 $0x6F, v45;
	v3 =	vld.idx.msk [tilespmem:v3+s21+$0x0], $0xffff  }
0x10e: {  	v4 =	vor.u32 v52, v1;
	_ =	sdelay $0x3  }
0x10f: {  	v54 =	vor.u32 v26, v0;
	[tilespmem:v53+s25+$0x0] =	vst.idx.msk $0xffff, v3  }
0x110: {  	v57 =	vor.u32 v59, v2;
	v3 =	vand.u32 $0x6F, v54;
	v4 =	vld.idx.msk [tilespmem:v4+s21+$0x0], $0xffff  }
0x111: {  	v3 =	vor.u32 v3, v1;
	_ =	sdelay $0x3  }
0x112: {  	v13 =	vor.u32 v27, v0;
	[tilespmem:v57+s25+$0x0] =	vst.idx.msk $0xffff, v4  }
0x113: {  	v52 =	vor.u32 v28, v2;
	v45 =	vand.u32 $0x6F, v13;
	v3 =	vld.idx.msk [tilespmem:v3+s21+$0x0], $0xffff  }
0x114: {  	v4 =	vor.u32 v45, v1;
	_ =	sdelay $0x3  }
0x115: {  	v53 =	vor.u32 v10, v0;
	[tilespmem:v52+s25+$0x0] =	vst.idx.msk $0xffff, v3  }
0x116: {  	v54 =	vor.u32 v11, v2;
	v3 =	vand.u32 $0x6F, v53;
	v4 =	vld.idx.msk [tilespmem:v4+s21+$0x0], $0xffff  }
0x117: {  	v3 =	vor.u32 v3, v1;
	_ =	sdelay $0x3  }
0x118: {  	v57 =	vor.u32 v15, v0;
	[tilespmem:v54+s25+$0x0] =	vst.idx.msk $0xffff, v4  }
0x119: {  	v11 =	vor.u32 v16, v2;
	v10 =	vand.u32 $0x6F, v57;
	v3 =	vld.idx.msk [tilespmem:v3+s21+$0x0], $0xffff  }
0x11a: {  	v4 =	vor.u32 v10, v1;
	_ =	sdelay $0x3  }
0x11b: {  	v13 =	vor.u32 v17, v0;
	[tilespmem:v11+s25+$0x0] =	vst.idx.msk $0xffff, v3  }
0x11c: {  	v15 =	vor.u32 v41, v2;
	v3 =	vand.u32 $0x6F, v13;
	v4 =	vld.idx.msk [tilespmem:v4+s21+$0x0], $0xffff  }
0x11d: {  	v3 =	vor.u32 v3, v1;
	_ =	sdelay $0x3  }
0x11e: {  	v41 =	vor.u32 v50, v0;
	[tilespmem:v15+s25+$0x0] =	vst.idx.msk $0xffff, v4  }
0x11f: {  	v47 =	vor.u32 v47, v2;
	v45 =	vand.u32 $0x6F, v41;
	v3 =	vld.idx.msk [tilespmem:v3+s21+$0x0], $0xffff  }
0x120: {  	v4 =	vor.u32 v45, v1;
	_ =	sdelay $0x3  }
0x121: {  	v50 =	vor.u32 v37, v0;
	[tilespmem:v47+s25+$0x0] =	vst.idx.msk $0xffff, v3  }
0x122: {  	v52 =	vor.u32 v51, v2;
	v3 =	vand.u32 $0x6F, v50;
	v4 =	vld.idx.msk [tilespmem:v4+s21+$0x0], $0xffff  }
0x123: {  	v3 =	vor.u32 v3, v1;
	_ =	sdelay $0x3  }
0x124: {  	v53 =	vor.u32 v48, v0;
	[tilespmem:v52+s25+$0x0] =	vst.idx.msk $0xffff, v4  }
0x125: {  	v57 =	vor.u32 v46, v2;
	v54 =	vand.u32 $0x6F, v53;
	v3 =	vld.idx.msk [tilespmem:v3+s21+$0x0], $0xffff  }
0x126: {  	v4 =	vor.u32 v54, v1;
	_ =	sdelay $0x3  }
0x127: {  	v10 =	vor.u32 v40, v0;
	[tilespmem:v57+s25+$0x0] =	vst.idx.msk $0xffff, v3  }
0x128: {  	v11 =	vor.u32 v49, v2;
	v3 =	vand.u32 $0x6F, v10;
	v4 =	vld.idx.msk [tilespmem:v4+s21+$0x0], $0xffff  }
0x129: {  	v3 =	vor.u32 v3, v1;
	_ =	sdelay $0x3  }
0x12a: {  	v13 =	vor.u32 v14, v0;
	[tilespmem:v11+s25+$0x0] =	vst.idx.msk $0xffff, v4  }
0x12b: {  	v14 =	vand.u32 $0x6F, v13;
	v15 =	vor.u32 v42, v2;
	v3 =	vld.idx.msk [tilespmem:v3+s21+$0x0], $0xffff  }
0x12c: {  	v4 =	vor.u32 v14, v1;
	_ =	sdelay $0x3  }
0x12d: {  	v37 =	vor.u32 v7, v0;
	[tilespmem:v15+s25+$0x0] =	vst.idx.msk $0xffff, v3  }
0x12e: {  	v40 =	vor.u32 v33, v2;
	v3 =	vand.u32 $0x7F, v37;
	v4 =	vld.idx.msk [tilespmem:v4+s21+$0x0], $0xffff  }
0x12f: {  	v3 =	vor.u32 v3, v1;
	_ =	sdelay $0x3  }
0x130: {  	v41 =	vor.u32 v8, v0;
	[tilespmem:v40+s25+$0x0] =	vst.idx.msk $0xffff, v4  }
0x131: {  	v42 =	vand.u32 $0x7F, v41;
	v45 =	vor.u32 v44, v2;
	v3 =	vld.idx.msk [tilespmem:v3+s21+$0x0], $0xffff  }
0x132: {  	v4 =	vor.u32 v42, v1  }
0x133: {  	v47 =	vor.u32 v39, v2;
	v39 =	vld [tilespmem:$0x1FC70]  }
0x134: {  	v37 =	vld [tilespmem:$0x1FC60]  }
0x135: {  	v40 =	vld [tilespmem:$0x1FC80]  }
0x136: {  	v42 =	vld [tilespmem:$0x1FC90];
	[tilespmem:v45+s25+$0x0] =	vst.idx.msk $0xffff, v3  }
0x137: {  	v4 =	vld.idx.msk [tilespmem:v4+s21+$0x0], $0xffff  }
0x138: {  	v46 =	vor.u32 v9, v0  }
0x139: {  	v53 =	vld [tilespmem:$0x1FCC0];
	v3 =	vand.u32 $0x7F, v46  }
0x13a: {  	v54 =	vld [tilespmem:$0x1FCD0];
	v3 =	vor.u32 v3, v1  }
0x13b: {  	v52 =	vld [tilespmem:$0x1FCB0];
	v7 =	vsel vm0, v39, v37;
	v6 =	vsel vm0, v42, v40  }
0x13c: {  	v48 =	vcombine.low v6, v7;
	[tilespmem:v47+s25+$0x0] =	vst.idx.msk $0xffff, v4;
	v47 =	vld [tilespmem:$0x1FCA0]  }
0x13d: {  	v33 =	vld [tilespmem:$0x1FD10]  }
0x13e: {  	v41 =	vld [tilespmem:$0x1FD00];
	v8 =	vor.u32 v48, v0  }
0x13f: {  	v50 =	vor.u32 v35, v2;
	v49 =	vand.u32 $0x7F, v8;
	v3 =	vld.idx.msk [tilespmem:v3+s21+$0x0], $0xffff  }
0x140: {  	v35 =	vld [tilespmem:$0x1FCF0];
	v4 =	vor.u32 v49, v1  }
0x141: {  	v15 =	vld [tilespmem:$0x1FCE0];
	v8 =	vsel vm0, v54, v53;
	v9 =	vsel vm0, v52, v47  }
0x142: {  	v51 =	vcombine.low v8, v9;
	_ =	sdelay $0x1  }
0x143: {  	v13 =	vld [tilespmem:$0x1FD40];
	[tilespmem:v50+s25+$0x0] =	vst.idx.msk $0xffff, v3;
	v10 =	vor.u32 v51, v0  }
0x144: {  	v57 =	vor.u32 v12, v2;
	v4 =	vld.idx.msk [tilespmem:v4+s21+$0x0], $0xffff;
	v3 =	vand.u32 $0x7F, v10  }
0x145: {  	v11 =	vsel vm0, v41, v35;
	v46 =	vld [tilespmem:$0x1FD30];
	v10 =	vsel vm0, v15, v33;
	v3 =	vor.u32 v3, v1  }
0x146: {  	[tilespmem:$0x1FBF0] =	vst v48;
	v48 =	vld [tilespmem:$0x1FD20];
	v12 =	vcombine.low v10, v11  }
0x147: {  	v49 =	vld [tilespmem:$0x1FD50]  }
0x148: {  	[tilespmem:$0x1FC10] =	vst v12  }
0x149: {  	v12 =	vor.u32 v12, v0;
	[tilespmem:v57+s25+$0x0] =	vst.idx.msk $0xffff, v4  }
0x14a: {  	v45 =	vor.u32 v43, v2;
	v44 =	vand.u32 $0x7F, v12;
	v3 =	vld.idx.msk [tilespmem:v3+s21+$0x0], $0xffff  }
0x14b: {  	v4 =	vor.u32 v44, v1  }
0x14c: {  	v12 =	vsel vm0, v13, v46;
	v13 =	vsel vm0, v48, v49  }
0x14d: {  	v50 =	vcombine.low v13, v12;
	_ =	sdelay $0x1  }
0x14e: {  	v14 =	vor.u32 v50, v0;
	[tilespmem:v45+s25+$0x0] =	vst.idx.msk $0xffff, v3  }
0x14f: {  	[tilespmem:$0x1FC00] =	vst v51;
	v51 =	vor.u32 v60, v2;
	v3 =	vand.u32 $0x7F, v14;
	v4 =	vld.idx.msk [tilespmem:v4+s21+$0x0], $0xffff  }
0x150: {  	v3 =	vor.u32 v3, v1;
	_ =	sdelay $0x1  }
0x151: {  	v57 =	vsel vm0, v37, v42;
	v14 =	vsel vm0, v40, v39  }
0x152: {  	v16 =	vcombine.low v57, v14  }
0x153: {  	[tilespmem:v51+s25+$0x0] =	vst.idx.msk $0xffff, v4  }
0x154: {  	v35 =	vor.u32 v63, v2;
	[tilespmem:$0x1FC30] =	vst v16;
	v16 =	vor.u32 v16, v0;
	v3 =	vld.idx.msk [tilespmem:v3+s21+$0x0], $0xffff  }
0x155: {  	v17 =	vsel vm0, v47, v54;
	v33 =	vand.u32 $0x7F, v16;
	v16 =	vsel vm0, v53, v52  }
0x156: {  	v16 =	vcombine.low v17, v16;
	_ =	sdelay $0x1  }
0x157: {  	v17 =	vld [tilespmem:$0x1FD70];
	v4 =	vor.u32 v33, v1;
	[tilespmem:$0x1FC40] =	vst v16;
	v16 =	vor.u32 v16, v0  }
0x158: {  	[tilespmem:v35+s25+$0x0] =	vst.idx.msk $0xffff, v3;
	v3 =	vand.u32 $0x7F, v16;
	v16 =	vld [tilespmem:$0x1FD60];
	_ =	sdelay $0x3  }
0x159: {  	v37 =	vor.u32 v62, v2;
	v4 =	vld.idx.msk [tilespmem:v4+s21+$0x0], $0xffff  }
0x15a: {  	v3 =	vor.u32 v3, v1;
	v16 =	vcombine.low v16, v17;
	_ =	sdelay $0x1  }
0x15b: {  	v17 =	vld [tilespmem:$0x1FD90];
	[tilespmem:$0x1FC50] =	vst v16;
	v16 =	vor.u32 v16, v0  }
0x15c: {  	v39 =	vand.u32 $0x7F, v16;
	v16 =	vld [tilespmem:$0x1FD80]  }
0x15d: {  	[tilespmem:v37+s25+$0x0] =	vst.idx.msk $0xffff, v4  }
0x15e: {  	v40 =	vor.u32 v56, v2;
	v3 =	vld.idx.msk [tilespmem:v3+s21+$0x0], $0xffff  }
0x15f: {  	v4 =	vor.u32 v39, v1;
	_ =	sdelay $0x1  }
0x160: {  	v46 =	vcombine.low v16, v17;
	_ =	sdelay $0x1  }
0x161: {  	[tilespmem:v40+s25+$0x0] =	vst.idx.msk $0xffff, v3;
	v3 =	vor.u32 v46, v0  }
0x162: {  	v41 =	vor.u32 v23, v2;
	v4 =	vld.idx.msk [tilespmem:v4+s21+$0x0], $0xffff;
	v3 =	vand.u32 $0x7F, v3  }
0x163: {  	v3 =	vor.u32 v3, v1;
	_ =	sdelay $0x1  }
0x164: {  	v48 =	vcombine.low v7, v6;
	_ =	sdelay $0x1  }
0x165: {  	v42 =	vor.u32 v48, v0;
	[tilespmem:v41+s25+$0x0] =	vst.idx.msk $0xffff, v4  }
0x166: {  	v43 =	vor.u32 v58, v2;
	v4 =	vand.u32 $0x7F, v42;
	v3 =	vld.idx.msk [tilespmem:v3+s21+$0x0], $0xffff  }
0x167: {  	v4 =	vor.u32 v4, v1;
	_ =	sdelay $0x1  }
0x168: {  	v49 =	vcombine.low v9, v8;
	_ =	sdelay $0x1  }
0x169: {  	[tilespmem:v43+s25+$0x0] =	vst.idx.msk $0xffff, v3;
	v3 =	vor.u32 v49, v0  }
0x16a: {  	v44 =	vor.u32 v55, v2;
	v3 =	vand.u32 $0x7F, v3;
	v4 =	vld.idx.msk [tilespmem:v4+s21+$0x0], $0xffff  }
0x16b: {  	v3 =	vor.u32 v3, v1;
	_ =	sdelay $0x1  }
0x16c: {  	[tilespmem:$0x1FC20] =	vst v50;
	v50 =	vcombine.low v11, v10;
	_ =	sdelay $0x1  }
0x16d: {  	v45 =	vor.u32 v50, v0;
	[tilespmem:v44+s25+$0x0] =	vst.idx.msk $0xffff, v4  }
0x16e: {  	v47 =	vor.u32 v34, v2;
	v4 =	vand.u32 $0x7F, v45;
	v3 =	vld.idx.msk [tilespmem:v3+s21+$0x0], $0xffff  }
0x16f: {  	v4 =	vor.u32 v4, v1;
	_ =	sdelay $0x1  }
0x170: {  	v51 =	vcombine.low v12, v13;
	_ =	sdelay $0x1  }
0x171: {  	[tilespmem:v47+s25+$0x0] =	vst.idx.msk $0xffff, v3;
	v3 =	vor.u32 v51, v0  }
0x172: {  	v54 =	vor.u32 v61, v2;
	v3 =	vand.u32 $0x7F, v3;
	v4 =	vld.idx.msk [tilespmem:v4+s21+$0x0], $0xffff  }
0x173: {  	v3 =	vor.u32 v3, v1;
	_ =	sdelay $0x1  }
0x174: {  	v45 =	vcombine.low v14, v57;
	_ =	sdelay $0x1  }
0x175: {  	v0 =	vor.u32 v45, v0;
	[tilespmem:v54+s25+$0x0] =	vst.idx.msk $0xffff, v4  }
0x176: {  	v57 =	vor.u32 v38, v2;
	v0 =	vand.u32 $0x7F, v0;
	v3 =	vld.idx.msk [tilespmem:v3+s21+$0x0], $0xffff  }
0x177: {  	v0 =	vor.u32 v0, v1;
	_ =	sdelay $0x2  }
0x178: {  	v33 =	vmov v63;
	v63 =	vmov v58;
	v35 =	vmov v38  }
0x179: {  	v39 =	vmovc v55;
	v40 =	vmovc v56;
	v41 =	vmov v62;
	v62 =	vmov v27;
	v43 =	vmov v34;
	[tilespmem:v57+s25+$0x0] =	vst.idx.msk $0xffff, v3  }
0x17a: {  	s10 =	simm.s32 $0x10;
	s8 =	sshll.u32 s19, $0xC;
	v34 =	vmovc v61;
	v44 =	vmovc v23;
	v38 =	vmov v60;
	v57 =	vmov v31;
	v1 =	vld.idx.msk [tilespmem:v0+s21+$0x0], $0xffff;
	v0 =	vor.u32 v36, v2  }
.LBB2_3:
0x17b: {  	_ =	sdelay $0x3  }
0x17c: {  	s9 =	sadd.s32 $0x10, s9;
	[tilespmem:v0+s25+$0x0] =	vst.idx.msk $0xffff, v1  }
0x17d: {  	v0 =	vld [tilespmem:s9+$0x0];
	_ =	sdelay $0x3  }
0x17e: {  	s11 =	smov.u32 s10  }
0x17f: {  	v2 =	vor.u32 s11, v32;
	v1 =	vshll.u32 v0, $0x5  }
0x180: {  	v0 =	vshll.u32 v2, $0x7;
	v3 =	vor.u32 v32, v1;
	v4 =	vand.u32 $0xFFFFFF80, v1  }
0x181: {  	v56 =	vmovc v24;
	v5 =	vor.u32 v24, v1;
	v3 =	vand.u32 $0x6F, v3;
	v24 =	vadd.s32 v0, v4  }
0x182: {  	v3 =	vor.u32 v3, v24  }
0x183: {  	v0 =	vmov s11  }
0x184: {  	v0 =	vshll.u32 v0, $0x3  }
0x185: {  	v2 =	vand.u32 $0x7F, v2;
	v0 =	vand.u32 $0x400, v0  }
0x186: {  	v42 =	vld [tilespmem:$0x1FE90];
	v0 =	vor.u32 v0, v2  }
0x187: {  	v55 =	vor.u32 v18, v0;
	v3 =	vld.idx.msk [tilespmem:v3+s21+$0x0], $0xffff  }
0x188: {  	v14 =	vld [tilespmem:$0x1FDE0];
	v53 =	vor.u32 v26, v1  }
0x189: {  	v52 =	vld [tilespmem:$0x1FEA0];
	v6 =	vor.u32 v19, v1;
	v7 =	vor.u32 v21, v1;
	v8 =	vor.u32 v22, v1  }
0x18a: {  	v61 =	vor.u32 v25, v1;
	v13 =	vor.u32 v62, v1;
	v6 =	vand.u32 $0x6F, v6  }
0x18b: {  	v10 =	vld [tilespmem:$0x1FE00];
	v54 =	vand.u32 $0x6F, v7;
	v8 =	vand.u32 $0x6F, v8;
	v7 =	vor.u32 v42, v1  }
0x18c: {  	v5 =	vand.u32 $0x6F, v5;
	v9 =	vor.u32 v8, v24;
	v2 =	vor.u32 v6, v24;
	[tilespmem:v55+s25+$0x0] =	vst.idx.msk $0xffff, v3;
	v55 =	vld [tilespmem:$0x1FEC0]  }
0x18d: {  	v11 =	vld [tilespmem:$0x1FEF0];
	v27 =	vor.u32 v5, v24;
	v8 =	vor.u32 v14, v1;
	v47 =	vand.u32 $0x6F, v7  }
0x18e: {  	v5 =	vand.u32 $0x6F, v13;
	v7 =	vor.u32 v52, v1;
	v13 =	vld [tilespmem:$0x1FF10];
	v15 =	vand.u32 $0x6F, v8  }
0x18f: {  	v58 =	vmovc v25;
	v4 =	vand.u32 $0x6F, v53;
	v52 =	vmovc v21;
	v53 =	vand.u32 $0x6F, v7;
	v25 =	vor.u32 v15, v24;
	v15 =	vld [tilespmem:$0x1FF30]  }
0x190: {  	v21 =	vor.u32 v47, v24;
	v47 =	vmovc v20;
	v3 =	vor.u32 v20, v0;
	v20 =	vor.u32 v53, v24;
	v53 =	vld [tilespmem:$0x1FF50]  }
0x191: {  	v10 =	vor.u32 v10, v1;
	v12 =	vand.u32 $0x6F, v61;
	v2 =	vld.idx.msk [tilespmem:v2+s21+$0x0], $0xffff;
	v7 =	vor.u32 v55, v1  }
0x192: {  	v32 =	vand.u32 $0x6F, v10;
	v10 =	vand.u32 $0x6F, v7;
	v7 =	vor.u32 v11, v1  }
0x193: {  	v61 =	vmovc v28;
	v28 =	vor.u32 v12, v24;
	v12 =	vand.u32 $0x6F, v7;
	v7 =	vor.u32 v13, v1  }
0x194: {  	v14 =	vand.u32 $0x6F, v7;
	v7 =	vor.u32 v15, v1  }
0x195: {  	v23 =	vor.u32 v32, v24;
	v32 =	vand.u32 $0x7F, v7;
	v7 =	vor.u32 v53, v1  }
0x196: {  	[tilespmem:v3+s25+$0x0] =	vst.idx.msk $0xffff, v2;
	v3 =	vand.u32 $0x7F, v7  }
0x197: {  	v6 =	vor.u32 v54, v24;
	v15 =	vor.u32 v3, v24;
	v3 =	vld [tilespmem:$0x1FF60]  }
0x198: {  	v17 =	vor.u32 v14, v24;
	v14 =	vld [tilespmem:$0x1FC00];
	_ =	sdelay $0x1  }
0x199: {  	v37 =	vld [tilespmem:$0x1FDA0];
	_ =	sdelay $0x1  }
0x19a: {  	v55 =	vld.idx.msk [tilespmem:v6+s21+$0x0], $0xffff;
	v3 =	vor.u32 v3, v1  }
0x19b: {  	v13 =	vld [tilespmem:$0x1FBF0];
	v7 =	vor.u32 v14, v1;
	v3 =	vand.u32 $0x7F, v3  }
0x19c: {  	v60 =	vmovc v26;
	v26 =	vor.u32 v5, v24;
	v53 =	vld [tilespmem:$0x1FC30];
	v14 =	vor.u32 v3, v24;
	v3 =	vand.u32 $0x7F, v7  }
0x19d: {  	v5 =	vor.u32 v37, v1;
	v37 =	vmovc v18;
	v18 =	vor.u32 v12, v24;
	v12 =	vor.u32 v3, v24;
	v3 =	vld [tilespmem:$0x1FC10]  }
0x19e: {  	v2 =	vor.u32 v29, v0;
	v16 =	vor.u32 v32, v24;
	v32 =	vld [tilespmem:$0x1FC20];
	_ =	sdelay $0x1  }
0x19f: {  	v6 =	vor.u32 v13, v1  }
0x1a0: {  	v6 =	vand.u32 $0x7F, v6  }
0x1a1: {  	v42 =	vmovc v19;
	v19 =	vor.u32 v10, v24;
	v13 =	vor.u32 v6, v24;
	v3 =	vor.u32 v3, v1  }
0x1a2: {  	[tilespmem:v2+s25+$0x0] =	vst.idx.msk $0xffff, v55;
	v2 =	vld [tilespmem:$0x1FC40];
	v6 =	vor.u32 v32, v1;
	v7 =	vor.u32 v53, v1;
	v3 =	vand.u32 $0x7F, v3  }
0x1a3: {  	v55 =	vld [tilespmem:$0x1FC50];
	v6 =	vand.u32 $0x7F, v6;
	v11 =	vor.u32 v3, v24;
	v3 =	vand.u32 $0x7F, v7  }
0x1a4: {  	v10 =	vor.u32 v6, v24;
	v6 =	vor.u32 v30, v0;
	v8 =	vor.u32 v3, v24;
	v3 =	vld.idx.msk [tilespmem:v9+s21+$0x0], $0xffff;
	_ =	sdelay $0x1  }
0x1a5: {  	v5 =	vand.u32 $0x6F, v5  }
0x1a6: {  	v31 =	vor.u32 v49, v1;
	v54 =	vmov v22;
	v22 =	vor.u32 v5, v24  }
0x1a7: {  	v32 =	vor.u32 v57, v0;
	v2 =	vor.u32 v2, v1;
	v5 =	vor.u32 v55, v1;
	v55 =	vmovc v30  }
0x1a8: {  	v30 =	vor.u32 v51, v1;
	v5 =	vand.u32 $0x7F, v5;
	v9 =	vor.u32 v46, v1;
	[tilespmem:v6+s25+$0x0] =	vst.idx.msk $0xffff, v3  }
0x1a9: {  	v2 =	vand.u32 $0x7F, v2;
	v53 =	vmovc v29;
	v7 =	vor.u32 v5, v24;
	v29 =	vand.u32 $0x7F, v9;
	v27 =	vld.idx.msk [tilespmem:v27+s21+$0x0], $0xffff  }
0x1aa: {  	v9 =	vor.u32 v2, v24;
	v2 =	vor.u32 v50, v1;
	v5 =	vor.u32 v29, v24  }
0x1ab: {  	v29 =	vor.u32 v4, v24;
	v4 =	vor.u32 v48, v1;
	v1 =	vor.u32 v45, v1  }
0x1ac: {  	v2 =	vand.u32 $0x7F, v2;
	v1 =	vand.u32 $0x7F, v1  }
0x1ad: {  	v2 =	vor.u32 v2, v24;
	v1 =	vor.u32 v1, v24;
	v3 =	vand.u32 $0x7F, v4  }
0x1ae: {  	v4 =	vand.u32 $0x7F, v31;
	v6 =	vor.u32 v3, v24;
	v3 =	vand.u32 $0x7F, v30;
	[tilespmem:v32+s25+$0x0] =	vst.idx.msk $0xffff, v27  }
0x1af: {  	v4 =	vor.u32 v4, v24;
	v3 =	vor.u32 v3, v24;
	v24 =	vor.u32 v59, v0;
	v27 =	vld.idx.msk [tilespmem:v28+s21+$0x0], $0xffff;
	_ =	sdelay $0x4  }
0x1b0: {  	[tilespmem:v24+s25+$0x0] =	vst.idx.msk $0xffff, v27  }
0x1b1: {  	v24 =	vor.u32 v61, v0;
	v27 =	vld.idx.msk [tilespmem:v29+s21+$0x0], $0xffff;
	_ =	sdelay $0x4  }
0x1b2: {  	[tilespmem:v24+s25+$0x0] =	vst.idx.msk $0xffff, v27;
	v24 =	vld [tilespmem:$0x1FE80];
	_ =	sdelay $0x4  }
0x1b3: {  	v26 =	vld.idx.msk [tilespmem:v26+s21+$0x0], $0xffff;
	v24 =	vor.u32 v24, v0;
	_ =	sdelay $0x4  }
0x1b4: {  	[tilespmem:v24+s25+$0x0] =	vst.idx.msk $0xffff, v26;
	v24 =	vld [tilespmem:$0x1FFC0];
	_ =	sdelay $0x4  }
0x1b5: {  	v25 =	vld.idx.msk [tilespmem:v25+s21+$0x0], $0xffff;
	v24 =	vor.u32 v24, v0;
	_ =	sdelay $0x4  }
0x1b6: {  	[tilespmem:v24+s25+$0x0] =	vst.idx.msk $0xffff, v25;
	v24 =	vld [tilespmem:$0x1FFA0];
	_ =	sdelay $0x4  }
0x1b7: {  	v23 =	vld.idx.msk [tilespmem:v23+s21+$0x0], $0xffff;
	v24 =	vor.u32 v24, v0;
	_ =	sdelay $0x4  }
0x1b8: {  	[tilespmem:v24+s25+$0x0] =	vst.idx.msk $0xffff, v23;
	v23 =	vld [tilespmem:$0x1FFF0];
	_ =	sdelay $0x4  }
0x1b9: {  	v22 =	vld.idx.msk [tilespmem:v22+s21+$0x0], $0xffff;
	v23 =	vor.u32 v23, v0;
	_ =	sdelay $0x4  }
0x1ba: {  	[tilespmem:v23+s25+$0x0] =	vst.idx.msk $0xffff, v22;
	v22 =	vld [tilespmem:$0x1FEB0];
	_ =	sdelay $0x4  }
0x1bb: {  	v21 =	vld.idx.msk [tilespmem:v21+s21+$0x0], $0xffff;
	v22 =	vor.u32 v22, v0;
	_ =	sdelay $0x4  }
0x1bc: {  	[tilespmem:v22+s25+$0x0] =	vst.idx.msk $0xffff, v21;
	v21 =	vld [tilespmem:$0x1FED0];
	_ =	sdelay $0x4  }
0x1bd: {  	v20 =	vld.idx.msk [tilespmem:v20+s21+$0x0], $0xffff;
	v21 =	vor.u32 v21, v0;
	_ =	sdelay $0x4  }
0x1be: {  	[tilespmem:v21+s25+$0x0] =	vst.idx.msk $0xffff, v20;
	v20 =	vld [tilespmem:$0x1FEE0];
	_ =	sdelay $0x4  }
0x1bf: {  	v19 =	vld.idx.msk [tilespmem:v19+s21+$0x0], $0xffff;
	v20 =	vor.u32 v20, v0;
	_ =	sdelay $0x4  }
0x1c0: {  	[tilespmem:v20+s25+$0x0] =	vst.idx.msk $0xffff, v19;
	v19 =	vld [tilespmem:$0x1FF00];
	_ =	sdelay $0x4  }
0x1c1: {  	v18 =	vld.idx.msk [tilespmem:v18+s21+$0x0], $0xffff;
	v19 =	vor.u32 v19, v0;
	_ =	sdelay $0x4  }
0x1c2: {  	[tilespmem:v19+s25+$0x0] =	vst.idx.msk $0xffff, v18;
	v18 =	vld [tilespmem:$0x1FF20];
	_ =	sdelay $0x4  }
0x1c3: {  	v17 =	vld.idx.msk [tilespmem:v17+s21+$0x0], $0xffff;
	v18 =	vor.u32 v18, v0;
	_ =	sdelay $0x4  }
0x1c4: {  	[tilespmem:v18+s25+$0x0] =	vst.idx.msk $0xffff, v17;
	v17 =	vld [tilespmem:$0x1FF40];
	_ =	sdelay $0x4  }
0x1c5: {  	v16 =	vld.idx.msk [tilespmem:v16+s21+$0x0], $0xffff;
	v17 =	vor.u32 v17, v0;
	_ =	sdelay $0x4  }
0x1c6: {  	[tilespmem:v17+s25+$0x0] =	vst.idx.msk $0xffff, v16;
	v16 =	vld [tilespmem:$0x1FF70];
	_ =	sdelay $0x4  }
0x1c7: {  	v15 =	vld.idx.msk [tilespmem:v15+s21+$0x0], $0xffff;
	v16 =	vor.u32 v16, v0;
	_ =	sdelay $0x4  }
0x1c8: {  	[tilespmem:v16+s25+$0x0] =	vst.idx.msk $0xffff, v15;
	v15 =	vld [tilespmem:$0x1FF90];
	_ =	sdelay $0x4  }
0x1c9: {  	v14 =	vld.idx.msk [tilespmem:v14+s21+$0x0], $0xffff;
	v15 =	vor.u32 v15, v0;
	_ =	sdelay $0x4  }
0x1ca: {  	[tilespmem:v15+s25+$0x0] =	vst.idx.msk $0xffff, v14;
	v14 =	vld [tilespmem:$0x1FF80];
	_ =	sdelay $0x4  }
0x1cb: {  	v13 =	vld.idx.msk [tilespmem:v13+s21+$0x0], $0xffff;
	v14 =	vor.u32 v14, v0;
	_ =	sdelay $0x4  }
0x1cc: {  	[tilespmem:v14+s25+$0x0] =	vst.idx.msk $0xffff, v13;
	v13 =	vld [tilespmem:$0x1FFB0];
	_ =	sdelay $0x4  }
0x1cd: {  	v12 =	vld.idx.msk [tilespmem:v12+s21+$0x0], $0xffff;
	v13 =	vor.u32 v13, v0;
	_ =	sdelay $0x4  }
0x1ce: {  	[tilespmem:v13+s25+$0x0] =	vst.idx.msk $0xffff, v12  }
0x1cf: {  	v12 =	vor.u32 v38, v0;
	v11 =	vld.idx.msk [tilespmem:v11+s21+$0x0], $0xffff;
	_ =	sdelay $0x4  }
0x1d0: {  	[tilespmem:v12+s25+$0x0] =	vst.idx.msk $0xffff, v11  }
0x1d1: {  	v12 =	vor.u32 v33, v0;
	v10 =	vld.idx.msk [tilespmem:v10+s21+$0x0], $0xffff;
	_ =	sdelay $0x4  }
0x1d2: {  	[tilespmem:v12+s25+$0x0] =	vst.idx.msk $0xffff, v10  }
0x1d3: {  	v13 =	vor.u32 v41, v0;
	v8 =	vld.idx.msk [tilespmem:v8+s21+$0x0], $0xffff;
	_ =	sdelay $0x4  }
0x1d4: {  	[tilespmem:v13+s25+$0x0] =	vst.idx.msk $0xffff, v8  }
0x1d5: {  	v14 =	vor.u32 v40, v0;
	v8 =	vld.idx.msk [tilespmem:v9+s21+$0x0], $0xffff;
	_ =	sdelay $0x4  }
0x1d6: {  	[tilespmem:v14+s25+$0x0] =	vst.idx.msk $0xffff, v8  }
0x1d7: {  	v15 =	vor.u32 v44, v0;
	v7 =	vld.idx.msk [tilespmem:v7+s21+$0x0], $0xffff;
	_ =	sdelay $0x4  }
0x1d8: {  	[tilespmem:v15+s25+$0x0] =	vst.idx.msk $0xffff, v7  }
0x1d9: {  	v12 =	vor.u32 v63, v0;
	v5 =	vld.idx.msk [tilespmem:v5+s21+$0x0], $0xffff;
	_ =	sdelay $0x4  }
0x1da: {  	[tilespmem:v12+s25+$0x0] =	vst.idx.msk $0xffff, v5  }
0x1db: {  	v13 =	vor.u32 v39, v0;
	v5 =	vld.idx.msk [tilespmem:v6+s21+$0x0], $0xffff;
	_ =	sdelay $0x4  }
0x1dc: {  	[tilespmem:v13+s25+$0x0] =	vst.idx.msk $0xffff, v5  }
0x1dd: {  	v14 =	vor.u32 v43, v0;
	v4 =	vld.idx.msk [tilespmem:v4+s21+$0x0], $0xffff;
	_ =	sdelay $0x4  }
0x1de: {  	[tilespmem:v14+s25+$0x0] =	vst.idx.msk $0xffff, v4  }
0x1df: {  	v15 =	vor.u32 v34, v0;
	v2 =	vld.idx.msk [tilespmem:v2+s21+$0x0], $0xffff;
	_ =	sdelay $0x4  }
0x1e0: {  	[tilespmem:v15+s25+$0x0] =	vst.idx.msk $0xffff, v2  }
0x1e1: {  	v2 =	vld.idx.msk [tilespmem:v3+s21+$0x0], $0xffff;
	v3 =	vor.u32 v35, v0  }
0x1e2: {  	p1 =	sne.s32 s10, $0xF0  }
.Ltmp0:
0x1e3: {  	_ = 	snop;
	(pc) =	sbr.rel @p1 .LBB2_3-.Ltmp0, $4  }
0x1e4: {  	_ = 	snop  }
0x1e5: {  	v30 =	vmov v55;
	v32 =	vlaneseq.u32;
	v28 =	vmov v61  }
0x1e6: {  	v29 =	vmovc v53;
	v26 =	vmovc v60;
	v25 =	vmov v58;
	v24 =	vmov v56;
	v22 =	vmov v54;
	[tilespmem:v3+s25+$0x0] =	vst.idx.msk $0xffff, v2  }
0x1e7: {  	s10 =	sadd.s32 $0x10, s10;
	v21 =	vmovc v52;
	v20 =	vmovc v47;
	v19 =	vmov v42;
	v18 =	vmov v37;
	v0 =	vor.u32 v36, v0;
	v1 =	vld.idx.msk [tilespmem:v1+s21+$0x0], $0xffff  }
0x1e8: {  	v14 =	vld [tilespmem:$0x1FC20]  }
0x1e9: {  	v4 =	vld [tilespmem:$0x1FC10]  }
0x1ea: {  	v3 =	vld [tilespmem:$0x1FC00]  }
0x1eb: {  	v2 =	vld [tilespmem:$0x1FBF0]  }
0x1ec: {  	v16 =	vld [tilespmem:$0x1FF60]  }
0x1ed: {  	v23 =	vld [tilespmem:$0x1FF50]  }
0x1ee: {  	v31 =	vld [tilespmem:$0x1FF30]  }
0x1ef: {  	v12 =	vld [tilespmem:$0x1FFB0]  }
0x1f0: {  	v11 =	vld [tilespmem:$0x1FF80]  }
0x1f1: {  	v9 =	vld [tilespmem:$0x1FF90]  }
0x1f2: {  	v8 =	vld [tilespmem:$0x1FF70]  }
0x1f3: {  	v7 =	vld [tilespmem:$0x1FF40]  }
0x1f4: {  	[tilespmem:$0x1FBA0] =	vst v51;
	v51 =	vld [tilespmem:$0x1FF20]  }
0x1f5: {  	[tilespmem:$0x1FBB0] =	vst v50;
	v50 =	vld [tilespmem:$0x1FF10]  }
0x1f6: {  	[tilespmem:$0x1FBC0] =	vst v49;
	v49 =	vld [tilespmem:$0x1FF00]  }
0x1f7: {  	[tilespmem:$0x1FBD0] =	vst v48;
	v48 =	vld [tilespmem:$0x1FEF0]  }
0x1f8: {  	[tilespmem:$0x1FBE0] =	vst v46;
	v46 =	vld [tilespmem:$0x1FEE0]  }
0x1f9: {  	[tilespmem:$0x1FB90] =	vst v45;
	v45 =	vld [tilespmem:$0x1FEC0]  }
0x1fa: {  	v44 =	vld [tilespmem:$0x1FED0]  }
0x1fb: {  	v43 =	vld [tilespmem:$0x1FEA0]  }
0x1fc: {  	v36 =	vld [tilespmem:$0x1FEB0];
	p1 =	seq.s32 s19, $0x19  }
.Ltmp1:
0x1fd: {  	v35 =	vld [tilespmem:$0x1FE90];
	(pc) =	sbr.rel @!p1 .LBB2_5-.Ltmp1, $4  }
0x1fe: {  	v34 =	vld [tilespmem:$0x1FFF0]  }
0x1ff: {  	v41 =	vld [tilespmem:$0x1FFA0]  }
0x200: {  	v39 =	vld [tilespmem:$0x1FFC0]  }
0x201: {  	v40 =	vmov v33;
	v13 =	vmov v38;
	v33 =	vld [tilespmem:$0x1FE80];
	[tilespmem:v0+s25+$0x0] =	vst.idx.msk $0xffff, v1  }
0x202: {  	[hbm4b:s16+s26] =	stream.strided.scatter [tilespmem:s25], [sflag:$0x5], $0x2000, s28, s26, $0x38;
	[tilespmem:$0x14400] =	vst v63  }
0x203: {  	_ =	swait.ge [sflag:s29], $0x8000  }
.Ltmp2:
0x204: {  	v6 =	vld [tilespmem:$0x1FE20];
	(pc) =	sbr.rel .LBB2_7-.Ltmp2, $4  }
0x205: {  	v27 =	vld [tilespmem:$0x1FE40]  }
0x206: {  	v10 =	vld [tilespmem:$0x1FDE0]  }
0x207: {  	[sflag:s29] =	ssyncset.done $0x0;
	v15 =	vld [tilespmem:$0x1FE00]  }
0x208: {  	v38 =	vmovc v2;
	v62 =	vmov v4;
	v57 =	vmov v34;
	v34 =	vmov v3;
	v17 =	vld [tilespmem:$0x1FDA0];
	[sflag:s29] =	ssyncadd.s32 $0xFFFF8000  }
.LBB2_5:
0x209: {  	s9 =	sshll.u32 s19, $0x9  }
0x20a: {  	s9 =	sadd.s32 s9, s12  }
0x20b: {  	s9 =	sshrl.u32 s9, $0x3  }
0x20c: {  	s10 =	sadd.s32 s0, s9  }
0x20d: {  	[tilespmem:s5], [sflag:$0x1] =	stream.linear.gather [hbm4b:s10+s5], $0x100, $0x38;
	[tilespmem:$0x14400] =	vst v63  }
0x20e: {  	s15 =	sadd.s32 s7, s8;
	s9 =	sadd.s32 s1, s9  }
0x20f: {  	[tilespmem:s17], [sflag:$0x1] =	stream.linear.gather [hbm4b:s9+s5], $0x100, $0x38;
	[tilespmem:$0x14400] =	vst v63  }
0x210: {  	s9 =	sshrl.u32 s15, $0x3  }
0x211: {  	s9 =	sadd.s32 s4, s9  }
0x212: {  	[hbm4b:s9+s26] =	stream.strided.scatter [tilespmem:s25], [sflag:$0x5], $0x2000, s28, s26, $0x38;
	[tilespmem:$0x14400] =	vst v63  }
0x213: {  	_ =	swait.ge [sflag:s20], $0x100  }
0x214: {  	[sflag:s20] =	ssyncset.done $0x0  }
0x215: {  	[sflag:s20] =	ssyncadd.s32 $0xFFFFFF00  }
0x216: {  	_ =	swait.ge [sflag:s20], $0x100  }
0x217: {  	[sflag:s20] =	ssyncset.done $0x0  }
0x218: {  	[sflag:s20] =	ssyncadd.s32 $0xFFFFFF00  }
0x219: {  	[tilespmem:s21], [sflag:$0x3] =	stream.indirect.gather [hbm4b:s6+s18], $0x80, s5, s18, $0xb8;
	[tilespmem:$0x14400] =	vst v63  }
0x21a: {  	_ =	swait.ge [sflag:s29], $0x8000  }
.Ltmp3:
0x21b: {  	v6 =	vld [tilespmem:$0x1FE20];
	(pc) =	sbr.rel @p0 .LBB2_8-.Ltmp3, $4  }
0x21c: {  	v27 =	vld [tilespmem:$0x1FE40]  }
0x21d: {  	v10 =	vld [tilespmem:$0x1FDE0]  }
0x21e: {  	[sflag:s29] =	ssyncset.done $0x0;
	v15 =	vld [tilespmem:$0x1FE00]  }
0x21f: {  	v38 =	vmovc v2;
	v62 =	vmov v4;
	v57 =	vmov v34;
	v34 =	vmov v3;
	v17 =	vld [tilespmem:$0x1FDA0];
	[sflag:s29] =	ssyncadd.s32 $0xFFFF8000  }
.LBB2_7:
0x220: {  	_ =	swait.ge [sflag:s30], $0x2000  }
0x221: {  	[sflag:s30] =	ssyncset.done $0x0  }
0x222: {  	[sflag:s30] =	ssyncadd.s32 $0xFFFFE000  }
.LBB2_8:
0x223: {  	s9 =	simm.s32 $0x300  }
0x224: {  	v0 =	vld [tilespmem:s9+$0x0];
	_ =	sdelay $0x3  }
0x225: {  	s10 =	simm.s32 $0x0  }
0x226: {  	v2 =	vor.u32 s10, v32;
	v0 =	vshll.u32 v0, $0x5  }
0x227: {  	v4 =	vshll.u32 v2, $0x7;
	v1 =	vor.u32 v32, v0;
	v3 =	vand.u32 $0xFFFFFF80, v0  }
0x228: {  	v5 =	vand.u32 $0x6F, v1;
	v1 =	vadd.s32 v4, v3  }
0x229: {  	v3 =	vor.u32 v5, v1  }
0x22a: {  	v63 =	vmov s10  }
0x22b: {  	v4 =	vshll.u32 v63, $0x3  }
0x22c: {  	v2 =	vand.u32 $0x7F, v2;
	v4 =	vand.u32 $0x400, v4  }
0x22d: {  	v63 =	vor.u32 v19, v0;
	v2 =	vor.u32 v4, v2  }
0x22e: {  	v4 =	vand.u32 $0x6F, v63;
	v63 =	vor.u32 v18, v2;
	v3 =	vld.idx.msk [tilespmem:v3+s23+$0x0], $0xffff  }
0x22f: {  	v4 =	vor.u32 v4, v1;
	_ =	sdelay $0x3  }
0x230: {  	[tilespmem:v63+s31+$0x0] =	vst.idx.msk $0xffff, v3;
	v3 =	vor.u32 v21, v0  }
0x231: {  	v63 =	vor.u32 v20, v2;
	v3 =	vand.u32 $0x6F, v3;
	v4 =	vld.idx.msk [tilespmem:v4+s23+$0x0], $0xffff  }
0x232: {  	v3 =	vor.u32 v3, v1;
	_ =	sdelay $0x3  }
0x233: {  	[tilespmem:v63+s31+$0x0] =	vst.idx.msk $0xffff, v4;
	v63 =	vor.u32 v22, v0  }
0x234: {  	v4 =	vand.u32 $0x6F, v63;
	v3 =	vld.idx.msk [tilespmem:v3+s23+$0x0], $0xffff;
	v63 =	vor.u32 v29, v2  }
0x235: {  	v4 =	vor.u32 v4, v1;
	_ =	sdelay $0x3  }
0x236: {  	[tilespmem:v63+s31+$0x0] =	vst.idx.msk $0xffff, v3;
	v3 =	vor.u32 v24, v0  }
0x237: {  	v63 =	vor.u32 v30, v2;
	v3 =	vand.u32 $0x6F, v3;
	v4 =	vld.idx.msk [tilespmem:v4+s23+$0x0], $0xffff  }
0x238: {  	v3 =	vor.u32 v3, v1;
	_ =	sdelay $0x3  }
0x239: {  	[tilespmem:v63+s31+$0x0] =	vst.idx.msk $0xffff, v4;
	v63 =	vor.u32 v25, v0  }
0x23a: {  	v4 =	vand.u32 $0x6F, v63;
	v3 =	vld.idx.msk [tilespmem:v3+s23+$0x0], $0xffff;
	v63 =	vor.u32 v6, v2  }
0x23b: {  	v4 =	vor.u32 v4, v1;
	_ =	sdelay $0x3  }
0x23c: {  	[tilespmem:v63+s31+$0x0] =	vst.idx.msk $0xffff, v3;
	v3 =	vor.u32 v26, v0  }
0x23d: {  	v63 =	vor.u32 v59, v2;
	v3 =	vand.u32 $0x6F, v3;
	v4 =	vld.idx.msk [tilespmem:v4+s23+$0x0], $0xffff  }
0x23e: {  	v3 =	vor.u32 v3, v1;
	_ =	sdelay $0x3  }
0x23f: {  	[tilespmem:v63+s31+$0x0] =	vst.idx.msk $0xffff, v4;
	v63 =	vor.u32 v27, v0  }
0x240: {  	v4 =	vand.u32 $0x6F, v63;
	v3 =	vld.idx.msk [tilespmem:v3+s23+$0x0], $0xffff;
	v63 =	vor.u32 v28, v2  }
0x241: {  	v4 =	vor.u32 v4, v1;
	_ =	sdelay $0x3  }
0x242: {  	[tilespmem:v63+s31+$0x0] =	vst.idx.msk $0xffff, v3;
	v3 =	vor.u32 v10, v0  }
0x243: {  	v33 =	vor.u32 v33, v2;
	v3 =	vand.u32 $0x6F, v3;
	v4 =	vld.idx.msk [tilespmem:v4+s23+$0x0], $0xffff  }
0x244: {  	v3 =	vor.u32 v3, v1;
	_ =	sdelay $0x3  }
0x245: {  	v63 =	vor.u32 v15, v0;
	[tilespmem:v33+s31+$0x0] =	vst.idx.msk $0xffff, v4  }
0x246: {  	v4 =	vand.u32 $0x6F, v63;
	v33 =	vor.u32 v39, v2;
	v3 =	vld.idx.msk [tilespmem:v3+s23+$0x0], $0xffff  }
0x247: {  	v4 =	vor.u32 v4, v1;
	_ =	sdelay $0x3  }
0x248: {  	[tilespmem:v33+s31+$0x0] =	vst.idx.msk $0xffff, v3;
	v3 =	vor.u32 v17, v0  }
0x249: {  	v63 =	vor.u32 v41, v2;
	v3 =	vand.u32 $0x6F, v3;
	v4 =	vld.idx.msk [tilespmem:v4+s23+$0x0], $0xffff  }
0x24a: {  	v3 =	vor.u32 v3, v1;
	_ =	sdelay $0x3  }
0x24b: {  	v33 =	vor.u32 v35, v0;
	[tilespmem:v63+s31+$0x0] =	vst.idx.msk $0xffff, v4  }
0x24c: {  	v35 =	vor.u32 v57, v2;
	v4 =	vand.u32 $0x6F, v33;
	v3 =	vld.idx.msk [tilespmem:v3+s23+$0x0], $0xffff  }
0x24d: {  	v4 =	vor.u32 v4, v1;
	_ =	sdelay $0x3  }
0x24e: {  	[tilespmem:v35+s31+$0x0] =	vst.idx.msk $0xffff, v3;
	v3 =	vor.u32 v43, v0  }
0x24f: {  	v36 =	vor.u32 v36, v2;
	v3 =	vand.u32 $0x6F, v3;
	v4 =	vld.idx.msk [tilespmem:v4+s23+$0x0], $0xffff  }
0x250: {  	v3 =	vor.u32 v3, v1;
	_ =	sdelay $0x3  }
0x251: {  	v43 =	vor.u32 v45, v0;
	[tilespmem:v36+s31+$0x0] =	vst.idx.msk $0xffff, v4  }
0x252: {  	v45 =	vor.u32 v44, v2;
	v4 =	vand.u32 $0x6F, v43;
	v3 =	vld.idx.msk [tilespmem:v3+s23+$0x0], $0xffff  }
0x253: {  	v4 =	vor.u32 v4, v1;
	_ =	sdelay $0x3  }
0x254: {  	[tilespmem:v45+s31+$0x0] =	vst.idx.msk $0xffff, v3;
	v3 =	vor.u32 v48, v0  }
0x255: {  	v46 =	vor.u32 v46, v2;
	v3 =	vand.u32 $0x6F, v3;
	v4 =	vld.idx.msk [tilespmem:v4+s23+$0x0], $0xffff  }
0x256: {  	v3 =	vor.u32 v3, v1;
	_ =	sdelay $0x3  }
0x257: {  	v48 =	vor.u32 v50, v0;
	[tilespmem:v46+s31+$0x0] =	vst.idx.msk $0xffff, v4  }
0x258: {  	v49 =	vor.u32 v49, v2;
	v4 =	vand.u32 $0x6F, v48;
	v3 =	vld.idx.msk [tilespmem:v3+s23+$0x0], $0xffff  }
0x259: {  	v4 =	vor.u32 v4, v1;
	_ =	sdelay $0x3  }
0x25a: {  	[tilespmem:v49+s31+$0x0] =	vst.idx.msk $0xffff, v3;
	v3 =	vor.u32 v31, v0  }
0x25b: {  	v50 =	vor.u32 v51, v2;
	v3 =	vand.u32 $0x7F, v3;
	v4 =	vld.idx.msk [tilespmem:v4+s23+$0x0], $0xffff  }
0x25c: {  	v3 =	vor.u32 v3, v1;
	_ =	sdelay $0x3  }
0x25d: {  	v51 =	vor.u32 v23, v0;
	[tilespmem:v50+s31+$0x0] =	vst.idx.msk $0xffff, v4  }
0x25e: {  	v63 =	vor.u32 v7, v2;
	v4 =	vand.u32 $0x7F, v51;
	v3 =	vld.idx.msk [tilespmem:v3+s23+$0x0], $0xffff  }
0x25f: {  	v4 =	vor.u32 v4, v1;
	_ =	sdelay $0x3  }
0x260: {  	[tilespmem:v63+s31+$0x0] =	vst.idx.msk $0xffff, v3;
	v3 =	vor.u32 v16, v0  }
0x261: {  	v33 =	vor.u32 v8, v2;
	v3 =	vand.u32 $0x7F, v3;
	v4 =	vld.idx.msk [tilespmem:v4+s23+$0x0], $0xffff  }
0x262: {  	v3 =	vor.u32 v3, v1;
	_ =	sdelay $0x3  }
0x263: {  	v35 =	vor.u32 v38, v0;
	[tilespmem:v33+s31+$0x0] =	vst.idx.msk $0xffff, v4  }
0x264: {  	v36 =	vor.u32 v9, v2;
	v4 =	vand.u32 $0x7F, v35;
	v3 =	vld.idx.msk [tilespmem:v3+s23+$0x0], $0xffff  }
0x265: {  	v4 =	vor.u32 v4, v1;
	_ =	sdelay $0x3  }
0x266: {  	[tilespmem:v36+s31+$0x0] =	vst.idx.msk $0xffff, v3;
	v3 =	vor.u32 v34, v0  }
0x267: {  	v43 =	vor.u32 v11, v2;
	v3 =	vand.u32 $0x7F, v3;
	v4 =	vld.idx.msk [tilespmem:v4+s23+$0x0], $0xffff  }
0x268: {  	v3 =	vor.u32 v3, v1;
	_ =	sdelay $0x3  }
0x269: {  	v44 =	vor.u32 v62, v0;
	[tilespmem:v43+s31+$0x0] =	vst.idx.msk $0xffff, v4  }
0x26a: {  	v45 =	vor.u32 v12, v2;
	v4 =	vand.u32 $0x7F, v44;
	v3 =	vld.idx.msk [tilespmem:v3+s23+$0x0], $0xffff  }
0x26b: {  	v4 =	vor.u32 v4, v1;
	_ =	sdelay $0x3  }
0x26c: {  	[tilespmem:v45+s31+$0x0] =	vst.idx.msk $0xffff, v3;
	v3 =	vor.u32 v14, v0  }
0x26d: {  	v46 =	vor.u32 v13, v2;
	v3 =	vand.u32 $0x7F, v3;
	v4 =	vld.idx.msk [tilespmem:v4+s23+$0x0], $0xffff  }
0x26e: {  	v3 =	vor.u32 v3, v1;
	_ =	sdelay $0x3  }
0x26f: {  	v48 =	vld [tilespmem:$0x1FC30];
	[tilespmem:v46+s31+$0x0] =	vst.idx.msk $0xffff, v4  }
0x270: {  	v49 =	vor.u32 v40, v2;
	v3 =	vld.idx.msk [tilespmem:v3+s23+$0x0], $0xffff;
	_ =	sdelay $0x3  }
0x271: {  	v4 =	vor.u32 v48, v0  }
0x272: {  	v4 =	vand.u32 $0x7F, v4;
	[tilespmem:v49+s31+$0x0] =	vst.idx.msk $0xffff, v3;
	v3 =	vld [tilespmem:$0x1FC40]  }
0x273: {  	v50 =	vld [tilespmem:$0x1FE70];
	v4 =	vor.u32 v4, v1;
	_ =	sdelay $0x3  }
0x274: {  	v46 =	vld [tilespmem:$0x1FC50];
	v3 =	vor.u32 v3, v0  }
0x275: {  	v5 =	vor.u32 v50, v2;
	v4 =	vld.idx.msk [tilespmem:v4+s23+$0x0], $0xffff;
	v3 =	vand.u32 $0x7F, v3  }
0x276: {  	v62 =	vld [tilespmem:$0x1FE60];
	v3 =	vor.u32 v3, v1;
	_ =	sdelay $0x2  }
0x277: {  	v63 =	vld [tilespmem:$0x1FE50]  }
0x278: {  	v48 =	vld [tilespmem:$0x1FBE0];
	v51 =	vor.u32 v46, v0;
	[tilespmem:v5+s31+$0x0] =	vst.idx.msk $0xffff, v4  }
0x279: {  	v4 =	vand.u32 $0x7F, v51;
	v5 =	vor.u32 v62, v2;
	v3 =	vld.idx.msk [tilespmem:v3+s23+$0x0], $0xffff  }
0x27a: {  	v4 =	vor.u32 v4, v1;
	_ =	sdelay $0x3  }
0x27b: {  	[tilespmem:v5+s31+$0x0] =	vst.idx.msk $0xffff, v3;
	v3 =	vor.u32 v48, v0;
	v5 =	vor.u32 v63, v2;
	v63 =	vld [tilespmem:$0x1FBD0]  }
0x27c: {  	v3 =	vand.u32 $0x7F, v3;
	v4 =	vld.idx.msk [tilespmem:v4+s23+$0x0], $0xffff  }
0x27d: {  	v34 =	vld [tilespmem:$0x1FDB0];
	v3 =	vor.u32 v3, v1;
	_ =	sdelay $0x3  }
0x27e: {  	v62 =	vld [tilespmem:$0x1FBC0];
	v33 =	vor.u32 v63, v0;
	[tilespmem:v5+s31+$0x0] =	vst.idx.msk $0xffff, v4  }
0x27f: {  	v4 =	vand.u32 $0x7F, v33;
	v5 =	vor.u32 v34, v2;
	v3 =	vld.idx.msk [tilespmem:v3+s23+$0x0], $0xffff  }
0x280: {  	v50 =	vld [tilespmem:$0x1FDC0];
	v4 =	vor.u32 v4, v1;
	_ =	sdelay $0x3  }
0x281: {  	v45 =	vld [tilespmem:$0x1FBB0];
	[tilespmem:v5+s31+$0x0] =	vst.idx.msk $0xffff, v3;
	v3 =	vor.u32 v62, v0  }
0x282: {  	v35 =	vor.u32 v50, v2;
	v3 =	vand.u32 $0x7F, v3;
	v4 =	vld.idx.msk [tilespmem:v4+s23+$0x0], $0xffff  }
0x283: {  	v51 =	vld [tilespmem:$0x1FDD0];
	v3 =	vor.u32 v3, v1;
	_ =	sdelay $0x3  }
0x284: {  	v36 =	vor.u32 v45, v0;
	v49 =	vld [tilespmem:$0x1FBA0];
	[tilespmem:v35+s31+$0x0] =	vst.idx.msk $0xffff, v4  }
0x285: {  	v40 =	vor.u32 v51, v2;
	v4 =	vand.u32 $0x7F, v36;
	v3 =	vld.idx.msk [tilespmem:v3+s23+$0x0], $0xffff  }
0x286: {  	v33 =	vmov v38;
	v38 =	vld [tilespmem:$0x1FDF0];
	v4 =	vor.u32 v4, v1;
	_ =	sdelay $0x3  }
0x287: {  	[tilespmem:v40+s31+$0x0] =	vst.idx.msk $0xffff, v3;
	v3 =	vor.u32 v49, v0  }
0x288: {  	v43 =	vor.u32 v38, v2;
	v3 =	vand.u32 $0x7F, v3;
	v4 =	vld.idx.msk [tilespmem:v4+s23+$0x0], $0xffff  }
0x289: {  	v40 =	vld [tilespmem:$0x1FE10];
	v3 =	vor.u32 v3, v1;
	_ =	sdelay $0x2  }
0x28a: {  	v34 =	vld [tilespmem:$0x1FB90]  }
0x28b: {  	[tilespmem:v43+s31+$0x0] =	vst.idx.msk $0xffff, v4  }
0x28c: {  	v44 =	vor.u32 v40, v2;
	v3 =	vld.idx.msk [tilespmem:v3+s23+$0x0], $0xffff;
	_ =	sdelay $0x2  }
0x28d: {  	v0 =	vor.u32 v34, v0  }
0x28e: {  	v0 =	vand.u32 $0x7F, v0  }
0x28f: {  	v0 =	vor.u32 v0, v1;
	[tilespmem:v44+s31+$0x0] =	vst.idx.msk $0xffff, v3;
	v44 =	vmov v57;
	v57 =	vld [tilespmem:$0x1FE30];
	_ =	sdelay $0x4  }
0x290: {  	s10 =	simm.s32 $0x10;
	v35 =	vmovc v9;
	v36 =	vmov v11;
	v43 =	vmov v12;
	v1 =	vld.idx.msk [tilespmem:v0+s23+$0x0], $0xffff;
	v0 =	vor.u32 v57, v2  }
.LBB2_9:
0x291: {  	_ =	sdelay $0x3  }
0x292: {  	s9 =	sadd.s32 $0x10, s9;
	[tilespmem:v0+s31+$0x0] =	vst.idx.msk $0xffff, v1  }
0x293: {  	v0 =	vld [tilespmem:s9+$0x0];
	_ =	sdelay $0x3  }
0x294: {  	s11 =	smov.u32 s10  }
0x295: {  	v2 =	vor.u32 s11, v32;
	v1 =	vshll.u32 v0, $0x5  }
0x296: {  	v4 =	vshll.u32 v2, $0x7;
	v0 =	vor.u32 v32, v1;
	v3 =	vand.u32 $0xFFFFFF80, v1  }
0x297: {  	v0 =	vand.u32 $0x6F, v0;
	v23 =	vadd.s32 v4, v3  }
0x298: {  	v0 =	vor.u32 v0, v23;
	_ =	sdelay $0x1  }
0x299: {  	v6 =	vmov s11  }
0x29a: {  	v6 =	vshll.u32 v6, $0x3  }
0x29b: {  	v2 =	vand.u32 $0x7F, v2;
	v6 =	vand.u32 $0x400, v6;
	v7 =	vor.u32 v24, v1  }
0x29c: {  	v7 =	vand.u32 $0x6F, v7;
	v8 =	vld.idx.msk [tilespmem:v0+s23+$0x0], $0xffff;
	v0 =	vor.u32 v6, v2  }
0x29d: {  	v2 =	vor.u32 v7, v23;
	v7 =	vor.u32 v18, v0;
	_ =	sdelay $0x3  }
0x29e: {  	v6 =	vor.u32 v25, v1  }
0x29f: {  	v9 =	vor.u32 v26, v1;
	v6 =	vand.u32 $0x6F, v6;
	[tilespmem:v7+s31+$0x0] =	vst.idx.msk $0xffff, v8;
	v7 =	vld [tilespmem:$0x1FE90]  }
0x2a0: {  	v28 =	vor.u32 v6, v23;
	v6 =	vand.u32 $0x6F, v9;
	v9 =	vor.u32 v27, v1  }
0x2a1: {  	v27 =	vor.u32 v6, v23;
	v6 =	vand.u32 $0x6F, v9;
	v9 =	vor.u32 v10, v1  }
0x2a2: {  	v26 =	vor.u32 v6, v23;
	v6 =	vand.u32 $0x6F, v9;
	v9 =	vor.u32 v15, v1  }
0x2a3: {  	v25 =	vor.u32 v6, v23;
	v6 =	vand.u32 $0x6F, v9;
	v9 =	vor.u32 v17, v1  }
0x2a4: {  	v24 =	vor.u32 v6, v23;
	v6 =	vand.u32 $0x6F, v9;
	v7 =	vor.u32 v7, v1  }
0x2a5: {  	v5 =	vor.u32 v22, v1;
	v22 =	vor.u32 v6, v23;
	v6 =	vand.u32 $0x6F, v7;
	v7 =	vld [tilespmem:$0x1FEA0];
	_ =	sdelay $0x4  }
0x2a6: {  	v7 =	vor.u32 v7, v1  }
0x2a7: {  	v4 =	vor.u32 v21, v1;
	v21 =	vor.u32 v6, v23;
	v6 =	vand.u32 $0x6F, v7;
	v7 =	vld [tilespmem:$0x1FEF0]  }
0x2a8: {  	v8 =	vor.u32 v20, v0;
	v20 =	vor.u32 v6, v23;
	v6 =	vld [tilespmem:$0x1FEC0]  }
0x2a9: {  	v9 =	vld [tilespmem:$0x1FF10]  }
0x2aa: {  	v3 =	vor.u32 v19, v1  }
0x2ab: {  	v3 =	vand.u32 $0x6F, v3  }
0x2ac: {  	v3 =	vor.u32 v3, v23  }
0x2ad: {  	v7 =	vor.u32 v7, v1;
	v6 =	vor.u32 v6, v1  }
0x2ae: {  	v9 =	vor.u32 v9, v1;
	v7 =	vand.u32 $0x6F, v7;
	v6 =	vand.u32 $0x6F, v6  }
0x2af: {  	v18 =	vor.u32 v7, v23;
	v7 =	vld [tilespmem:$0x1FF50];
	v19 =	vor.u32 v6, v23;
	v6 =	vand.u32 $0x6F, v9  }
0x2b0: {  	v16 =	vor.u32 v6, v23;
	v6 =	vld [tilespmem:$0x1FF30]  }
0x2b1: {  	v3 =	vld.idx.msk [tilespmem:v3+s23+$0x0], $0xffff;
	_ =	sdelay $0x3  }
0x2b2: {  	v7 =	vor.u32 v7, v1;
	v6 =	vor.u32 v6, v1  }
0x2b3: {  	[tilespmem:v8+s31+$0x0] =	vst.idx.msk $0xffff, v3;
	v3 =	vand.u32 $0x7F, v6;
	v6 =	vand.u32 $0x7F, v7;
	v7 =	vld [tilespmem:$0x1FF60];
	_ =	sdelay $0x4  }
0x2b4: {  	v7 =	vor.u32 v7, v1  }
0x2b5: {  	v17 =	vor.u32 v3, v23;
	v3 =	vand.u32 $0x7F, v7;
	v7 =	vld [tilespmem:$0x1FC00]  }
0x2b6: {  	v8 =	vld [tilespmem:$0x1FC10];
	_ =	sdelay $0x2  }
0x2b7: {  	v4 =	vand.u32 $0x6F, v4;
	v14 =	vor.u32 v3, v23;
	v3 =	vor.u32 v33, v1  }
0x2b8: {  	v4 =	vor.u32 v4, v23;
	v3 =	vand.u32 $0x7F, v3;
	v7 =	vor.u32 v7, v1  }
0x2b9: {  	v8 =	vor.u32 v8, v1;
	v13 =	vor.u32 v3, v23;
	v3 =	vand.u32 $0x7F, v7  }
0x2ba: {  	v7 =	vand.u32 $0x7F, v8;
	v12 =	vor.u32 v3, v23;
	v3 =	vld [tilespmem:$0x1FC20]  }
0x2bb: {  	v11 =	vor.u32 v7, v23;
	v7 =	vld [tilespmem:$0x1FC30]  }
0x2bc: {  	v8 =	vld [tilespmem:$0x1FC40]  }
0x2bd: {  	v5 =	vand.u32 $0x6F, v5;
	v4 =	vld.idx.msk [tilespmem:v4+s23+$0x0], $0xffff;
	v15 =	vor.u32 v6, v23;
	v6 =	vor.u32 v29, v0  }
0x2be: {  	v5 =	vor.u32 v5, v23  }
0x2bf: {  	v3 =	vor.u32 v3, v1  }
0x2c0: {  	v30 =	vor.u32 v55, v0;
	v7 =	vor.u32 v7, v1;
	v3 =	vand.u32 $0x7F, v3  }
0x2c1: {  	v8 =	vor.u32 v8, v1;
	v10 =	vor.u32 v3, v23;
	v3 =	vand.u32 $0x7F, v7  }
0x2c2: {  	[tilespmem:v6+s31+$0x0] =	vst.idx.msk $0xffff, v4;
	v4 =	vand.u32 $0x7F, v8;
	v9 =	vor.u32 v3, v23;
	v3 =	vor.u32 v46, v1  }
0x2c3: {  	v29 =	vld.idx.msk [tilespmem:v5+s23+$0x0], $0xffff;
	v8 =	vor.u32 v4, v23;
	v4 =	vor.u32 v48, v1;
	v3 =	vand.u32 $0x7F, v3  }
0x2c4: {  	v7 =	vor.u32 v3, v23;
	v3 =	vand.u32 $0x7F, v4;
	v4 =	vor.u32 v63, v1  }
0x2c5: {  	v6 =	vor.u32 v3, v23;
	v3 =	vand.u32 $0x7F, v4;
	v4 =	vor.u32 v62, v1  }
0x2c6: {  	v31 =	vor.u32 v45, v1;
	v5 =	vor.u32 v3, v23;
	v3 =	vand.u32 $0x7F, v4  }
0x2c7: {  	v4 =	vor.u32 v3, v23;
	v3 =	vand.u32 $0x7F, v31;
	v31 =	vor.u32 v49, v1  }
0x2c8: {  	[tilespmem:v30+s31+$0x0] =	vst.idx.msk $0xffff, v29;
	v29 =	vand.u32 $0x7F, v31;
	v31 =	vld [tilespmem:$0x1FE20];
	_ =	sdelay $0x4  }
0x2c9: {  	v30 =	vld.idx.msk [tilespmem:v2+s23+$0x0], $0xffff;
	v2 =	vor.u32 v29, v23;
	v29 =	vor.u32 v31, v0;
	_ =	sdelay $0x3  }
0x2ca: {  	v1 =	vor.u32 v34, v1  }
0x2cb: {  	v1 =	vand.u32 $0x7F, v1;
	[tilespmem:v29+s31+$0x0] =	vst.idx.msk $0xffff, v30  }
0x2cc: {  	v3 =	vor.u32 v3, v23;
	v1 =	vor.u32 v1, v23;
	v23 =	vld.idx.msk [tilespmem:v28+s23+$0x0], $0xffff;
	v28 =	vor.u32 v59, v0;
	_ =	sdelay $0x4  }
0x2cd: {  	[tilespmem:v28+s31+$0x0] =	vst.idx.msk $0xffff, v23  }
0x2ce: {  	v23 =	vld.idx.msk [tilespmem:v27+s23+$0x0], $0xffff;
	v27 =	vor.u32 v61, v0;
	_ =	sdelay $0x4  }
0x2cf: {  	[tilespmem:v27+s31+$0x0] =	vst.idx.msk $0xffff, v23  }
0x2d0: {  	v23 =	vld.idx.msk [tilespmem:v26+s23+$0x0], $0xffff  }
0x2d1: {  	v26 =	vld [tilespmem:$0x1FE80];
	_ =	sdelay $0x4  }
0x2d2: {  	v26 =	vor.u32 v26, v0;
	_ =	sdelay $0x4  }
0x2d3: {  	[tilespmem:v26+s31+$0x0] =	vst.idx.msk $0xffff, v23  }
0x2d4: {  	v23 =	vld.idx.msk [tilespmem:v25+s23+$0x0], $0xffff;
	v25 =	vor.u32 v39, v0;
	_ =	sdelay $0x4  }
0x2d5: {  	[tilespmem:v25+s31+$0x0] =	vst.idx.msk $0xffff, v23  }
0x2d6: {  	v23 =	vld.idx.msk [tilespmem:v24+s23+$0x0], $0xffff;
	v24 =	vor.u32 v41, v0;
	_ =	sdelay $0x4  }
0x2d7: {  	[tilespmem:v24+s31+$0x0] =	vst.idx.msk $0xffff, v23  }
0x2d8: {  	v23 =	vor.u32 v44, v0;
	v22 =	vld.idx.msk [tilespmem:v22+s23+$0x0], $0xffff;
	_ =	sdelay $0x4  }
0x2d9: {  	[tilespmem:v23+s31+$0x0] =	vst.idx.msk $0xffff, v22;
	v22 =	vld [tilespmem:$0x1FEB0];
	_ =	sdelay $0x4  }
0x2da: {  	v21 =	vld.idx.msk [tilespmem:v21+s23+$0x0], $0xffff;
	v22 =	vor.u32 v22, v0;
	_ =	sdelay $0x4  }
0x2db: {  	[tilespmem:v22+s31+$0x0] =	vst.idx.msk $0xffff, v21;
	v21 =	vld [tilespmem:$0x1FED0];
	_ =	sdelay $0x4  }
0x2dc: {  	v20 =	vld.idx.msk [tilespmem:v20+s23+$0x0], $0xffff;
	v21 =	vor.u32 v21, v0;
	_ =	sdelay $0x4  }
0x2dd: {  	[tilespmem:v21+s31+$0x0] =	vst.idx.msk $0xffff, v20;
	v20 =	vld [tilespmem:$0x1FEE0];
	_ =	sdelay $0x4  }
0x2de: {  	v19 =	vld.idx.msk [tilespmem:v19+s23+$0x0], $0xffff;
	v20 =	vor.u32 v20, v0;
	_ =	sdelay $0x4  }
0x2df: {  	[tilespmem:v20+s31+$0x0] =	vst.idx.msk $0xffff, v19;
	v19 =	vld [tilespmem:$0x1FF00];
	_ =	sdelay $0x4  }
0x2e0: {  	v18 =	vld.idx.msk [tilespmem:v18+s23+$0x0], $0xffff;
	v19 =	vor.u32 v19, v0;
	_ =	sdelay $0x4  }
0x2e1: {  	[tilespmem:v19+s31+$0x0] =	vst.idx.msk $0xffff, v18;
	v18 =	vld [tilespmem:$0x1FF20];
	_ =	sdelay $0x4  }
0x2e2: {  	v16 =	vld.idx.msk [tilespmem:v16+s23+$0x0], $0xffff;
	v18 =	vor.u32 v18, v0;
	_ =	sdelay $0x4  }
0x2e3: {  	[tilespmem:v18+s31+$0x0] =	vst.idx.msk $0xffff, v16  }
0x2e4: {  	v16 =	vld.idx.msk [tilespmem:v17+s23+$0x0], $0xffff  }
0x2e5: {  	v17 =	vld [tilespmem:$0x1FF40];
	_ =	sdelay $0x4  }
0x2e6: {  	v17 =	vor.u32 v17, v0;
	_ =	sdelay $0x4  }
0x2e7: {  	[tilespmem:v17+s31+$0x0] =	vst.idx.msk $0xffff, v16;
	v16 =	vld [tilespmem:$0x1FF70];
	_ =	sdelay $0x4  }
0x2e8: {  	v15 =	vld.idx.msk [tilespmem:v15+s23+$0x0], $0xffff;
	v16 =	vor.u32 v16, v0;
	_ =	sdelay $0x4  }
0x2e9: {  	[tilespmem:v16+s31+$0x0] =	vst.idx.msk $0xffff, v15  }
0x2ea: {  	v15 =	vor.u32 v35, v0;
	v14 =	vld.idx.msk [tilespmem:v14+s23+$0x0], $0xffff;
	_ =	sdelay $0x4  }
0x2eb: {  	[tilespmem:v15+s31+$0x0] =	vst.idx.msk $0xffff, v14  }
0x2ec: {  	v14 =	vor.u32 v36, v0;
	v13 =	vld.idx.msk [tilespmem:v13+s23+$0x0], $0xffff;
	_ =	sdelay $0x4  }
0x2ed: {  	[tilespmem:v14+s31+$0x0] =	vst.idx.msk $0xffff, v13  }
0x2ee: {  	v13 =	vor.u32 v43, v0;
	v12 =	vld.idx.msk [tilespmem:v12+s23+$0x0], $0xffff;
	_ =	sdelay $0x4  }
0x2ef: {  	[tilespmem:v13+s31+$0x0] =	vst.idx.msk $0xffff, v12;
	v12 =	vld [tilespmem:$0x1FFD0];
	_ =	sdelay $0x4  }
0x2f0: {  	v11 =	vld.idx.msk [tilespmem:v11+s23+$0x0], $0xffff;
	v12 =	vor.u32 v12, v0;
	_ =	sdelay $0x4  }
0x2f1: {  	[tilespmem:v12+s31+$0x0] =	vst.idx.msk $0xffff, v11;
	v11 =	vld [tilespmem:$0x1FFE0];
	_ =	sdelay $0x4  }
0x2f2: {  	v10 =	vld.idx.msk [tilespmem:v10+s23+$0x0], $0xffff;
	v11 =	vor.u32 v11, v0;
	_ =	sdelay $0x4  }
0x2f3: {  	[tilespmem:v11+s31+$0x0] =	vst.idx.msk $0xffff, v10;
	v10 =	vld [tilespmem:$0x1FE70];
	_ =	sdelay $0x4  }
0x2f4: {  	v9 =	vld.idx.msk [tilespmem:v9+s23+$0x0], $0xffff;
	v10 =	vor.u32 v10, v0;
	_ =	sdelay $0x4  }
0x2f5: {  	[tilespmem:v10+s31+$0x0] =	vst.idx.msk $0xffff, v9;
	v9 =	vld [tilespmem:$0x1FE60];
	_ =	sdelay $0x4  }
0x2f6: {  	v8 =	vld.idx.msk [tilespmem:v8+s23+$0x0], $0xffff;
	v9 =	vor.u32 v9, v0;
	_ =	sdelay $0x4  }
0x2f7: {  	[tilespmem:v9+s31+$0x0] =	vst.idx.msk $0xffff, v8;
	v8 =	vld [tilespmem:$0x1FE50];
	_ =	sdelay $0x4  }
0x2f8: {  	v7 =	vld.idx.msk [tilespmem:v7+s23+$0x0], $0xffff;
	v8 =	vor.u32 v8, v0;
	_ =	sdelay $0x4  }
0x2f9: {  	[tilespmem:v8+s31+$0x0] =	vst.idx.msk $0xffff, v7;
	v7 =	vld [tilespmem:$0x1FDB0];
	_ =	sdelay $0x4  }
0x2fa: {  	v6 =	vld.idx.msk [tilespmem:v6+s23+$0x0], $0xffff;
	v7 =	vor.u32 v7, v0;
	_ =	sdelay $0x4  }
0x2fb: {  	[tilespmem:v7+s31+$0x0] =	vst.idx.msk $0xffff, v6  }
0x2fc: {  	v6 =	vor.u32 v50, v0;
	v5 =	vld.idx.msk [tilespmem:v5+s23+$0x0], $0xffff;
	_ =	sdelay $0x4  }
0x2fd: {  	[tilespmem:v6+s31+$0x0] =	vst.idx.msk $0xffff, v5  }
0x2fe: {  	v5 =	vor.u32 v51, v0;
	v4 =	vld.idx.msk [tilespmem:v4+s23+$0x0], $0xffff;
	_ =	sdelay $0x4  }
0x2ff: {  	[tilespmem:v5+s31+$0x0] =	vst.idx.msk $0xffff, v4  }
0x300: {  	v4 =	vor.u32 v38, v0;
	v3 =	vld.idx.msk [tilespmem:v3+s23+$0x0], $0xffff;
	_ =	sdelay $0x4  }
0x301: {  	[tilespmem:v4+s31+$0x0] =	vst.idx.msk $0xffff, v3  }
0x302: {  	v3 =	vor.u32 v40, v0;
	v2 =	vld.idx.msk [tilespmem:v2+s23+$0x0], $0xffff  }
0x303: {  	p0 =	sne.s32 s10, $0xF0  }
.Ltmp4:
0x304: {  	v27 =	vld [tilespmem:$0x1FE40];
	(pc) =	sbr.rel @p0 .LBB2_9-.Ltmp4, $4  }
0x305: {  	v17 =	vld [tilespmem:$0x1FDA0]  }
0x306: {  	v15 =	vld [tilespmem:$0x1FE00]  }
0x307: {  	v29 =	vmovc v53;
	v26 =	vmovc v60;
	v25 =	vmov v58;
	v24 =	vmov v56;
	v22 =	vmov v54;
	v10 =	vld [tilespmem:$0x1FDE0];
	[tilespmem:v3+s31+$0x0] =	vst.idx.msk $0xffff, v2  }
0x308: {  	s10 =	sadd.s32 $0x10, s10;
	v21 =	vmovc v52;
	v20 =	vmovc v47;
	v19 =	vmov v42;
	v18 =	vmov v37;
	v0 =	vor.u32 v57, v0;
	v1 =	vld.idx.msk [tilespmem:v1+s23+$0x0], $0xffff  }
0x309: {  	v11 =	vld [tilespmem:$0x1FE80]  }
0x30a: {  	v16 =	vmov v39;
	v39 =	vld [tilespmem:$0x1FF70]  }
0x30b: {  	v60 =	vld [tilespmem:$0x1FFD0]  }
0x30c: {  	v63 =	vld [tilespmem:$0x1FFE0]  }
0x30d: {  	v62 =	vld [tilespmem:$0x1FE70]  }
0x30e: {  	v56 =	vld [tilespmem:$0x1FE60]  }
0x30f: {  	v23 =	vld [tilespmem:$0x1FE50]  }
0x310: {  	v58 =	vld [tilespmem:$0x1FDB0]  }
0x311: {  	v7 =	vld [tilespmem:$0x1FF30]  }
0x312: {  	v8 =	vld [tilespmem:$0x1FF50]  }
0x313: {  	v9 =	vld [tilespmem:$0x1FF60]  }
0x314: {  	v34 =	vmov v51;
	v51 =	vld [tilespmem:$0x1FEB0]  }
0x315: {  	s9 =	sshll.u32 @!p1 s19, $0x9;
	v37 =	vld [tilespmem:$0x1FEA0]  }
0x316: {  	v46 =	vld [tilespmem:$0x1FED0];
	s9 =	sadd.s32 @!p1 s9, s13  }
0x317: {  	s11 =	simm.s32 @!p1 $0x0;
	s19 =	sadd.s32 $0x1, s19;
	v48 =	vld [tilespmem:$0x1FEC0];
	s9 =	sshrl.u32 @!p1 s9, $0x3  }
0x318: {  	v30 =	vmov v55;
	s15 =	simm.s32 @!p1 $0x100;
	v55 =	vmov v50;
	v50 =	vld [tilespmem:$0x1FE90];
	p0 =	sne.s32 s19, $0x1A;
	s10 =	sadd.s32 @!p1 s0, s9;
	[tilespmem:v0+s31+$0x0] =	vst.idx.msk $0xffff, v1  }
0x319: {  	v49 =	vld [tilespmem:$0x1FEE0];
	[tilespmem:s15], [sflag:$0x2] =	stream.linear.gather @!p1 [hbm4b:s10+s11], $0x100, $0x38  }
.Ltmp5:
0x31a: {  	v28 =	vmov v61;
	s8 =	sadd.s32 s8, s14;
	v61 =	vmov v38;
	v38 =	vmov v40;
	v40 =	vld [tilespmem:$0x1FEF0];
	(pc) =	sbr.rel @p0 .LBB2_2-.Ltmp5, $4  }
0x31b: {  	v42 =	vld [tilespmem:$0x1FF00];
	s8 =	sshrl.u32 s8, $0x3;
	s9 =	sadd.s32 @!p1 s1, s9;
	s10 =	simm.s32 @!p1 $0x300  }
0x31c: {  	v14 =	vld [tilespmem:$0x1FF10];
	[tilespmem:s10], [sflag:$0x2] =	stream.linear.gather @!p1 [hbm4b:s9+s11], $0x100, $0x38  }
0x31d: {  	v33 =	vld [tilespmem:$0x1FF20];
	s8 =	sadd.s32 s4, s8  }
0x31e: {  	v12 =	vmov v36;
	v36 =	vmov v57;
	v47 =	vmov v44;
	v44 =	vld [tilespmem:$0x1FF40];
	[hbm4b:s8+s26] =	stream.strided.scatter [tilespmem:s31], [sflag:$0x6], $0x2000, s28, s26, $0x38  }
0x31f: {  	_ =	swait.ge [sflag:s3], $0x2000  }
0x320: {  	[sflag:s3] =	ssyncset.done $0x0  }
0x321: {  	[sflag:s3] =	ssyncadd.s32 $0xFFFFE000  }
0x322: {  	_ =	swait.ge [sflag:s30], $0x2000  }
0x323: {  	s2 =	sadd.s32 $0x1, s2;
	s8 =	rddreg [dreg:$0x9]  }
0x324: {  	p0 =	sne.s32 s2, s8  }
.Ltmp6:
0x325: {  	_ = 	snop;
	(pc) =	sbr.rel @p0 .LBB2_1-.Ltmp6, $3  }
0x326: {  	_ =	sdelay $0x1  }
0x327: {  	[sflag:s30] =	ssyncset.done $0x0  }
0x328: {  	[sflag:s30] =	ssyncadd.s32 $0xFFFFE000  }
0x329: {  	_ =	sfence.sel $0x180000  }
0x32a: {  	[bflag:$0x0] =	sbarrier.arrive $0xFFFF  }
0x32b: {  	_ =	strace $0x9000004A  }
0x32c: {  	s0 =	stileid.u32;
	[bflag:$0x2] =	sbarrier.arrive $0xFFFF  }
0x32d: {  	p0 =	sne.s32 s0, $0x0;
	s0 =	rddreg [dreg:$0x4]  }
0x32e: {  	s0 =	sadd.s32 @!p0 $0x100000, s0  }
0x32f: {  	[sflag:s0] =	ssyncadd.tile.s32 @!p0 $0x1;
	_ =	shalt  }
.Lfunc_end2:
_tile_overlayer_lowered:
.L_overlay_start_2:
0x330: {  	(tag) =	ssettag $0x2  }
0x331: {  	s0 =	rddreg [dreg:$0x0];
	s2 =	stileid.u32  }
0x332: {  	s1 =	rddreg [dreg:$0x1];
	p0 =	sne.s32 s2, $0x0  }
0x333: {  	s3 =	rddreg [dreg:$0x2];
	[bflag:$0x3] =	sbarrier.arrive $0xFFFF;
	s2 =	simm.s32 @!p0 $0x1C07  }
0x334: {  	[timem:s3], [sflag:s2] =	dma.local @!p0 [hbm:s0], s1  }
0x335: {  	s0 =	simm.s32 @!p0 $0x7  }
0x336: {  	_ =	swait.ge @!p0 [sflag:s0], s1  }
0x337: {  	s1 =	ssub.s32 @!p0 $0x0, s1;
	[sflag:s0] =	ssyncset.done @!p0 $0x0  }
0x338: {  	[sflag:s0] =	ssyncadd.s32 @!p0 s1  }
0x339: {  	[bflag:$0x3] =	sbarrier.arrive $0xFFFF  }
0x33a: {  	_ =	shalt  }

</sc_bundles>
